<compile_context>
chip_gen: v7x
topology: tpu7x:2x2x1
jax: 0.10.2.dev20260603
libtpu: 0.0.44.dev20260713+nightly
codegen_flags: <defaults>
</compile_context>

<pallas_src>
import functools

import jax
import jax.numpy as jnp
from jax import lax
from jax.experimental import pallas as pl
from jax.experimental.pallas import tpu as pltpu
from jax.experimental.pallas import tpu_sc as plsc

H = 128
TDIM = 48
NUM_E = 10000
NUM_R = 100
B = 1024
T = 3
E = 320000
HIS_K = 3
L = 50
LAYERS = 2

NC = 2
NS = 16
NW = NC * NS
CH = 128

NP = NUM_E + 112
NREL = 208
NH_CHUNKS = 38


def _cdiv(a, b):
    return (a + b - 1) // b


@functools.lru_cache(maxsize=None)
def _make_segsum(n_out, n_chunks):
    mesh = plsc.VectorSubcoreMesh(core_axis_name="c", subcore_axis_name="s",
                                  num_cores=NC, num_subcores=NS)
    rows_per_tile = n_out // NS

    @functools.partial(
        pl.kernel,
        out_type=jax.ShapeDtypeStruct((NC, n_out, H), jnp.float32),
        mesh=mesh,
        scratch_types=[
            pltpu.VMEM((n_chunks, CH), jnp.int32),
            pltpu.VMEM((n_chunks, CH), jnp.int32),
            pltpu.VMEM((CH, H), jnp.float32),
            pltpu.VMEM_SHARED((n_out, H), jnp.float32),
            pltpu.SemaphoreType.DMA,
        ],
    )
    def seg(table, src, dst, init, out, src_v, dst_v, rows0, accum, g0):
        ci = lax.axis_index("c")
        si = lax.axis_index("s")
        w = si * NC + ci
        r0 = si * rows_per_tile

        pltpu.sync_copy(init.at[ci, pl.ds(r0, rows_per_tile)],
                        accum.at[pl.ds(r0, rows_per_tile)])
        pltpu.sync_copy(src.at[w], src_v)
        pltpu.sync_copy(dst.at[w], dst_v)
        plsc.subcore_barrier()

        pltpu.async_copy(table.at[src_v.at[0]], rows0, g0)

        def body(cc, carry):
            pltpu.make_async_copy(table.at[src_v.at[0]], rows0, g0).wait()
            pltpu.sync_copy(rows0, accum.at[dst_v.at[cc]], add=True)

            @pl.when(cc + 1 < n_chunks)
            def _():
                pltpu.async_copy(table.at[src_v.at[cc + 1]], rows0, g0)
            return carry

        lax.fori_loop(0, n_chunks, body, 0)

        plsc.subcore_barrier()
        pltpu.sync_copy(accum.at[pl.ds(r0, rows_per_tile)],
                        out.at[ci, pl.ds(r0, rows_per_tile)])

    return seg


@functools.lru_cache(maxsize=None)
def _make_count(n_out, n_chunks):
    mesh = plsc.VectorSubcoreMesh(core_axis_name="c", subcore_axis_name="s",
                                  num_cores=NC, num_subcores=NS)
    rows_per_tile = n_out // NS

    @functools.partial(
        pl.kernel,
        out_type=jax.ShapeDtypeStruct((NC, n_out, H), jnp.float32),
        mesh=mesh,
        scratch_types=[
            pltpu.VMEM((n_chunks, CH), jnp.int32),
            pltpu.VMEM((CH, H), jnp.float32),
            pltpu.VMEM_SHARED((n_out, H), jnp.float32),
            pltpu.SemaphoreType.DMA,
        ],
    )
    def cnt(dst, init, out, dst_v, rows0, accum, g0):
        ci = lax.axis_index("c")
        si = lax.axis_index("s")
        w = si * NC + ci
        r0 = si * rows_per_tile

        pltpu.sync_copy(init.at[ci, pl.ds(r0, rows_per_tile)],
                        accum.at[pl.ds(r0, rows_per_tile)])
        pltpu.sync_copy(dst.at[w], dst_v)
        ones16 = jnp.ones((16,), jnp.float32)

        def fill(r, carry):
            for j in range(H // 16):
                rows0[r, pl.ds(j * 16, 16)] = ones16
            return carry

        lax.fori_loop(0, CH, fill, 0)
        plsc.subcore_barrier()

        def body(cc, carry):
            pltpu.sync_copy(rows0, accum.at[dst_v.at[cc]], add=True)
            return carry

        lax.fori_loop(0, n_chunks, body, 0)

        plsc.subcore_barrier()
        pltpu.sync_copy(accum.at[pl.ds(r0, rows_per_tile)],
                        out.at[ci, pl.ds(r0, rows_per_tile)])

    return cnt


@functools.lru_cache(maxsize=None)
def _make_pair_gather(n_a, n_b):
    mesh = plsc.VectorSubcoreMesh(core_axis_name="c", subcore_axis_name="s",
                                  num_cores=NC, num_subcores=NS)
    per = B // NW

    @functools.partial(
        pl.kernel,
        out_type=[jax.ShapeDtypeStruct((B, H), jnp.float32),
                  jax.ShapeDtypeStruct((B, H), jnp.float32)],
        mesh=mesh,
        scratch_types=[
            pltpu.VMEM((per,), jnp.int32),
            pltpu.VMEM((per, H), jnp.float32),
            pltpu.SemaphoreType.DMA,
        ],
    )
    def g(tab_a, tab_b, s_idx, r_idx, out_a, out_b, idx_v, rows, sem):
        ci = lax.axis_index("c")
        si = lax.axis_index("s")
        base = (si * NC + ci) * per
        pltpu.sync_copy(s_idx.at[pl.ds(base, per)], idx_v)
        pltpu.async_copy(tab_a.at[idx_v], rows, sem).wait()
        pltpu.sync_copy(rows, out_a.at[pl.ds(base, per)])
        pltpu.sync_copy(r_idx.at[pl.ds(base, per)], idx_v)
        pltpu.async_copy(tab_b.at[idx_v], rows, sem).wait()
        pltpu.sync_copy(rows, out_b.at[pl.ds(base, per)])

    return g


def _l2(x):
    return x / jnp.clip(
        jnp.sqrt(jnp.sum(x * x, axis=-1, keepdims=True)), 1e-12, None)


def _cte_row(tim, af, ap, cf, cp):
    t1 = jnp.tanh((tim + 1.0) * af + ap)
    t2 = jnp.cos(tim * cf + cp)
    return jnp.concatenate([t1, t2], axis=1)


_BN = 1024


def _row_call(body, n_rows, out_widths, args):
    grid = (_cdiv(n_rows, _BN),)
    in_specs = []
    for a in args:
        if a.ndim == 3 and a.shape[1] == n_rows:
            in_specs.append(pl.BlockSpec((a.shape[0], _BN, a.shape[2]),
                                         (lambda i: (0, i, 0))))
        elif a.ndim == 2 and a.shape[0] == n_rows:
            in_specs.append(pl.BlockSpec((_BN, a.shape[1]),
                                         lambda i: (i, 0)))
        else:
            in_specs.append(pl.BlockSpec(
                a.shape, (lambda nd: lambda i: (0,) * nd)(a.ndim)))
    out_shape = [jax.ShapeDtypeStruct((n_rows, w), jnp.float32)
                 for w in out_widths]
    out_specs = [pl.BlockSpec((_BN, w), lambda i: (i, 0)) for w in out_widths]
    res = pl.pallas_call(
        body, grid=grid, in_specs=in_specs, out_specs=out_specs,
        out_shape=out_shape)(*args)
    return res


def _mm(a, b):
    return jnp.dot(a, b, preferred_element_type=jnp.float32)


def kernel(params, s, r, edge_src, edge_dst, edge_type, his_idx, his_len):
    p = params

    n16 = _cdiv(E, NW * CH)

    def slab(idx, fill, nway, n_chunks):
        flat = jnp.concatenate(
            [idx.reshape(-1).astype(jnp.int32),
             jnp.full((n_chunks * nway * CH - idx.size,), fill, jnp.int32)])
        return flat.reshape(nway, n_chunks, CH)

    src_stack = jnp.stack([slab(edge_src[t], 0, NW, n16) for t in range(T)])
    dst_stack = jnp.stack([slab(edge_dst[t], NUM_E, NW, n16)
                           for t in range(T)])
    et_stack = jnp.stack([slab(edge_type[t], 0, NW, n16) for t in range(T)])
    tcnt_stack = jnp.arange(T - 1, -1, -1, dtype=jnp.float32).reshape(T, 1, 1)

    hsrc = jnp.transpose(his_idx, (1, 0, 2)).reshape(-1).astype(jnp.int32)
    valid = (jnp.arange(L, dtype=jnp.int32)[None, None, :]
             < his_len.astype(jnp.int32)[:, :, None])
    valid = jnp.transpose(valid, (1, 0, 2)).reshape(-1)
    hrow = (jnp.arange(HIS_K, dtype=jnp.int32)[:, None, None] * B
            + jnp.arange(B, dtype=jnp.int32)[None, :, None]
            + jnp.zeros((1, 1, L), jnp.int32)).reshape(-1)
    hdst = jnp.where(valid, hrow, NUM_E)
    hsrc_slab = slab(hsrc, 0, NW, NH_CHUNKS)
    hdst_slab = slab(hdst, NUM_E, NW, NH_CHUNKS)

    zeros2 = jnp.zeros((NC, NP, H), jnp.float32)

    def comb(part):
        return part[0] + part[1]

    w_ih_t = p['W_ih'].T
    w_ih_h = w_ih_t[:H]
    w_ih_c = w_ih_t[H:]
    w_hh_t = p['W_hh'].T
    b_ih = p['b_ih'][None, :]
    b_hh = p['b_hh'][None, :]
    af = p['abs_freq'][None, :]
    ap = p['abs_phase'][None, :]
    cf = p['cos_freq'][None, :]
    cp = p['cos_phase'][None, :]
    wb_t = p['Wb_w'].T
    wb1, wb2, wb3, wb4 = (wb_t[:H], wb_t[H:2 * H], wb_t[2 * H:3 * H],
                          wb_t[3 * H:])
    wb_b = p['Wb_b'][None, :]
    wc = p['Wc_w']
    wc_b = p['Wc_b'][None, :]
    dec1, dec2, dec3 = (p['dec_w'][:H], p['dec_w'][H:2 * H],
                        p['dec_w'][2 * H:])
    dec_b = p['dec_b'][None, :]

    seg = _make_segsum(NP, n16)
    seg_his = _make_segsum(NP, NH_CHUNKS)
    cnt_k = _make_count(NP, n16)

    def tc0(ent_ref, lw_ref, gp_ref):
        gp_ref[...] = _l2(_mm(ent_ref[...], lw_ref[...]))

    ent_pad = jnp.zeros((NP, H), jnp.float32).at[:NUM_E].set(p['ent'])
    rel_pad = jnp.zeros((NREL, H), jnp.float32).at[:2 * NUM_R].set(p['rel'])
    (g_prev0,) = _row_call(tc0, NP, [H], [ent_pad, p['loop_w']])

    def tc_rel(rel_ref, reln_ref):
        reln_ref[...] = _l2(rel_ref[...])

    rel_n = pl.pallas_call(
        tc_rel,
        out_shape=jax.ShapeDtypeStruct((NREL, H), jnp.float32))(rel_pad)
    rel_tab = jnp.concatenate(
        [rel_n, jnp.zeros((NP - NREL, H), jnp.float32)], axis=0)

    def tc_mean(mp_ref, h_ref):
        h_ref[...] = _l2(mp_ref[...])

    def tc_l0(m_ref, c_ref, h_ref, wr_ref, ws_ref, h1_ref):
        denom = jnp.clip(c_ref[...], 1.0, None)
        agg = m_ref[...] / denom
        h1_ref[...] = jax.nn.relu(
            _mm(agg, wr_ref[...]) + _mm(h_ref[...], ws_ref[...]))

    def tc_l1(m_ref, c_ref, h1_ref, gp_ref, tc_ref,
              wr_ref, ws_ref, wih_h_ref, wih_c_ref, whh_ref,
              bih_ref, bhh_ref, af_ref, ap_ref, cf_ref, cp_ref, g_ref):
        cnt = c_ref[...]
        denom = jnp.clip(cnt, 1.0, None)
        agg = m_ref[...] / denom
        h2 = _mm(agg, wr_ref[...]) + _mm(h1_ref[...], ws_ref[...])
        hh = _l2(h2)
        gp = gp_ref[...]
        tcnt = tc_ref[...]
        cte_a = _cte_row(jnp.float32(100.0), af_ref[...], ap_ref[...],
                         cf_ref[...], cp_ref[...])
        cte_b = _cte_row(tcnt, af_ref[...], ap_ref[...],
                         cf_ref[...], cp_ref[...])
        gi_c = jnp.where(cnt == 0.0,
                         _mm(cte_a, wih_c_ref[...]),
                         _mm(cte_b, wih_c_ref[...]))
        gi = _mm(hh, wih_h_ref[...]) + gi_c + bih_ref[...]
        gh = _mm(gp, whh_ref[...]) + bhh_ref[...]
        rg = jax.nn.sigmoid(gi[:, :H] + gh[:, :H])
        zg = jax.nn.sigmoid(gi[:, H:2 * H] + gh[:, H:2 * H])
        ng = jnp.tanh(gi[:, 2 * H:] + rg * gh[:, 2 * H:])
        g_ref[...] = _l2((1.0 - zg) * ng + zg * gp)

    def step(g_prev, xs):
        src_t, dst_t, et_t, tcnt_t = xs
        mean_p = comb(seg(g_prev, src_t, dst_t, zeros2))
        rel_p = seg(rel_tab, et_t, dst_t, zeros2)
        cnt3 = comb(cnt_k(dst_t, zeros2))[:, :1]
        (h,) = _row_call(tc_mean, NP, [H], [mean_p])
        m0_p = comb(seg(h, src_t, dst_t, rel_p))
        (h1,) = _row_call(tc_l0, NP, [H],
                          [m0_p, cnt3, h, p['W_rel'][0], p['W_self'][0]])
        m1_p = comb(seg(h1, src_t, dst_t, rel_p))
        (g,) = _row_call(
            tc_l1, NP, [H],
            [m1_p, cnt3, h1, g_prev, tcnt_t,
             p['W_rel'][1], p['W_self'][1], w_ih_h, w_ih_c, w_hh_t,
             b_ih, b_hh, af, ap, cf, cp])
        return g, 0.0

    out_tab, _ = lax.scan(step, g_prev0,
                          (src_stack, dst_stack, et_stack, tcnt_stack))

    his_c = comb(seg_his(out_tab, hsrc_slab, hdst_slab, zeros2))
    out_s, rel_r = _make_pair_gather(NP, NREL)(
        out_tab, rel_n, s.astype(jnp.int32), r.astype(jnp.int32))

    his_len_f = his_len.astype(jnp.float32)

    def tc_att(hp_ref, outs_ref, relr_ref, ln_ref,
               wb1_ref, wb2_ref, wb3_ref, wb4_ref, wbb_ref, wc_ref, wcb_ref,
               d1_ref, d2_ref, d3_ref, db_ref, af_ref, ap_ref, cf_ref,
               cp_ref, q_ref):
        outs = outs_ref[...]
        relr = relr_ref[...]
        base = _mm(outs, wb1_ref[...]) + _mm(relr, wb2_ref[...]) + wbb_ref[...]
        hsum = hp_ref[...]
        scores = []
        tmps = []
        for k in range(HIS_K):
            tcnt_k = float(HIS_K - 1 - k)
            ln = ln_ref[...][:, k:k + 1]
            tmp = hsum[k * B:(k + 1) * B] / jnp.clip(ln, 1.0, None)
            tmp = _l2(tmp)
            cte_a = _cte_row(jnp.float32(tcnt_k), af_ref[...], ap_ref[...],
                             cf_ref[...], cp_ref[...])
            cte_b = _cte_row(jnp.float32(100.0), af_ref[...], ap_ref[...],
                             cf_ref[...], cp_ref[...])
            ctew = jnp.where(ln > 0.0, _mm(cte_a, wb4_ref[...]),
                             _mm(cte_b, wb4_ref[...]))
            a = jax.nn.relu(base + _mm(tmp, wb3_ref[...]) + ctew)
            sc = jnp.sum(a * wc_ref[...], axis=1, keepdims=True) + wcb_ref[...]
            scores.append(sc)
            tmps.append(tmp)
        sc = jnp.concatenate(scores, axis=1)
        sc = sc - jnp.max(sc, axis=1, keepdims=True)
        ex = jnp.exp(sc)
        att = ex / jnp.sum(ex, axis=1, keepdims=True)
        out2 = sum(att[:, k:k + 1] * tmps[k] for k in range(HIS_K))
        q_ref[...] = jnp.tanh(
            _mm(outs, d1_ref[...]) + _mm(relr, d2_ref[...])
            + _mm(out2, d3_ref[...]) + db_ref[...])

    (q,) = _row_call(tc_att, B, [H],
                     [his_c, out_s, rel_r, his_len_f,
                      wb1, wb2, wb3, wb4, wb_b, wc, wc_b,
                      dec1, dec2, dec3, dec_b, af, ap, cf, cp])

    BNE = 2048

    def tc_scores(q_ref, out_ref, sc_ref):
        sc_ref[...] = lax.dot_general(
            q_ref[...], out_ref[...], (((1,), (1,)), ((), ())),
            preferred_element_type=jnp.float32)

    scores = pl.pallas_call(
        tc_scores,
        grid=(_cdiv(NUM_E, BNE),),
        in_specs=[pl.BlockSpec((B, H), lambda i: (0, 0)),
                  pl.BlockSpec((BNE, H), lambda i: (i, 0))],
        out_specs=pl.BlockSpec((B, BNE), lambda i: (0, i)),
        out_shape=jax.ShapeDtypeStruct((B, NUM_E), jnp.float32),
    )(q, out_tab[:NUM_E])
    return scores

# --- scband reference (transcript-rebuilt; emitter-appended) ---
"""Pipeline reference for scband-local-encoder-10385230921811 (READ-ONLY COPY).

The authoritative reference and input builder live on the scoring server;
editing this copy changes nothing except your own understanding.
"""

import jax, jax.numpy as jnp
import numpy as np

H = 128
TDIM = 48
NUM_E = 10000
NUM_R = 100
B = 1024
T = 3
E = 320000
HIS_K = 3
L = 50
LAYERS = 2


def _l2(x):
    return x / jnp.clip(jnp.linalg.norm(x, axis=-1, keepdims=True), 1e-12)


def _union_time(tim, p):
    # tim: [N, 1]; AbsTimeEncode (bias=True, act=tanh) + CosTimeEncode, each TDIM//2
    t1 = jnp.tanh((tim + 1.0) * p['abs_freq'][None, :] + p['abs_phase'][None, :])
    t2 = jnp.cos(tim * p['cos_freq'][None, :] + p['cos_phase'][None, :])
    return jnp.concatenate([t1, t2], axis=1)


def _forward(p, s, r, edge_src, edge_dst, edge_type, his_idx, his_len):
    T_ = edge_src.shape[0]
    # EntEmb (self_loop=True, eval: dropout=identity): ent @ loop_weight, then normalize
    ent_h = _l2(p['ent'] @ p['loop_w'])
    # rel EntEmb (self_loop=False): raw table, normalized
    rel_n = _l2(p['rel'])
    g_prev = ent_h
    tim_cnt = T_
    for t in range(T_):
        src = edge_src[t]
        dst = edge_dst[t]
        et = edge_type[t]
        cnt = jnp.zeros((NUM_E,), jnp.float32).at[dst].add(1.0)
        denom = jnp.clip(cnt, 1.0)[:, None]
        # update_all(copy src h, mean by dst); zero-in-degree nodes -> 0
        h = jnp.zeros((NUM_E, H), jnp.float32).at[dst].add(g_prev[src]) / denom
        h = _l2(h)
        tim_cnt -= 1
        tim = jnp.where(cnt[:, None] == 0, 100.0, float(tim_cnt))
        cte = _union_time(tim, p)
        # RGCN: per-layer relational message passing with self-loop
        for l in range(LAYERS):
            msg = h[src] + rel_n[et]
            agg = jnp.zeros((NUM_E, H), jnp.float32).at[dst].add(msg) / denom
            h2 = agg @ p['W_rel'][l] + h @ p['W_self'][l]
            h = jax.nn.relu(h2) if l < LAYERS - 1 else h2
        h = _l2(h)
        # GRUCell(h_dim + t_dim -> h_dim), torch gate order r,z,n
        x = jnp.concatenate([h, cte], axis=1)
        gi = x @ p['W_ih'].T + p['b_ih']
        gh = g_prev @ p['W_hh'].T + p['b_hh']
        rg = jax.nn.sigmoid(gi[:, :H] + gh[:, :H])
        zg = jax.nn.sigmoid(gi[:, H:2 * H] + gh[:, H:2 * H])
        ng = jnp.tanh(gi[:, 2 * H:] + rg * gh[:, 2 * H:])
        h = (1.0 - zg) * ng + zg * g_prev
        g_prev = _l2(h)
    out = g_prev
    K = min(T_, HIS_K)
    tim_cnt = K
    out_s = out[s]
    rel_r = rel_n[r]
    s_emb = []
    att2 = []
    for k in range(K):
        tim_cnt -= 1
        idx = his_idx[:, k, :]
        ln = his_len[:, k]
        mask = (jnp.arange(idx.shape[1])[None, :] < ln[:, None]).astype(jnp.float32)
        # sparse indicator mm == masked gather-sum over history entity ids
        tmp = (out[idx] * mask[:, :, None]).sum(axis=1)
        tmp = _l2(tmp / jnp.clip(ln, 1).astype(jnp.float32)[:, None])
        tim = jnp.where(ln[:, None] > 0, float(tim_cnt), 100.0).astype(jnp.float32)
        cte = _union_time(tim, p)
        feat = jnp.concatenate([out_s, rel_r, tmp, cte], axis=1)
        a = jax.nn.relu(feat @ p['Wb_w'].T + p['Wb_b']) @ p['Wc_w'].T + p['Wc_b']
        s_emb.append(tmp)
        att2.append(a)
    att = jax.nn.softmax(jnp.stack(att2, axis=1), axis=1)  # [B,K,1]
    out2 = jnp.einsum('bkh,bko->bh', jnp.stack(s_emb, axis=1), att)
    # Decoder: project query, score against all entities
    q = jnp.tanh(jnp.concatenate([out_s, rel_r, out2], axis=1) @ p['dec_w'] + p['dec_b'])
    return q @ out.T


def setup_inputs(seed: int = 0):
    key = jax.random.key(seed)
    ks = jax.random.split(key, 24)
    s = jax.random.randint(ks[0], (B,), 0, NUM_E)
    r = jax.random.randint(ks[1], (B,), 0, 2 * NUM_R)
    edge_src = jax.random.randint(ks[2], (T, E), 0, NUM_E)
    edge_dst = jax.random.randint(ks[3], (T, E), 0, NUM_E)
    edge_type = jax.random.randint(ks[4], (T, E), 0, 2 * NUM_R)
    his_idx = jax.random.randint(ks[5], (B, HIS_K, L), 0, NUM_E)
    his_len = jax.random.randint(ks[6], (B, HIS_K), 0, L + 1)

    def nrm(k, shape, scale):
        return jax.random.normal(k, shape, dtype=jnp.float32) * scale

    half = TDIM // 2
    freq = jnp.asarray(1.0 / 10 ** np.linspace(0, 9, half), dtype=jnp.float32)
    params = {
        'ent': nrm(ks[7], (NUM_E, H), 1.0),
        'loop_w': nrm(ks[8], (H, H), 0.1),
        'rel': nrm(ks[9], (2 * NUM_R, H), 1.0),
        'abs_freq': freq,
        'abs_phase': jnp.zeros((half,), jnp.float32),
        'cos_freq': freq,
        'cos_phase': jnp.zeros((half,), jnp.float32),
        'W_self': nrm(ks[10], (LAYERS, H, H), 0.1),
        'W_rel': nrm(ks[11], (LAYERS, H, H), 0.1),
        'W_ih': nrm(ks[12], (3 * H, H + TDIM), 0.1),
        'W_hh': nrm(ks[13], (3 * H, H), 0.1),
        'b_ih': jnp.zeros((3 * H,), jnp.float32),
        'b_hh': jnp.zeros((3 * H,), jnp.float32),
        'Wb_w': nrm(ks[14], (H, 3 * H + TDIM), 0.1),
        'Wb_b': jnp.zeros((H,), jnp.float32),
        'Wc_w': nrm(ks[15], (1, H), 0.1),
        'Wc_b': jnp.zeros((1,), jnp.float32),
        'dec_w': nrm(ks[16], (3 * H, H), 0.1),
        'dec_b': jnp.zeros((H,), jnp.float32),
    }
    return {'params': params, 's': s, 'r': r, 'edge_src': edge_src,
            'edge_dst': edge_dst, 'edge_type': edge_type,
            'his_idx': his_idx, 'his_len': his_len}


def reference(params, s, r, edge_src, edge_dst, edge_type, his_idx, his_len):
    return _forward(params, s, r, edge_src, edge_dst, edge_type, his_idx, his_len)

if __name__ == "__main__":
    import jax
    _d = setup_inputs()
    print(jax.jit(kernel)(*tuple(_d.values())))

</pallas_src>

<mosaic_0001>
#map = affine_map<(d0, d1) -> (0, 0)>
#map1 = affine_map<(d0, d1) -> (0, 0, 0)>
module attributes {stable_mosaic.version = 14 : i64} {
  func.func @seg(%arg0: i32, %arg1: i32, %arg2: memref<10112x128xf32, #tpu.memory_space<hbm>>, %arg3: memref<32x79x128xi32, #tpu.memory_space<hbm>>, %arg4: memref<32x79x128xi32, #tpu.memory_space<hbm>>, %arg5: memref<2x10112x128xf32, #tpu.memory_space<hbm>>, %arg6: memref<2x10112x128xf32, #tpu.memory_space<hbm>>, %arg7: memref<79x128xi32, #tpu.memory_space<vmem>>, %arg8: memref<79x128xi32, #tpu.memory_space<vmem>>, %arg9: memref<128x128xf32, #tpu.memory_space<vmem>>, %arg10: memref<10112x128xf32, #tpu.memory_space<vmem_shared>>, %arg11: memref<!tpu.dma_semaphore, #tpu.memory_space<semaphore_mem>>) attributes {dimension_semantics = [#tpu.dimension_semantics<core_parallel>, #tpu.dimension_semantics<subcore_parallel>], iteration_bounds = array<i64: 2, 16>, scalar_prefetch = 0 : i64, scratch_operands = 5 : i64, tpu.core_type = #tpu.core_type<sc_vector_subcore>, window_params = [{transform_indices = #map}, {transform_indices = #map1}, {transform_indices = #map1}, {transform_indices = #map1}, {transform_indices = #map1}]} {
    %mul3A = arith.constant 2 : i32
    %mul3A_0 = arith.muli %arg1, %mul3A : i32
    %add3A = arith.addi %mul3A_0, %arg0 : i32
    %mul3A_1 = arith.constant 632 : i32
    %mul3A_2 = arith.muli %arg1, %mul3A_1 : i32
    "tpu.region"() ({
      %run_scoped3A = tpu.sem_alloc : memref<!tpu.dma_semaphore, #tpu.memory_space<semaphore_mem>>
      %dma_start3A_15 = arith.constant 0 : i32
      %dma_start3A_16 = tpu.memref_slice %arg10[%mul3A_2, %dma_start3A_15] : memref<10112x128xf32, #tpu.memory_space<vmem_shared>> -> memref<632x128xf32, #tpu.memory_space<vmem_shared>>
      %dma_start3A_17 = arith.constant 0 : i32
      %dma_start3A_18 = tpu.memref_slice %arg5[%arg0, %mul3A_2, %dma_start3A_17] : memref<2x10112x128xf32, #tpu.memory_space<hbm>> -> memref<1x632x128xf32, #tpu.memory_space<hbm>>
      %dma_start3A_19 = tpu.memref_squeeze %dma_start3A_18 : memref<1x632x128xf32, #tpu.memory_space<hbm>> -> memref<632x128xf32, #tpu.memory_space<hbm>>
      tpu.enqueue_dma source(%dma_start3A_19 : memref<632x128xf32, #tpu.memory_space<hbm>>) target(%dma_start3A_16 : memref<632x128xf32, #tpu.memory_space<vmem_shared>>) target_semaphore(%run_scoped3A : memref<!tpu.dma_semaphore, #tpu.memory_space<semaphore_mem>>)
      %dma_wait3A = arith.constant 0 : i32
      %dma_wait3A_20 = tpu.memref_slice %arg10[%mul3A_2, %dma_wait3A] : memref<10112x128xf32, #tpu.memory_space<vmem_shared>> -> memref<632x128xf32, #tpu.memory_space<vmem_shared>>
      %dma_wait3A_21 = arith.constant 0 : i32
      %dma_wait3A_22 = tpu.memref_slice %arg5[%arg0, %mul3A_2, %dma_wait3A_21] : memref<2x10112x128xf32, #tpu.memory_space<hbm>> -> memref<1x632x128xf32, #tpu.memory_space<hbm>>
      %dma_wait3A_23 = tpu.memref_squeeze %dma_wait3A_22 : memref<1x632x128xf32, #tpu.memory_space<hbm>> -> memref<632x128xf32, #tpu.memory_space<hbm>>
      tpu.wait_dma2 semaphore(%run_scoped3A : memref<!tpu.dma_semaphore, #tpu.memory_space<semaphore_mem>>) src(%dma_wait3A_23 : memref<632x128xf32, #tpu.memory_space<hbm>>) dst(%dma_wait3A_20 : memref<632x128xf32, #tpu.memory_space<vmem_shared>>)
      tpu.yield
    }) : () -> ()
    "tpu.region"() ({
      %run_scoped3A = tpu.sem_alloc : memref<!tpu.dma_semaphore, #tpu.memory_space<semaphore_mem>>
      %dma_start3A_15 = arith.constant 0 : i32
      %dma_start3A_16 = arith.constant 0 : i32
      %dma_start3A_17 = tpu.memref_slice %arg3[%add3A, %dma_start3A_15, %dma_start3A_16] : memref<32x79x128xi32, #tpu.memory_space<hbm>> -> memref<1x79x128xi32, #tpu.memory_space<hbm>>
      %dma_start3A_18 = tpu.memref_squeeze %dma_start3A_17 : memref<1x79x128xi32, #tpu.memory_space<hbm>> -> memref<79x128xi32, #tpu.memory_space<hbm>>
      %dma_start3A_19 = arith.constant 0 : i32
      %dma_start3A_20 = arith.constant 0 : i32
      %dma_start3A_21 = tpu.memref_slice %arg3[%add3A, %dma_start3A_19, %dma_start3A_20] : memref<32x79x128xi32, #tpu.memory_space<hbm>> -> memref<1x79x128xi32, #tpu.memory_space<hbm>>
      %dma_start3A_22 = tpu.memref_squeeze %dma_start3A_21 : memref<1x79x128xi32, #tpu.memory_space<hbm>> -> memref<79x128xi32, #tpu.memory_space<hbm>>
      tpu.enqueue_dma source(%dma_start3A_22 : memref<79x128xi32, #tpu.memory_space<hbm>>) target(%arg7 : memref<79x128xi32, #tpu.memory_space<vmem>>) target_semaphore(%run_scoped3A : memref<!tpu.dma_semaphore, #tpu.memory_space<semaphore_mem>>)
      %dma_wait3A = arith.constant 0 : i32
      %dma_wait3A_23 = arith.constant 0 : i32
      %dma_wait3A_24 = tpu.memref_slice %arg3[%add3A, %dma_wait3A, %dma_wait3A_23] : memref<32x79x128xi32, #tpu.memory_space<hbm>> -> memref<1x79x128xi32, #tpu.memory_space<hbm>>
      %dma_wait3A_25 = tpu.memref_squeeze %dma_wait3A_24 : memref<1x79x128xi32, #tpu.memory_space<hbm>> -> memref<79x128xi32, #tpu.memory_space<hbm>>
      %dma_wait3A_26 = arith.constant 0 : i32
      %dma_wait3A_27 = arith.constant 0 : i32
      %dma_wait3A_28 = tpu.memref_slice %arg3[%add3A, %dma_wait3A_26, %dma_wait3A_27] : memref<32x79x128xi32, #tpu.memory_space<hbm>> -> memref<1x79x128xi32, #tpu.memory_space<hbm>>
      %dma_wait3A_29 = tpu.memref_squeeze %dma_wait3A_28 : memref<1x79x128xi32, #tpu.memory_space<hbm>> -> memref<79x128xi32, #tpu.memory_space<hbm>>
      tpu.wait_dma2 semaphore(%run_scoped3A : memref<!tpu.dma_semaphore, #tpu.memory_space<semaphore_mem>>) src(%dma_wait3A_29 : memref<79x128xi32, #tpu.memory_space<hbm>>) dst(%arg7 : memref<79x128xi32, #tpu.memory_space<vmem>>)
      tpu.yield
    }) : () -> ()
    "tpu.region"() ({
      %run_scoped3A = tpu.sem_alloc : memref<!tpu.dma_semaphore, #tpu.memory_space<semaphore_mem>>
      %dma_start3A_15 = arith.constant 0 : i32
      %dma_start3A_16 = arith.constant 0 : i32
      %dma_start3A_17 = tpu.memref_slice %arg4[%add3A, %dma_start3A_15, %dma_start3A_16] : memref<32x79x128xi32, #tpu.memory_space<hbm>> -> memref<1x79x128xi32, #tpu.memory_space<hbm>>
      %dma_start3A_18 = tpu.memref_squeeze %dma_start3A_17 : memref<1x79x128xi32, #tpu.memory_space<hbm>> -> memref<79x128xi32, #tpu.memory_space<hbm>>
      %dma_start3A_19 = arith.constant 0 : i32
      %dma_start3A_20 = arith.constant 0 : i32
      %dma_start3A_21 = tpu.memref_slice %arg4[%add3A, %dma_start3A_19, %dma_start3A_20] : memref<32x79x128xi32, #tpu.memory_space<hbm>> -> memref<1x79x128xi32, #tpu.memory_space<hbm>>
      %dma_start3A_22 = tpu.memref_squeeze %dma_start3A_21 : memref<1x79x128xi32, #tpu.memory_space<hbm>> -> memref<79x128xi32, #tpu.memory_space<hbm>>
      tpu.enqueue_dma source(%dma_start3A_22 : memref<79x128xi32, #tpu.memory_space<hbm>>) target(%arg8 : memref<79x128xi32, #tpu.memory_space<vmem>>) target_semaphore(%run_scoped3A : memref<!tpu.dma_semaphore, #tpu.memory_space<semaphore_mem>>)
      %dma_wait3A = arith.constant 0 : i32
      %dma_wait3A_23 = arith.constant 0 : i32
      %dma_wait3A_24 = tpu.memref_slice %arg4[%add3A, %dma_wait3A, %dma_wait3A_23] : memref<32x79x128xi32, #tpu.memory_space<hbm>> -> memref<1x79x128xi32, #tpu.memory_space<hbm>>
      %dma_wait3A_25 = tpu.memref_squeeze %dma_wait3A_24 : memref<1x79x128xi32, #tpu.memory_space<hbm>> -> memref<79x128xi32, #tpu.memory_space<hbm>>
      %dma_wait3A_26 = arith.constant 0 : i32
      %dma_wait3A_27 = arith.constant 0 : i32
      %dma_wait3A_28 = tpu.memref_slice %arg4[%add3A, %dma_wait3A_26, %dma_wait3A_27] : memref<32x79x128xi32, #tpu.memory_space<hbm>> -> memref<1x79x128xi32, #tpu.memory_space<hbm>>
      %dma_wait3A_29 = tpu.memref_squeeze %dma_wait3A_28 : memref<1x79x128xi32, #tpu.memory_space<hbm>> -> memref<79x128xi32, #tpu.memory_space<hbm>>
      tpu.wait_dma2 semaphore(%run_scoped3A : memref<!tpu.dma_semaphore, #tpu.memory_space<semaphore_mem>>) src(%dma_wait3A_29 : memref<79x128xi32, #tpu.memory_space<hbm>>) dst(%arg8 : memref<79x128xi32, #tpu.memory_space<vmem>>)
      tpu.yield
    }) : () -> ()
    %barrier3A = arith.constant 0 : index
    tpu.barrier barrier_id(%barrier3A)
    %dma_start3A = arith.constant 0 : i32
    %dma_start3A_3 = arith.constant 0 : i32
    %dma_start3A_4 = tpu.memref_slice %arg7[%dma_start3A, %dma_start3A_3] : memref<79x128xi32, #tpu.memory_space<vmem>> -> memref<1x128xi32, #tpu.memory_space<vmem>>
    %dma_start3A_5 = tpu.memref_squeeze %dma_start3A_4 : memref<1x128xi32, #tpu.memory_space<vmem>> -> memref<128xi32, #tpu.memory_space<vmem>>
    %dma_start3A_6 = arith.constant 0 : i32
    %dma_start3A_7 = arith.constant 0 : i32
    %dma_start3A_8 = tpu.memref_slice %arg2[%dma_start3A_6, %dma_start3A_7] : memref<10112x128xf32, #tpu.memory_space<hbm>> -> memref<10112x128xf32, #tpu.memory_space<hbm>>
    tpu.enqueue_indirect_dma source(%dma_start3A_8 : memref<10112x128xf32, #tpu.memory_space<hbm>>) target(%arg9 : memref<128x128xf32, #tpu.memory_space<vmem>>) offsets(%dma_start3A_5 : memref<128xi32, #tpu.memory_space<vmem>>) semaphore(%arg11 : memref<!tpu.dma_semaphore, #tpu.memory_space<semaphore_mem>>)
    %scan3A = arith.constant 0 : i32
    %scan3A_9 = arith.constant 0 : i32
    %scan3A_10 = arith.constant 79 : i32
    %scan3A_11 = arith.addi %scan3A_9, %scan3A_10 : i32
    %scan3A_12 = arith.constant 1 : i32
    scf.for %scan3A_15 = %scan3A_9 to %scan3A_11 step %scan3A_12  : i32 {
      %dma_wait3A = arith.constant 0 : i32
      %dma_wait3A_16 = arith.constant 0 : i32
      %dma_wait3A_17 = tpu.memref_slice %arg7[%dma_wait3A, %dma_wait3A_16] : memref<79x128xi32, #tpu.memory_space<vmem>> -> memref<1x128xi32, #tpu.memory_space<vmem>>
      %dma_wait3A_18 = tpu.memref_squeeze %dma_wait3A_17 : memref<1x128xi32, #tpu.memory_space<vmem>> -> memref<128xi32, #tpu.memory_space<vmem>>
      %dma_wait3A_19 = arith.constant 0 : i32
      %dma_wait3A_20 = arith.constant 0 : i32
      %dma_wait3A_21 = tpu.memref_slice %arg2[%dma_wait3A_19, %dma_wait3A_20] : memref<10112x128xf32, #tpu.memory_space<hbm>> -> memref<10112x128xf32, #tpu.memory_space<hbm>>
      tpu.wait_indirect_dma semaphore(%arg11 : memref<!tpu.dma_semaphore, #tpu.memory_space<semaphore_mem>>) src(%dma_wait3A_21 : memref<10112x128xf32, #tpu.memory_space<hbm>>) dst(%arg9 : memref<128x128xf32, #tpu.memory_space<vmem>>)
      "tpu.region"() ({
        %run_scoped3A = tpu.sem_alloc : memref<!tpu.dma_semaphore, #tpu.memory_space<semaphore_mem>>
        %dma_start3A_26 = arith.constant 0 : i32
        %dma_start3A_27 = tpu.memref_slice %arg8[%scan3A_15, %dma_start3A_26] : memref<79x128xi32, #tpu.memory_space<vmem>> -> memref<1x128xi32, #tpu.memory_space<vmem>>
        %dma_start3A_28 = tpu.memref_squeeze %dma_start3A_27 : memref<1x128xi32, #tpu.memory_space<vmem>> -> memref<128xi32, #tpu.memory_space<vmem>>
        %dma_start3A_29 = arith.constant 0 : i32
        %dma_start3A_30 = arith.constant 0 : i32
        %dma_start3A_31 = tpu.memref_slice %arg10[%dma_start3A_29, %dma_start3A_30] : memref<10112x128xf32, #tpu.memory_space<vmem_shared>> -> memref<10112x128xf32, #tpu.memory_space<vmem_shared>>
        tpu.enqueue_indirect_dma source(%arg9 : memref<128x128xf32, #tpu.memory_space<vmem>>) target(%dma_start3A_31 : memref<10112x128xf32, #tpu.memory_space<vmem_shared>>) offsets(%dma_start3A_28 : memref<128xi32, #tpu.memory_space<vmem>>) semaphore(%run_scoped3A : memref<!tpu.dma_semaphore, #tpu.memory_space<semaphore_mem>>) {add = true}
        %dma_wait3A_32 = arith.constant 0 : i32
        %dma_wait3A_33 = tpu.memref_slice %arg8[%scan3A_15, %dma_wait3A_32] : memref<79x128xi32, #tpu.memory_space<vmem>> -> memref<1x128xi32, #tpu.memory_space<vmem>>
        %dma_wait3A_34 = tpu.memref_squeeze %dma_wait3A_33 : memref<1x128xi32, #tpu.memory_space<vmem>> -> memref<128xi32, #tpu.memory_space<vmem>>
        %dma_wait3A_35 = arith.constant 0 : i32
        %dma_wait3A_36 = arith.constant 0 : i32
        %dma_wait3A_37 = tpu.memref_slice %arg10[%dma_wait3A_35, %dma_wait3A_36] : memref<10112x128xf32, #tpu.memory_space<vmem_shared>> -> memref<10112x128xf32, #tpu.memory_space<vmem_shared>>
        tpu.wait_indirect_dma semaphore(%run_scoped3A : memref<!tpu.dma_semaphore, #tpu.memory_space<semaphore_mem>>) src(%arg9 : memref<128x128xf32, #tpu.memory_space<vmem>>) dst(%dma_wait3A_37 : memref<10112x128xf32, #tpu.memory_space<vmem_shared>>)
        tpu.yield
      }) : () -> ()
      %add3A_22 = arith.constant 1 : i32
      %add3A_23 = arith.addi %scan3A_15, %add3A_22 : i32
      %lt3A = arith.constant 79 : i32
      %lt3A_24 = arith.cmpi slt, %add3A_23, %lt3A : i32
      %convert_element_type3A = arith.extui %lt3A_24 : i1 to i32
      %cond3A = arith.constant 0 : i32
      %cond3A_25 = arith.cmpi ne, %convert_element_type3A, %cond3A : i32
      scf.if %cond3A_25 {
        %add3A_26 = arith.constant 1 : i32
        %add3A_27 = arith.addi %scan3A_15, %add3A_26 : i32
        %dma_start3A_28 = arith.constant 0 : i32
        %dma_start3A_29 = tpu.memref_slice %arg7[%add3A_27, %dma_start3A_28] : memref<79x128xi32, #tpu.memory_space<vmem>> -> memref<1x128xi32, #tpu.memory_space<vmem>>
        %dma_start3A_30 = tpu.memref_squeeze %dma_start3A_29 : memref<1x128xi32, #tpu.memory_space<vmem>> -> memref<128xi32, #tpu.memory_space<vmem>>
        %dma_start3A_31 = arith.constant 0 : i32
        %dma_start3A_32 = arith.constant 0 : i32
        %dma_start3A_33 = tpu.memref_slice %arg2[%dma_start3A_31, %dma_start3A_32] : memref<10112x128xf32, #tpu.memory_space<hbm>> -> memref<10112x128xf32, #tpu.memory_space<hbm>>
        tpu.enqueue_indirect_dma source(%dma_start3A_33 : memref<10112x128xf32, #tpu.memory_space<hbm>>) target(%arg9 : memref<128x128xf32, #tpu.memory_space<vmem>>) offsets(%dma_start3A_30 : memref<128xi32, #tpu.memory_space<vmem>>) semaphore(%arg11 : memref<!tpu.dma_semaphore, #tpu.memory_space<semaphore_mem>>)
      } else {
      }
    }
    %scan3A_13 = arith.constant 79 : i32
    %barrier3A_14 = arith.constant 0 : index
    tpu.barrier barrier_id(%barrier3A_14)
    "tpu.region"() ({
      %run_scoped3A = tpu.sem_alloc : memref<!tpu.dma_semaphore, #tpu.memory_space<semaphore_mem>>
      %dma_start3A_15 = arith.constant 0 : i32
      %dma_start3A_16 = tpu.memref_slice %arg6[%arg0, %mul3A_2, %dma_start3A_15] : memref<2x10112x128xf32, #tpu.memory_space<hbm>> -> memref<1x632x128xf32, #tpu.memory_space<hbm>>
      %dma_start3A_17 = tpu.memref_squeeze %dma_start3A_16 : memref<1x632x128xf32, #tpu.memory_space<hbm>> -> memref<632x128xf32, #tpu.memory_space<hbm>>
      %dma_start3A_18 = arith.constant 0 : i32
      %dma_start3A_19 = tpu.memref_slice %arg10[%mul3A_2, %dma_start3A_18] : memref<10112x128xf32, #tpu.memory_space<vmem_shared>> -> memref<632x128xf32, #tpu.memory_space<vmem_shared>>
      tpu.enqueue_dma source(%dma_start3A_19 : memref<632x128xf32, #tpu.memory_space<vmem_shared>>) target(%dma_start3A_17 : memref<632x128xf32, #tpu.memory_space<hbm>>) target_semaphore(%run_scoped3A : memref<!tpu.dma_semaphore, #tpu.memory_space<semaphore_mem>>)
      %dma_wait3A = arith.constant 0 : i32
      %dma_wait3A_20 = tpu.memref_slice %arg6[%arg0, %mul3A_2, %dma_wait3A] : memref<2x10112x128xf32, #tpu.memory_space<hbm>> -> memref<1x632x128xf32, #tpu.memory_space<hbm>>
      %dma_wait3A_21 = tpu.memref_squeeze %dma_wait3A_20 : memref<1x632x128xf32, #tpu.memory_space<hbm>> -> memref<632x128xf32, #tpu.memory_space<hbm>>
      %dma_wait3A_22 = arith.constant 0 : i32
      %dma_wait3A_23 = tpu.memref_slice %arg10[%mul3A_2, %dma_wait3A_22] : memref<10112x128xf32, #tpu.memory_space<vmem_shared>> -> memref<632x128xf32, #tpu.memory_space<vmem_shared>>
      tpu.wait_dma2 semaphore(%run_scoped3A : memref<!tpu.dma_semaphore, #tpu.memory_space<semaphore_mem>>) src(%dma_wait3A_23 : memref<632x128xf32, #tpu.memory_space<vmem_shared>>) dst(%dma_wait3A_21 : memref<632x128xf32, #tpu.memory_space<hbm>>)
      tpu.yield
    }) : () -> ()
    return
  }
}

#map = affine_map<(d0, d1) -> (0, 0)>
#map1 = affine_map<(d0, d1) -> (0)>
module attributes {stable_mosaic.version = 14 : i64} {
  func.func @g(%arg0: i32, %arg1: i32, %arg2: memref<10112x128xf32, #tpu.memory_space<hbm>>, %arg3: memref<208x128xf32, #tpu.memory_space<hbm>>, %arg4: memref<1024xi32, #tpu.memory_space<hbm>>, %arg5: memref<1024xi32, #tpu.memory_space<hbm>>, %arg6: memref<1024x128xf32, #tpu.memory_space<hbm>>, %arg7: memref<1024x128xf32, #tpu.memory_space<hbm>>, %arg8: memref<32xi32, #tpu.memory_space<vmem>>, %arg9: memref<32x128xf32, #tpu.memory_space<vmem>>, %arg10: memref<!tpu.dma_semaphore, #tpu.memory_space<semaphore_mem>>) attributes {dimension_semantics = [#tpu.dimension_semantics<core_parallel>, #tpu.dimension_semantics<subcore_parallel>], iteration_bounds = array<i64: 2, 16>, scalar_prefetch = 0 : i64, scratch_operands = 3 : i64, tpu.core_type = #tpu.core_type<sc_vector_subcore>, window_params = [{transform_indices = #map}, {transform_indices = #map}, {transform_indices = #map1}, {transform_indices = #map1}, {transform_indices = #map}, {transform_indices = #map}]} {
    %mul3A = arith.constant 2 : i32
    %mul3A_0 = arith.muli %arg1, %mul3A : i32
    %add3A = arith.addi %mul3A_0, %arg0 : i32
    %mul3A_1 = arith.constant 32 : i32
    %mul3A_2 = arith.muli %add3A, %mul3A_1 : i32
    "tpu.region"() ({
      %run_scoped3A = tpu.sem_alloc : memref<!tpu.dma_semaphore, #tpu.memory_space<semaphore_mem>>
      %dma_start3A_13 = tpu.memref_slice %arg4[%mul3A_2] : memref<1024xi32, #tpu.memory_space<hbm>> -> memref<32xi32, #tpu.memory_space<hbm>>
      %dma_start3A_14 = tpu.memref_slice %arg4[%mul3A_2] : memref<1024xi32, #tpu.memory_space<hbm>> -> memref<32xi32, #tpu.memory_space<hbm>>
      tpu.enqueue_dma source(%dma_start3A_14 : memref<32xi32, #tpu.memory_space<hbm>>) target(%arg8 : memref<32xi32, #tpu.memory_space<vmem>>) target_semaphore(%run_scoped3A : memref<!tpu.dma_semaphore, #tpu.memory_space<semaphore_mem>>)
      %dma_wait3A_15 = tpu.memref_slice %arg4[%mul3A_2] : memref<1024xi32, #tpu.memory_space<hbm>> -> memref<32xi32, #tpu.memory_space<hbm>>
      %dma_wait3A_16 = tpu.memref_slice %arg4[%mul3A_2] : memref<1024xi32, #tpu.memory_space<hbm>> -> memref<32xi32, #tpu.memory_space<hbm>>
      tpu.wait_dma2 semaphore(%run_scoped3A : memref<!tpu.dma_semaphore, #tpu.memory_space<semaphore_mem>>) src(%dma_wait3A_16 : memref<32xi32, #tpu.memory_space<hbm>>) dst(%arg8 : memref<32xi32, #tpu.memory_space<vmem>>)
      tpu.yield
    }) : () -> ()
    %dma_start3A = arith.constant 0 : i32
    %dma_start3A_3 = arith.constant 0 : i32
    %dma_start3A_4 = tpu.memref_slice %arg2[%dma_start3A, %dma_start3A_3] : memref<10112x128xf32, #tpu.memory_space<hbm>> -> memref<10112x128xf32, #tpu.memory_space<hbm>>
    tpu.enqueue_indirect_dma source(%dma_start3A_4 : memref<10112x128xf32, #tpu.memory_space<hbm>>) target(%arg9 : memref<32x128xf32, #tpu.memory_space<vmem>>) offsets(%arg8 : memref<32xi32, #tpu.memory_space<vmem>>) semaphore(%arg10 : memref<!tpu.dma_semaphore, #tpu.memory_space<semaphore_mem>>)
    %dma_wait3A = arith.constant 0 : i32
    %dma_wait3A_5 = arith.constant 0 : i32
    %dma_wait3A_6 = tpu.memref_slice %arg2[%dma_wait3A, %dma_wait3A_5] : memref<10112x128xf32, #tpu.memory_space<hbm>> -> memref<10112x128xf32, #tpu.memory_space<hbm>>
    tpu.wait_indirect_dma semaphore(%arg10 : memref<!tpu.dma_semaphore, #tpu.memory_space<semaphore_mem>>) src(%dma_wait3A_6 : memref<10112x128xf32, #tpu.memory_space<hbm>>) dst(%arg9 : memref<32x128xf32, #tpu.memory_space<vmem>>)
    "tpu.region"() ({
      %run_scoped3A = tpu.sem_alloc : memref<!tpu.dma_semaphore, #tpu.memory_space<semaphore_mem>>
      %dma_start3A_13 = arith.constant 0 : i32
      %dma_start3A_14 = tpu.memref_slice %arg6[%mul3A_2, %dma_start3A_13] : memref<1024x128xf32, #tpu.memory_space<hbm>> -> memref<32x128xf32, #tpu.memory_space<hbm>>
      %dma_start3A_15 = arith.constant 0 : i32
      %dma_start3A_16 = tpu.memref_slice %arg6[%mul3A_2, %dma_start3A_15] : memref<1024x128xf32, #tpu.memory_space<hbm>> -> memref<32x128xf32, #tpu.memory_space<hbm>>
      tpu.enqueue_dma source(%arg9 : memref<32x128xf32, #tpu.memory_space<vmem>>) target(%dma_start3A_16 : memref<32x128xf32, #tpu.memory_space<hbm>>) target_semaphore(%run_scoped3A : memref<!tpu.dma_semaphore, #tpu.memory_space<semaphore_mem>>)
      %dma_wait3A_17 = arith.constant 0 : i32
      %dma_wait3A_18 = tpu.memref_slice %arg6[%mul3A_2, %dma_wait3A_17] : memref<1024x128xf32, #tpu.memory_space<hbm>> -> memref<32x128xf32, #tpu.memory_space<hbm>>
      %dma_wait3A_19 = arith.constant 0 : i32
      %dma_wait3A_20 = tpu.memref_slice %arg6[%mul3A_2, %dma_wait3A_19] : memref<1024x128xf32, #tpu.memory_space<hbm>> -> memref<32x128xf32, #tpu.memory_space<hbm>>
      tpu.wait_dma2 semaphore(%run_scoped3A : memref<!tpu.dma_semaphore, #tpu.memory_space<semaphore_mem>>) src(%arg9 : memref<32x128xf32, #tpu.memory_space<vmem>>) dst(%dma_wait3A_20 : memref<32x128xf32, #tpu.memory_space<hbm>>)
      tpu.yield
    }) : () -> ()
    "tpu.region"() ({
      %run_scoped3A = tpu.sem_alloc : memref<!tpu.dma_semaphore, #tpu.memory_space<semaphore_mem>>
      %dma_start3A_13 = tpu.memref_slice %arg5[%mul3A_2] : memref<1024xi32, #tpu.memory_space<hbm>> -> memref<32xi32, #tpu.memory_space<hbm>>
      %dma_start3A_14 = tpu.memref_slice %arg5[%mul3A_2] : memref<1024xi32, #tpu.memory_space<hbm>> -> memref<32xi32, #tpu.memory_space<hbm>>
      tpu.enqueue_dma source(%dma_start3A_14 : memref<32xi32, #tpu.memory_space<hbm>>) target(%arg8 : memref<32xi32, #tpu.memory_space<vmem>>) target_semaphore(%run_scoped3A : memref<!tpu.dma_semaphore, #tpu.memory_space<semaphore_mem>>)
      %dma_wait3A_15 = tpu.memref_slice %arg5[%mul3A_2] : memref<1024xi32, #tpu.memory_space<hbm>> -> memref<32xi32, #tpu.memory_space<hbm>>
      %dma_wait3A_16 = tpu.memref_slice %arg5[%mul3A_2] : memref<1024xi32, #tpu.memory_space<hbm>> -> memref<32xi32, #tpu.memory_space<hbm>>
      tpu.wait_dma2 semaphore(%run_scoped3A : memref<!tpu.dma_semaphore, #tpu.memory_space<semaphore_mem>>) src(%dma_wait3A_16 : memref<32xi32, #tpu.memory_space<hbm>>) dst(%arg8 : memref<32xi32, #tpu.memory_space<vmem>>)
      tpu.yield
    }) : () -> ()
    %dma_start3A_7 = arith.constant 0 : i32
    %dma_start3A_8 = arith.constant 0 : i32
    %dma_start3A_9 = tpu.memref_slice %arg3[%dma_start3A_7, %dma_start3A_8] : memref<208x128xf32, #tpu.memory_space<hbm>> -> memref<208x128xf32, #tpu.memory_space<hbm>>
    tpu.enqueue_indirect_dma source(%dma_start3A_9 : memref<208x128xf32, #tpu.memory_space<hbm>>) target(%arg9 : memref<32x128xf32, #tpu.memory_space<vmem>>) offsets(%arg8 : memref<32xi32, #tpu.memory_space<vmem>>) semaphore(%arg10 : memref<!tpu.dma_semaphore, #tpu.memory_space<semaphore_mem>>)
    %dma_wait3A_10 = arith.constant 0 : i32
    %dma_wait3A_11 = arith.constant 0 : i32
    %dma_wait3A_12 = tpu.memref_slice %arg3[%dma_wait3A_10, %dma_wait3A_11] : memref<208x128xf32, #tpu.memory_space<hbm>> -> memref<208x128xf32, #tpu.memory_space<hbm>>
    tpu.wait_indirect_dma semaphore(%arg10 : memref<!tpu.dma_semaphore, #tpu.memory_space<semaphore_mem>>) src(%dma_wait3A_12 : memref<208x128xf32, #tpu.memory_space<hbm>>) dst(%arg9 : memref<32x128xf32, #tpu.memory_space<vmem>>)
    "tpu.region"() ({
      %run_scoped3A = tpu.sem_alloc : memref<!tpu.dma_semaphore, #tpu.memory_space<semaphore_mem>>
      %dma_start3A_13 = arith.constant 0 : i32
      %dma_start3A_14 = tpu.memref_slice %arg7[%mul3A_2, %dma_start3A_13] : memref<1024x128xf32, #tpu.memory_space<hbm>> -> memref<32x128xf32, #tpu.memory_space<hbm>>
      %dma_start3A_15 = arith.constant 0 : i32
      %dma_start3A_16 = tpu.memref_slice %arg7[%mul3A_2, %dma_start3A_15] : memref<1024x128xf32, #tpu.memory_space<hbm>> -> memref<32x128xf32, #tpu.memory_space<hbm>>
      tpu.enqueue_dma source(%arg9 : memref<32x128xf32, #tpu.memory_space<vmem>>) target(%dma_start3A_16 : memref<32x128xf32, #tpu.memory_space<hbm>>) target_semaphore(%run_scoped3A : memref<!tpu.dma_semaphore, #tpu.memory_space<semaphore_mem>>)
      %dma_wait3A_17 = arith.constant 0 : i32
      %dma_wait3A_18 = tpu.memref_slice %arg7[%mul3A_2, %dma_wait3A_17] : memref<1024x128xf32, #tpu.memory_space<hbm>> -> memref<32x128xf32, #tpu.memory_space<hbm>>
      %dma_wait3A_19 = arith.constant 0 : i32
      %dma_wait3A_20 = tpu.memref_slice %arg7[%mul3A_2, %dma_wait3A_19] : memref<1024x128xf32, #tpu.memory_space<hbm>> -> memref<32x128xf32, #tpu.memory_space<hbm>>
      tpu.wait_dma2 semaphore(%run_scoped3A : memref<!tpu.dma_semaphore, #tpu.memory_space<semaphore_mem>>) src(%arg9 : memref<32x128xf32, #tpu.memory_space<vmem>>) dst(%dma_wait3A_20 : memref<32x128xf32, #tpu.memory_space<hbm>>)
      tpu.yield
    }) : () -> ()
    return
  }
}

#map = affine_map<(d0, d1) -> (0, 0)>
#map1 = affine_map<(d0, d1) -> (0, 0, 0)>
module attributes {stable_mosaic.version = 14 : i64} {
  func.func @seg(%arg0: i32, %arg1: i32, %arg2: memref<10112x128xf32, #tpu.memory_space<hbm>>, %arg3: memref<32x79x128xi32, #tpu.memory_space<hbm>>, %arg4: memref<32x79x128xi32, #tpu.memory_space<hbm>>, %arg5: memref<2x10112x128xf32, #tpu.memory_space<hbm>>, %arg6: memref<2x10112x128xf32, #tpu.memory_space<hbm>>, %arg7: memref<79x128xi32, #tpu.memory_space<vmem>>, %arg8: memref<79x128xi32, #tpu.memory_space<vmem>>, %arg9: memref<128x128xf32, #tpu.memory_space<vmem>>, %arg10: memref<10112x128xf32, #tpu.memory_space<vmem_shared>>, %arg11: memref<!tpu.dma_semaphore, #tpu.memory_space<semaphore_mem>>) attributes {dimension_semantics = [#tpu.dimension_semantics<core_parallel>, #tpu.dimension_semantics<subcore_parallel>], iteration_bounds = array<i64: 2, 16>, scalar_prefetch = 0 : i64, scratch_operands = 5 : i64, tpu.core_type = #tpu.core_type<sc_vector_subcore>, window_params = [{transform_indices = #map}, {transform_indices = #map1}, {transform_indices = #map1}, {transform_indices = #map1}, {transform_indices = #map1}]} {
    %mul3A = arith.constant 2 : i32
    %mul3A_0 = arith.muli %arg1, %mul3A : i32
    %add3A = arith.addi %mul3A_0, %arg0 : i32
    %mul3A_1 = arith.constant 632 : i32
    %mul3A_2 = arith.muli %arg1, %mul3A_1 : i32
    "tpu.region"() ({
      %run_scoped3A = tpu.sem_alloc : memref<!tpu.dma_semaphore, #tpu.memory_space<semaphore_mem>>
      %dma_start3A_15 = arith.constant 0 : i32
      %dma_start3A_16 = tpu.memref_slice %arg10[%mul3A_2, %dma_start3A_15] : memref<10112x128xf32, #tpu.memory_space<vmem_shared>> -> memref<632x128xf32, #tpu.memory_space<vmem_shared>>
      %dma_start3A_17 = arith.constant 0 : i32
      %dma_start3A_18 = tpu.memref_slice %arg5[%arg0, %mul3A_2, %dma_start3A_17] : memref<2x10112x128xf32, #tpu.memory_space<hbm>> -> memref<1x632x128xf32, #tpu.memory_space<hbm>>
      %dma_start3A_19 = tpu.memref_squeeze %dma_start3A_18 : memref<1x632x128xf32, #tpu.memory_space<hbm>> -> memref<632x128xf32, #tpu.memory_space<hbm>>
      tpu.enqueue_dma source(%dma_start3A_19 : memref<632x128xf32, #tpu.memory_space<hbm>>) target(%dma_start3A_16 : memref<632x128xf32, #tpu.memory_space<vmem_shared>>) target_semaphore(%run_scoped3A : memref<!tpu.dma_semaphore, #tpu.memory_space<semaphore_mem>>)
      %dma_wait3A = arith.constant 0 : i32
      %dma_wait3A_20 = tpu.memref_slice %arg10[%mul3A_2, %dma_wait3A] : memref<10112x128xf32, #tpu.memory_space<vmem_shared>> -> memref<632x128xf32, #tpu.memory_space<vmem_shared>>
      %dma_wait3A_21 = arith.constant 0 : i32
      %dma_wait3A_22 = tpu.memref_slice %arg5[%arg0, %mul3A_2, %dma_wait3A_21] : memref<2x10112x128xf32, #tpu.memory_space<hbm>> -> memref<1x632x128xf32, #tpu.memory_space<hbm>>
      %dma_wait3A_23 = tpu.memref_squeeze %dma_wait3A_22 : memref<1x632x128xf32, #tpu.memory_space<hbm>> -> memref<632x128xf32, #tpu.memory_space<hbm>>
      tpu.wait_dma2 semaphore(%run_scoped3A : memref<!tpu.dma_semaphore, #tpu.memory_space<semaphore_mem>>) src(%dma_wait3A_23 : memref<632x128xf32, #tpu.memory_space<hbm>>) dst(%dma_wait3A_20 : memref<632x128xf32, #tpu.memory_space<vmem_shared>>)
      tpu.yield
    }) : () -> ()
    "tpu.region"() ({
      %run_scoped3A = tpu.sem_alloc : memref<!tpu.dma_semaphore, #tpu.memory_space<semaphore_mem>>
      %dma_start3A_15 = arith.constant 0 : i32
      %dma_start3A_16 = arith.constant 0 : i32
      %dma_start3A_17 = tpu.memref_slice %arg3[%add3A, %dma_start3A_15, %dma_start3A_16] : memref<32x79x128xi32, #tpu.memory_space<hbm>> -> memref<1x79x128xi32, #tpu.memory_space<hbm>>
      %dma_start3A_18 = tpu.memref_squeeze %dma_start3A_17 : memref<1x79x128xi32, #tpu.memory_space<hbm>> -> memref<79x128xi32, #tpu.memory_space<hbm>>
      %dma_start3A_19 = arith.constant 0 : i32
      %dma_start3A_20 = arith.constant 0 : i32
      %dma_start3A_21 = tpu.memref_slice %arg3[%add3A, %dma_start3A_19, %dma_start3A_20] : memref<32x79x128xi32, #tpu.memory_space<hbm>> -> memref<1x79x128xi32, #tpu.memory_space<hbm>>
      %dma_start3A_22 = tpu.memref_squeeze %dma_start3A_21 : memref<1x79x128xi32, #tpu.memory_space<hbm>> -> memref<79x128xi32, #tpu.memory_space<hbm>>
      tpu.enqueue_dma source(%dma_start3A_22 : memref<79x128xi32, #tpu.memory_space<hbm>>) target(%arg7 : memref<79x128xi32, #tpu.memory_space<vmem>>) target_semaphore(%run_scoped3A : memref<!tpu.dma_semaphore, #tpu.memory_space<semaphore_mem>>)
      %dma_wait3A = arith.constant 0 : i32
      %dma_wait3A_23 = arith.constant 0 : i32
      %dma_wait3A_24 = tpu.memref_slice %arg3[%add3A, %dma_wait3A, %dma_wait3A_23] : memref<32x79x128xi32, #tpu.memory_space<hbm>> -> memref<1x79x128xi32, #tpu.memory_space<hbm>>
      %dma_wait3A_25 = tpu.memref_squeeze %dma_wait3A_24 : memref<1x79x128xi32, #tpu.memory_space<hbm>> -> memref<79x128xi32, #tpu.memory_space<hbm>>
      %dma_wait3A_26 = arith.constant 0 : i32
      %dma_wait3A_27 = arith.constant 0 : i32
      %dma_wait3A_28 = tpu.memref_slice %arg3[%add3A, %dma_wait3A_26, %dma_wait3A_27] : memref<32x79x128xi32, #tpu.memory_space<hbm>> -> memref<1x79x128xi32, #tpu.memory_space<hbm>>
      %dma_wait3A_29 = tpu.memref_squeeze %dma_wait3A_28 : memref<1x79x128xi32, #tpu.memory_space<hbm>> -> memref<79x128xi32, #tpu.memory_space<hbm>>
      tpu.wait_dma2 semaphore(%run_scoped3A : memref<!tpu.dma_semaphore, #tpu.memory_space<semaphore_mem>>) src(%dma_wait3A_29 : memref<79x128xi32, #tpu.memory_space<hbm>>) dst(%arg7 : memref<79x128xi32, #tpu.memory_space<vmem>>)
      tpu.yield
    }) : () -> ()
    "tpu.region"() ({
      %run_scoped3A = tpu.sem_alloc : memref<!tpu.dma_semaphore, #tpu.memory_space<semaphore_mem>>
      %dma_start3A_15 = arith.constant 0 : i32
      %dma_start3A_16 = arith.constant 0 : i32
      %dma_start3A_17 = tpu.memref_slice %arg4[%add3A, %dma_start3A_15, %dma_start3A_16] : memref<32x79x128xi32, #tpu.memory_space<hbm>> -> memref<1x79x128xi32, #tpu.memory_space<hbm>>
      %dma_start3A_18 = tpu.memref_squeeze %dma_start3A_17 : memref<1x79x128xi32, #tpu.memory_space<hbm>> -> memref<79x128xi32, #tpu.memory_space<hbm>>
      %dma_start3A_19 = arith.constant 0 : i32
      %dma_start3A_20 = arith.constant 0 : i32
      %dma_start3A_21 = tpu.memref_slice %arg4[%add3A, %dma_start3A_19, %dma_start3A_20] : memref<32x79x128xi32, #tpu.memory_space<hbm>> -> memref<1x79x128xi32, #tpu.memory_space<hbm>>
      %dma_start3A_22 = tpu.memref_squeeze %dma_start3A_21 : memref<1x79x128xi32, #tpu.memory_space<hbm>> -> memref<79x128xi32, #tpu.memory_space<hbm>>
      tpu.enqueue_dma source(%dma_start3A_22 : memref<79x128xi32, #tpu.memory_space<hbm>>) target(%arg8 : memref<79x128xi32, #tpu.memory_space<vmem>>) target_semaphore(%run_scoped3A : memref<!tpu.dma_semaphore, #tpu.memory_space<semaphore_mem>>)
      %dma_wait3A = arith.constant 0 : i32
      %dma_wait3A_23 = arith.constant 0 : i32
      %dma_wait3A_24 = tpu.memref_slice %arg4[%add3A, %dma_wait3A, %dma_wait3A_23] : memref<32x79x128xi32, #tpu.memory_space<hbm>> -> memref<1x79x128xi32, #tpu.memory_space<hbm>>
      %dma_wait3A_25 = tpu.memref_squeeze %dma_wait3A_24 : memref<1x79x128xi32, #tpu.memory_space<hbm>> -> memref<79x128xi32, #tpu.memory_space<hbm>>
      %dma_wait3A_26 = arith.constant 0 : i32
      %dma_wait3A_27 = arith.constant 0 : i32
      %dma_wait3A_28 = tpu.memref_slice %arg4[%add3A, %dma_wait3A_26, %dma_wait3A_27] : memref<32x79x128xi32, #tpu.memory_space<hbm>> -> memref<1x79x128xi32, #tpu.memory_space<hbm>>
      %dma_wait3A_29 = tpu.memref_squeeze %dma_wait3A_28 : memref<1x79x128xi32, #tpu.memory_space<hbm>> -> memref<79x128xi32, #tpu.memory_space<hbm>>
      tpu.wait_dma2 semaphore(%run_scoped3A : memref<!tpu.dma_semaphore, #tpu.memory_space<semaphore_mem>>) src(%dma_wait3A_29 : memref<79x128xi32, #tpu.memory_space<hbm>>) dst(%arg8 : memref<79x128xi32, #tpu.memory_space<vmem>>)
      tpu.yield
    }) : () -> ()
    %barrier3A = arith.constant 0 : index
    tpu.barrier barrier_id(%barrier3A)
    %dma_start3A = arith.constant 0 : i32
    %dma_start3A_3 = arith.constant 0 : i32
    %dma_start3A_4 = tpu.memref_slice %arg7[%dma_start3A, %dma_start3A_3] : memref<79x128xi32, #tpu.memory_space<vmem>> -> memref<1x128xi32, #tpu.memory_space<vmem>>
    %dma_start3A_5 = tpu.memref_squeeze %dma_start3A_4 : memref<1x128xi32, #tpu.memory_space<vmem>> -> memref<128xi32, #tpu.memory_space<vmem>>
    %dma_start3A_6 = arith.constant 0 : i32
    %dma_start3A_7 = arith.constant 0 : i32
    %dma_start3A_8 = tpu.memref_slice %arg2[%dma_start3A_6, %dma_start3A_7] : memref<10112x128xf32, #tpu.memory_space<hbm>> -> memref<10112x128xf32, #tpu.memory_space<hbm>>
    tpu.enqueue_indirect_dma source(%dma_start3A_8 : memref<10112x128xf32, #tpu.memory_space<hbm>>) target(%arg9 : memref<128x128xf32, #tpu.memory_space<vmem>>) offsets(%dma_start3A_5 : memref<128xi32, #tpu.memory_space<vmem>>) semaphore(%arg11 : memref<!tpu.dma_semaphore, #tpu.memory_space<semaphore_mem>>)
    %scan3A = arith.constant 0 : i32
    %scan3A_9 = arith.constant 0 : i32
    %scan3A_10 = arith.constant 79 : i32
    %scan3A_11 = arith.addi %scan3A_9, %scan3A_10 : i32
    %scan3A_12 = arith.constant 1 : i32
    scf.for %scan3A_15 = %scan3A_9 to %scan3A_11 step %scan3A_12  : i32 {
      %dma_wait3A = arith.constant 0 : i32
      %dma_wait3A_16 = arith.constant 0 : i32
      %dma_wait3A_17 = tpu.memref_slice %arg7[%dma_wait3A, %dma_wait3A_16] : memref<79x128xi32, #tpu.memory_space<vmem>> -> memref<1x128xi32, #tpu.memory_space<vmem>>
      %dma_wait3A_18 = tpu.memref_squeeze %dma_wait3A_17 : memref<1x128xi32, #tpu.memory_space<vmem>> -> memref<128xi32, #tpu.memory_space<vmem>>
      %dma_wait3A_19 = arith.constant 0 : i32
      %dma_wait3A_20 = arith.constant 0 : i32
      %dma_wait3A_21 = tpu.memref_slice %arg2[%dma_wait3A_19, %dma_wait3A_20] : memref<10112x128xf32, #tpu.memory_space<hbm>> -> memref<10112x128xf32, #tpu.memory_space<hbm>>
      tpu.wait_indirect_dma semaphore(%arg11 : memref<!tpu.dma_semaphore, #tpu.memory_space<semaphore_mem>>) src(%dma_wait3A_21 : memref<10112x128xf32, #tpu.memory_space<hbm>>) dst(%arg9 : memref<128x128xf32, #tpu.memory_space<vmem>>)
      "tpu.region"() ({
        %run_scoped3A = tpu.sem_alloc : memref<!tpu.dma_semaphore, #tpu.memory_space<semaphore_mem>>
        %dma_start3A_26 = arith.constant 0 : i32
        %dma_start3A_27 = tpu.memref_slice %arg8[%scan3A_15, %dma_start3A_26] : memref<79x128xi32, #tpu.memory_space<vmem>> -> memref<1x128xi32, #tpu.memory_space<vmem>>
        %dma_start3A_28 = tpu.memref_squeeze %dma_start3A_27 : memref<1x128xi32, #tpu.memory_space<vmem>> -> memref<128xi32, #tpu.memory_space<vmem>>
        %dma_start3A_29 = arith.constant 0 : i32
        %dma_start3A_30 = arith.constant 0 : i32
        %dma_start3A_31 = tpu.memref_slice %arg10[%dma_start3A_29, %dma_start3A_30] : memref<10112x128xf32, #tpu.memory_space<vmem_shared>> -> memref<10112x128xf32, #tpu.memory_space<vmem_shared>>
        tpu.enqueue_indirect_dma source(%arg9 : memref<128x128xf32, #tpu.memory_space<vmem>>) target(%dma_start3A_31 : memref<10112x128xf32, #tpu.memory_space<vmem_shared>>) offsets(%dma_start3A_28 : memref<128xi32, #tpu.memory_space<vmem>>) semaphore(%run_scoped3A : memref<!tpu.dma_semaphore, #tpu.memory_space<semaphore_mem>>) {add = true}
        %dma_wait3A_32 = arith.constant 0 : i32
        %dma_wait3A_33 = tpu.memref_slice %arg8[%scan3A_15, %dma_wait3A_32] : memref<79x128xi32, #tpu.memory_space<vmem>> -> memref<1x128xi32, #tpu.memory_space<vmem>>
        %dma_wait3A_34 = tpu.memref_squeeze %dma_wait3A_33 : memref<1x128xi32, #tpu.memory_space<vmem>> -> memref<128xi32, #tpu.memory_space<vmem>>
        %dma_wait3A_35 = arith.constant 0 : i32
        %dma_wait3A_36 = arith.constant 0 : i32
        %dma_wait3A_37 = tpu.memref_slice %arg10[%dma_wait3A_35, %dma_wait3A_36] : memref<10112x128xf32, #tpu.memory_space<vmem_shared>> -> memref<10112x128xf32, #tpu.memory_space<vmem_shared>>
        tpu.wait_indirect_dma semaphore(%run_scoped3A : memref<!tpu.dma_semaphore, #tpu.memory_space<semaphore_mem>>) src(%arg9 : memref<128x128xf32, #tpu.memory_space<vmem>>) dst(%dma_wait3A_37 : memref<10112x128xf32, #tpu.memory_space<vmem_shared>>)
        tpu.yield
      }) : () -> ()
      %add3A_22 = arith.constant 1 : i32
      %add3A_23 = arith.addi %scan3A_15, %add3A_22 : i32
      %lt3A = arith.constant 79 : i32
      %lt3A_24 = arith.cmpi slt, %add3A_23, %lt3A : i32
      %convert_element_type3A = arith.extui %lt3A_24 : i1 to i32
      %cond3A = arith.constant 0 : i32
      %cond3A_25 = arith.cmpi ne, %convert_element_type3A, %cond3A : i32
      scf.if %cond3A_25 {
        %add3A_26 = arith.constant 1 : i32
        %add3A_27 = arith.addi %scan3A_15, %add3A_26 : i32
        %dma_start3A_28 = arith.constant 0 : i32
        %dma_start3A_29 = tpu.memref_slice %arg7[%add3A_27, %dma_start3A_28] : memref<79x128xi32, #tpu.memory_space<vmem>> -> memref<1x128xi32, #tpu.memory_space<vmem>>
        %dma_start3A_30 = tpu.memref_squeeze %dma_start3A_29 : memref<1x128xi32, #tpu.memory_space<vmem>> -> memref<128xi32, #tpu.memory_space<vmem>>
        %dma_start3A_31 = arith.constant 0 : i32
        %dma_start3A_32 = arith.constant 0 : i32
        %dma_start3A_33 = tpu.memref_slice %arg2[%dma_start3A_31, %dma_start3A_32] : memref<10112x128xf32, #tpu.memory_space<hbm>> -> memref<10112x128xf32, #tpu.memory_space<hbm>>
        tpu.enqueue_indirect_dma source(%dma_start3A_33 : memref<10112x128xf32, #tpu.memory_space<hbm>>) target(%arg9 : memref<128x128xf32, #tpu.memory_space<vmem>>) offsets(%dma_start3A_30 : memref<128xi32, #tpu.memory_space<vmem>>) semaphore(%arg11 : memref<!tpu.dma_semaphore, #tpu.memory_space<semaphore_mem>>)
      } else {
      }
    }
    %scan3A_13 = arith.constant 79 : i32
    %barrier3A_14 = arith.constant 0 : index
    tpu.barrier barrier_id(%barrier3A_14)
    "tpu.region"() ({
      %run_scoped3A = tpu.sem_alloc : memref<!tpu.dma_semaphore, #tpu.memory_space<semaphore_mem>>
      %dma_start3A_15 = arith.constant 0 : i32
      %dma_start3A_16 = tpu.memref_slice %arg6[%arg0, %mul3A_2, %dma_start3A_15] : memref<2x10112x128xf32, #tpu.memory_space<hbm>> -> memref<1x632x128xf32, #tpu.memory_space<hbm>>
      %dma_start3A_17 = tpu.memref_squeeze %dma_start3A_16 : memref<1x632x128xf32, #tpu.memory_space<hbm>> -> memref<632x128xf32, #tpu.memory_space<hbm>>
      %dma_start3A_18 = arith.constant 0 : i32
      %dma_start3A_19 = tpu.memref_slice %arg10[%mul3A_2, %dma_start3A_18] : memref<10112x128xf32, #tpu.memory_space<vmem_shared>> -> memref<632x128xf32, #tpu.memory_space<vmem_shared>>
      tpu.enqueue_dma source(%dma_start3A_19 : memref<632x128xf32, #tpu.memory_space<vmem_shared>>) target(%dma_start3A_17 : memref<632x128xf32, #tpu.memory_space<hbm>>) target_semaphore(%run_scoped3A : memref<!tpu.dma_semaphore, #tpu.memory_space<semaphore_mem>>)
      %dma_wait3A = arith.constant 0 : i32
      %dma_wait3A_20 = tpu.memref_slice %arg6[%arg0, %mul3A_2, %dma_wait3A] : memref<2x10112x128xf32, #tpu.memory_space<hbm>> -> memref<1x632x128xf32, #tpu.memory_space<hbm>>
      %dma_wait3A_21 = tpu.memref_squeeze %dma_wait3A_20 : memref<1x632x128xf32, #tpu.memory_space<hbm>> -> memref<632x128xf32, #tpu.memory_space<hbm>>
      %dma_wait3A_22 = arith.constant 0 : i32
      %dma_wait3A_23 = tpu.memref_slice %arg10[%mul3A_2, %dma_wait3A_22] : memref<10112x128xf32, #tpu.memory_space<vmem_shared>> -> memref<632x128xf32, #tpu.memory_space<vmem_shared>>
      tpu.wait_dma2 semaphore(%run_scoped3A : memref<!tpu.dma_semaphore, #tpu.memory_space<semaphore_mem>>) src(%dma_wait3A_23 : memref<632x128xf32, #tpu.memory_space<vmem_shared>>) dst(%dma_wait3A_21 : memref<632x128xf32, #tpu.memory_space<hbm>>)
      tpu.yield
    }) : () -> ()
    return
  }
}

#map = affine_map<(d0, d1) -> (0, 0)>
#map1 = affine_map<(d0, d1) -> (0, 0, 0)>
module attributes {stable_mosaic.version = 14 : i64} {
  func.func @seg(%arg0: i32, %arg1: i32, %arg2: memref<10112x128xf32, #tpu.memory_space<hbm>>, %arg3: memref<32x38x128xi32, #tpu.memory_space<hbm>>, %arg4: memref<32x38x128xi32, #tpu.memory_space<hbm>>, %arg5: memref<2x10112x128xf32, #tpu.memory_space<hbm>>, %arg6: memref<2x10112x128xf32, #tpu.memory_space<hbm>>, %arg7: memref<38x128xi32, #tpu.memory_space<vmem>>, %arg8: memref<38x128xi32, #tpu.memory_space<vmem>>, %arg9: memref<128x128xf32, #tpu.memory_space<vmem>>, %arg10: memref<10112x128xf32, #tpu.memory_space<vmem_shared>>, %arg11: memref<!tpu.dma_semaphore, #tpu.memory_space<semaphore_mem>>) attributes {dimension_semantics = [#tpu.dimension_semantics<core_parallel>, #tpu.dimension_semantics<subcore_parallel>], iteration_bounds = array<i64: 2, 16>, scalar_prefetch = 0 : i64, scratch_operands = 5 : i64, tpu.core_type = #tpu.core_type<sc_vector_subcore>, window_params = [{transform_indices = #map}, {transform_indices = #map1}, {transform_indices = #map1}, {transform_indices = #map1}, {transform_indices = #map1}]} {
    %mul3A = arith.constant 2 : i32
    %mul3A_0 = arith.muli %arg1, %mul3A : i32
    %add3A = arith.addi %mul3A_0, %arg0 : i32
    %mul3A_1 = arith.constant 632 : i32
    %mul3A_2 = arith.muli %arg1, %mul3A_1 : i32
    "tpu.region"() ({
      %run_scoped3A = tpu.sem_alloc : memref<!tpu.dma_semaphore, #tpu.memory_space<semaphore_mem>>
      %dma_start3A_15 = arith.constant 0 : i32
      %dma_start3A_16 = tpu.memref_slice %arg10[%mul3A_2, %dma_start3A_15] : memref<10112x128xf32, #tpu.memory_space<vmem_shared>> -> memref<632x128xf32, #tpu.memory_space<vmem_shared>>
      %dma_start3A_17 = arith.constant 0 : i32
      %dma_start3A_18 = tpu.memref_slice %arg5[%arg0, %mul3A_2, %dma_start3A_17] : memref<2x10112x128xf32, #tpu.memory_space<hbm>> -> memref<1x632x128xf32, #tpu.memory_space<hbm>>
      %dma_start3A_19 = tpu.memref_squeeze %dma_start3A_18 : memref<1x632x128xf32, #tpu.memory_space<hbm>> -> memref<632x128xf32, #tpu.memory_space<hbm>>
      tpu.enqueue_dma source(%dma_start3A_19 : memref<632x128xf32, #tpu.memory_space<hbm>>) target(%dma_start3A_16 : memref<632x128xf32, #tpu.memory_space<vmem_shared>>) target_semaphore(%run_scoped3A : memref<!tpu.dma_semaphore, #tpu.memory_space<semaphore_mem>>)
      %dma_wait3A = arith.constant 0 : i32
      %dma_wait3A_20 = tpu.memref_slice %arg10[%mul3A_2, %dma_wait3A] : memref<10112x128xf32, #tpu.memory_space<vmem_shared>> -> memref<632x128xf32, #tpu.memory_space<vmem_shared>>
      %dma_wait3A_21 = arith.constant 0 : i32
      %dma_wait3A_22 = tpu.memref_slice %arg5[%arg0, %mul3A_2, %dma_wait3A_21] : memref<2x10112x128xf32, #tpu.memory_space<hbm>> -> memref<1x632x128xf32, #tpu.memory_space<hbm>>
      %dma_wait3A_23 = tpu.memref_squeeze %dma_wait3A_22 : memref<1x632x128xf32, #tpu.memory_space<hbm>> -> memref<632x128xf32, #tpu.memory_space<hbm>>
      tpu.wait_dma2 semaphore(%run_scoped3A : memref<!tpu.dma_semaphore, #tpu.memory_space<semaphore_mem>>) src(%dma_wait3A_23 : memref<632x128xf32, #tpu.memory_space<hbm>>) dst(%dma_wait3A_20 : memref<632x128xf32, #tpu.memory_space<vmem_shared>>)
      tpu.yield
    }) : () -> ()
    "tpu.region"() ({
      %run_scoped3A = tpu.sem_alloc : memref<!tpu.dma_semaphore, #tpu.memory_space<semaphore_mem>>
      %dma_start3A_15 = arith.constant 0 : i32
      %dma_start3A_16 = arith.constant 0 : i32
      %dma_start3A_17 = tpu.memref_slice %arg3[%add3A, %dma_start3A_15, %dma_start3A_16] : memref<32x38x128xi32, #tpu.memory_space<hbm>> -> memref<1x38x128xi32, #tpu.memory_space<hbm>>
      %dma_start3A_18 = tpu.memref_squeeze %dma_start3A_17 : memref<1x38x128xi32, #tpu.memory_space<hbm>> -> memref<38x128xi32, #tpu.memory_space<hbm>>
      %dma_start3A_19 = arith.constant 0 : i32
      %dma_start3A_20 = arith.constant 0 : i32
      %dma_start3A_21 = tpu.memref_slice %arg3[%add3A, %dma_start3A_19, %dma_start3A_20] : memref<32x38x128xi32, #tpu.memory_space<hbm>> -> memref<1x38x128xi32, #tpu.memory_space<hbm>>
      %dma_start3A_22 = tpu.memref_squeeze %dma_start3A_21 : memref<1x38x128xi32, #tpu.memory_space<hbm>> -> memref<38x128xi32, #tpu.memory_space<hbm>>
      tpu.enqueue_dma source(%dma_start3A_22 : memref<38x128xi32, #tpu.memory_space<hbm>>) target(%arg7 : memref<38x128xi32, #tpu.memory_space<vmem>>) target_semaphore(%run_scoped3A : memref<!tpu.dma_semaphore, #tpu.memory_space<semaphore_mem>>)
      %dma_wait3A = arith.constant 0 : i32
      %dma_wait3A_23 = arith.constant 0 : i32
      %dma_wait3A_24 = tpu.memref_slice %arg3[%add3A, %dma_wait3A, %dma_wait3A_23] : memref<32x38x128xi32, #tpu.memory_space<hbm>> -> memref<1x38x128xi32, #tpu.memory_space<hbm>>
      %dma_wait3A_25 = tpu.memref_squeeze %dma_wait3A_24 : memref<1x38x128xi32, #tpu.memory_space<hbm>> -> memref<38x128xi32, #tpu.memory_space<hbm>>
      %dma_wait3A_26 = arith.constant 0 : i32
      %dma_wait3A_27 = arith.constant 0 : i32
      %dma_wait3A_28 = tpu.memref_slice %arg3[%add3A, %dma_wait3A_26, %dma_wait3A_27] : memref<32x38x128xi32, #tpu.memory_space<hbm>> -> memref<1x38x128xi32, #tpu.memory_space<hbm>>
      %dma_wait3A_29 = tpu.memref_squeeze %dma_wait3A_28 : memref<1x38x128xi32, #tpu.memory_space<hbm>> -> memref<38x128xi32, #tpu.memory_space<hbm>>
      tpu.wait_dma2 semaphore(%run_scoped3A : memref<!tpu.dma_semaphore, #tpu.memory_space<semaphore_mem>>) src(%dma_wait3A_29 : memref<38x128xi32, #tpu.memory_space<hbm>>) dst(%arg7 : memref<38x128xi32, #tpu.memory_space<vmem>>)
      tpu.yield
    }) : () -> ()
    "tpu.region"() ({
      %run_scoped3A = tpu.sem_alloc : memref<!tpu.dma_semaphore, #tpu.memory_space<semaphore_mem>>
      %dma_start3A_15 = arith.constant 0 : i32
      %dma_start3A_16 = arith.constant 0 : i32
      %dma_start3A_17 = tpu.memref_slice %arg4[%add3A, %dma_start3A_15, %dma_start3A_16] : memref<32x38x128xi32, #tpu.memory_space<hbm>> -> memref<1x38x128xi32, #tpu.memory_space<hbm>>
      %dma_start3A_18 = tpu.memref_squeeze %dma_start3A_17 : memref<1x38x128xi32, #tpu.memory_space<hbm>> -> memref<38x128xi32, #tpu.memory_space<hbm>>
      %dma_start3A_19 = arith.constant 0 : i32
      %dma_start3A_20 = arith.constant 0 : i32
      %dma_start3A_21 = tpu.memref_slice %arg4[%add3A, %dma_start3A_19, %dma_start3A_20] : memref<32x38x128xi32, #tpu.memory_space<hbm>> -> memref<1x38x128xi32, #tpu.memory_space<hbm>>
      %dma_start3A_22 = tpu.memref_squeeze %dma_start3A_21 : memref<1x38x128xi32, #tpu.memory_space<hbm>> -> memref<38x128xi32, #tpu.memory_space<hbm>>
      tpu.enqueue_dma source(%dma_start3A_22 : memref<38x128xi32, #tpu.memory_space<hbm>>) target(%arg8 : memref<38x128xi32, #tpu.memory_space<vmem>>) target_semaphore(%run_scoped3A : memref<!tpu.dma_semaphore, #tpu.memory_space<semaphore_mem>>)
      %dma_wait3A = arith.constant 0 : i32
      %dma_wait3A_23 = arith.constant 0 : i32
      %dma_wait3A_24 = tpu.memref_slice %arg4[%add3A, %dma_wait3A, %dma_wait3A_23] : memref<32x38x128xi32, #tpu.memory_space<hbm>> -> memref<1x38x128xi32, #tpu.memory_space<hbm>>
      %dma_wait3A_25 = tpu.memref_squeeze %dma_wait3A_24 : memref<1x38x128xi32, #tpu.memory_space<hbm>> -> memref<38x128xi32, #tpu.memory_space<hbm>>
      %dma_wait3A_26 = arith.constant 0 : i32
      %dma_wait3A_27 = arith.constant 0 : i32
      %dma_wait3A_28 = tpu.memref_slice %arg4[%add3A, %dma_wait3A_26, %dma_wait3A_27] : memref<32x38x128xi32, #tpu.memory_space<hbm>> -> memref<1x38x128xi32, #tpu.memory_space<hbm>>
      %dma_wait3A_29 = tpu.memref_squeeze %dma_wait3A_28 : memref<1x38x128xi32, #tpu.memory_space<hbm>> -> memref<38x128xi32, #tpu.memory_space<hbm>>
      tpu.wait_dma2 semaphore(%run_scoped3A : memref<!tpu.dma_semaphore, #tpu.memory_space<semaphore_mem>>) src(%dma_wait3A_29 : memref<38x128xi32, #tpu.memory_space<hbm>>) dst(%arg8 : memref<38x128xi32, #tpu.memory_space<vmem>>)
      tpu.yield
    }) : () -> ()
    %barrier3A = arith.constant 0 : index
    tpu.barrier barrier_id(%barrier3A)
    %dma_start3A = arith.constant 0 : i32
    %dma_start3A_3 = arith.constant 0 : i32
    %dma_start3A_4 = tpu.memref_slice %arg7[%dma_start3A, %dma_start3A_3] : memref<38x128xi32, #tpu.memory_space<vmem>> -> memref<1x128xi32, #tpu.memory_space<vmem>>
    %dma_start3A_5 = tpu.memref_squeeze %dma_start3A_4 : memref<1x128xi32, #tpu.memory_space<vmem>> -> memref<128xi32, #tpu.memory_space<vmem>>
    %dma_start3A_6 = arith.constant 0 : i32
    %dma_start3A_7 = arith.constant 0 : i32
    %dma_start3A_8 = tpu.memref_slice %arg2[%dma_start3A_6, %dma_start3A_7] : memref<10112x128xf32, #tpu.memory_space<hbm>> -> memref<10112x128xf32, #tpu.memory_space<hbm>>
    tpu.enqueue_indirect_dma source(%dma_start3A_8 : memref<10112x128xf32, #tpu.memory_space<hbm>>) target(%arg9 : memref<128x128xf32, #tpu.memory_space<vmem>>) offsets(%dma_start3A_5 : memref<128xi32, #tpu.memory_space<vmem>>) semaphore(%arg11 : memref<!tpu.dma_semaphore, #tpu.memory_space<semaphore_mem>>)
    %scan3A = arith.constant 0 : i32
    %scan3A_9 = arith.constant 0 : i32
    %scan3A_10 = arith.constant 38 : i32
    %scan3A_11 = arith.addi %scan3A_9, %scan3A_10 : i32
    %scan3A_12 = arith.constant 1 : i32
    scf.for %scan3A_15 = %scan3A_9 to %scan3A_11 step %scan3A_12  : i32 {
      %dma_wait3A = arith.constant 0 : i32
      %dma_wait3A_16 = arith.constant 0 : i32
      %dma_wait3A_17 = tpu.memref_slice %arg7[%dma_wait3A, %dma_wait3A_16] : memref<38x128xi32, #tpu.memory_space<vmem>> -> memref<1x128xi32, #tpu.memory_space<vmem>>
      %dma_wait3A_18 = tpu.memref_squeeze %dma_wait3A_17 : memref<1x128xi32, #tpu.memory_space<vmem>> -> memref<128xi32, #tpu.memory_space<vmem>>
      %dma_wait3A_19 = arith.constant 0 : i32
      %dma_wait3A_20 = arith.constant 0 : i32
      %dma_wait3A_21 = tpu.memref_slice %arg2[%dma_wait3A_19, %dma_wait3A_20] : memref<10112x128xf32, #tpu.memory_space<hbm>> -> memref<10112x128xf32, #tpu.memory_space<hbm>>
      tpu.wait_indirect_dma semaphore(%arg11 : memref<!tpu.dma_semaphore, #tpu.memory_space<semaphore_mem>>) src(%dma_wait3A_21 : memref<10112x128xf32, #tpu.memory_space<hbm>>) dst(%arg9 : memref<128x128xf32, #tpu.memory_space<vmem>>)
      "tpu.region"() ({
        %run_scoped3A = tpu.sem_alloc : memref<!tpu.dma_semaphore, #tpu.memory_space<semaphore_mem>>
        %dma_start3A_26 = arith.constant 0 : i32
        %dma_start3A_27 = tpu.memref_slice %arg8[%scan3A_15, %dma_start3A_26] : memref<38x128xi32, #tpu.memory_space<vmem>> -> memref<1x128xi32, #tpu.memory_space<vmem>>
        %dma_start3A_28 = tpu.memref_squeeze %dma_start3A_27 : memref<1x128xi32, #tpu.memory_space<vmem>> -> memref<128xi32, #tpu.memory_space<vmem>>
        %dma_start3A_29 = arith.constant 0 : i32
        %dma_start3A_30 = arith.constant 0 : i32
        %dma_start3A_31 = tpu.memref_slice %arg10[%dma_start3A_29, %dma_start3A_30] : memref<10112x128xf32, #tpu.memory_space<vmem_shared>> -> memref<10112x128xf32, #tpu.memory_space<vmem_shared>>
        tpu.enqueue_indirect_dma source(%arg9 : memref<128x128xf32, #tpu.memory_space<vmem>>) target(%dma_start3A_31 : memref<10112x128xf32, #tpu.memory_space<vmem_shared>>) offsets(%dma_start3A_28 : memref<128xi32, #tpu.memory_space<vmem>>) semaphore(%run_scoped3A : memref<!tpu.dma_semaphore, #tpu.memory_space<semaphore_mem>>) {add = true}
        %dma_wait3A_32 = arith.constant 0 : i32
        %dma_wait3A_33 = tpu.memref_slice %arg8[%scan3A_15, %dma_wait3A_32] : memref<38x128xi32, #tpu.memory_space<vmem>> -> memref<1x128xi32, #tpu.memory_space<vmem>>
        %dma_wait3A_34 = tpu.memref_squeeze %dma_wait3A_33 : memref<1x128xi32, #tpu.memory_space<vmem>> -> memref<128xi32, #tpu.memory_space<vmem>>
        %dma_wait3A_35 = arith.constant 0 : i32
        %dma_wait3A_36 = arith.constant 0 : i32
        %dma_wait3A_37 = tpu.memref_slice %arg10[%dma_wait3A_35, %dma_wait3A_36] : memref<10112x128xf32, #tpu.memory_space<vmem_shared>> -> memref<10112x128xf32, #tpu.memory_space<vmem_shared>>
        tpu.wait_indirect_dma semaphore(%run_scoped3A : memref<!tpu.dma_semaphore, #tpu.memory_space<semaphore_mem>>) src(%arg9 : memref<128x128xf32, #tpu.memory_space<vmem>>) dst(%dma_wait3A_37 : memref<10112x128xf32, #tpu.memory_space<vmem_shared>>)
        tpu.yield
      }) : () -> ()
      %add3A_22 = arith.constant 1 : i32
      %add3A_23 = arith.addi %scan3A_15, %add3A_22 : i32
      %lt3A = arith.constant 38 : i32
      %lt3A_24 = arith.cmpi slt, %add3A_23, %lt3A : i32
      %convert_element_type3A = arith.extui %lt3A_24 : i1 to i32
      %cond3A = arith.constant 0 : i32
      %cond3A_25 = arith.cmpi ne, %convert_element_type3A, %cond3A : i32
      scf.if %cond3A_25 {
        %add3A_26 = arith.constant 1 : i32
        %add3A_27 = arith.addi %scan3A_15, %add3A_26 : i32
        %dma_start3A_28 = arith.constant 0 : i32
        %dma_start3A_29 = tpu.memref_slice %arg7[%add3A_27, %dma_start3A_28] : memref<38x128xi32, #tpu.memory_space<vmem>> -> memref<1x128xi32, #tpu.memory_space<vmem>>
        %dma_start3A_30 = tpu.memref_squeeze %dma_start3A_29 : memref<1x128xi32, #tpu.memory_space<vmem>> -> memref<128xi32, #tpu.memory_space<vmem>>
        %dma_start3A_31 = arith.constant 0 : i32
        %dma_start3A_32 = arith.constant 0 : i32
        %dma_start3A_33 = tpu.memref_slice %arg2[%dma_start3A_31, %dma_start3A_32] : memref<10112x128xf32, #tpu.memory_space<hbm>> -> memref<10112x128xf32, #tpu.memory_space<hbm>>
        tpu.enqueue_indirect_dma source(%dma_start3A_33 : memref<10112x128xf32, #tpu.memory_space<hbm>>) target(%arg9 : memref<128x128xf32, #tpu.memory_space<vmem>>) offsets(%dma_start3A_30 : memref<128xi32, #tpu.memory_space<vmem>>) semaphore(%arg11 : memref<!tpu.dma_semaphore, #tpu.memory_space<semaphore_mem>>)
      } else {
      }
    }
    %scan3A_13 = arith.constant 38 : i32
    %barrier3A_14 = arith.constant 0 : index
    tpu.barrier barrier_id(%barrier3A_14)
    "tpu.region"() ({
      %run_scoped3A = tpu.sem_alloc : memref<!tpu.dma_semaphore, #tpu.memory_space<semaphore_mem>>
      %dma_start3A_15 = arith.constant 0 : i32
      %dma_start3A_16 = tpu.memref_slice %arg6[%arg0, %mul3A_2, %dma_start3A_15] : memref<2x10112x128xf32, #tpu.memory_space<hbm>> -> memref<1x632x128xf32, #tpu.memory_space<hbm>>
      %dma_start3A_17 = tpu.memref_squeeze %dma_start3A_16 : memref<1x632x128xf32, #tpu.memory_space<hbm>> -> memref<632x128xf32, #tpu.memory_space<hbm>>
      %dma_start3A_18 = arith.constant 0 : i32
      %dma_start3A_19 = tpu.memref_slice %arg10[%mul3A_2, %dma_start3A_18] : memref<10112x128xf32, #tpu.memory_space<vmem_shared>> -> memref<632x128xf32, #tpu.memory_space<vmem_shared>>
      tpu.enqueue_dma source(%dma_start3A_19 : memref<632x128xf32, #tpu.memory_space<vmem_shared>>) target(%dma_start3A_17 : memref<632x128xf32, #tpu.memory_space<hbm>>) target_semaphore(%run_scoped3A : memref<!tpu.dma_semaphore, #tpu.memory_space<semaphore_mem>>)
      %dma_wait3A = arith.constant 0 : i32
      %dma_wait3A_20 = tpu.memref_slice %arg6[%arg0, %mul3A_2, %dma_wait3A] : memref<2x10112x128xf32, #tpu.memory_space<hbm>> -> memref<1x632x128xf32, #tpu.memory_space<hbm>>
      %dma_wait3A_21 = tpu.memref_squeeze %dma_wait3A_20 : memref<1x632x128xf32, #tpu.memory_space<hbm>> -> memref<632x128xf32, #tpu.memory_space<hbm>>
      %dma_wait3A_22 = arith.constant 0 : i32
      %dma_wait3A_23 = tpu.memref_slice %arg10[%mul3A_2, %dma_wait3A_22] : memref<10112x128xf32, #tpu.memory_space<vmem_shared>> -> memref<632x128xf32, #tpu.memory_space<vmem_shared>>
      tpu.wait_dma2 semaphore(%run_scoped3A : memref<!tpu.dma_semaphore, #tpu.memory_space<semaphore_mem>>) src(%dma_wait3A_23 : memref<632x128xf32, #tpu.memory_space<vmem_shared>>) dst(%dma_wait3A_21 : memref<632x128xf32, #tpu.memory_space<hbm>>)
      tpu.yield
    }) : () -> ()
    return
  }
}

#map = affine_map<(d0, d1) -> (0, 0, 0)>
module attributes {stable_mosaic.version = 14 : i64} {
  func.func @cnt(%arg0: i32, %arg1: i32, %arg2: memref<32x79x128xi32, #tpu.memory_space<hbm>>, %arg3: memref<2x10112x128xf32, #tpu.memory_space<hbm>>, %arg4: memref<2x10112x128xf32, #tpu.memory_space<hbm>>, %arg5: memref<79x128xi32, #tpu.memory_space<vmem>>, %arg6: memref<128x128xf32, #tpu.memory_space<vmem>>, %arg7: memref<10112x128xf32, #tpu.memory_space<vmem_shared>>, %arg8: memref<!tpu.dma_semaphore, #tpu.memory_space<semaphore_mem>>) attributes {dimension_semantics = [#tpu.dimension_semantics<core_parallel>, #tpu.dimension_semantics<subcore_parallel>], iteration_bounds = array<i64: 2, 16>, scalar_prefetch = 0 : i64, scratch_operands = 4 : i64, tpu.core_type = #tpu.core_type<sc_vector_subcore>, window_params = [{transform_indices = #map}, {transform_indices = #map}, {transform_indices = #map}]} {
    %mul3A = arith.constant 2 : i32
    %mul3A_0 = arith.muli %arg1, %mul3A : i32
    %add3A = arith.addi %mul3A_0, %arg0 : i32
    %mul3A_1 = arith.constant 632 : i32
    %mul3A_2 = arith.muli %arg1, %mul3A_1 : i32
    "tpu.region"() ({
      %run_scoped3A = tpu.sem_alloc : memref<!tpu.dma_semaphore, #tpu.memory_space<semaphore_mem>>
      %dma_start3A = arith.constant 0 : i32
      %dma_start3A_16 = tpu.memref_slice %arg7[%mul3A_2, %dma_start3A] : memref<10112x128xf32, #tpu.memory_space<vmem_shared>> -> memref<632x128xf32, #tpu.memory_space<vmem_shared>>
      %dma_start3A_17 = arith.constant 0 : i32
      %dma_start3A_18 = tpu.memref_slice %arg3[%arg0, %mul3A_2, %dma_start3A_17] : memref<2x10112x128xf32, #tpu.memory_space<hbm>> -> memref<1x632x128xf32, #tpu.memory_space<hbm>>
      %dma_start3A_19 = tpu.memref_squeeze %dma_start3A_18 : memref<1x632x128xf32, #tpu.memory_space<hbm>> -> memref<632x128xf32, #tpu.memory_space<hbm>>
      tpu.enqueue_dma source(%dma_start3A_19 : memref<632x128xf32, #tpu.memory_space<hbm>>) target(%dma_start3A_16 : memref<632x128xf32, #tpu.memory_space<vmem_shared>>) target_semaphore(%run_scoped3A : memref<!tpu.dma_semaphore, #tpu.memory_space<semaphore_mem>>)
      %dma_wait3A = arith.constant 0 : i32
      %dma_wait3A_20 = tpu.memref_slice %arg7[%mul3A_2, %dma_wait3A] : memref<10112x128xf32, #tpu.memory_space<vmem_shared>> -> memref<632x128xf32, #tpu.memory_space<vmem_shared>>
      %dma_wait3A_21 = arith.constant 0 : i32
      %dma_wait3A_22 = tpu.memref_slice %arg3[%arg0, %mul3A_2, %dma_wait3A_21] : memref<2x10112x128xf32, #tpu.memory_space<hbm>> -> memref<1x632x128xf32, #tpu.memory_space<hbm>>
      %dma_wait3A_23 = tpu.memref_squeeze %dma_wait3A_22 : memref<1x632x128xf32, #tpu.memory_space<hbm>> -> memref<632x128xf32, #tpu.memory_space<hbm>>
      tpu.wait_dma2 semaphore(%run_scoped3A : memref<!tpu.dma_semaphore, #tpu.memory_space<semaphore_mem>>) src(%dma_wait3A_23 : memref<632x128xf32, #tpu.memory_space<hbm>>) dst(%dma_wait3A_20 : memref<632x128xf32, #tpu.memory_space<vmem_shared>>)
      tpu.yield
    }) : () -> ()
    "tpu.region"() ({
      %run_scoped3A = tpu.sem_alloc : memref<!tpu.dma_semaphore, #tpu.memory_space<semaphore_mem>>
      %dma_start3A = arith.constant 0 : i32
      %dma_start3A_16 = arith.constant 0 : i32
      %dma_start3A_17 = tpu.memref_slice %arg2[%add3A, %dma_start3A, %dma_start3A_16] : memref<32x79x128xi32, #tpu.memory_space<hbm>> -> memref<1x79x128xi32, #tpu.memory_space<hbm>>
      %dma_start3A_18 = tpu.memref_squeeze %dma_start3A_17 : memref<1x79x128xi32, #tpu.memory_space<hbm>> -> memref<79x128xi32, #tpu.memory_space<hbm>>
      %dma_start3A_19 = arith.constant 0 : i32
      %dma_start3A_20 = arith.constant 0 : i32
      %dma_start3A_21 = tpu.memref_slice %arg2[%add3A, %dma_start3A_19, %dma_start3A_20] : memref<32x79x128xi32, #tpu.memory_space<hbm>> -> memref<1x79x128xi32, #tpu.memory_space<hbm>>
      %dma_start3A_22 = tpu.memref_squeeze %dma_start3A_21 : memref<1x79x128xi32, #tpu.memory_space<hbm>> -> memref<79x128xi32, #tpu.memory_space<hbm>>
      tpu.enqueue_dma source(%dma_start3A_22 : memref<79x128xi32, #tpu.memory_space<hbm>>) target(%arg5 : memref<79x128xi32, #tpu.memory_space<vmem>>) target_semaphore(%run_scoped3A : memref<!tpu.dma_semaphore, #tpu.memory_space<semaphore_mem>>)
      %dma_wait3A = arith.constant 0 : i32
      %dma_wait3A_23 = arith.constant 0 : i32
      %dma_wait3A_24 = tpu.memref_slice %arg2[%add3A, %dma_wait3A, %dma_wait3A_23] : memref<32x79x128xi32, #tpu.memory_space<hbm>> -> memref<1x79x128xi32, #tpu.memory_space<hbm>>
      %dma_wait3A_25 = tpu.memref_squeeze %dma_wait3A_24 : memref<1x79x128xi32, #tpu.memory_space<hbm>> -> memref<79x128xi32, #tpu.memory_space<hbm>>
      %dma_wait3A_26 = arith.constant 0 : i32
      %dma_wait3A_27 = arith.constant 0 : i32
      %dma_wait3A_28 = tpu.memref_slice %arg2[%add3A, %dma_wait3A_26, %dma_wait3A_27] : memref<32x79x128xi32, #tpu.memory_space<hbm>> -> memref<1x79x128xi32, #tpu.memory_space<hbm>>
      %dma_wait3A_29 = tpu.memref_squeeze %dma_wait3A_28 : memref<1x79x128xi32, #tpu.memory_space<hbm>> -> memref<79x128xi32, #tpu.memory_space<hbm>>
      tpu.wait_dma2 semaphore(%run_scoped3A : memref<!tpu.dma_semaphore, #tpu.memory_space<semaphore_mem>>) src(%dma_wait3A_29 : memref<79x128xi32, #tpu.memory_space<hbm>>) dst(%arg5 : memref<79x128xi32, #tpu.memory_space<vmem>>)
      tpu.yield
    }) : () -> ()
    %broadcast_in_dim3A = arith.constant 1.000000e+00 : f32
    %broadcast_in_dim3A_3 = vector.broadcast %broadcast_in_dim3A : f32 to vector<16xf32>
    %scan3A = arith.constant 0 : i32
    %scan3A_4 = arith.constant 0 : i32
    %scan3A_5 = arith.constant 128 : i32
    %scan3A_6 = arith.addi %scan3A_4, %scan3A_5 : i32
    %scan3A_7 = arith.constant 1 : i32
    scf.for %scan3A_16 = %scan3A_4 to %scan3A_6 step %scan3A_7  : i32 {
      %swap3A = arith.index_cast %scan3A_16 : i32 to index
      %swap3A_17 = arith.constant 0 : index
      %swap3A_18 = tpu.vector_load %arg6[%swap3A, %swap3A_17] {strides = array<i32>} : memref<128x128xf32, #tpu.memory_space<vmem>>, vector<1x16xf32>,
      %swap3A_19 = vector.shape_cast %swap3A_18 : vector<1x16xf32> to vector<16xf32>
      %swap3A_20 = vector.shape_cast %broadcast_in_dim3A_3 : vector<16xf32> to vector<1x16xf32>
      tpu.vector_store %arg6[%swap3A, %swap3A_17], %swap3A_20 {strides = array<i32>} : memref<128x128xf32, #tpu.memory_space<vmem>>, vector<1x16xf32>,
      %swap3A_21 = arith.index_cast %scan3A_16 : i32 to index
      %swap3A_22 = arith.constant 16 : index
      %swap3A_23 = tpu.vector_load %arg6[%swap3A_21, %swap3A_22] {strides = array<i32>} : memref<128x128xf32, #tpu.memory_space<vmem>>, vector<1x16xf32>,
      %swap3A_24 = vector.shape_cast %swap3A_23 : vector<1x16xf32> to vector<16xf32>
      %swap3A_25 = vector.shape_cast %broadcast_in_dim3A_3 : vector<16xf32> to vector<1x16xf32>
      tpu.vector_store %arg6[%swap3A_21, %swap3A_22], %swap3A_25 {strides = array<i32>} : memref<128x128xf32, #tpu.memory_space<vmem>>, vector<1x16xf32>,
      %swap3A_26 = arith.index_cast %scan3A_16 : i32 to index
      %swap3A_27 = arith.constant 32 : index
      %swap3A_28 = tpu.vector_load %arg6[%swap3A_26, %swap3A_27] {strides = array<i32>} : memref<128x128xf32, #tpu.memory_space<vmem>>, vector<1x16xf32>,
      %swap3A_29 = vector.shape_cast %swap3A_28 : vector<1x16xf32> to vector<16xf32>
      %swap3A_30 = vector.shape_cast %broadcast_in_dim3A_3 : vector<16xf32> to vector<1x16xf32>
      tpu.vector_store %arg6[%swap3A_26, %swap3A_27], %swap3A_30 {strides = array<i32>} : memref<128x128xf32, #tpu.memory_space<vmem>>, vector<1x16xf32>,
      %swap3A_31 = arith.index_cast %scan3A_16 : i32 to index
      %swap3A_32 = arith.constant 48 : index
      %swap3A_33 = tpu.vector_load %arg6[%swap3A_31, %swap3A_32] {strides = array<i32>} : memref<128x128xf32, #tpu.memory_space<vmem>>, vector<1x16xf32>,
      %swap3A_34 = vector.shape_cast %swap3A_33 : vector<1x16xf32> to vector<16xf32>
      %swap3A_35 = vector.shape_cast %broadcast_in_dim3A_3 : vector<16xf32> to vector<1x16xf32>
      tpu.vector_store %arg6[%swap3A_31, %swap3A_32], %swap3A_35 {strides = array<i32>} : memref<128x128xf32, #tpu.memory_space<vmem>>, vector<1x16xf32>,
      %swap3A_36 = arith.index_cast %scan3A_16 : i32 to index
      %swap3A_37 = arith.constant 64 : index
      %swap3A_38 = tpu.vector_load %arg6[%swap3A_36, %swap3A_37] {strides = array<i32>} : memref<128x128xf32, #tpu.memory_space<vmem>>, vector<1x16xf32>,
      %swap3A_39 = vector.shape_cast %swap3A_38 : vector<1x16xf32> to vector<16xf32>
      %swap3A_40 = vector.shape_cast %broadcast_in_dim3A_3 : vector<16xf32> to vector<1x16xf32>
      tpu.vector_store %arg6[%swap3A_36, %swap3A_37], %swap3A_40 {strides = array<i32>} : memref<128x128xf32, #tpu.memory_space<vmem>>, vector<1x16xf32>,
      %swap3A_41 = arith.index_cast %scan3A_16 : i32 to index
      %swap3A_42 = arith.constant 80 : index
      %swap3A_43 = tpu.vector_load %arg6[%swap3A_41, %swap3A_42] {strides = array<i32>} : memref<128x128xf32, #tpu.memory_space<vmem>>, vector<1x16xf32>,
      %swap3A_44 = vector.shape_cast %swap3A_43 : vector<1x16xf32> to vector<16xf32>
      %swap3A_45 = vector.shape_cast %broadcast_in_dim3A_3 : vector<16xf32> to vector<1x16xf32>
      tpu.vector_store %arg6[%swap3A_41, %swap3A_42], %swap3A_45 {strides = array<i32>} : memref<128x128xf32, #tpu.memory_space<vmem>>, vector<1x16xf32>,
      %swap3A_46 = arith.index_cast %scan3A_16 : i32 to index
      %swap3A_47 = arith.constant 96 : index
      %swap3A_48 = tpu.vector_load %arg6[%swap3A_46, %swap3A_47] {strides = array<i32>} : memref<128x128xf32, #tpu.memory_space<vmem>>, vector<1x16xf32>,
      %swap3A_49 = vector.shape_cast %swap3A_48 : vector<1x16xf32> to vector<16xf32>
      %swap3A_50 = vector.shape_cast %broadcast_in_dim3A_3 : vector<16xf32> to vector<1x16xf32>
      tpu.vector_store %arg6[%swap3A_46, %swap3A_47], %swap3A_50 {strides = array<i32>} : memref<128x128xf32, #tpu.memory_space<vmem>>, vector<1x16xf32>,
      %swap3A_51 = arith.index_cast %scan3A_16 : i32 to index
      %swap3A_52 = arith.constant 112 : index
      %swap3A_53 = tpu.vector_load %arg6[%swap3A_51, %swap3A_52] {strides = array<i32>} : memref<128x128xf32, #tpu.memory_space<vmem>>, vector<1x16xf32>,
      %swap3A_54 = vector.shape_cast %swap3A_53 : vector<1x16xf32> to vector<16xf32>
      %swap3A_55 = vector.shape_cast %broadcast_in_dim3A_3 : vector<16xf32> to vector<1x16xf32>
      tpu.vector_store %arg6[%swap3A_51, %swap3A_52], %swap3A_55 {strides = array<i32>} : memref<128x128xf32, #tpu.memory_space<vmem>>, vector<1x16xf32>,
    }
    %scan3A_8 = arith.constant 128 : i32
    %barrier3A = arith.constant 0 : index
    tpu.barrier barrier_id(%barrier3A)
    %scan3A_9 = arith.constant 0 : i32
    %scan3A_10 = arith.constant 0 : i32
    %scan3A_11 = arith.constant 79 : i32
    %scan3A_12 = arith.addi %scan3A_10, %scan3A_11 : i32
    %scan3A_13 = arith.constant 1 : i32
    scf.for %scan3A_16 = %scan3A_10 to %scan3A_12 step %scan3A_13  : i32 {
      "tpu.region"() ({
        %run_scoped3A = tpu.sem_alloc : memref<!tpu.dma_semaphore, #tpu.memory_space<semaphore_mem>>
        %dma_start3A = arith.constant 0 : i32
        %dma_start3A_17 = tpu.memref_slice %arg5[%scan3A_16, %dma_start3A] : memref<79x128xi32, #tpu.memory_space<vmem>> -> memref<1x128xi32, #tpu.memory_space<vmem>>
        %dma_start3A_18 = tpu.memref_squeeze %dma_start3A_17 : memref<1x128xi32, #tpu.memory_space<vmem>> -> memref<128xi32, #tpu.memory_space<vmem>>
        %dma_start3A_19 = arith.constant 0 : i32
        %dma_start3A_20 = arith.constant 0 : i32
        %dma_start3A_21 = tpu.memref_slice %arg7[%dma_start3A_19, %dma_start3A_20] : memref<10112x128xf32, #tpu.memory_space<vmem_shared>> -> memref<10112x128xf32, #tpu.memory_space<vmem_shared>>
        tpu.enqueue_indirect_dma source(%arg6 : memref<128x128xf32, #tpu.memory_space<vmem>>) target(%dma_start3A_21 : memref<10112x128xf32, #tpu.memory_space<vmem_shared>>) offsets(%dma_start3A_18 : memref<128xi32, #tpu.memory_space<vmem>>) semaphore(%run_scoped3A : memref<!tpu.dma_semaphore, #tpu.memory_space<semaphore_mem>>) {add = true}
        %dma_wait3A = arith.constant 0 : i32
        %dma_wait3A_22 = tpu.memref_slice %arg5[%scan3A_16, %dma_wait3A] : memref<79x128xi32, #tpu.memory_space<vmem>> -> memref<1x128xi32, #tpu.memory_space<vmem>>
        %dma_wait3A_23 = tpu.memref_squeeze %dma_wait3A_22 : memref<1x128xi32, #tpu.memory_space<vmem>> -> memref<128xi32, #tpu.memory_space<vmem>>
        %dma_wait3A_24 = arith.constant 0 : i32
        %dma_wait3A_25 = arith.constant 0 : i32
        %dma_wait3A_26 = tpu.memref_slice %arg7[%dma_wait3A_24, %dma_wait3A_25] : memref<10112x128xf32, #tpu.memory_space<vmem_shared>> -> memref<10112x128xf32, #tpu.memory_space<vmem_shared>>
        tpu.wait_indirect_dma semaphore(%run_scoped3A : memref<!tpu.dma_semaphore, #tpu.memory_space<semaphore_mem>>) src(%arg6 : memref<128x128xf32, #tpu.memory_space<vmem>>) dst(%dma_wait3A_26 : memref<10112x128xf32, #tpu.memory_space<vmem_shared>>)
        tpu.yield
      }) : () -> ()
    }
    %scan3A_14 = arith.constant 79 : i32
    %barrier3A_15 = arith.constant 0 : index
    tpu.barrier barrier_id(%barrier3A_15)
    "tpu.region"() ({
      %run_scoped3A = tpu.sem_alloc : memref<!tpu.dma_semaphore, #tpu.memory_space<semaphore_mem>>
      %dma_start3A = arith.constant 0 : i32
      %dma_start3A_16 = tpu.memref_slice %arg4[%arg0, %mul3A_2, %dma_start3A] : memref<2x10112x128xf32, #tpu.memory_space<hbm>> -> memref<1x632x128xf32, #tpu.memory_space<hbm>>
      %dma_start3A_17 = tpu.memref_squeeze %dma_start3A_16 : memref<1x632x128xf32, #tpu.memory_space<hbm>> -> memref<632x128xf32, #tpu.memory_space<hbm>>
      %dma_start3A_18 = arith.constant 0 : i32
      %dma_start3A_19 = tpu.memref_slice %arg7[%mul3A_2, %dma_start3A_18] : memref<10112x128xf32, #tpu.memory_space<vmem_shared>> -> memref<632x128xf32, #tpu.memory_space<vmem_shared>>
      tpu.enqueue_dma source(%dma_start3A_19 : memref<632x128xf32, #tpu.memory_space<vmem_shared>>) target(%dma_start3A_17 : memref<632x128xf32, #tpu.memory_space<hbm>>) target_semaphore(%run_scoped3A : memref<!tpu.dma_semaphore, #tpu.memory_space<semaphore_mem>>)
      %dma_wait3A = arith.constant 0 : i32
      %dma_wait3A_20 = tpu.memref_slice %arg4[%arg0, %mul3A_2, %dma_wait3A] : memref<2x10112x128xf32, #tpu.memory_space<hbm>> -> memref<1x632x128xf32, #tpu.memory_space<hbm>>
      %dma_wait3A_21 = tpu.memref_squeeze %dma_wait3A_20 : memref<1x632x128xf32, #tpu.memory_space<hbm>> -> memref<632x128xf32, #tpu.memory_space<hbm>>
      %dma_wait3A_22 = arith.constant 0 : i32
      %dma_wait3A_23 = tpu.memref_slice %arg7[%mul3A_2, %dma_wait3A_22] : memref<10112x128xf32, #tpu.memory_space<vmem_shared>> -> memref<632x128xf32, #tpu.memory_space<vmem_shared>>
      tpu.wait_dma2 semaphore(%run_scoped3A : memref<!tpu.dma_semaphore, #tpu.memory_space<semaphore_mem>>) src(%dma_wait3A_23 : memref<632x128xf32, #tpu.memory_space<vmem_shared>>) dst(%dma_wait3A_21 : memref<632x128xf32, #tpu.memory_space<hbm>>)
      tpu.yield
    }) : () -> ()
    return
  }
}

#map = affine_map<(d0, d1) -> (0, 0)>
#map1 = affine_map<(d0, d1) -> (0, 0, 0)>
module attributes {stable_mosaic.version = 14 : i64} {
  func.func @seg(%arg0: i32, %arg1: i32, %arg2: memref<10112x128xf32, #tpu.memory_space<hbm>>, %arg3: memref<32x79x128xi32, #tpu.memory_space<hbm>>, %arg4: memref<32x79x128xi32, #tpu.memory_space<hbm>>, %arg5: memref<2x10112x128xf32, #tpu.memory_space<hbm>>, %arg6: memref<2x10112x128xf32, #tpu.memory_space<hbm>>, %arg7: memref<79x128xi32, #tpu.memory_space<vmem>>, %arg8: memref<79x128xi32, #tpu.memory_space<vmem>>, %arg9: memref<128x128xf32, #tpu.memory_space<vmem>>, %arg10: memref<10112x128xf32, #tpu.memory_space<vmem_shared>>, %arg11: memref<!tpu.dma_semaphore, #tpu.memory_space<semaphore_mem>>) attributes {dimension_semantics = [#tpu.dimension_semantics<core_parallel>, #tpu.dimension_semantics<subcore_parallel>], iteration_bounds = array<i64: 2, 16>, scalar_prefetch = 0 : i64, scratch_operands = 5 : i64, tpu.core_type = #tpu.core_type<sc_vector_subcore>, window_params = [{transform_indices = #map}, {transform_indices = #map1}, {transform_indices = #map1}, {transform_indices = #map1}, {transform_indices = #map1}]} {
    %mul3A = arith.constant 2 : i32
    %mul3A_0 = arith.muli %arg1, %mul3A : i32
    %add3A = arith.addi %mul3A_0, %arg0 : i32
    %mul3A_1 = arith.constant 632 : i32
    %mul3A_2 = arith.muli %arg1, %mul3A_1 : i32
    "tpu.region"() ({
      %run_scoped3A = tpu.sem_alloc : memref<!tpu.dma_semaphore, #tpu.memory_space<semaphore_mem>>
      %dma_start3A_15 = arith.constant 0 : i32
      %dma_start3A_16 = tpu.memref_slice %arg10[%mul3A_2, %dma_start3A_15] : memref<10112x128xf32, #tpu.memory_space<vmem_shared>> -> memref<632x128xf32, #tpu.memory_space<vmem_shared>>
      %dma_start3A_17 = arith.constant 0 : i32
      %dma_start3A_18 = tpu.memref_slice %arg5[%arg0, %mul3A_2, %dma_start3A_17] : memref<2x10112x128xf32, #tpu.memory_space<hbm>> -> memref<1x632x128xf32, #tpu.memory_space<hbm>>
      %dma_start3A_19 = tpu.memref_squeeze %dma_start3A_18 : memref<1x632x128xf32, #tpu.memory_space<hbm>> -> memref<632x128xf32, #tpu.memory_space<hbm>>
      tpu.enqueue_dma source(%dma_start3A_19 : memref<632x128xf32, #tpu.memory_space<hbm>>) target(%dma_start3A_16 : memref<632x128xf32, #tpu.memory_space<vmem_shared>>) target_semaphore(%run_scoped3A : memref<!tpu.dma_semaphore, #tpu.memory_space<semaphore_mem>>)
      %dma_wait3A = arith.constant 0 : i32
      %dma_wait3A_20 = tpu.memref_slice %arg10[%mul3A_2, %dma_wait3A] : memref<10112x128xf32, #tpu.memory_space<vmem_shared>> -> memref<632x128xf32, #tpu.memory_space<vmem_shared>>
      %dma_wait3A_21 = arith.constant 0 : i32
      %dma_wait3A_22 = tpu.memref_slice %arg5[%arg0, %mul3A_2, %dma_wait3A_21] : memref<2x10112x128xf32, #tpu.memory_space<hbm>> -> memref<1x632x128xf32, #tpu.memory_space<hbm>>
      %dma_wait3A_23 = tpu.memref_squeeze %dma_wait3A_22 : memref<1x632x128xf32, #tpu.memory_space<hbm>> -> memref<632x128xf32, #tpu.memory_space<hbm>>
      tpu.wait_dma2 semaphore(%run_scoped3A : memref<!tpu.dma_semaphore, #tpu.memory_space<semaphore_mem>>) src(%dma_wait3A_23 : memref<632x128xf32, #tpu.memory_space<hbm>>) dst(%dma_wait3A_20 : memref<632x128xf32, #tpu.memory_space<vmem_shared>>)
      tpu.yield
    }) : () -> ()
    "tpu.region"() ({
      %run_scoped3A = tpu.sem_alloc : memref<!tpu.dma_semaphore, #tpu.memory_space<semaphore_mem>>
      %dma_start3A_15 = arith.constant 0 : i32
      %dma_start3A_16 = arith.constant 0 : i32
      %dma_start3A_17 = tpu.memref_slice %arg3[%add3A, %dma_start3A_15, %dma_start3A_16] : memref<32x79x128xi32, #tpu.memory_space<hbm>> -> memref<1x79x128xi32, #tpu.memory_space<hbm>>
      %dma_start3A_18 = tpu.memref_squeeze %dma_start3A_17 : memref<1x79x128xi32, #tpu.memory_space<hbm>> -> memref<79x128xi32, #tpu.memory_space<hbm>>
      %dma_start3A_19 = arith.constant 0 : i32
      %dma_start3A_20 = arith.constant 0 : i32
      %dma_start3A_21 = tpu.memref_slice %arg3[%add3A, %dma_start3A_19, %dma_start3A_20] : memref<32x79x128xi32, #tpu.memory_space<hbm>> -> memref<1x79x128xi32, #tpu.memory_space<hbm>>
      %dma_start3A_22 = tpu.memref_squeeze %dma_start3A_21 : memref<1x79x128xi32, #tpu.memory_space<hbm>> -> memref<79x128xi32, #tpu.memory_space<hbm>>
      tpu.enqueue_dma source(%dma_start3A_22 : memref<79x128xi32, #tpu.memory_space<hbm>>) target(%arg7 : memref<79x128xi32, #tpu.memory_space<vmem>>) target_semaphore(%run_scoped3A : memref<!tpu.dma_semaphore, #tpu.memory_space<semaphore_mem>>)
      %dma_wait3A = arith.constant 0 : i32
      %dma_wait3A_23 = arith.constant 0 : i32
      %dma_wait3A_24 = tpu.memref_slice %arg3[%add3A, %dma_wait3A, %dma_wait3A_23] : memref<32x79x128xi32, #tpu.memory_space<hbm>> -> memref<1x79x128xi32, #tpu.memory_space<hbm>>
      %dma_wait3A_25 = tpu.memref_squeeze %dma_wait3A_24 : memref<1x79x128xi32, #tpu.memory_space<hbm>> -> memref<79x128xi32, #tpu.memory_space<hbm>>
      %dma_wait3A_26 = arith.constant 0 : i32
      %dma_wait3A_27 = arith.constant 0 : i32
      %dma_wait3A_28 = tpu.memref_slice %arg3[%add3A, %dma_wait3A_26, %dma_wait3A_27] : memref<32x79x128xi32, #tpu.memory_space<hbm>> -> memref<1x79x128xi32, #tpu.memory_space<hbm>>
      %dma_wait3A_29 = tpu.memref_squeeze %dma_wait3A_28 : memref<1x79x128xi32, #tpu.memory_space<hbm>> -> memref<79x128xi32, #tpu.memory_space<hbm>>
      tpu.wait_dma2 semaphore(%run_scoped3A : memref<!tpu.dma_semaphore, #tpu.memory_space<semaphore_mem>>) src(%dma_wait3A_29 : memref<79x128xi32, #tpu.memory_space<hbm>>) dst(%arg7 : memref<79x128xi32, #tpu.memory_space<vmem>>)
      tpu.yield
    }) : () -> ()
    "tpu.region"() ({
      %run_scoped3A = tpu.sem_alloc : memref<!tpu.dma_semaphore, #tpu.memory_space<semaphore_mem>>
      %dma_start3A_15 = arith.constant 0 : i32
      %dma_start3A_16 = arith.constant 0 : i32
      %dma_start3A_17 = tpu.memref_slice %arg4[%add3A, %dma_start3A_15, %dma_start3A_16] : memref<32x79x128xi32, #tpu.memory_space<hbm>> -> memref<1x79x128xi32, #tpu.memory_space<hbm>>
      %dma_start3A_18 = tpu.memref_squeeze %dma_start3A_17 : memref<1x79x128xi32, #tpu.memory_space<hbm>> -> memref<79x128xi32, #tpu.memory_space<hbm>>
      %dma_start3A_19 = arith.constant 0 : i32
      %dma_start3A_20 = arith.constant 0 : i32
      %dma_start3A_21 = tpu.memref_slice %arg4[%add3A, %dma_start3A_19, %dma_start3A_20] : memref<32x79x128xi32, #tpu.memory_space<hbm>> -> memref<1x79x128xi32, #tpu.memory_space<hbm>>
      %dma_start3A_22 = tpu.memref_squeeze %dma_start3A_21 : memref<1x79x128xi32, #tpu.memory_space<hbm>> -> memref<79x128xi32, #tpu.memory_space<hbm>>
      tpu.enqueue_dma source(%dma_start3A_22 : memref<79x128xi32, #tpu.memory_space<hbm>>) target(%arg8 : memref<79x128xi32, #tpu.memory_space<vmem>>) target_semaphore(%run_scoped3A : memref<!tpu.dma_semaphore, #tpu.memory_space<semaphore_mem>>)
      %dma_wait3A = arith.constant 0 : i32
      %dma_wait3A_23 = arith.constant 0 : i32
      %dma_wait3A_24 = tpu.memref_slice %arg4[%add3A, %dma_wait3A, %dma_wait3A_23] : memref<32x79x128xi32, #tpu.memory_space<hbm>> -> memref<1x79x128xi32, #tpu.memory_space<hbm>>
      %dma_wait3A_25 = tpu.memref_squeeze %dma_wait3A_24 : memref<1x79x128xi32, #tpu.memory_space<hbm>> -> memref<79x128xi32, #tpu.memory_space<hbm>>
      %dma_wait3A_26 = arith.constant 0 : i32
      %dma_wait3A_27 = arith.constant 0 : i32
      %dma_wait3A_28 = tpu.memref_slice %arg4[%add3A, %dma_wait3A_26, %dma_wait3A_27] : memref<32x79x128xi32, #tpu.memory_space<hbm>> -> memref<1x79x128xi32, #tpu.memory_space<hbm>>
      %dma_wait3A_29 = tpu.memref_squeeze %dma_wait3A_28 : memref<1x79x128xi32, #tpu.memory_space<hbm>> -> memref<79x128xi32, #tpu.memory_space<hbm>>
      tpu.wait_dma2 semaphore(%run_scoped3A : memref<!tpu.dma_semaphore, #tpu.memory_space<semaphore_mem>>) src(%dma_wait3A_29 : memref<79x128xi32, #tpu.memory_space<hbm>>) dst(%arg8 : memref<79x128xi32, #tpu.memory_space<vmem>>)
      tpu.yield
    }) : () -> ()
    %barrier3A = arith.constant 0 : index
    tpu.barrier barrier_id(%barrier3A)
    %dma_start3A = arith.constant 0 : i32
    %dma_start3A_3 = arith.constant 0 : i32
    %dma_start3A_4 = tpu.memref_slice %arg7[%dma_start3A, %dma_start3A_3] : memref<79x128xi32, #tpu.memory_space<vmem>> -> memref<1x128xi32, #tpu.memory_space<vmem>>
    %dma_start3A_5 = tpu.memref_squeeze %dma_start3A_4 : memref<1x128xi32, #tpu.memory_space<vmem>> -> memref<128xi32, #tpu.memory_space<vmem>>
    %dma_start3A_6 = arith.constant 0 : i32
    %dma_start3A_7 = arith.constant 0 : i32
    %dma_start3A_8 = tpu.memref_slice %arg2[%dma_start3A_6, %dma_start3A_7] : memref<10112x128xf32, #tpu.memory_space<hbm>> -> memref<10112x128xf32, #tpu.memory_space<hbm>>
    tpu.enqueue_indirect_dma source(%dma_start3A_8 : memref<10112x128xf32, #tpu.memory_space<hbm>>) target(%arg9 : memref<128x128xf32, #tpu.memory_space<vmem>>) offsets(%dma_start3A_5 : memref<128xi32, #tpu.memory_space<vmem>>) semaphore(%arg11 : memref<!tpu.dma_semaphore, #tpu.memory_space<semaphore_mem>>)
    %scan3A = arith.constant 0 : i32
    %scan3A_9 = arith.constant 0 : i32
    %scan3A_10 = arith.constant 79 : i32
    %scan3A_11 = arith.addi %scan3A_9, %scan3A_10 : i32
    %scan3A_12 = arith.constant 1 : i32
    scf.for %scan3A_15 = %scan3A_9 to %scan3A_11 step %scan3A_12  : i32 {
      %dma_wait3A = arith.constant 0 : i32
      %dma_wait3A_16 = arith.constant 0 : i32
      %dma_wait3A_17 = tpu.memref_slice %arg7[%dma_wait3A, %dma_wait3A_16] : memref<79x128xi32, #tpu.memory_space<vmem>> -> memref<1x128xi32, #tpu.memory_space<vmem>>
      %dma_wait3A_18 = tpu.memref_squeeze %dma_wait3A_17 : memref<1x128xi32, #tpu.memory_space<vmem>> -> memref<128xi32, #tpu.memory_space<vmem>>
      %dma_wait3A_19 = arith.constant 0 : i32
      %dma_wait3A_20 = arith.constant 0 : i32
      %dma_wait3A_21 = tpu.memref_slice %arg2[%dma_wait3A_19, %dma_wait3A_20] : memref<10112x128xf32, #tpu.memory_space<hbm>> -> memref<10112x128xf32, #tpu.memory_space<hbm>>
      tpu.wait_indirect_dma semaphore(%arg11 : memref<!tpu.dma_semaphore, #tpu.memory_space<semaphore_mem>>) src(%dma_wait3A_21 : memref<10112x128xf32, #tpu.memory_space<hbm>>) dst(%arg9 : memref<128x128xf32, #tpu.memory_space<vmem>>)
      "tpu.region"() ({
        %run_scoped3A = tpu.sem_alloc : memref<!tpu.dma_semaphore, #tpu.memory_space<semaphore_mem>>
        %dma_start3A_26 = arith.constant 0 : i32
        %dma_start3A_27 = tpu.memref_slice %arg8[%scan3A_15, %dma_start3A_26] : memref<79x128xi32, #tpu.memory_space<vmem>> -> memref<1x128xi32, #tpu.memory_space<vmem>>
        %dma_start3A_28 = tpu.memref_squeeze %dma_start3A_27 : memref<1x128xi32, #tpu.memory_space<vmem>> -> memref<128xi32, #tpu.memory_space<vmem>>
        %dma_start3A_29 = arith.constant 0 : i32
        %dma_start3A_30 = arith.constant 0 : i32
        %dma_start3A_31 = tpu.memref_slice %arg10[%dma_start3A_29, %dma_start3A_30] : memref<10112x128xf32, #tpu.memory_space<vmem_shared>> -> memref<10112x128xf32, #tpu.memory_space<vmem_shared>>
        tpu.enqueue_indirect_dma source(%arg9 : memref<128x128xf32, #tpu.memory_space<vmem>>) target(%dma_start3A_31 : memref<10112x128xf32, #tpu.memory_space<vmem_shared>>) offsets(%dma_start3A_28 : memref<128xi32, #tpu.memory_space<vmem>>) semaphore(%run_scoped3A : memref<!tpu.dma_semaphore, #tpu.memory_space<semaphore_mem>>) {add = true}
        %dma_wait3A_32 = arith.constant 0 : i32
        %dma_wait3A_33 = tpu.memref_slice %arg8[%scan3A_15, %dma_wait3A_32] : memref<79x128xi32, #tpu.memory_space<vmem>> -> memref<1x128xi32, #tpu.memory_space<vmem>>
        %dma_wait3A_34 = tpu.memref_squeeze %dma_wait3A_33 : memref<1x128xi32, #tpu.memory_space<vmem>> -> memref<128xi32, #tpu.memory_space<vmem>>
        %dma_wait3A_35 = arith.constant 0 : i32
        %dma_wait3A_36 = arith.constant 0 : i32
        %dma_wait3A_37 = tpu.memref_slice %arg10[%dma_wait3A_35, %dma_wait3A_36] : memref<10112x128xf32, #tpu.memory_space<vmem_shared>> -> memref<10112x128xf32, #tpu.memory_space<vmem_shared>>
        tpu.wait_indirect_dma semaphore(%run_scoped3A : memref<!tpu.dma_semaphore, #tpu.memory_space<semaphore_mem>>) src(%arg9 : memref<128x128xf32, #tpu.memory_space<vmem>>) dst(%dma_wait3A_37 : memref<10112x128xf32, #tpu.memory_space<vmem_shared>>)
        tpu.yield
      }) : () -> ()
      %add3A_22 = arith.constant 1 : i32
      %add3A_23 = arith.addi %scan3A_15, %add3A_22 : i32
      %lt3A = arith.constant 79 : i32
      %lt3A_24 = arith.cmpi slt, %add3A_23, %lt3A : i32
      %convert_element_type3A = arith.extui %lt3A_24 : i1 to i32
      %cond3A = arith.constant 0 : i32
      %cond3A_25 = arith.cmpi ne, %convert_element_type3A, %cond3A : i32
      scf.if %cond3A_25 {
        %add3A_26 = arith.constant 1 : i32
        %add3A_27 = arith.addi %scan3A_15, %add3A_26 : i32
        %dma_start3A_28 = arith.constant 0 : i32
        %dma_start3A_29 = tpu.memref_slice %arg7[%add3A_27, %dma_start3A_28] : memref<79x128xi32, #tpu.memory_space<vmem>> -> memref<1x128xi32, #tpu.memory_space<vmem>>
        %dma_start3A_30 = tpu.memref_squeeze %dma_start3A_29 : memref<1x128xi32, #tpu.memory_space<vmem>> -> memref<128xi32, #tpu.memory_space<vmem>>
        %dma_start3A_31 = arith.constant 0 : i32
        %dma_start3A_32 = arith.constant 0 : i32
        %dma_start3A_33 = tpu.memref_slice %arg2[%dma_start3A_31, %dma_start3A_32] : memref<10112x128xf32, #tpu.memory_space<hbm>> -> memref<10112x128xf32, #tpu.memory_space<hbm>>
        tpu.enqueue_indirect_dma source(%dma_start3A_33 : memref<10112x128xf32, #tpu.memory_space<hbm>>) target(%arg9 : memref<128x128xf32, #tpu.memory_space<vmem>>) offsets(%dma_start3A_30 : memref<128xi32, #tpu.memory_space<vmem>>) semaphore(%arg11 : memref<!tpu.dma_semaphore, #tpu.memory_space<semaphore_mem>>)
      } else {
      }
    }
    %scan3A_13 = arith.constant 79 : i32
    %barrier3A_14 = arith.constant 0 : index
    tpu.barrier barrier_id(%barrier3A_14)
    "tpu.region"() ({
      %run_scoped3A = tpu.sem_alloc : memref<!tpu.dma_semaphore, #tpu.memory_space<semaphore_mem>>
      %dma_start3A_15 = arith.constant 0 : i32
      %dma_start3A_16 = tpu.memref_slice %arg6[%arg0, %mul3A_2, %dma_start3A_15] : memref<2x10112x128xf32, #tpu.memory_space<hbm>> -> memref<1x632x128xf32, #tpu.memory_space<hbm>>
      %dma_start3A_17 = tpu.memref_squeeze %dma_start3A_16 : memref<1x632x128xf32, #tpu.memory_space<hbm>> -> memref<632x128xf32, #tpu.memory_space<hbm>>
      %dma_start3A_18 = arith.constant 0 : i32
      %dma_start3A_19 = tpu.memref_slice %arg10[%mul3A_2, %dma_start3A_18] : memref<10112x128xf32, #tpu.memory_space<vmem_shared>> -> memref<632x128xf32, #tpu.memory_space<vmem_shared>>
      tpu.enqueue_dma source(%dma_start3A_19 : memref<632x128xf32, #tpu.memory_space<vmem_shared>>) target(%dma_start3A_17 : memref<632x128xf32, #tpu.memory_space<hbm>>) target_semaphore(%run_scoped3A : memref<!tpu.dma_semaphore, #tpu.memory_space<semaphore_mem>>)
      %dma_wait3A = arith.constant 0 : i32
      %dma_wait3A_20 = tpu.memref_slice %arg6[%arg0, %mul3A_2, %dma_wait3A] : memref<2x10112x128xf32, #tpu.memory_space<hbm>> -> memref<1x632x128xf32, #tpu.memory_space<hbm>>
      %dma_wait3A_21 = tpu.memref_squeeze %dma_wait3A_20 : memref<1x632x128xf32, #tpu.memory_space<hbm>> -> memref<632x128xf32, #tpu.memory_space<hbm>>
      %dma_wait3A_22 = arith.constant 0 : i32
      %dma_wait3A_23 = tpu.memref_slice %arg10[%mul3A_2, %dma_wait3A_22] : memref<10112x128xf32, #tpu.memory_space<vmem_shared>> -> memref<632x128xf32, #tpu.memory_space<vmem_shared>>
      tpu.wait_dma2 semaphore(%run_scoped3A : memref<!tpu.dma_semaphore, #tpu.memory_space<semaphore_mem>>) src(%dma_wait3A_23 : memref<632x128xf32, #tpu.memory_space<vmem_shared>>) dst(%dma_wait3A_21 : memref<632x128xf32, #tpu.memory_space<hbm>>)
      tpu.yield
    }) : () -> ()
    return
  }
}

#map = affine_map<(d0, d1) -> (0, 0)>
#map1 = affine_map<(d0, d1) -> (0, 0, 0)>
module attributes {stable_mosaic.version = 14 : i64} {
  func.func @seg(%arg0: i32, %arg1: i32, %arg2: memref<10112x128xf32, #tpu.memory_space<hbm>>, %arg3: memref<32x79x128xi32, #tpu.memory_space<hbm>>, %arg4: memref<32x79x128xi32, #tpu.memory_space<hbm>>, %arg5: memref<2x10112x128xf32, #tpu.memory_space<hbm>>, %arg6: memref<2x10112x128xf32, #tpu.memory_space<hbm>>, %arg7: memref<79x128xi32, #tpu.memory_space<vmem>>, %arg8: memref<79x128xi32, #tpu.memory_space<vmem>>, %arg9: memref<128x128xf32, #tpu.memory_space<vmem>>, %arg10: memref<10112x128xf32, #tpu.memory_space<vmem_shared>>, %arg11: memref<!tpu.dma_semaphore, #tpu.memory_space<semaphore_mem>>) attributes {dimension_semantics = [#tpu.dimension_semantics<core_parallel>, #tpu.dimension_semantics<subcore_parallel>], iteration_bounds = array<i64: 2, 16>, scalar_prefetch = 0 : i64, scratch_operands = 5 : i64, tpu.core_type = #tpu.core_type<sc_vector_subcore>, window_params = [{transform_indices = #map}, {transform_indices = #map1}, {transform_indices = #map1}, {transform_indices = #map1}, {transform_indices = #map1}]} {
    %mul3A = arith.constant 2 : i32
    %mul3A_0 = arith.muli %arg1, %mul3A : i32
    %add3A = arith.addi %mul3A_0, %arg0 : i32
    %mul3A_1 = arith.constant 632 : i32
    %mul3A_2 = arith.muli %arg1, %mul3A_1 : i32
    "tpu.region"() ({
      %run_scoped3A = tpu.sem_alloc : memref<!tpu.dma_semaphore, #tpu.memory_space<semaphore_mem>>
      %dma_start3A_15 = arith.constant 0 : i32
      %dma_start3A_16 = tpu.memref_slice %arg10[%mul3A_2, %dma_start3A_15] : memref<10112x128xf32, #tpu.memory_space<vmem_shared>> -> memref<632x128xf32, #tpu.memory_space<vmem_shared>>
      %dma_start3A_17 = arith.constant 0 : i32
      %dma_start3A_18 = tpu.memref_slice %arg5[%arg0, %mul3A_2, %dma_start3A_17] : memref<2x10112x128xf32, #tpu.memory_space<hbm>> -> memref<1x632x128xf32, #tpu.memory_space<hbm>>
      %dma_start3A_19 = tpu.memref_squeeze %dma_start3A_18 : memref<1x632x128xf32, #tpu.memory_space<hbm>> -> memref<632x128xf32, #tpu.memory_space<hbm>>
      tpu.enqueue_dma source(%dma_start3A_19 : memref<632x128xf32, #tpu.memory_space<hbm>>) target(%dma_start3A_16 : memref<632x128xf32, #tpu.memory_space<vmem_shared>>) target_semaphore(%run_scoped3A : memref<!tpu.dma_semaphore, #tpu.memory_space<semaphore_mem>>)
      %dma_wait3A = arith.constant 0 : i32
      %dma_wait3A_20 = tpu.memref_slice %arg10[%mul3A_2, %dma_wait3A] : memref<10112x128xf32, #tpu.memory_space<vmem_shared>> -> memref<632x128xf32, #tpu.memory_space<vmem_shared>>
      %dma_wait3A_21 = arith.constant 0 : i32
      %dma_wait3A_22 = tpu.memref_slice %arg5[%arg0, %mul3A_2, %dma_wait3A_21] : memref<2x10112x128xf32, #tpu.memory_space<hbm>> -> memref<1x632x128xf32, #tpu.memory_space<hbm>>
      %dma_wait3A_23 = tpu.memref_squeeze %dma_wait3A_22 : memref<1x632x128xf32, #tpu.memory_space<hbm>> -> memref<632x128xf32, #tpu.memory_space<hbm>>
      tpu.wait_dma2 semaphore(%run_scoped3A : memref<!tpu.dma_semaphore, #tpu.memory_space<semaphore_mem>>) src(%dma_wait3A_23 : memref<632x128xf32, #tpu.memory_space<hbm>>) dst(%dma_wait3A_20 : memref<632x128xf32, #tpu.memory_space<vmem_shared>>)
      tpu.yield
    }) : () -> ()
    "tpu.region"() ({
      %run_scoped3A = tpu.sem_alloc : memref<!tpu.dma_semaphore, #tpu.memory_space<semaphore_mem>>
      %dma_start3A_15 = arith.constant 0 : i32
      %dma_start3A_16 = arith.constant 0 : i32
      %dma_start3A_17 = tpu.memref_slice %arg3[%add3A, %dma_start3A_15, %dma_start3A_16] : memref<32x79x128xi32, #tpu.memory_space<hbm>> -> memref<1x79x128xi32, #tpu.memory_space<hbm>>
      %dma_start3A_18 = tpu.memref_squeeze %dma_start3A_17 : memref<1x79x128xi32, #tpu.memory_space<hbm>> -> memref<79x128xi32, #tpu.memory_space<hbm>>
      %dma_start3A_19 = arith.constant 0 : i32
      %dma_start3A_20 = arith.constant 0 : i32
      %dma_start3A_21 = tpu.memref_slice %arg3[%add3A, %dma_start3A_19, %dma_start3A_20] : memref<32x79x128xi32, #tpu.memory_space<hbm>> -> memref<1x79x128xi32, #tpu.memory_space<hbm>>
      %dma_start3A_22 = tpu.memref_squeeze %dma_start3A_21 : memref<1x79x128xi32, #tpu.memory_space<hbm>> -> memref<79x128xi32, #tpu.memory_space<hbm>>
      tpu.enqueue_dma source(%dma_start3A_22 : memref<79x128xi32, #tpu.memory_space<hbm>>) target(%arg7 : memref<79x128xi32, #tpu.memory_space<vmem>>) target_semaphore(%run_scoped3A : memref<!tpu.dma_semaphore, #tpu.memory_space<semaphore_mem>>)
      %dma_wait3A = arith.constant 0 : i32
      %dma_wait3A_23 = arith.constant 0 : i32
      %dma_wait3A_24 = tpu.memref_slice %arg3[%add3A, %dma_wait3A, %dma_wait3A_23] : memref<32x79x128xi32, #tpu.memory_space<hbm>> -> memref<1x79x128xi32, #tpu.memory_space<hbm>>
      %dma_wait3A_25 = tpu.memref_squeeze %dma_wait3A_24 : memref<1x79x128xi32, #tpu.memory_space<hbm>> -> memref<79x128xi32, #tpu.memory_space<hbm>>
      %dma_wait3A_26 = arith.constant 0 : i32
      %dma_wait3A_27 = arith.constant 0 : i32
      %dma_wait3A_28 = tpu.memref_slice %arg3[%add3A, %dma_wait3A_26, %dma_wait3A_27] : memref<32x79x128xi32, #tpu.memory_space<hbm>> -> memref<1x79x128xi32, #tpu.memory_space<hbm>>
      %dma_wait3A_29 = tpu.memref_squeeze %dma_wait3A_28 : memref<1x79x128xi32, #tpu.memory_space<hbm>> -> memref<79x128xi32, #tpu.memory_space<hbm>>
      tpu.wait_dma2 semaphore(%run_scoped3A : memref<!tpu.dma_semaphore, #tpu.memory_space<semaphore_mem>>) src(%dma_wait3A_29 : memref<79x128xi32, #tpu.memory_space<hbm>>) dst(%arg7 : memref<79x128xi32, #tpu.memory_space<vmem>>)
      tpu.yield
    }) : () -> ()
    "tpu.region"() ({
      %run_scoped3A = tpu.sem_alloc : memref<!tpu.dma_semaphore, #tpu.memory_space<semaphore_mem>>
      %dma_start3A_15 = arith.constant 0 : i32
      %dma_start3A_16 = arith.constant 0 : i32
      %dma_start3A_17 = tpu.memref_slice %arg4[%add3A, %dma_start3A_15, %dma_start3A_16] : memref<32x79x128xi32, #tpu.memory_space<hbm>> -> memref<1x79x128xi32, #tpu.memory_space<hbm>>
      %dma_start3A_18 = tpu.memref_squeeze %dma_start3A_17 : memref<1x79x128xi32, #tpu.memory_space<hbm>> -> memref<79x128xi32, #tpu.memory_space<hbm>>
      %dma_start3A_19 = arith.constant 0 : i32
      %dma_start3A_20 = arith.constant 0 : i32
      %dma_start3A_21 = tpu.memref_slice %arg4[%add3A, %dma_start3A_19, %dma_start3A_20] : memref<32x79x128xi32, #tpu.memory_space<hbm>> -> memref<1x79x128xi32, #tpu.memory_space<hbm>>
      %dma_start3A_22 = tpu.memref_squeeze %dma_start3A_21 : memref<1x79x128xi32, #tpu.memory_space<hbm>> -> memref<79x128xi32, #tpu.memory_space<hbm>>
      tpu.enqueue_dma source(%dma_start3A_22 : memref<79x128xi32, #tpu.memory_space<hbm>>) target(%arg8 : memref<79x128xi32, #tpu.memory_space<vmem>>) target_semaphore(%run_scoped3A : memref<!tpu.dma_semaphore, #tpu.memory_space<semaphore_mem>>)
      %dma_wait3A = arith.constant 0 : i32
      %dma_wait3A_23 = arith.constant 0 : i32
      %dma_wait3A_24 = tpu.memref_slice %arg4[%add3A, %dma_wait3A, %dma_wait3A_23] : memref<32x79x128xi32, #tpu.memory_space<hbm>> -> memref<1x79x128xi32, #tpu.memory_space<hbm>>
      %dma_wait3A_25 = tpu.memref_squeeze %dma_wait3A_24 : memref<1x79x128xi32, #tpu.memory_space<hbm>> -> memref<79x128xi32, #tpu.memory_space<hbm>>
      %dma_wait3A_26 = arith.constant 0 : i32
      %dma_wait3A_27 = arith.constant 0 : i32
      %dma_wait3A_28 = tpu.memref_slice %arg4[%add3A, %dma_wait3A_26, %dma_wait3A_27] : memref<32x79x128xi32, #tpu.memory_space<hbm>> -> memref<1x79x128xi32, #tpu.memory_space<hbm>>
      %dma_wait3A_29 = tpu.memref_squeeze %dma_wait3A_28 : memref<1x79x128xi32, #tpu.memory_space<hbm>> -> memref<79x128xi32, #tpu.memory_space<hbm>>
      tpu.wait_dma2 semaphore(%run_scoped3A : memref<!tpu.dma_semaphore, #tpu.memory_space<semaphore_mem>>) src(%dma_wait3A_29 : memref<79x128xi32, #tpu.memory_space<hbm>>) dst(%arg8 : memref<79x128xi32, #tpu.memory_space<vmem>>)
      tpu.yield
    }) : () -> ()
    %barrier3A = arith.constant 0 : index
    tpu.barrier barrier_id(%barrier3A)
    %dma_start3A = arith.constant 0 : i32
    %dma_start3A_3 = arith.constant 0 : i32
    %dma_start3A_4 = tpu.memref_slice %arg7[%dma_start3A, %dma_start3A_3] : memref<79x128xi32, #tpu.memory_space<vmem>> -> memref<1x128xi32, #tpu.memory_space<vmem>>
    %dma_start3A_5 = tpu.memref_squeeze %dma_start3A_4 : memref<1x128xi32, #tpu.memory_space<vmem>> -> memref<128xi32, #tpu.memory_space<vmem>>
    %dma_start3A_6 = arith.constant 0 : i32
    %dma_start3A_7 = arith.constant 0 : i32
    %dma_start3A_8 = tpu.memref_slice %arg2[%dma_start3A_6, %dma_start3A_7] : memref<10112x128xf32, #tpu.memory_space<hbm>> -> memref<10112x128xf32, #tpu.memory_space<hbm>>
    tpu.enqueue_indirect_dma source(%dma_start3A_8 : memref<10112x128xf32, #tpu.memory_space<hbm>>) target(%arg9 : memref<128x128xf32, #tpu.memory_space<vmem>>) offsets(%dma_start3A_5 : memref<128xi32, #tpu.memory_space<vmem>>) semaphore(%arg11 : memref<!tpu.dma_semaphore, #tpu.memory_space<semaphore_mem>>)
    %scan3A = arith.constant 0 : i32
    %scan3A_9 = arith.constant 0 : i32
    %scan3A_10 = arith.constant 79 : i32
    %scan3A_11 = arith.addi %scan3A_9, %scan3A_10 : i32
    %scan3A_12 = arith.constant 1 : i32
    scf.for %scan3A_15 = %scan3A_9 to %scan3A_11 step %scan3A_12  : i32 {
      %dma_wait3A = arith.constant 0 : i32
      %dma_wait3A_16 = arith.constant 0 : i32
      %dma_wait3A_17 = tpu.memref_slice %arg7[%dma_wait3A, %dma_wait3A_16] : memref<79x128xi32, #tpu.memory_space<vmem>> -> memref<1x128xi32, #tpu.memory_space<vmem>>
      %dma_wait3A_18 = tpu.memref_squeeze %dma_wait3A_17 : memref<1x128xi32, #tpu.memory_space<vmem>> -> memref<128xi32, #tpu.memory_space<vmem>>
      %dma_wait3A_19 = arith.constant 0 : i32
      %dma_wait3A_20 = arith.constant 0 : i32
      %dma_wait3A_21 = tpu.memref_slice %arg2[%dma_wait3A_19, %dma_wait3A_20] : memref<10112x128xf32, #tpu.memory_space<hbm>> -> memref<10112x128xf32, #tpu.memory_space<hbm>>
      tpu.wait_indirect_dma semaphore(%arg11 : memref<!tpu.dma_semaphore, #tpu.memory_space<semaphore_mem>>) src(%dma_wait3A_21 : memref<10112x128xf32, #tpu.memory_space<hbm>>) dst(%arg9 : memref<128x128xf32, #tpu.memory_space<vmem>>)
      "tpu.region"() ({
        %run_scoped3A = tpu.sem_alloc : memref<!tpu.dma_semaphore, #tpu.memory_space<semaphore_mem>>
        %dma_start3A_26 = arith.constant 0 : i32
        %dma_start3A_27 = tpu.memref_slice %arg8[%scan3A_15, %dma_start3A_26] : memref<79x128xi32, #tpu.memory_space<vmem>> -> memref<1x128xi32, #tpu.memory_space<vmem>>
        %dma_start3A_28 = tpu.memref_squeeze %dma_start3A_27 : memref<1x128xi32, #tpu.memory_space<vmem>> -> memref<128xi32, #tpu.memory_space<vmem>>
        %dma_start3A_29 = arith.constant 0 : i32
        %dma_start3A_30 = arith.constant 0 : i32
        %dma_start3A_31 = tpu.memref_slice %arg10[%dma_start3A_29, %dma_start3A_30] : memref<10112x128xf32, #tpu.memory_space<vmem_shared>> -> memref<10112x128xf32, #tpu.memory_space<vmem_shared>>
        tpu.enqueue_indirect_dma source(%arg9 : memref<128x128xf32, #tpu.memory_space<vmem>>) target(%dma_start3A_31 : memref<10112x128xf32, #tpu.memory_space<vmem_shared>>) offsets(%dma_start3A_28 : memref<128xi32, #tpu.memory_space<vmem>>) semaphore(%run_scoped3A : memref<!tpu.dma_semaphore, #tpu.memory_space<semaphore_mem>>) {add = true}
        %dma_wait3A_32 = arith.constant 0 : i32
        %dma_wait3A_33 = tpu.memref_slice %arg8[%scan3A_15, %dma_wait3A_32] : memref<79x128xi32, #tpu.memory_space<vmem>> -> memref<1x128xi32, #tpu.memory_space<vmem>>
        %dma_wait3A_34 = tpu.memref_squeeze %dma_wait3A_33 : memref<1x128xi32, #tpu.memory_space<vmem>> -> memref<128xi32, #tpu.memory_space<vmem>>
        %dma_wait3A_35 = arith.constant 0 : i32
        %dma_wait3A_36 = arith.constant 0 : i32
        %dma_wait3A_37 = tpu.memref_slice %arg10[%dma_wait3A_35, %dma_wait3A_36] : memref<10112x128xf32, #tpu.memory_space<vmem_shared>> -> memref<10112x128xf32, #tpu.memory_space<vmem_shared>>
        tpu.wait_indirect_dma semaphore(%run_scoped3A : memref<!tpu.dma_semaphore, #tpu.memory_space<semaphore_mem>>) src(%arg9 : memref<128x128xf32, #tpu.memory_space<vmem>>) dst(%dma_wait3A_37 : memref<10112x128xf32, #tpu.memory_space<vmem_shared>>)
        tpu.yield
      }) : () -> ()
      %add3A_22 = arith.constant 1 : i32
      %add3A_23 = arith.addi %scan3A_15, %add3A_22 : i32
      %lt3A = arith.constant 79 : i32
      %lt3A_24 = arith.cmpi slt, %add3A_23, %lt3A : i32
      %convert_element_type3A = arith.extui %lt3A_24 : i1 to i32
      %cond3A = arith.constant 0 : i32
      %cond3A_25 = arith.cmpi ne, %convert_element_type3A, %cond3A : i32
      scf.if %cond3A_25 {
        %add3A_26 = arith.constant 1 : i32
        %add3A_27 = arith.addi %scan3A_15, %add3A_26 : i32
        %dma_start3A_28 = arith.constant 0 : i32
        %dma_start3A_29 = tpu.memref_slice %arg7[%add3A_27, %dma_start3A_28] : memref<79x128xi32, #tpu.memory_space<vmem>> -> memref<1x128xi32, #tpu.memory_space<vmem>>
        %dma_start3A_30 = tpu.memref_squeeze %dma_start3A_29 : memref<1x128xi32, #tpu.memory_space<vmem>> -> memref<128xi32, #tpu.memory_space<vmem>>
        %dma_start3A_31 = arith.constant 0 : i32
        %dma_start3A_32 = arith.constant 0 : i32
        %dma_start3A_33 = tpu.memref_slice %arg2[%dma_start3A_31, %dma_start3A_32] : memref<10112x128xf32, #tpu.memory_space<hbm>> -> memref<10112x128xf32, #tpu.memory_space<hbm>>
        tpu.enqueue_indirect_dma source(%dma_start3A_33 : memref<10112x128xf32, #tpu.memory_space<hbm>>) target(%arg9 : memref<128x128xf32, #tpu.memory_space<vmem>>) offsets(%dma_start3A_30 : memref<128xi32, #tpu.memory_space<vmem>>) semaphore(%arg11 : memref<!tpu.dma_semaphore, #tpu.memory_space<semaphore_mem>>)
      } else {
      }
    }
    %scan3A_13 = arith.constant 79 : i32
    %barrier3A_14 = arith.constant 0 : index
    tpu.barrier barrier_id(%barrier3A_14)
    "tpu.region"() ({
      %run_scoped3A = tpu.sem_alloc : memref<!tpu.dma_semaphore, #tpu.memory_space<semaphore_mem>>
      %dma_start3A_15 = arith.constant 0 : i32
      %dma_start3A_16 = tpu.memref_slice %arg6[%arg0, %mul3A_2, %dma_start3A_15] : memref<2x10112x128xf32, #tpu.memory_space<hbm>> -> memref<1x632x128xf32, #tpu.memory_space<hbm>>
      %dma_start3A_17 = tpu.memref_squeeze %dma_start3A_16 : memref<1x632x128xf32, #tpu.memory_space<hbm>> -> memref<632x128xf32, #tpu.memory_space<hbm>>
      %dma_start3A_18 = arith.constant 0 : i32
      %dma_start3A_19 = tpu.memref_slice %arg10[%mul3A_2, %dma_start3A_18] : memref<10112x128xf32, #tpu.memory_space<vmem_shared>> -> memref<632x128xf32, #tpu.memory_space<vmem_shared>>
      tpu.enqueue_dma source(%dma_start3A_19 : memref<632x128xf32, #tpu.memory_space<vmem_shared>>) target(%dma_start3A_17 : memref<632x128xf32, #tpu.memory_space<hbm>>) target_semaphore(%run_scoped3A : memref<!tpu.dma_semaphore, #tpu.memory_space<semaphore_mem>>)
      %dma_wait3A = arith.constant 0 : i32
      %dma_wait3A_20 = tpu.memref_slice %arg6[%arg0, %mul3A_2, %dma_wait3A] : memref<2x10112x128xf32, #tpu.memory_space<hbm>> -> memref<1x632x128xf32, #tpu.memory_space<hbm>>
      %dma_wait3A_21 = tpu.memref_squeeze %dma_wait3A_20 : memref<1x632x128xf32, #tpu.memory_space<hbm>> -> memref<632x128xf32, #tpu.memory_space<hbm>>
      %dma_wait3A_22 = arith.constant 0 : i32
      %dma_wait3A_23 = tpu.memref_slice %arg10[%mul3A_2, %dma_wait3A_22] : memref<10112x128xf32, #tpu.memory_space<vmem_shared>> -> memref<632x128xf32, #tpu.memory_space<vmem_shared>>
      tpu.wait_dma2 semaphore(%run_scoped3A : memref<!tpu.dma_semaphore, #tpu.memory_space<semaphore_mem>>) src(%dma_wait3A_23 : memref<632x128xf32, #tpu.memory_space<vmem_shared>>) dst(%dma_wait3A_21 : memref<632x128xf32, #tpu.memory_space<hbm>>)
      tpu.yield
    }) : () -> ()
    return
  }
}

module attributes {stable_mosaic.version = 14 : i64} {
  func.func @tc_rel(%arg0: memref<208x128xf32, #tpu.memory_space<vmem>>, %arg1: memref<208x128xf32, #tpu.memory_space<vmem>>) attributes {dimension_semantics = [], scalar_prefetch = 0 : i64, scratch_operands = 0 : i64, tpu.core_type = #tpu.core_type<tc>} {
    %get3A = arith.constant 0 : index
    %get3A_0 = arith.constant 0 : index
    %get3A_1 = vector.load %arg0[%get3A, %get3A_0] : memref<208x128xf32, #tpu.memory_space<vmem>>, vector<208x128xf32>
    %mul3A = arith.mulf %get3A_1, %get3A_1 : vector<208x128xf32>
    %reduce_sum3A = arith.constant dense<0.000000e+00> : vector<208xf32>
    %reduce_sum3A_2 = vector.multi_reduction <add>, %mul3A, %reduce_sum3A [1] : vector<208x128xf32> to vector<208xf32>
    %broadcast_in_dim3A = vector.shape_cast %reduce_sum3A_2 : vector<208xf32> to vector<208x1xf32>
    %sqrt3A = math.sqrt %broadcast_in_dim3A : vector<208x1xf32>
    %jit3A = arith.constant 9.99999996E-13 : f32
    %max3A = vector.broadcast %jit3A : f32 to vector<208x1xf32>
    %max3A_3 = arith.maximumf %max3A, %sqrt3A : vector<208x1xf32>
    %div3A = vector.broadcast %max3A_3 : vector<208x1xf32> to vector<208x128xf32>
    %div3A_4 = arith.divf %get3A_1, %div3A : vector<208x128xf32>
    %swap3A = arith.constant 0 : index
    %swap3A_5 = arith.constant 0 : index
    %swap3A_6 = vector.load %arg1[%swap3A, %swap3A_5] : memref<208x128xf32, #tpu.memory_space<vmem>>, vector<208x128xf32>
    tpu.vector_store %arg1[%swap3A, %swap3A_5], %div3A_4 {strides = array<i32>} : memref<208x128xf32, #tpu.memory_space<vmem>>, vector<208x128xf32>,
    return
  }
}

module attributes {stable_mosaic.version = 14 : i64} {
  func.func @tc0(%arg0: i32, %arg1: memref<1024x128xf32, #tpu.memory_space<vmem>>, %arg2: memref<128x128xf32, #tpu.memory_space<vmem>>, %arg3: memref<1024x128xf32, #tpu.memory_space<vmem>>) attributes {dimension_semantics = [#tpu.dimension_semantics<arbitrary>], iteration_bounds = array<i64: 10>, scalar_prefetch = 0 : i64, scratch_operands = 0 : i64, tpu.core_type = #tpu.core_type<tc>, window_params = [{transform_indices = @transform_0, window_bounds = array<i64: 1024, 128>}, {pipeline_mode = #tpu.pipeline_mode<synchronous>, transform_indices = @transform_1, window_bounds = array<i64: 128, 128>}, {transform_indices = @transform_2, window_bounds = array<i64: 1024, 128>}]} {
    %get3A = arith.constant 0 : index
    %get3A_0 = arith.constant 0 : index
    %get3A_1 = vector.load %arg1[%get3A, %get3A_0] : memref<1024x128xf32, #tpu.memory_space<vmem>>, vector<1024x128xf32>
    %get3A_2 = arith.constant 0 : index
    %get3A_3 = arith.constant 0 : index
    %get3A_4 = vector.load %arg2[%get3A_2, %get3A_3] : memref<128x128xf32, #tpu.memory_space<vmem>>, vector<128x128xf32>
    %dot_general3A = arith.constant dense<0.000000e+00> : vector<1024x128xf32>
    %dot_general3A_5 = tpu.matmul %get3A_1, %get3A_4, %dot_general3A {dimension_numbers = #tpu.dot_dimension_numbers<[1], [0], [0], [1], [0, 0, 1, 1], [], []>, transpose_lhs_hint = false} : vector<1024x128xf32>, vector<128x128xf32>, vector<1024x128xf32> -> vector<1024x128xf32>
    %mul3A = arith.mulf %dot_general3A_5, %dot_general3A_5 : vector<1024x128xf32>
    %reduce_sum3A = arith.constant dense<0.000000e+00> : vector<1024xf32>
    %reduce_sum3A_6 = vector.multi_reduction <add>, %mul3A, %reduce_sum3A [1] : vector<1024x128xf32> to vector<1024xf32>
    %broadcast_in_dim3A = vector.shape_cast %reduce_sum3A_6 : vector<1024xf32> to vector<1024x1xf32>
    %sqrt3A = math.sqrt %broadcast_in_dim3A : vector<1024x1xf32>
    %jit3A = arith.constant 9.99999996E-13 : f32
    %max3A = vector.broadcast %jit3A : f32 to vector<1024x1xf32>
    %max3A_7 = arith.maximumf %max3A, %sqrt3A : vector<1024x1xf32>
    %div3A = vector.broadcast %max3A_7 : vector<1024x1xf32> to vector<1024x128xf32>
    %div3A_8 = arith.divf %dot_general3A_5, %div3A : vector<1024x128xf32>
    %swap3A = arith.constant 0 : index
    %swap3A_9 = arith.constant 0 : index
    %swap3A_10 = vector.load %arg3[%swap3A, %swap3A_9] : memref<1024x128xf32, #tpu.memory_space<vmem>>, vector<1024x128xf32>
    tpu.vector_store %arg3[%swap3A, %swap3A_9], %div3A_8 {strides = array<i32>} : memref<1024x128xf32, #tpu.memory_space<vmem>>, vector<1024x128xf32>,
    return
  }
  func.func @transform_0(%arg0: i32) -> (i32, i32) {
    %c0_i32 = arith.constant 0 : i32
    %c0_i32_0 = arith.constant 0 : i32
    return %arg0, %c0_i32 : i32, i32
  }
  func.func @transform_1(%arg0: i32) -> (i32, i32) {
    %c0_i32 = arith.constant 0 : i32
    %c0_i32_0 = arith.constant 0 : i32
    %c0_i32_1 = arith.constant 0 : i32
    return %c0_i32, %c0_i32_0 : i32, i32
  }
  func.func @transform_2(%arg0: i32) -> (i32, i32) {
    %c0_i32 = arith.constant 0 : i32
    %c0_i32_0 = arith.constant 0 : i32
    return %arg0, %c0_i32 : i32, i32
  }
}

module attributes {stable_mosaic.version = 14 : i64} {
  func.func @tc_mean(%arg0: i32, %arg1: memref<1024x128xf32, #tpu.memory_space<vmem>>, %arg2: memref<1024x128xf32, #tpu.memory_space<vmem>>) attributes {dimension_semantics = [#tpu.dimension_semantics<arbitrary>], iteration_bounds = array<i64: 10>, scalar_prefetch = 0 : i64, scratch_operands = 0 : i64, tpu.core_type = #tpu.core_type<tc>, window_params = [{transform_indices = @transform_0, window_bounds = array<i64: 1024, 128>}, {transform_indices = @transform_1, window_bounds = array<i64: 1024, 128>}]} {
    %get3A = arith.constant 0 : index
    %get3A_0 = arith.constant 0 : index
    %get3A_1 = vector.load %arg1[%get3A, %get3A_0] : memref<1024x128xf32, #tpu.memory_space<vmem>>, vector<1024x128xf32>
    %mul3A = arith.mulf %get3A_1, %get3A_1 : vector<1024x128xf32>
    %reduce_sum3A = arith.constant dense<0.000000e+00> : vector<1024xf32>
    %reduce_sum3A_2 = vector.multi_reduction <add>, %mul3A, %reduce_sum3A [1] : vector<1024x128xf32> to vector<1024xf32>
    %broadcast_in_dim3A = vector.shape_cast %reduce_sum3A_2 : vector<1024xf32> to vector<1024x1xf32>
    %sqrt3A = math.sqrt %broadcast_in_dim3A : vector<1024x1xf32>
    %jit3A = arith.constant 9.99999996E-13 : f32
    %max3A = vector.broadcast %jit3A : f32 to vector<1024x1xf32>
    %max3A_3 = arith.maximumf %max3A, %sqrt3A : vector<1024x1xf32>
    %div3A = vector.broadcast %max3A_3 : vector<1024x1xf32> to vector<1024x128xf32>
    %div3A_4 = arith.divf %get3A_1, %div3A : vector<1024x128xf32>
    %swap3A = arith.constant 0 : index
    %swap3A_5 = arith.constant 0 : index
    %swap3A_6 = vector.load %arg2[%swap3A, %swap3A_5] : memref<1024x128xf32, #tpu.memory_space<vmem>>, vector<1024x128xf32>
    tpu.vector_store %arg2[%swap3A, %swap3A_5], %div3A_4 {strides = array<i32>} : memref<1024x128xf32, #tpu.memory_space<vmem>>, vector<1024x128xf32>,
    return
  }
  func.func @transform_0(%arg0: i32) -> (i32, i32) {
    %c0_i32 = arith.constant 0 : i32
    %c0_i32_0 = arith.constant 0 : i32
    return %arg0, %c0_i32 : i32, i32
  }
  func.func @transform_1(%arg0: i32) -> (i32, i32) {
    %c0_i32 = arith.constant 0 : i32
    %c0_i32_0 = arith.constant 0 : i32
    return %arg0, %c0_i32 : i32, i32
  }
}

module attributes {stable_mosaic.version = 14 : i64} {
  func.func @tc_l0(%arg0: i32, %arg1: memref<1024x128xf32, #tpu.memory_space<vmem>>, %arg2: memref<1024x1xf32, #tpu.memory_space<vmem>>, %arg3: memref<1024x128xf32, #tpu.memory_space<vmem>>, %arg4: memref<128x128xf32, #tpu.memory_space<vmem>>, %arg5: memref<128x128xf32, #tpu.memory_space<vmem>>, %arg6: memref<1024x128xf32, #tpu.memory_space<vmem>>) attributes {dimension_semantics = [#tpu.dimension_semantics<arbitrary>], iteration_bounds = array<i64: 10>, scalar_prefetch = 0 : i64, scratch_operands = 0 : i64, tpu.core_type = #tpu.core_type<tc>, window_params = [{transform_indices = @transform_0, window_bounds = array<i64: 1024, 128>}, {transform_indices = @transform_1, window_bounds = array<i64: 1024, 1>}, {transform_indices = @transform_2, window_bounds = array<i64: 1024, 128>}, {pipeline_mode = #tpu.pipeline_mode<synchronous>, transform_indices = @transform_3, window_bounds = array<i64: 128, 128>}, {pipeline_mode = #tpu.pipeline_mode<synchronous>, transform_indices = @transform_4, window_bounds = array<i64: 128, 128>}, {transform_indices = @transform_5, window_bounds = array<i64: 1024, 128>}]} {
    %get3A = arith.constant 0 : index
    %get3A_0 = arith.constant 0 : index
    %get3A_1 = vector.load %arg2[%get3A, %get3A_0] : memref<1024x1xf32, #tpu.memory_space<vmem>>, vector<1024x1xf32>
    %jit3A = arith.constant 1.000000e+00 : f32
    %max3A = vector.broadcast %jit3A : f32 to vector<1024x1xf32>
    %max3A_2 = arith.maximumf %max3A, %get3A_1 : vector<1024x1xf32>
    %get3A_3 = arith.constant 0 : index
    %get3A_4 = arith.constant 0 : index
    %get3A_5 = vector.load %arg1[%get3A_3, %get3A_4] : memref<1024x128xf32, #tpu.memory_space<vmem>>, vector<1024x128xf32>
    %div3A = vector.broadcast %max3A_2 : vector<1024x1xf32> to vector<1024x128xf32>
    %div3A_6 = arith.divf %get3A_5, %div3A : vector<1024x128xf32>
    %get3A_7 = arith.constant 0 : index
    %get3A_8 = arith.constant 0 : index
    %get3A_9 = vector.load %arg4[%get3A_7, %get3A_8] : memref<128x128xf32, #tpu.memory_space<vmem>>, vector<128x128xf32>
    %dot_general3A = arith.constant dense<0.000000e+00> : vector<1024x128xf32>
    %dot_general3A_10 = tpu.matmul %div3A_6, %get3A_9, %dot_general3A {dimension_numbers = #tpu.dot_dimension_numbers<[1], [0], [0], [1], [0, 0, 1, 1], [], []>, transpose_lhs_hint = false} : vector<1024x128xf32>, vector<128x128xf32>, vector<1024x128xf32> -> vector<1024x128xf32>
    %get3A_11 = arith.constant 0 : index
    %get3A_12 = arith.constant 0 : index
    %get3A_13 = vector.load %arg3[%get3A_11, %get3A_12] : memref<1024x128xf32, #tpu.memory_space<vmem>>, vector<1024x128xf32>
    %get3A_14 = arith.constant 0 : index
    %get3A_15 = arith.constant 0 : index
    %get3A_16 = vector.load %arg5[%get3A_14, %get3A_15] : memref<128x128xf32, #tpu.memory_space<vmem>>, vector<128x128xf32>
    %dot_general3A_17 = arith.constant dense<0.000000e+00> : vector<1024x128xf32>
    %dot_general3A_18 = tpu.matmul %get3A_13, %get3A_16, %dot_general3A_17 {dimension_numbers = #tpu.dot_dimension_numbers<[1], [0], [0], [1], [0, 0, 1, 1], [], []>, transpose_lhs_hint = false} : vector<1024x128xf32>, vector<128x128xf32>, vector<1024x128xf32> -> vector<1024x128xf32>
    %add3A = arith.addf %dot_general3A_10, %dot_general3A_18 : vector<1024x128xf32>
    %max3A_19 = arith.constant 0.000000e+00 : f32
    %max3A_20 = vector.broadcast %max3A_19 : f32 to vector<1024x128xf32>
    %max3A_21 = arith.maximumf %add3A, %max3A_20 : vector<1024x128xf32>
    %swap3A = arith.constant 0 : index
    %swap3A_22 = arith.constant 0 : index
    %swap3A_23 = vector.load %arg6[%swap3A, %swap3A_22] : memref<1024x128xf32, #tpu.memory_space<vmem>>, vector<1024x128xf32>
    tpu.vector_store %arg6[%swap3A, %swap3A_22], %max3A_21 {strides = array<i32>} : memref<1024x128xf32, #tpu.memory_space<vmem>>, vector<1024x128xf32>,
    return
  }
  func.func @transform_0(%arg0: i32) -> (i32, i32) {
    %c0_i32 = arith.constant 0 : i32
    %c0_i32_0 = arith.constant 0 : i32
    return %arg0, %c0_i32 : i32, i32
  }
  func.func @transform_1(%arg0: i32) -> (i32, i32) {
    %c0_i32 = arith.constant 0 : i32
    %c0_i32_0 = arith.constant 0 : i32
    return %arg0, %c0_i32 : i32, i32
  }
  func.func @transform_2(%arg0: i32) -> (i32, i32) {
    %c0_i32 = arith.constant 0 : i32
    %c0_i32_0 = arith.constant 0 : i32
    return %arg0, %c0_i32 : i32, i32
  }
  func.func @transform_3(%arg0: i32) -> (i32, i32) {
    %c0_i32 = arith.constant 0 : i32
    %c0_i32_0 = arith.constant 0 : i32
    %c0_i32_1 = arith.constant 0 : i32
    return %c0_i32, %c0_i32_0 : i32, i32
  }
  func.func @transform_4(%arg0: i32) -> (i32, i32) {
    %c0_i32 = arith.constant 0 : i32
    %c0_i32_0 = arith.constant 0 : i32
    %c0_i32_1 = arith.constant 0 : i32
    return %c0_i32, %c0_i32_0 : i32, i32
  }
  func.func @transform_5(%arg0: i32) -> (i32, i32) {
    %c0_i32 = arith.constant 0 : i32
    %c0_i32_0 = arith.constant 0 : i32
    return %arg0, %c0_i32 : i32, i32
  }
}

module attributes {stable_mosaic.version = 14 : i64} {
  func.func @tc_l1(%arg0: i32, %arg1: memref<1024x128xf32, #tpu.memory_space<vmem>>, %arg2: memref<1024x1xf32, #tpu.memory_space<vmem>>, %arg3: memref<1024x128xf32, #tpu.memory_space<vmem>>, %arg4: memref<1024x128xf32, #tpu.memory_space<vmem>>, %arg5: memref<1x1xf32, #tpu.memory_space<vmem>>, %arg6: memref<128x128xf32, #tpu.memory_space<vmem>>, %arg7: memref<128x128xf32, #tpu.memory_space<vmem>>, %arg8: memref<128x384xf32, #tpu.memory_space<vmem>>, %arg9: memref<48x384xf32, #tpu.memory_space<vmem>>, %arg10: memref<128x384xf32, #tpu.memory_space<vmem>>, %arg11: memref<1x384xf32, #tpu.memory_space<vmem>>, %arg12: memref<1x384xf32, #tpu.memory_space<vmem>>, %arg13: memref<1x24xf32, #tpu.memory_space<vmem>>, %arg14: memref<1x24xf32, #tpu.memory_space<vmem>>, %arg15: memref<1x24xf32, #tpu.memory_space<vmem>>, %arg16: memref<1x24xf32, #tpu.memory_space<vmem>>, %arg17: memref<1024x128xf32, #tpu.memory_space<vmem>>) attributes {dimension_semantics = [#tpu.dimension_semantics<arbitrary>], iteration_bounds = array<i64: 10>, scalar_prefetch = 0 : i64, scratch_operands = 0 : i64, tpu.core_type = #tpu.core_type<tc>, window_params = [{transform_indices = @transform_0, window_bounds = array<i64: 1024, 128>}, {transform_indices = @transform_1, window_bounds = array<i64: 1024, 1>}, {transform_indices = @transform_2, window_bounds = array<i64: 1024, 128>}, {transform_indices = @transform_3, window_bounds = array<i64: 1024, 128>}, {pipeline_mode = #tpu.pipeline_mode<synchronous>, transform_indices = @transform_4, window_bounds = array<i64: 1, 1>}, {pipeline_mode = #tpu.pipeline_mode<synchronous>, transform_indices = @transform_5, window_bounds = array<i64: 128, 128>}, {pipeline_mode = #tpu.pipeline_mode<synchronous>, transform_indices = @transform_6, window_bounds = array<i64: 128, 128>}, {pipeline_mode = #tpu.pipeline_mode<synchronous>, transform_indices = @transform_7, window_bounds = array<i64: 128, 384>}, {pipeline_mode = #tpu.pipeline_mode<synchronous>, transform_indices = @transform_8, window_bounds = array<i64: 48, 384>}, {pipeline_mode = #tpu.pipeline_mode<synchronous>, transform_indices = @transform_9, window_bounds = array<i64: 128, 384>}, {pipeline_mode = #tpu.pipeline_mode<synchronous>, transform_indices = @transform_10, window_bounds = array<i64: 1, 384>}, {pipeline_mode = #tpu.pipeline_mode<synchronous>, transform_indices = @transform_11, window_bounds = array<i64: 1, 384>}, {pipeline_mode = #tpu.pipeline_mode<synchronous>, transform_indices = @transform_12, window_bounds = array<i64: 1, 24>}, {pipeline_mode = #tpu.pipeline_mode<synchronous>, transform_indices = @transform_13, window_bounds = array<i64: 1, 24>}, {pipeline_mode = #tpu.pipeline_mode<synchronous>, transform_indices = @transform_14, window_bounds = array<i64: 1, 24>}, {pipeline_mode = #tpu.pipeline_mode<synchronous>, transform_indices = @transform_15, window_bounds = array<i64: 1, 24>}, {transform_indices = @transform_16, window_bounds = array<i64: 1024, 128>}]} {
    %get3A = arith.constant 0 : index
    %get3A_0 = arith.constant 0 : index
    %get3A_1 = vector.load %arg2[%get3A, %get3A_0] : memref<1024x1xf32, #tpu.memory_space<vmem>>, vector<1024x1xf32>
    %jit3A = arith.constant 1.000000e+00 : f32
    %max3A = vector.broadcast %jit3A : f32 to vector<1024x1xf32>
    %max3A_2 = arith.maximumf %max3A, %get3A_1 : vector<1024x1xf32>
    %get3A_3 = arith.constant 0 : index
    %get3A_4 = arith.constant 0 : index
    %get3A_5 = vector.load %arg1[%get3A_3, %get3A_4] : memref<1024x128xf32, #tpu.memory_space<vmem>>, vector<1024x128xf32>
    %div3A = vector.broadcast %max3A_2 : vector<1024x1xf32> to vector<1024x128xf32>
    %div3A_6 = arith.divf %get3A_5, %div3A : vector<1024x128xf32>
    %get3A_7 = arith.constant 0 : index
    %get3A_8 = arith.constant 0 : index
    %get3A_9 = vector.load %arg6[%get3A_7, %get3A_8] : memref<128x128xf32, #tpu.memory_space<vmem>>, vector<128x128xf32>
    %dot_general3A = arith.constant dense<0.000000e+00> : vector<1024x128xf32>
    %dot_general3A_10 = tpu.matmul %div3A_6, %get3A_9, %dot_general3A {dimension_numbers = #tpu.dot_dimension_numbers<[1], [0], [0], [1], [0, 0, 1, 1], [], []>, transpose_lhs_hint = false} : vector<1024x128xf32>, vector<128x128xf32>, vector<1024x128xf32> -> vector<1024x128xf32>
    %get3A_11 = arith.constant 0 : index
    %get3A_12 = arith.constant 0 : index
    %get3A_13 = vector.load %arg3[%get3A_11, %get3A_12] : memref<1024x128xf32, #tpu.memory_space<vmem>>, vector<1024x128xf32>
    %get3A_14 = arith.constant 0 : index
    %get3A_15 = arith.constant 0 : index
    %get3A_16 = vector.load %arg7[%get3A_14, %get3A_15] : memref<128x128xf32, #tpu.memory_space<vmem>>, vector<128x128xf32>
    %dot_general3A_17 = arith.constant dense<0.000000e+00> : vector<1024x128xf32>
    %dot_general3A_18 = tpu.matmul %get3A_13, %get3A_16, %dot_general3A_17 {dimension_numbers = #tpu.dot_dimension_numbers<[1], [0], [0], [1], [0, 0, 1, 1], [], []>, transpose_lhs_hint = false} : vector<1024x128xf32>, vector<128x128xf32>, vector<1024x128xf32> -> vector<1024x128xf32>
    %add3A = arith.addf %dot_general3A_10, %dot_general3A_18 : vector<1024x128xf32>
    %mul3A = arith.mulf %add3A, %add3A : vector<1024x128xf32>
    %reduce_sum3A = arith.constant dense<0.000000e+00> : vector<1024xf32>
    %reduce_sum3A_19 = vector.multi_reduction <add>, %mul3A, %reduce_sum3A [1] : vector<1024x128xf32> to vector<1024xf32>
    %broadcast_in_dim3A = vector.shape_cast %reduce_sum3A_19 : vector<1024xf32> to vector<1024x1xf32>
    %sqrt3A = math.sqrt %broadcast_in_dim3A : vector<1024x1xf32>
    %jit3A_20 = arith.constant 9.99999996E-13 : f32
    %max3A_21 = vector.broadcast %jit3A_20 : f32 to vector<1024x1xf32>
    %max3A_22 = arith.maximumf %max3A_21, %sqrt3A : vector<1024x1xf32>
    %div3A_23 = vector.broadcast %max3A_22 : vector<1024x1xf32> to vector<1024x128xf32>
    %div3A_24 = arith.divf %add3A, %div3A_23 : vector<1024x128xf32>
    %get3A_25 = arith.constant 0 : index
    %get3A_26 = arith.constant 0 : index
    %get3A_27 = vector.load %arg4[%get3A_25, %get3A_26] : memref<1024x128xf32, #tpu.memory_space<vmem>>, vector<1024x128xf32>
    %get3A_28 = arith.constant 0 : index
    %get3A_29 = arith.constant 0 : index
    %get3A_30 = vector.load %arg5[%get3A_28, %get3A_29] : memref<1x1xf32, #tpu.memory_space<vmem>>, vector<1x1xf32>
    %get3A_31 = arith.constant 0 : index
    %get3A_32 = arith.constant 0 : index
    %get3A_33 = vector.load %arg13[%get3A_31, %get3A_32] : memref<1x24xf32, #tpu.memory_space<vmem>>, vector<1x24xf32>
    %get3A_34 = arith.constant 0 : index
    %get3A_35 = arith.constant 0 : index
    %get3A_36 = vector.load %arg14[%get3A_34, %get3A_35] : memref<1x24xf32, #tpu.memory_space<vmem>>, vector<1x24xf32>
    %get3A_37 = arith.constant 0 : index
    %get3A_38 = arith.constant 0 : index
    %get3A_39 = vector.load %arg15[%get3A_37, %get3A_38] : memref<1x24xf32, #tpu.memory_space<vmem>>, vector<1x24xf32>
    %get3A_40 = arith.constant 0 : index
    %get3A_41 = arith.constant 0 : index
    %get3A_42 = vector.load %arg16[%get3A_40, %get3A_41] : memref<1x24xf32, #tpu.memory_space<vmem>>, vector<1x24xf32>
    %add3A_43 = arith.constant 1.000000e+02 : f32
    %add3A_44 = arith.constant 1.000000e+00 : f32
    %add3A_45 = arith.addf %add3A_43, %add3A_44 : f32
    %mul3A_46 = vector.broadcast %add3A_45 : f32 to vector<1x24xf32>
    %mul3A_47 = arith.mulf %mul3A_46, %get3A_33 : vector<1x24xf32>
    %add3A_48 = arith.addf %mul3A_47, %get3A_36 : vector<1x24xf32>
    %tanh3A = math.tanh %add3A_48 : vector<1x24xf32>
    %mul3A_49 = arith.constant 1.000000e+02 : f32
    %mul3A_50 = vector.broadcast %mul3A_49 : f32 to vector<1x24xf32>
    %mul3A_51 = arith.mulf %mul3A_50, %get3A_39 : vector<1x24xf32>
    %add3A_52 = arith.addf %mul3A_51, %get3A_42 : vector<1x24xf32>
    %cos3A = math.cos %add3A_52 : vector<1x24xf32>
    %concatenate3A = tpu.concatenate %tanh3A, %cos3A in 1 : vector<1x24xf32>, vector<1x24xf32> -> vector<1x48xf32>
    %get3A_53 = arith.constant 0 : index
    %get3A_54 = arith.constant 0 : index
    %get3A_55 = vector.load %arg13[%get3A_53, %get3A_54] : memref<1x24xf32, #tpu.memory_space<vmem>>, vector<1x24xf32>
    %get3A_56 = arith.constant 0 : index
    %get3A_57 = arith.constant 0 : index
    %get3A_58 = vector.load %arg14[%get3A_56, %get3A_57] : memref<1x24xf32, #tpu.memory_space<vmem>>, vector<1x24xf32>
    %get3A_59 = arith.constant 0 : index
    %get3A_60 = arith.constant 0 : index
    %get3A_61 = vector.load %arg15[%get3A_59, %get3A_60] : memref<1x24xf32, #tpu.memory_space<vmem>>, vector<1x24xf32>
    %get3A_62 = arith.constant 0 : index
    %get3A_63 = arith.constant 0 : index
    %get3A_64 = vector.load %arg16[%get3A_62, %get3A_63] : memref<1x24xf32, #tpu.memory_space<vmem>>, vector<1x24xf32>
    %add3A_65 = arith.constant 1.000000e+00 : f32
    %add3A_66 = vector.broadcast %add3A_65 : f32 to vector<1x1xf32>
    %add3A_67 = arith.addf %get3A_30, %add3A_66 : vector<1x1xf32>
    %mul3A_68 = vector.broadcast %add3A_67 : vector<1x1xf32> to vector<1x24xf32>
    %mul3A_69 = arith.mulf %mul3A_68, %get3A_55 : vector<1x24xf32>
    %add3A_70 = arith.addf %mul3A_69, %get3A_58 : vector<1x24xf32>
    %tanh3A_71 = math.tanh %add3A_70 : vector<1x24xf32>
    %mul3A_72 = vector.broadcast %get3A_30 : vector<1x1xf32> to vector<1x24xf32>
    %mul3A_73 = arith.mulf %mul3A_72, %get3A_61 : vector<1x24xf32>
    %add3A_74 = arith.addf %mul3A_73, %get3A_64 : vector<1x24xf32>
    %cos3A_75 = math.cos %add3A_74 : vector<1x24xf32>
    %concatenate3A_76 = tpu.concatenate %tanh3A_71, %cos3A_75 in 1 : vector<1x24xf32>, vector<1x24xf32> -> vector<1x48xf32>
    %eq3A = arith.constant 0.000000e+00 : f32
    %eq3A_77 = vector.broadcast %eq3A : f32 to vector<1024x1xf32>
    %eq3A_78 = arith.cmpf oeq, %get3A_1, %eq3A_77 : vector<1024x1xf32>
    %get3A_79 = arith.constant 0 : index
    %get3A_80 = arith.constant 0 : index
    %get3A_81 = vector.load %arg9[%get3A_79, %get3A_80] : memref<48x384xf32, #tpu.memory_space<vmem>>, vector<48x384xf32>
    %dot_general3A_82 = arith.constant dense<0.000000e+00> : vector<1x384xf32>
    %dot_general3A_83 = tpu.matmul %concatenate3A, %get3A_81, %dot_general3A_82 {dimension_numbers = #tpu.dot_dimension_numbers<[1], [0], [0], [1], [0, 0, 1, 1], [], []>, transpose_lhs_hint = false} : vector<1x48xf32>, vector<48x384xf32>, vector<1x384xf32> -> vector<1x384xf32>
    %get3A_84 = arith.constant 0 : index
    %get3A_85 = arith.constant 0 : index
    %get3A_86 = vector.load %arg9[%get3A_84, %get3A_85] : memref<48x384xf32, #tpu.memory_space<vmem>>, vector<48x384xf32>
    %dot_general3A_87 = arith.constant dense<0.000000e+00> : vector<1x384xf32>
    %dot_general3A_88 = tpu.matmul %concatenate3A_76, %get3A_86, %dot_general3A_87 {dimension_numbers = #tpu.dot_dimension_numbers<[1], [0], [0], [1], [0, 0, 1, 1], [], []>, transpose_lhs_hint = false} : vector<1x48xf32>, vector<48x384xf32>, vector<1x384xf32> -> vector<1x384xf32>
    %broadcast_in_dim3A_89 = vector.shape_cast %eq3A_78 : vector<1024x1xi1> to vector<1024x1xi1>
    %broadcast_in_dim3A_90 = vector.broadcast %broadcast_in_dim3A_89 : vector<1024x1xi1> to vector<1024x384xi1>
    %broadcast_in_dim3A_91 = vector.shape_cast %dot_general3A_83 : vector<1x384xf32> to vector<1x384xf32>
    %broadcast_in_dim3A_92 = vector.broadcast %broadcast_in_dim3A_91 : vector<1x384xf32> to vector<1024x384xf32>
    %broadcast_in_dim3A_93 = vector.shape_cast %dot_general3A_88 : vector<1x384xf32> to vector<1x384xf32>
    %broadcast_in_dim3A_94 = vector.broadcast %broadcast_in_dim3A_93 : vector<1x384xf32> to vector<1024x384xf32>
    %select_n3A = arith.select %broadcast_in_dim3A_90, %broadcast_in_dim3A_92, %broadcast_in_dim3A_94 : vector<1024x384xi1>, vector<1024x384xf32>
    %get3A_95 = arith.constant 0 : index
    %get3A_96 = arith.constant 0 : index
    %get3A_97 = vector.load %arg8[%get3A_95, %get3A_96] : memref<128x384xf32, #tpu.memory_space<vmem>>, vector<128x384xf32>
    %dot_general3A_98 = arith.constant dense<0.000000e+00> : vector<1024x384xf32>
    %dot_general3A_99 = tpu.matmul %div3A_24, %get3A_97, %dot_general3A_98 {dimension_numbers = #tpu.dot_dimension_numbers<[1], [0], [0], [1], [0, 0, 1, 1], [], []>, transpose_lhs_hint = false} : vector<1024x128xf32>, vector<128x384xf32>, vector<1024x384xf32> -> vector<1024x384xf32>
    %add3A_100 = arith.addf %dot_general3A_99, %select_n3A : vector<1024x384xf32>
    %get3A_101 = arith.constant 0 : index
    %get3A_102 = arith.constant 0 : index
    %get3A_103 = vector.load %arg11[%get3A_101, %get3A_102] : memref<1x384xf32, #tpu.memory_space<vmem>>, vector<1x384xf32>
    %add3A_104 = vector.broadcast %get3A_103 : vector<1x384xf32> to vector<1024x384xf32>
    %add3A_105 = arith.addf %add3A_100, %add3A_104 : vector<1024x384xf32>
    %get3A_106 = arith.constant 0 : index
    %get3A_107 = arith.constant 0 : index
    %get3A_108 = vector.load %arg10[%get3A_106, %get3A_107] : memref<128x384xf32, #tpu.memory_space<vmem>>, vector<128x384xf32>
    %dot_general3A_109 = arith.constant dense<0.000000e+00> : vector<1024x384xf32>
    %dot_general3A_110 = tpu.matmul %get3A_27, %get3A_108, %dot_general3A_109 {dimension_numbers = #tpu.dot_dimension_numbers<[1], [0], [0], [1], [0, 0, 1, 1], [], []>, transpose_lhs_hint = false} : vector<1024x128xf32>, vector<128x384xf32>, vector<1024x384xf32> -> vector<1024x384xf32>
    %get3A_111 = arith.constant 0 : index
    %get3A_112 = arith.constant 0 : index
    %get3A_113 = vector.load %arg12[%get3A_111, %get3A_112] : memref<1x384xf32, #tpu.memory_space<vmem>>, vector<1x384xf32>
    %add3A_114 = vector.broadcast %get3A_113 : vector<1x384xf32> to vector<1024x384xf32>
    %add3A_115 = arith.addf %dot_general3A_110, %add3A_114 : vector<1024x384xf32>
    %slice3A = vector.extract_strided_slice %add3A_105 {offsets = [0, 0], sizes = [1024, 128], strides = [1, 1]} : vector<1024x384xf32> to vector<1024x128xf32>
    %slice3A_116 = vector.extract_strided_slice %add3A_115 {offsets = [0, 0], sizes = [1024, 128], strides = [1, 1]} : vector<1024x384xf32> to vector<1024x128xf32>
    %add3A_117 = arith.addf %slice3A, %slice3A_116 : vector<1024x128xf32>
    %logistic3A = arith.negf %add3A_117 : vector<1024x128xf32>
    %logistic3A_118 = math.exp %logistic3A : vector<1024x128xf32>
    %logistic3A_119 = arith.constant 1.000000e+00 : f32
    %logistic3A_120 = vector.broadcast %logistic3A_119 : f32 to vector<1024x128xf32>
    %logistic3A_121 = arith.addf %logistic3A_120, %logistic3A_118 : vector<1024x128xf32>
    %logistic3A_122 = arith.divf %logistic3A_120, %logistic3A_121 : vector<1024x128xf32>
    %slice3A_123 = vector.extract_strided_slice %add3A_105 {offsets = [0, 128], sizes = [1024, 128], strides = [1, 1]} : vector<1024x384xf32> to vector<1024x128xf32>
    %slice3A_124 = vector.extract_strided_slice %add3A_115 {offsets = [0, 128], sizes = [1024, 128], strides = [1, 1]} : vector<1024x384xf32> to vector<1024x128xf32>
    %add3A_125 = arith.addf %slice3A_123, %slice3A_124 : vector<1024x128xf32>
    %logistic3A_126 = arith.negf %add3A_125 : vector<1024x128xf32>
    %logistic3A_127 = math.exp %logistic3A_126 : vector<1024x128xf32>
    %logistic3A_128 = arith.constant 1.000000e+00 : f32
    %logistic3A_129 = vector.broadcast %logistic3A_128 : f32 to vector<1024x128xf32>
    %logistic3A_130 = arith.addf %logistic3A_129, %logistic3A_127 : vector<1024x128xf32>
    %logistic3A_131 = arith.divf %logistic3A_129, %logistic3A_130 : vector<1024x128xf32>
    %slice3A_132 = vector.extract_strided_slice %add3A_105 {offsets = [0, 256], sizes = [1024, 128], strides = [1, 1]} : vector<1024x384xf32> to vector<1024x128xf32>
    %slice3A_133 = vector.extract_strided_slice %add3A_115 {offsets = [0, 256], sizes = [1024, 128], strides = [1, 1]} : vector<1024x384xf32> to vector<1024x128xf32>
    %mul3A_134 = arith.mulf %logistic3A_122, %slice3A_133 : vector<1024x128xf32>
    %add3A_135 = arith.addf %slice3A_132, %mul3A_134 : vector<1024x128xf32>
    %tanh3A_136 = math.tanh %add3A_135 : vector<1024x128xf32>
    %sub3A = arith.constant 1.000000e+00 : f32
    %sub3A_137 = vector.broadcast %sub3A : f32 to vector<1024x128xf32>
    %sub3A_138 = arith.subf %sub3A_137, %logistic3A_131 : vector<1024x128xf32>
    %mul3A_139 = arith.mulf %sub3A_138, %tanh3A_136 : vector<1024x128xf32>
    %mul3A_140 = arith.mulf %logistic3A_131, %get3A_27 : vector<1024x128xf32>
    %add3A_141 = arith.addf %mul3A_139, %mul3A_140 : vector<1024x128xf32>
    %mul3A_142 = arith.mulf %add3A_141, %add3A_141 : vector<1024x128xf32>
    %reduce_sum3A_143 = arith.constant dense<0.000000e+00> : vector<1024xf32>
    %reduce_sum3A_144 = vector.multi_reduction <add>, %mul3A_142, %reduce_sum3A_143 [1] : vector<1024x128xf32> to vector<1024xf32>
    %broadcast_in_dim3A_145 = vector.shape_cast %reduce_sum3A_144 : vector<1024xf32> to vector<1024x1xf32>
    %sqrt3A_146 = math.sqrt %broadcast_in_dim3A_145 : vector<1024x1xf32>
    %jit3A_147 = arith.constant 9.99999996E-13 : f32
    %max3A_148 = vector.broadcast %jit3A_147 : f32 to vector<1024x1xf32>
    %max3A_149 = arith.maximumf %max3A_148, %sqrt3A_146 : vector<1024x1xf32>
    %div3A_150 = vector.broadcast %max3A_149 : vector<1024x1xf32> to vector<1024x128xf32>
    %div3A_151 = arith.divf %add3A_141, %div3A_150 : vector<1024x128xf32>
    %swap3A = arith.constant 0 : index
    %swap3A_152 = arith.constant 0 : index
    %swap3A_153 = vector.load %arg17[%swap3A, %swap3A_152] : memref<1024x128xf32, #tpu.memory_space<vmem>>, vector<1024x128xf32>
    tpu.vector_store %arg17[%swap3A, %swap3A_152], %div3A_151 {strides = array<i32>} : memref<1024x128xf32, #tpu.memory_space<vmem>>, vector<1024x128xf32>,
    return
  }
  func.func @transform_0(%arg0: i32) -> (i32, i32) {
    %c0_i32 = arith.constant 0 : i32
    %c0_i32_0 = arith.constant 0 : i32
    return %arg0, %c0_i32 : i32, i32
  }
  func.func @transform_1(%arg0: i32) -> (i32, i32) {
    %c0_i32 = arith.constant 0 : i32
    %c0_i32_0 = arith.constant 0 : i32
    return %arg0, %c0_i32 : i32, i32
  }
  func.func @transform_2(%arg0: i32) -> (i32, i32) {
    %c0_i32 = arith.constant 0 : i32
    %c0_i32_0 = arith.constant 0 : i32
    return %arg0, %c0_i32 : i32, i32
  }
  func.func @transform_3(%arg0: i32) -> (i32, i32) {
    %c0_i32 = arith.constant 0 : i32
    %c0_i32_0 = arith.constant 0 : i32
    return %arg0, %c0_i32 : i32, i32
  }
  func.func @transform_4(%arg0: i32) -> (i32, i32) {
    %c0_i32 = arith.constant 0 : i32
    %c0_i32_0 = arith.constant 0 : i32
    %c0_i32_1 = arith.constant 0 : i32
    return %c0_i32, %c0_i32_0 : i32, i32
  }
  func.func @transform_5(%arg0: i32) -> (i32, i32) {
    %c0_i32 = arith.constant 0 : i32
    %c0_i32_0 = arith.constant 0 : i32
    %c0_i32_1 = arith.constant 0 : i32
    return %c0_i32, %c0_i32_0 : i32, i32
  }
  func.func @transform_6(%arg0: i32) -> (i32, i32) {
    %c0_i32 = arith.constant 0 : i32
    %c0_i32_0 = arith.constant 0 : i32
    %c0_i32_1 = arith.constant 0 : i32
    return %c0_i32, %c0_i32_0 : i32, i32
  }
  func.func @transform_7(%arg0: i32) -> (i32, i32) {
    %c0_i32 = arith.constant 0 : i32
    %c0_i32_0 = arith.constant 0 : i32
    %c0_i32_1 = arith.constant 0 : i32
    return %c0_i32, %c0_i32_0 : i32, i32
  }
  func.func @transform_8(%arg0: i32) -> (i32, i32) {
    %c0_i32 = arith.constant 0 : i32
    %c0_i32_0 = arith.constant 0 : i32
    %c0_i32_1 = arith.constant 0 : i32
    return %c0_i32, %c0_i32_0 : i32, i32
  }
  func.func @transform_9(%arg0: i32) -> (i32, i32) {
    %c0_i32 = arith.constant 0 : i32
    %c0_i32_0 = arith.constant 0 : i32
    %c0_i32_1 = arith.constant 0 : i32
    return %c0_i32, %c0_i32_0 : i32, i32
  }
  func.func @transform_10(%arg0: i32) -> (i32, i32) {
    %c0_i32 = arith.constant 0 : i32
    %c0_i32_0 = arith.constant 0 : i32
    %c0_i32_1 = arith.constant 0 : i32
    return %c0_i32, %c0_i32_0 : i32, i32
  }
  func.func @transform_11(%arg0: i32) -> (i32, i32) {
    %c0_i32 = arith.constant 0 : i32
    %c0_i32_0 = arith.constant 0 : i32
    %c0_i32_1 = arith.constant 0 : i32
    return %c0_i32, %c0_i32_0 : i32, i32
  }
  func.func @transform_12(%arg0: i32) -> (i32, i32) {
    %c0_i32 = arith.constant 0 : i32
    %c0_i32_0 = arith.constant 0 : i32
    %c0_i32_1 = arith.constant 0 : i32
    return %c0_i32, %c0_i32_0 : i32, i32
  }
  func.func @transform_13(%arg0: i32) -> (i32, i32) {
    %c0_i32 = arith.constant 0 : i32
    %c0_i32_0 = arith.constant 0 : i32
    %c0_i32_1 = arith.constant 0 : i32
    return %c0_i32, %c0_i32_0 : i32, i32
  }
  func.func @transform_14(%arg0: i32) -> (i32, i32) {
    %c0_i32 = arith.constant 0 : i32
    %c0_i32_0 = arith.constant 0 : i32
    %c0_i32_1 = arith.constant 0 : i32
    return %c0_i32, %c0_i32_0 : i32, i32
  }
  func.func @transform_15(%arg0: i32) -> (i32, i32) {
    %c0_i32 = arith.constant 0 : i32
    %c0_i32_0 = arith.constant 0 : i32
    %c0_i32_1 = arith.constant 0 : i32
    return %c0_i32, %c0_i32_0 : i32, i32
  }
  func.func @transform_16(%arg0: i32) -> (i32, i32) {
    %c0_i32 = arith.constant 0 : i32
    %c0_i32_0 = arith.constant 0 : i32
    return %arg0, %c0_i32 : i32, i32
  }
}

module attributes {stable_mosaic.version = 14 : i64} {
  func.func @tc_att(%arg0: i32, %arg1: memref<10112x128xf32, #tpu.memory_space<vmem>>, %arg2: memref<1024x128xf32, #tpu.memory_space<vmem>>, %arg3: memref<1024x128xf32, #tpu.memory_space<vmem>>, %arg4: memref<1024x3xf32, #tpu.memory_space<vmem>>, %arg5: memref<128x128xf32, #tpu.memory_space<vmem>>, %arg6: memref<128x128xf32, #tpu.memory_space<vmem>>, %arg7: memref<128x128xf32, #tpu.memory_space<vmem>>, %arg8: memref<48x128xf32, #tpu.memory_space<vmem>>, %arg9: memref<1x128xf32, #tpu.memory_space<vmem>>, %arg10: memref<1x128xf32, #tpu.memory_space<vmem>>, %arg11: memref<1x1xf32, #tpu.memory_space<vmem>>, %arg12: memref<128x128xf32, #tpu.memory_space<vmem>>, %arg13: memref<128x128xf32, #tpu.memory_space<vmem>>, %arg14: memref<128x128xf32, #tpu.memory_space<vmem>>, %arg15: memref<1x128xf32, #tpu.memory_space<vmem>>, %arg16: memref<1x24xf32, #tpu.memory_space<vmem>>, %arg17: memref<1x24xf32, #tpu.memory_space<vmem>>, %arg18: memref<1x24xf32, #tpu.memory_space<vmem>>, %arg19: memref<1x24xf32, #tpu.memory_space<vmem>>, %arg20: memref<1024x128xf32, #tpu.memory_space<vmem>>) attributes {dimension_semantics = [#tpu.dimension_semantics<arbitrary>], iteration_bounds = array<i64: 1>, scalar_prefetch = 0 : i64, scratch_operands = 0 : i64, tpu.core_type = #tpu.core_type<tc>, window_params = [{pipeline_mode = #tpu.pipeline_mode<synchronous>, transform_indices = @transform_0, window_bounds = array<i64: 10112, 128>}, {transform_indices = @transform_1, window_bounds = array<i64: 1024, 128>}, {transform_indices = @transform_2, window_bounds = array<i64: 1024, 128>}, {transform_indices = @transform_3, window_bounds = array<i64: 1024, 3>}, {pipeline_mode = #tpu.pipeline_mode<synchronous>, transform_indices = @transform_4, window_bounds = array<i64: 128, 128>}, {pipeline_mode = #tpu.pipeline_mode<synchronous>, transform_indices = @transform_5, window_bounds = array<i64: 128, 128>}, {pipeline_mode = #tpu.pipeline_mode<synchronous>, transform_indices = @transform_6, window_bounds = array<i64: 128, 128>}, {pipeline_mode = #tpu.pipeline_mode<synchronous>, transform_indices = @transform_7, window_bounds = array<i64: 48, 128>}, {pipeline_mode = #tpu.pipeline_mode<synchronous>, transform_indices = @transform_8, window_bounds = array<i64: 1, 128>}, {pipeline_mode = #tpu.pipeline_mode<synchronous>, transform_indices = @transform_9, window_bounds = array<i64: 1, 128>}, {pipeline_mode = #tpu.pipeline_mode<synchronous>, transform_indices = @transform_10, window_bounds = array<i64: 1, 1>}, {pipeline_mode = #tpu.pipeline_mode<synchronous>, transform_indices = @transform_11, window_bounds = array<i64: 128, 128>}, {pipeline_mode = #tpu.pipeline_mode<synchronous>, transform_indices = @transform_12, window_bounds = array<i64: 128, 128>}, {pipeline_mode = #tpu.pipeline_mode<synchronous>, transform_indices = @transform_13, window_bounds = array<i64: 128, 128>}, {pipeline_mode = #tpu.pipeline_mode<synchronous>, transform_indices = @transform_14, window_bounds = array<i64: 1, 128>}, {pipeline_mode = #tpu.pipeline_mode<synchronous>, transform_indices = @transform_15, window_bounds = array<i64: 1, 24>}, {pipeline_mode = #tpu.pipeline_mode<synchronous>, transform_indices = @transform_16, window_bounds = array<i64: 1, 24>}, {pipeline_mode = #tpu.pipeline_mode<synchronous>, transform_indices = @transform_17, window_bounds = array<i64: 1, 24>}, {pipeline_mode = #tpu.pipeline_mode<synchronous>, transform_indices = @transform_18, window_bounds = array<i64: 1, 24>}, {transform_indices = @transform_19, window_bounds = array<i64: 1024, 128>}]} {
    %get3A = arith.constant 0 : index
    %get3A_0 = arith.constant 0 : index
    %get3A_1 = vector.load %arg2[%get3A, %get3A_0] : memref<1024x128xf32, #tpu.memory_space<vmem>>, vector<1024x128xf32>
    %get3A_2 = arith.constant 0 : index
    %get3A_3 = arith.constant 0 : index
    %get3A_4 = vector.load %arg3[%get3A_2, %get3A_3] : memref<1024x128xf32, #tpu.memory_space<vmem>>, vector<1024x128xf32>
    %get3A_5 = arith.constant 0 : index
    %get3A_6 = arith.constant 0 : index
    %get3A_7 = vector.load %arg5[%get3A_5, %get3A_6] : memref<128x128xf32, #tpu.memory_space<vmem>>, vector<128x128xf32>
    %dot_general3A = arith.constant dense<0.000000e+00> : vector<1024x128xf32>
    %dot_general3A_8 = tpu.matmul %get3A_1, %get3A_7, %dot_general3A {dimension_numbers = #tpu.dot_dimension_numbers<[1], [0], [0], [1], [0, 0, 1, 1], [], []>, transpose_lhs_hint = false} : vector<1024x128xf32>, vector<128x128xf32>, vector<1024x128xf32> -> vector<1024x128xf32>
    %get3A_9 = arith.constant 0 : index
    %get3A_10 = arith.constant 0 : index
    %get3A_11 = vector.load %arg6[%get3A_9, %get3A_10] : memref<128x128xf32, #tpu.memory_space<vmem>>, vector<128x128xf32>
    %dot_general3A_12 = arith.constant dense<0.000000e+00> : vector<1024x128xf32>
    %dot_general3A_13 = tpu.matmul %get3A_4, %get3A_11, %dot_general3A_12 {dimension_numbers = #tpu.dot_dimension_numbers<[1], [0], [0], [1], [0, 0, 1, 1], [], []>, transpose_lhs_hint = false} : vector<1024x128xf32>, vector<128x128xf32>, vector<1024x128xf32> -> vector<1024x128xf32>
    %add3A = arith.addf %dot_general3A_8, %dot_general3A_13 : vector<1024x128xf32>
    %get3A_14 = arith.constant 0 : index
    %get3A_15 = arith.constant 0 : index
    %get3A_16 = vector.load %arg9[%get3A_14, %get3A_15] : memref<1x128xf32, #tpu.memory_space<vmem>>, vector<1x128xf32>
    %add3A_17 = vector.broadcast %get3A_16 : vector<1x128xf32> to vector<1024x128xf32>
    %add3A_18 = arith.addf %add3A, %add3A_17 : vector<1024x128xf32>
    %get3A_19 = arith.constant 0 : index
    %get3A_20 = arith.constant 0 : index
    %get3A_21 = vector.load %arg1[%get3A_19, %get3A_20] : memref<10112x128xf32, #tpu.memory_space<vmem>>, vector<10112x128xf32>
    %get3A_22 = arith.constant 0 : index
    %get3A_23 = arith.constant 0 : index
    %get3A_24 = vector.load %arg4[%get3A_22, %get3A_23] : memref<1024x3xf32, #tpu.memory_space<vmem>>, vector<1024x3xf32>
    %slice3A = vector.extract_strided_slice %get3A_24 {offsets = [0, 0], sizes = [1024, 1], strides = [1, 1]} : vector<1024x3xf32> to vector<1024x1xf32>
    %slice3A_25 = vector.extract_strided_slice %get3A_21 {offsets = [0, 0], sizes = [1024, 128], strides = [1, 1]} : vector<10112x128xf32> to vector<1024x128xf32>
    %jit3A = arith.constant 1.000000e+00 : f32
    %max3A = vector.broadcast %jit3A : f32 to vector<1024x1xf32>
    %max3A_26 = arith.maximumf %max3A, %slice3A : vector<1024x1xf32>
    %div3A = vector.broadcast %max3A_26 : vector<1024x1xf32> to vector<1024x128xf32>
    %div3A_27 = arith.divf %slice3A_25, %div3A : vector<1024x128xf32>
    %mul3A = arith.mulf %div3A_27, %div3A_27 : vector<1024x128xf32>
    %reduce_sum3A = arith.constant dense<0.000000e+00> : vector<1024xf32>
    %reduce_sum3A_28 = vector.multi_reduction <add>, %mul3A, %reduce_sum3A [1] : vector<1024x128xf32> to vector<1024xf32>
    %broadcast_in_dim3A = vector.shape_cast %reduce_sum3A_28 : vector<1024xf32> to vector<1024x1xf32>
    %sqrt3A = math.sqrt %broadcast_in_dim3A : vector<1024x1xf32>
    %jit3A_29 = arith.constant 9.99999996E-13 : f32
    %max3A_30 = vector.broadcast %jit3A_29 : f32 to vector<1024x1xf32>
    %max3A_31 = arith.maximumf %max3A_30, %sqrt3A : vector<1024x1xf32>
    %div3A_32 = vector.broadcast %max3A_31 : vector<1024x1xf32> to vector<1024x128xf32>
    %div3A_33 = arith.divf %div3A_27, %div3A_32 : vector<1024x128xf32>
    %get3A_34 = arith.constant 0 : index
    %get3A_35 = arith.constant 0 : index
    %get3A_36 = vector.load %arg16[%get3A_34, %get3A_35] : memref<1x24xf32, #tpu.memory_space<vmem>>, vector<1x24xf32>
    %get3A_37 = arith.constant 0 : index
    %get3A_38 = arith.constant 0 : index
    %get3A_39 = vector.load %arg17[%get3A_37, %get3A_38] : memref<1x24xf32, #tpu.memory_space<vmem>>, vector<1x24xf32>
    %get3A_40 = arith.constant 0 : index
    %get3A_41 = arith.constant 0 : index
    %get3A_42 = vector.load %arg18[%get3A_40, %get3A_41] : memref<1x24xf32, #tpu.memory_space<vmem>>, vector<1x24xf32>
    %get3A_43 = arith.constant 0 : index
    %get3A_44 = arith.constant 0 : index
    %get3A_45 = vector.load %arg19[%get3A_43, %get3A_44] : memref<1x24xf32, #tpu.memory_space<vmem>>, vector<1x24xf32>
    %add3A_46 = arith.constant 2.000000e+00 : f32
    %add3A_47 = arith.constant 1.000000e+00 : f32
    %add3A_48 = arith.addf %add3A_46, %add3A_47 : f32
    %mul3A_49 = vector.broadcast %add3A_48 : f32 to vector<1x24xf32>
    %mul3A_50 = arith.mulf %mul3A_49, %get3A_36 : vector<1x24xf32>
    %add3A_51 = arith.addf %mul3A_50, %get3A_39 : vector<1x24xf32>
    %tanh3A = math.tanh %add3A_51 : vector<1x24xf32>
    %mul3A_52 = arith.constant 2.000000e+00 : f32
    %mul3A_53 = vector.broadcast %mul3A_52 : f32 to vector<1x24xf32>
    %mul3A_54 = arith.mulf %mul3A_53, %get3A_42 : vector<1x24xf32>
    %add3A_55 = arith.addf %mul3A_54, %get3A_45 : vector<1x24xf32>
    %cos3A = math.cos %add3A_55 : vector<1x24xf32>
    %concatenate3A = tpu.concatenate %tanh3A, %cos3A in 1 : vector<1x24xf32>, vector<1x24xf32> -> vector<1x48xf32>
    %get3A_56 = arith.constant 0 : index
    %get3A_57 = arith.constant 0 : index
    %get3A_58 = vector.load %arg16[%get3A_56, %get3A_57] : memref<1x24xf32, #tpu.memory_space<vmem>>, vector<1x24xf32>
    %get3A_59 = arith.constant 0 : index
    %get3A_60 = arith.constant 0 : index
    %get3A_61 = vector.load %arg17[%get3A_59, %get3A_60] : memref<1x24xf32, #tpu.memory_space<vmem>>, vector<1x24xf32>
    %get3A_62 = arith.constant 0 : index
    %get3A_63 = arith.constant 0 : index
    %get3A_64 = vector.load %arg18[%get3A_62, %get3A_63] : memref<1x24xf32, #tpu.memory_space<vmem>>, vector<1x24xf32>
    %get3A_65 = arith.constant 0 : index
    %get3A_66 = arith.constant 0 : index
    %get3A_67 = vector.load %arg19[%get3A_65, %get3A_66] : memref<1x24xf32, #tpu.memory_space<vmem>>, vector<1x24xf32>
    %add3A_68 = arith.constant 1.000000e+02 : f32
    %add3A_69 = arith.constant 1.000000e+00 : f32
    %add3A_70 = arith.addf %add3A_68, %add3A_69 : f32
    %mul3A_71 = vector.broadcast %add3A_70 : f32 to vector<1x24xf32>
    %mul3A_72 = arith.mulf %mul3A_71, %get3A_58 : vector<1x24xf32>
    %add3A_73 = arith.addf %mul3A_72, %get3A_61 : vector<1x24xf32>
    %tanh3A_74 = math.tanh %add3A_73 : vector<1x24xf32>
    %mul3A_75 = arith.constant 1.000000e+02 : f32
    %mul3A_76 = vector.broadcast %mul3A_75 : f32 to vector<1x24xf32>
    %mul3A_77 = arith.mulf %mul3A_76, %get3A_64 : vector<1x24xf32>
    %add3A_78 = arith.addf %mul3A_77, %get3A_67 : vector<1x24xf32>
    %cos3A_79 = math.cos %add3A_78 : vector<1x24xf32>
    %concatenate3A_80 = tpu.concatenate %tanh3A_74, %cos3A_79 in 1 : vector<1x24xf32>, vector<1x24xf32> -> vector<1x48xf32>
    %gt3A = arith.constant 0.000000e+00 : f32
    %gt3A_81 = vector.broadcast %gt3A : f32 to vector<1024x1xf32>
    %gt3A_82 = arith.cmpf ogt, %slice3A, %gt3A_81 : vector<1024x1xf32>
    %get3A_83 = arith.constant 0 : index
    %get3A_84 = arith.constant 0 : index
    %get3A_85 = vector.load %arg8[%get3A_83, %get3A_84] : memref<48x128xf32, #tpu.memory_space<vmem>>, vector<48x128xf32>
    %dot_general3A_86 = arith.constant dense<0.000000e+00> : vector<1x128xf32>
    %dot_general3A_87 = tpu.matmul %concatenate3A, %get3A_85, %dot_general3A_86 {dimension_numbers = #tpu.dot_dimension_numbers<[1], [0], [0], [1], [0, 0, 1, 1], [], []>, transpose_lhs_hint = false} : vector<1x48xf32>, vector<48x128xf32>, vector<1x128xf32> -> vector<1x128xf32>
    %get3A_88 = arith.constant 0 : index
    %get3A_89 = arith.constant 0 : index
    %get3A_90 = vector.load %arg8[%get3A_88, %get3A_89] : memref<48x128xf32, #tpu.memory_space<vmem>>, vector<48x128xf32>
    %dot_general3A_91 = arith.constant dense<0.000000e+00> : vector<1x128xf32>
    %dot_general3A_92 = tpu.matmul %concatenate3A_80, %get3A_90, %dot_general3A_91 {dimension_numbers = #tpu.dot_dimension_numbers<[1], [0], [0], [1], [0, 0, 1, 1], [], []>, transpose_lhs_hint = false} : vector<1x48xf32>, vector<48x128xf32>, vector<1x128xf32> -> vector<1x128xf32>
    %broadcast_in_dim3A_93 = vector.shape_cast %gt3A_82 : vector<1024x1xi1> to vector<1024x1xi1>
    %broadcast_in_dim3A_94 = vector.broadcast %broadcast_in_dim3A_93 : vector<1024x1xi1> to vector<1024x128xi1>
    %broadcast_in_dim3A_95 = vector.shape_cast %dot_general3A_87 : vector<1x128xf32> to vector<1x128xf32>
    %broadcast_in_dim3A_96 = vector.broadcast %broadcast_in_dim3A_95 : vector<1x128xf32> to vector<1024x128xf32>
    %broadcast_in_dim3A_97 = vector.shape_cast %dot_general3A_92 : vector<1x128xf32> to vector<1x128xf32>
    %broadcast_in_dim3A_98 = vector.broadcast %broadcast_in_dim3A_97 : vector<1x128xf32> to vector<1024x128xf32>
    %select_n3A = arith.select %broadcast_in_dim3A_94, %broadcast_in_dim3A_96, %broadcast_in_dim3A_98 : vector<1024x128xi1>, vector<1024x128xf32>
    %get3A_99 = arith.constant 0 : index
    %get3A_100 = arith.constant 0 : index
    %get3A_101 = vector.load %arg7[%get3A_99, %get3A_100] : memref<128x128xf32, #tpu.memory_space<vmem>>, vector<128x128xf32>
    %dot_general3A_102 = arith.constant dense<0.000000e+00> : vector<1024x128xf32>
    %dot_general3A_103 = tpu.matmul %div3A_33, %get3A_101, %dot_general3A_102 {dimension_numbers = #tpu.dot_dimension_numbers<[1], [0], [0], [1], [0, 0, 1, 1], [], []>, transpose_lhs_hint = false} : vector<1024x128xf32>, vector<128x128xf32>, vector<1024x128xf32> -> vector<1024x128xf32>
    %add3A_104 = arith.addf %add3A_18, %dot_general3A_103 : vector<1024x128xf32>
    %add3A_105 = arith.addf %add3A_104, %select_n3A : vector<1024x128xf32>
    %max3A_106 = arith.constant 0.000000e+00 : f32
    %max3A_107 = vector.broadcast %max3A_106 : f32 to vector<1024x128xf32>
    %max3A_108 = arith.maximumf %add3A_105, %max3A_107 : vector<1024x128xf32>
    %get3A_109 = arith.constant 0 : index
    %get3A_110 = arith.constant 0 : index
    %get3A_111 = vector.load %arg10[%get3A_109, %get3A_110] : memref<1x128xf32, #tpu.memory_space<vmem>>, vector<1x128xf32>
    %mul3A_112 = vector.broadcast %get3A_111 : vector<1x128xf32> to vector<1024x128xf32>
    %mul3A_113 = arith.mulf %max3A_108, %mul3A_112 : vector<1024x128xf32>
    %reduce_sum3A_114 = arith.constant dense<0.000000e+00> : vector<1024xf32>
    %reduce_sum3A_115 = vector.multi_reduction <add>, %mul3A_113, %reduce_sum3A_114 [1] : vector<1024x128xf32> to vector<1024xf32>
    %broadcast_in_dim3A_116 = vector.shape_cast %reduce_sum3A_115 : vector<1024xf32> to vector<1024x1xf32>
    %get3A_117 = arith.constant 0 : index
    %get3A_118 = arith.constant 0 : index
    %get3A_119 = vector.load %arg11[%get3A_117, %get3A_118] : memref<1x1xf32, #tpu.memory_space<vmem>>, vector<1x1xf32>
    %add3A_120 = vector.broadcast %get3A_119 : vector<1x1xf32> to vector<1024x1xf32>
    %add3A_121 = arith.addf %broadcast_in_dim3A_116, %add3A_120 : vector<1024x1xf32>
    %get3A_122 = arith.constant 0 : index
    %get3A_123 = arith.constant 0 : index
    %get3A_124 = vector.load %arg4[%get3A_122, %get3A_123] : memref<1024x3xf32, #tpu.memory_space<vmem>>, vector<1024x3xf32>
    %slice3A_125 = vector.extract_strided_slice %get3A_124 {offsets = [0, 1], sizes = [1024, 1], strides = [1, 1]} : vector<1024x3xf32> to vector<1024x1xf32>
    %slice3A_126 = vector.extract_strided_slice %get3A_21 {offsets = [1024, 0], sizes = [1024, 128], strides = [1, 1]} : vector<10112x128xf32> to vector<1024x128xf32>
    %jit3A_127 = arith.constant 1.000000e+00 : f32
    %max3A_128 = vector.broadcast %jit3A_127 : f32 to vector<1024x1xf32>
    %max3A_129 = arith.maximumf %max3A_128, %slice3A_125 : vector<1024x1xf32>
    %div3A_130 = vector.broadcast %max3A_129 : vector<1024x1xf32> to vector<1024x128xf32>
    %div3A_131 = arith.divf %slice3A_126, %div3A_130 : vector<1024x128xf32>
    %mul3A_132 = arith.mulf %div3A_131, %div3A_131 : vector<1024x128xf32>
    %reduce_sum3A_133 = arith.constant dense<0.000000e+00> : vector<1024xf32>
    %reduce_sum3A_134 = vector.multi_reduction <add>, %mul3A_132, %reduce_sum3A_133 [1] : vector<1024x128xf32> to vector<1024xf32>
    %broadcast_in_dim3A_135 = vector.shape_cast %reduce_sum3A_134 : vector<1024xf32> to vector<1024x1xf32>
    %sqrt3A_136 = math.sqrt %broadcast_in_dim3A_135 : vector<1024x1xf32>
    %jit3A_137 = arith.constant 9.99999996E-13 : f32
    %max3A_138 = vector.broadcast %jit3A_137 : f32 to vector<1024x1xf32>
    %max3A_139 = arith.maximumf %max3A_138, %sqrt3A_136 : vector<1024x1xf32>
    %div3A_140 = vector.broadcast %max3A_139 : vector<1024x1xf32> to vector<1024x128xf32>
    %div3A_141 = arith.divf %div3A_131, %div3A_140 : vector<1024x128xf32>
    %get3A_142 = arith.constant 0 : index
    %get3A_143 = arith.constant 0 : index
    %get3A_144 = vector.load %arg16[%get3A_142, %get3A_143] : memref<1x24xf32, #tpu.memory_space<vmem>>, vector<1x24xf32>
    %get3A_145 = arith.constant 0 : index
    %get3A_146 = arith.constant 0 : index
    %get3A_147 = vector.load %arg17[%get3A_145, %get3A_146] : memref<1x24xf32, #tpu.memory_space<vmem>>, vector<1x24xf32>
    %get3A_148 = arith.constant 0 : index
    %get3A_149 = arith.constant 0 : index
    %get3A_150 = vector.load %arg18[%get3A_148, %get3A_149] : memref<1x24xf32, #tpu.memory_space<vmem>>, vector<1x24xf32>
    %get3A_151 = arith.constant 0 : index
    %get3A_152 = arith.constant 0 : index
    %get3A_153 = vector.load %arg19[%get3A_151, %get3A_152] : memref<1x24xf32, #tpu.memory_space<vmem>>, vector<1x24xf32>
    %add3A_154 = arith.constant 1.000000e+00 : f32
    %add3A_155 = arith.constant 1.000000e+00 : f32
    %add3A_156 = arith.addf %add3A_154, %add3A_155 : f32
    %mul3A_157 = vector.broadcast %add3A_156 : f32 to vector<1x24xf32>
    %mul3A_158 = arith.mulf %mul3A_157, %get3A_144 : vector<1x24xf32>
    %add3A_159 = arith.addf %mul3A_158, %get3A_147 : vector<1x24xf32>
    %tanh3A_160 = math.tanh %add3A_159 : vector<1x24xf32>
    %mul3A_161 = arith.constant 1.000000e+00 : f32
    %mul3A_162 = vector.broadcast %mul3A_161 : f32 to vector<1x24xf32>
    %mul3A_163 = arith.mulf %mul3A_162, %get3A_150 : vector<1x24xf32>
    %add3A_164 = arith.addf %mul3A_163, %get3A_153 : vector<1x24xf32>
    %cos3A_165 = math.cos %add3A_164 : vector<1x24xf32>
    %concatenate3A_166 = tpu.concatenate %tanh3A_160, %cos3A_165 in 1 : vector<1x24xf32>, vector<1x24xf32> -> vector<1x48xf32>
    %get3A_167 = arith.constant 0 : index
    %get3A_168 = arith.constant 0 : index
    %get3A_169 = vector.load %arg16[%get3A_167, %get3A_168] : memref<1x24xf32, #tpu.memory_space<vmem>>, vector<1x24xf32>
    %get3A_170 = arith.constant 0 : index
    %get3A_171 = arith.constant 0 : index
    %get3A_172 = vector.load %arg17[%get3A_170, %get3A_171] : memref<1x24xf32, #tpu.memory_space<vmem>>, vector<1x24xf32>
    %get3A_173 = arith.constant 0 : index
    %get3A_174 = arith.constant 0 : index
    %get3A_175 = vector.load %arg18[%get3A_173, %get3A_174] : memref<1x24xf32, #tpu.memory_space<vmem>>, vector<1x24xf32>
    %get3A_176 = arith.constant 0 : index
    %get3A_177 = arith.constant 0 : index
    %get3A_178 = vector.load %arg19[%get3A_176, %get3A_177] : memref<1x24xf32, #tpu.memory_space<vmem>>, vector<1x24xf32>
    %add3A_179 = arith.constant 1.000000e+02 : f32
    %add3A_180 = arith.constant 1.000000e+00 : f32
    %add3A_181 = arith.addf %add3A_179, %add3A_180 : f32
    %mul3A_182 = vector.broadcast %add3A_181 : f32 to vector<1x24xf32>
    %mul3A_183 = arith.mulf %mul3A_182, %get3A_169 : vector<1x24xf32>
    %add3A_184 = arith.addf %mul3A_183, %get3A_172 : vector<1x24xf32>
    %tanh3A_185 = math.tanh %add3A_184 : vector<1x24xf32>
    %mul3A_186 = arith.constant 1.000000e+02 : f32
    %mul3A_187 = vector.broadcast %mul3A_186 : f32 to vector<1x24xf32>
    %mul3A_188 = arith.mulf %mul3A_187, %get3A_175 : vector<1x24xf32>
    %add3A_189 = arith.addf %mul3A_188, %get3A_178 : vector<1x24xf32>
    %cos3A_190 = math.cos %add3A_189 : vector<1x24xf32>
    %concatenate3A_191 = tpu.concatenate %tanh3A_185, %cos3A_190 in 1 : vector<1x24xf32>, vector<1x24xf32> -> vector<1x48xf32>
    %gt3A_192 = arith.constant 0.000000e+00 : f32
    %gt3A_193 = vector.broadcast %gt3A_192 : f32 to vector<1024x1xf32>
    %gt3A_194 = arith.cmpf ogt, %slice3A_125, %gt3A_193 : vector<1024x1xf32>
    %get3A_195 = arith.constant 0 : index
    %get3A_196 = arith.constant 0 : index
    %get3A_197 = vector.load %arg8[%get3A_195, %get3A_196] : memref<48x128xf32, #tpu.memory_space<vmem>>, vector<48x128xf32>
    %dot_general3A_198 = arith.constant dense<0.000000e+00> : vector<1x128xf32>
    %dot_general3A_199 = tpu.matmul %concatenate3A_166, %get3A_197, %dot_general3A_198 {dimension_numbers = #tpu.dot_dimension_numbers<[1], [0], [0], [1], [0, 0, 1, 1], [], []>, transpose_lhs_hint = false} : vector<1x48xf32>, vector<48x128xf32>, vector<1x128xf32> -> vector<1x128xf32>
    %get3A_200 = arith.constant 0 : index
    %get3A_201 = arith.constant 0 : index
    %get3A_202 = vector.load %arg8[%get3A_200, %get3A_201] : memref<48x128xf32, #tpu.memory_space<vmem>>, vector<48x128xf32>
    %dot_general3A_203 = arith.constant dense<0.000000e+00> : vector<1x128xf32>
    %dot_general3A_204 = tpu.matmul %concatenate3A_191, %get3A_202, %dot_general3A_203 {dimension_numbers = #tpu.dot_dimension_numbers<[1], [0], [0], [1], [0, 0, 1, 1], [], []>, transpose_lhs_hint = false} : vector<1x48xf32>, vector<48x128xf32>, vector<1x128xf32> -> vector<1x128xf32>
    %broadcast_in_dim3A_205 = vector.shape_cast %gt3A_194 : vector<1024x1xi1> to vector<1024x1xi1>
    %broadcast_in_dim3A_206 = vector.broadcast %broadcast_in_dim3A_205 : vector<1024x1xi1> to vector<1024x128xi1>
    %broadcast_in_dim3A_207 = vector.shape_cast %dot_general3A_199 : vector<1x128xf32> to vector<1x128xf32>
    %broadcast_in_dim3A_208 = vector.broadcast %broadcast_in_dim3A_207 : vector<1x128xf32> to vector<1024x128xf32>
    %broadcast_in_dim3A_209 = vector.shape_cast %dot_general3A_204 : vector<1x128xf32> to vector<1x128xf32>
    %broadcast_in_dim3A_210 = vector.broadcast %broadcast_in_dim3A_209 : vector<1x128xf32> to vector<1024x128xf32>
    %select_n3A_211 = arith.select %broadcast_in_dim3A_206, %broadcast_in_dim3A_208, %broadcast_in_dim3A_210 : vector<1024x128xi1>, vector<1024x128xf32>
    %get3A_212 = arith.constant 0 : index
    %get3A_213 = arith.constant 0 : index
    %get3A_214 = vector.load %arg7[%get3A_212, %get3A_213] : memref<128x128xf32, #tpu.memory_space<vmem>>, vector<128x128xf32>
    %dot_general3A_215 = arith.constant dense<0.000000e+00> : vector<1024x128xf32>
    %dot_general3A_216 = tpu.matmul %div3A_141, %get3A_214, %dot_general3A_215 {dimension_numbers = #tpu.dot_dimension_numbers<[1], [0], [0], [1], [0, 0, 1, 1], [], []>, transpose_lhs_hint = false} : vector<1024x128xf32>, vector<128x128xf32>, vector<1024x128xf32> -> vector<1024x128xf32>
    %add3A_217 = arith.addf %add3A_18, %dot_general3A_216 : vector<1024x128xf32>
    %add3A_218 = arith.addf %add3A_217, %select_n3A_211 : vector<1024x128xf32>
    %max3A_219 = arith.constant 0.000000e+00 : f32
    %max3A_220 = vector.broadcast %max3A_219 : f32 to vector<1024x128xf32>
    %max3A_221 = arith.maximumf %add3A_218, %max3A_220 : vector<1024x128xf32>
    %get3A_222 = arith.constant 0 : index
    %get3A_223 = arith.constant 0 : index
    %get3A_224 = vector.load %arg10[%get3A_222, %get3A_223] : memref<1x128xf32, #tpu.memory_space<vmem>>, vector<1x128xf32>
    %mul3A_225 = vector.broadcast %get3A_224 : vector<1x128xf32> to vector<1024x128xf32>
    %mul3A_226 = arith.mulf %max3A_221, %mul3A_225 : vector<1024x128xf32>
    %reduce_sum3A_227 = arith.constant dense<0.000000e+00> : vector<1024xf32>
    %reduce_sum3A_228 = vector.multi_reduction <add>, %mul3A_226, %reduce_sum3A_227 [1] : vector<1024x128xf32> to vector<1024xf32>
    %broadcast_in_dim3A_229 = vector.shape_cast %reduce_sum3A_228 : vector<1024xf32> to vector<1024x1xf32>
    %get3A_230 = arith.constant 0 : index
    %get3A_231 = arith.constant 0 : index
    %get3A_232 = vector.load %arg11[%get3A_230, %get3A_231] : memref<1x1xf32, #tpu.memory_space<vmem>>, vector<1x1xf32>
    %add3A_233 = vector.broadcast %get3A_232 : vector<1x1xf32> to vector<1024x1xf32>
    %add3A_234 = arith.addf %broadcast_in_dim3A_229, %add3A_233 : vector<1024x1xf32>
    %get3A_235 = arith.constant 0 : index
    %get3A_236 = arith.constant 0 : index
    %get3A_237 = vector.load %arg4[%get3A_235, %get3A_236] : memref<1024x3xf32, #tpu.memory_space<vmem>>, vector<1024x3xf32>
    %slice3A_238 = vector.extract_strided_slice %get3A_237 {offsets = [0, 2], sizes = [1024, 1], strides = [1, 1]} : vector<1024x3xf32> to vector<1024x1xf32>
    %slice3A_239 = vector.extract_strided_slice %get3A_21 {offsets = [2048, 0], sizes = [1024, 128], strides = [1, 1]} : vector<10112x128xf32> to vector<1024x128xf32>
    %jit3A_240 = arith.constant 1.000000e+00 : f32
    %max3A_241 = vector.broadcast %jit3A_240 : f32 to vector<1024x1xf32>
    %max3A_242 = arith.maximumf %max3A_241, %slice3A_238 : vector<1024x1xf32>
    %div3A_243 = vector.broadcast %max3A_242 : vector<1024x1xf32> to vector<1024x128xf32>
    %div3A_244 = arith.divf %slice3A_239, %div3A_243 : vector<1024x128xf32>
    %mul3A_245 = arith.mulf %div3A_244, %div3A_244 : vector<1024x128xf32>
    %reduce_sum3A_246 = arith.constant dense<0.000000e+00> : vector<1024xf32>
    %reduce_sum3A_247 = vector.multi_reduction <add>, %mul3A_245, %reduce_sum3A_246 [1] : vector<1024x128xf32> to vector<1024xf32>
    %broadcast_in_dim3A_248 = vector.shape_cast %reduce_sum3A_247 : vector<1024xf32> to vector<1024x1xf32>
    %sqrt3A_249 = math.sqrt %broadcast_in_dim3A_248 : vector<1024x1xf32>
    %jit3A_250 = arith.constant 9.99999996E-13 : f32
    %max3A_251 = vector.broadcast %jit3A_250 : f32 to vector<1024x1xf32>
    %max3A_252 = arith.maximumf %max3A_251, %sqrt3A_249 : vector<1024x1xf32>
    %div3A_253 = vector.broadcast %max3A_252 : vector<1024x1xf32> to vector<1024x128xf32>
    %div3A_254 = arith.divf %div3A_244, %div3A_253 : vector<1024x128xf32>
    %get3A_255 = arith.constant 0 : index
    %get3A_256 = arith.constant 0 : index
    %get3A_257 = vector.load %arg16[%get3A_255, %get3A_256] : memref<1x24xf32, #tpu.memory_space<vmem>>, vector<1x24xf32>
    %get3A_258 = arith.constant 0 : index
    %get3A_259 = arith.constant 0 : index
    %get3A_260 = vector.load %arg17[%get3A_258, %get3A_259] : memref<1x24xf32, #tpu.memory_space<vmem>>, vector<1x24xf32>
    %get3A_261 = arith.constant 0 : index
    %get3A_262 = arith.constant 0 : index
    %get3A_263 = vector.load %arg18[%get3A_261, %get3A_262] : memref<1x24xf32, #tpu.memory_space<vmem>>, vector<1x24xf32>
    %get3A_264 = arith.constant 0 : index
    %get3A_265 = arith.constant 0 : index
    %get3A_266 = vector.load %arg19[%get3A_264, %get3A_265] : memref<1x24xf32, #tpu.memory_space<vmem>>, vector<1x24xf32>
    %add3A_267 = arith.constant 0.000000e+00 : f32
    %add3A_268 = arith.constant 1.000000e+00 : f32
    %add3A_269 = arith.addf %add3A_267, %add3A_268 : f32
    %mul3A_270 = vector.broadcast %add3A_269 : f32 to vector<1x24xf32>
    %mul3A_271 = arith.mulf %mul3A_270, %get3A_257 : vector<1x24xf32>
    %add3A_272 = arith.addf %mul3A_271, %get3A_260 : vector<1x24xf32>
    %tanh3A_273 = math.tanh %add3A_272 : vector<1x24xf32>
    %mul3A_274 = arith.constant 0.000000e+00 : f32
    %mul3A_275 = vector.broadcast %mul3A_274 : f32 to vector<1x24xf32>
    %mul3A_276 = arith.mulf %mul3A_275, %get3A_263 : vector<1x24xf32>
    %add3A_277 = arith.addf %mul3A_276, %get3A_266 : vector<1x24xf32>
    %cos3A_278 = math.cos %add3A_277 : vector<1x24xf32>
    %concatenate3A_279 = tpu.concatenate %tanh3A_273, %cos3A_278 in 1 : vector<1x24xf32>, vector<1x24xf32> -> vector<1x48xf32>
    %get3A_280 = arith.constant 0 : index
    %get3A_281 = arith.constant 0 : index
    %get3A_282 = vector.load %arg16[%get3A_280, %get3A_281] : memref<1x24xf32, #tpu.memory_space<vmem>>, vector<1x24xf32>
    %get3A_283 = arith.constant 0 : index
    %get3A_284 = arith.constant 0 : index
    %get3A_285 = vector.load %arg17[%get3A_283, %get3A_284] : memref<1x24xf32, #tpu.memory_space<vmem>>, vector<1x24xf32>
    %get3A_286 = arith.constant 0 : index
    %get3A_287 = arith.constant 0 : index
    %get3A_288 = vector.load %arg18[%get3A_286, %get3A_287] : memref<1x24xf32, #tpu.memory_space<vmem>>, vector<1x24xf32>
    %get3A_289 = arith.constant 0 : index
    %get3A_290 = arith.constant 0 : index
    %get3A_291 = vector.load %arg19[%get3A_289, %get3A_290] : memref<1x24xf32, #tpu.memory_space<vmem>>, vector<1x24xf32>
    %add3A_292 = arith.constant 1.000000e+02 : f32
    %add3A_293 = arith.constant 1.000000e+00 : f32
    %add3A_294 = arith.addf %add3A_292, %add3A_293 : f32
    %mul3A_295 = vector.broadcast %add3A_294 : f32 to vector<1x24xf32>
    %mul3A_296 = arith.mulf %mul3A_295, %get3A_282 : vector<1x24xf32>
    %add3A_297 = arith.addf %mul3A_296, %get3A_285 : vector<1x24xf32>
    %tanh3A_298 = math.tanh %add3A_297 : vector<1x24xf32>
    %mul3A_299 = arith.constant 1.000000e+02 : f32
    %mul3A_300 = vector.broadcast %mul3A_299 : f32 to vector<1x24xf32>
    %mul3A_301 = arith.mulf %mul3A_300, %get3A_288 : vector<1x24xf32>
    %add3A_302 = arith.addf %mul3A_301, %get3A_291 : vector<1x24xf32>
    %cos3A_303 = math.cos %add3A_302 : vector<1x24xf32>
    %concatenate3A_304 = tpu.concatenate %tanh3A_298, %cos3A_303 in 1 : vector<1x24xf32>, vector<1x24xf32> -> vector<1x48xf32>
    %gt3A_305 = arith.constant 0.000000e+00 : f32
    %gt3A_306 = vector.broadcast %gt3A_305 : f32 to vector<1024x1xf32>
    %gt3A_307 = arith.cmpf ogt, %slice3A_238, %gt3A_306 : vector<1024x1xf32>
    %get3A_308 = arith.constant 0 : index
    %get3A_309 = arith.constant 0 : index
    %get3A_310 = vector.load %arg8[%get3A_308, %get3A_309] : memref<48x128xf32, #tpu.memory_space<vmem>>, vector<48x128xf32>
    %dot_general3A_311 = arith.constant dense<0.000000e+00> : vector<1x128xf32>
    %dot_general3A_312 = tpu.matmul %concatenate3A_279, %get3A_310, %dot_general3A_311 {dimension_numbers = #tpu.dot_dimension_numbers<[1], [0], [0], [1], [0, 0, 1, 1], [], []>, transpose_lhs_hint = false} : vector<1x48xf32>, vector<48x128xf32>, vector<1x128xf32> -> vector<1x128xf32>
    %get3A_313 = arith.constant 0 : index
    %get3A_314 = arith.constant 0 : index
    %get3A_315 = vector.load %arg8[%get3A_313, %get3A_314] : memref<48x128xf32, #tpu.memory_space<vmem>>, vector<48x128xf32>
    %dot_general3A_316 = arith.constant dense<0.000000e+00> : vector<1x128xf32>
    %dot_general3A_317 = tpu.matmul %concatenate3A_304, %get3A_315, %dot_general3A_316 {dimension_numbers = #tpu.dot_dimension_numbers<[1], [0], [0], [1], [0, 0, 1, 1], [], []>, transpose_lhs_hint = false} : vector<1x48xf32>, vector<48x128xf32>, vector<1x128xf32> -> vector<1x128xf32>
    %broadcast_in_dim3A_318 = vector.shape_cast %gt3A_307 : vector<1024x1xi1> to vector<1024x1xi1>
    %broadcast_in_dim3A_319 = vector.broadcast %broadcast_in_dim3A_318 : vector<1024x1xi1> to vector<1024x128xi1>
    %broadcast_in_dim3A_320 = vector.shape_cast %dot_general3A_312 : vector<1x128xf32> to vector<1x128xf32>
    %broadcast_in_dim3A_321 = vector.broadcast %broadcast_in_dim3A_320 : vector<1x128xf32> to vector<1024x128xf32>
    %broadcast_in_dim3A_322 = vector.shape_cast %dot_general3A_317 : vector<1x128xf32> to vector<1x128xf32>
    %broadcast_in_dim3A_323 = vector.broadcast %broadcast_in_dim3A_322 : vector<1x128xf32> to vector<1024x128xf32>
    %select_n3A_324 = arith.select %broadcast_in_dim3A_319, %broadcast_in_dim3A_321, %broadcast_in_dim3A_323 : vector<1024x128xi1>, vector<1024x128xf32>
    %get3A_325 = arith.constant 0 : index
    %get3A_326 = arith.constant 0 : index
    %get3A_327 = vector.load %arg7[%get3A_325, %get3A_326] : memref<128x128xf32, #tpu.memory_space<vmem>>, vector<128x128xf32>
    %dot_general3A_328 = arith.constant dense<0.000000e+00> : vector<1024x128xf32>
    %dot_general3A_329 = tpu.matmul %div3A_254, %get3A_327, %dot_general3A_328 {dimension_numbers = #tpu.dot_dimension_numbers<[1], [0], [0], [1], [0, 0, 1, 1], [], []>, transpose_lhs_hint = false} : vector<1024x128xf32>, vector<128x128xf32>, vector<1024x128xf32> -> vector<1024x128xf32>
    %add3A_330 = arith.addf %add3A_18, %dot_general3A_329 : vector<1024x128xf32>
    %add3A_331 = arith.addf %add3A_330, %select_n3A_324 : vector<1024x128xf32>
    %max3A_332 = arith.constant 0.000000e+00 : f32
    %max3A_333 = vector.broadcast %max3A_332 : f32 to vector<1024x128xf32>
    %max3A_334 = arith.maximumf %add3A_331, %max3A_333 : vector<1024x128xf32>
    %get3A_335 = arith.constant 0 : index
    %get3A_336 = arith.constant 0 : index
    %get3A_337 = vector.load %arg10[%get3A_335, %get3A_336] : memref<1x128xf32, #tpu.memory_space<vmem>>, vector<1x128xf32>
    %mul3A_338 = vector.broadcast %get3A_337 : vector<1x128xf32> to vector<1024x128xf32>
    %mul3A_339 = arith.mulf %max3A_334, %mul3A_338 : vector<1024x128xf32>
    %reduce_sum3A_340 = arith.constant dense<0.000000e+00> : vector<1024xf32>
    %reduce_sum3A_341 = vector.multi_reduction <add>, %mul3A_339, %reduce_sum3A_340 [1] : vector<1024x128xf32> to vector<1024xf32>
    %broadcast_in_dim3A_342 = vector.shape_cast %reduce_sum3A_341 : vector<1024xf32> to vector<1024x1xf32>
    %get3A_343 = arith.constant 0 : index
    %get3A_344 = arith.constant 0 : index
    %get3A_345 = vector.load %arg11[%get3A_343, %get3A_344] : memref<1x1xf32, #tpu.memory_space<vmem>>, vector<1x1xf32>
    %add3A_346 = vector.broadcast %get3A_345 : vector<1x1xf32> to vector<1024x1xf32>
    %add3A_347 = arith.addf %broadcast_in_dim3A_342, %add3A_346 : vector<1024x1xf32>
    %concatenate3A_348 = tpu.concatenate %add3A_121, %add3A_234, %add3A_347 in 1 : vector<1024x1xf32>, vector<1024x1xf32>, vector<1024x1xf32> -> vector<1024x3xf32>
    %reduce_max3A = arith.constant dense<0xFF800000> : vector<1024xf32>
    %reduce_max3A_349 = vector.multi_reduction <maximumf>, %concatenate3A_348, %reduce_max3A [1] : vector<1024x3xf32> to vector<1024xf32>
    %broadcast_in_dim3A_350 = vector.shape_cast %reduce_max3A_349 : vector<1024xf32> to vector<1024x1xf32>
    %sub3A = vector.broadcast %broadcast_in_dim3A_350 : vector<1024x1xf32> to vector<1024x3xf32>
    %sub3A_351 = arith.subf %concatenate3A_348, %sub3A : vector<1024x3xf32>
    %exp3A = math.exp %sub3A_351 : vector<1024x3xf32>
    %reduce_sum3A_352 = arith.constant dense<0.000000e+00> : vector<1024xf32>
    %reduce_sum3A_353 = vector.multi_reduction <add>, %exp3A, %reduce_sum3A_352 [1] : vector<1024x3xf32> to vector<1024xf32>
    %broadcast_in_dim3A_354 = vector.shape_cast %reduce_sum3A_353 : vector<1024xf32> to vector<1024x1xf32>
    %div3A_355 = vector.broadcast %broadcast_in_dim3A_354 : vector<1024x1xf32> to vector<1024x3xf32>
    %div3A_356 = arith.divf %exp3A, %div3A_355 : vector<1024x3xf32>
    %slice3A_357 = vector.extract_strided_slice %div3A_356 {offsets = [0, 0], sizes = [1024, 1], strides = [1, 1]} : vector<1024x3xf32> to vector<1024x1xf32>
    %mul3A_358 = vector.broadcast %slice3A_357 : vector<1024x1xf32> to vector<1024x128xf32>
    %mul3A_359 = arith.mulf %mul3A_358, %div3A_33 : vector<1024x128xf32>
    %add3A_360 = arith.constant 0.000000e+00 : f32
    %add3A_361 = vector.broadcast %add3A_360 : f32 to vector<1024x128xf32>
    %add3A_362 = arith.addf %add3A_361, %mul3A_359 : vector<1024x128xf32>
    %slice3A_363 = vector.extract_strided_slice %div3A_356 {offsets = [0, 1], sizes = [1024, 1], strides = [1, 1]} : vector<1024x3xf32> to vector<1024x1xf32>
    %mul3A_364 = vector.broadcast %slice3A_363 : vector<1024x1xf32> to vector<1024x128xf32>
    %mul3A_365 = arith.mulf %mul3A_364, %div3A_141 : vector<1024x128xf32>
    %add3A_366 = arith.addf %add3A_362, %mul3A_365 : vector<1024x128xf32>
    %slice3A_367 = vector.extract_strided_slice %div3A_356 {offsets = [0, 2], sizes = [1024, 1], strides = [1, 1]} : vector<1024x3xf32> to vector<1024x1xf32>
    %mul3A_368 = vector.broadcast %slice3A_367 : vector<1024x1xf32> to vector<1024x128xf32>
    %mul3A_369 = arith.mulf %mul3A_368, %div3A_254 : vector<1024x128xf32>
    %add3A_370 = arith.addf %add3A_366, %mul3A_369 : vector<1024x128xf32>
    %get3A_371 = arith.constant 0 : index
    %get3A_372 = arith.constant 0 : index
    %get3A_373 = vector.load %arg12[%get3A_371, %get3A_372] : memref<128x128xf32, #tpu.memory_space<vmem>>, vector<128x128xf32>
    %dot_general3A_374 = arith.constant dense<0.000000e+00> : vector<1024x128xf32>
    %dot_general3A_375 = tpu.matmul %get3A_1, %get3A_373, %dot_general3A_374 {dimension_numbers = #tpu.dot_dimension_numbers<[1], [0], [0], [1], [0, 0, 1, 1], [], []>, transpose_lhs_hint = false} : vector<1024x128xf32>, vector<128x128xf32>, vector<1024x128xf32> -> vector<1024x128xf32>
    %get3A_376 = arith.constant 0 : index
    %get3A_377 = arith.constant 0 : index
    %get3A_378 = vector.load %arg13[%get3A_376, %get3A_377] : memref<128x128xf32, #tpu.memory_space<vmem>>, vector<128x128xf32>
    %dot_general3A_379 = arith.constant dense<0.000000e+00> : vector<1024x128xf32>
    %dot_general3A_380 = tpu.matmul %get3A_4, %get3A_378, %dot_general3A_379 {dimension_numbers = #tpu.dot_dimension_numbers<[1], [0], [0], [1], [0, 0, 1, 1], [], []>, transpose_lhs_hint = false} : vector<1024x128xf32>, vector<128x128xf32>, vector<1024x128xf32> -> vector<1024x128xf32>
    %add3A_381 = arith.addf %dot_general3A_375, %dot_general3A_380 : vector<1024x128xf32>
    %get3A_382 = arith.constant 0 : index
    %get3A_383 = arith.constant 0 : index
    %get3A_384 = vector.load %arg14[%get3A_382, %get3A_383] : memref<128x128xf32, #tpu.memory_space<vmem>>, vector<128x128xf32>
    %dot_general3A_385 = arith.constant dense<0.000000e+00> : vector<1024x128xf32>
    %dot_general3A_386 = tpu.matmul %add3A_370, %get3A_384, %dot_general3A_385 {dimension_numbers = #tpu.dot_dimension_numbers<[1], [0], [0], [1], [0, 0, 1, 1], [], []>, transpose_lhs_hint = false} : vector<1024x128xf32>, vector<128x128xf32>, vector<1024x128xf32> -> vector<1024x128xf32>
    %add3A_387 = arith.addf %add3A_381, %dot_general3A_386 : vector<1024x128xf32>
    %get3A_388 = arith.constant 0 : index
    %get3A_389 = arith.constant 0 : index
    %get3A_390 = vector.load %arg15[%get3A_388, %get3A_389] : memref<1x128xf32, #tpu.memory_space<vmem>>, vector<1x128xf32>
    %add3A_391 = vector.broadcast %get3A_390 : vector<1x128xf32> to vector<1024x128xf32>
    %add3A_392 = arith.addf %add3A_387, %add3A_391 : vector<1024x128xf32>
    %tanh3A_393 = math.tanh %add3A_392 : vector<1024x128xf32>
    %swap3A = arith.constant 0 : index
    %swap3A_394 = arith.constant 0 : index
    %swap3A_395 = vector.load %arg20[%swap3A, %swap3A_394] : memref<1024x128xf32, #tpu.memory_space<vmem>>, vector<1024x128xf32>
    tpu.vector_store %arg20[%swap3A, %swap3A_394], %tanh3A_393 {strides = array<i32>} : memref<1024x128xf32, #tpu.memory_space<vmem>>, vector<1024x128xf32>,
    return
  }
  func.func @transform_0(%arg0: i32) -> (i32, i32) {
    %c0_i32 = arith.constant 0 : i32
    %c0_i32_0 = arith.constant 0 : i32
    %c0_i32_1 = arith.constant 0 : i32
    return %c0_i32, %c0_i32_0 : i32, i32
  }
  func.func @transform_1(%arg0: i32) -> (i32, i32) {
    %c0_i32 = arith.constant 0 : i32
    %c0_i32_0 = arith.constant 0 : i32
    return %arg0, %c0_i32 : i32, i32
  }
  func.func @transform_2(%arg0: i32) -> (i32, i32) {
    %c0_i32 = arith.constant 0 : i32
    %c0_i32_0 = arith.constant 0 : i32
    return %arg0, %c0_i32 : i32, i32
  }
  func.func @transform_3(%arg0: i32) -> (i32, i32) {
    %c0_i32 = arith.constant 0 : i32
    %c0_i32_0 = arith.constant 0 : i32
    return %arg0, %c0_i32 : i32, i32
  }
  func.func @transform_4(%arg0: i32) -> (i32, i32) {
    %c0_i32 = arith.constant 0 : i32
    %c0_i32_0 = arith.constant 0 : i32
    %c0_i32_1 = arith.constant 0 : i32
    return %c0_i32, %c0_i32_0 : i32, i32
  }
  func.func @transform_5(%arg0: i32) -> (i32, i32) {
    %c0_i32 = arith.constant 0 : i32
    %c0_i32_0 = arith.constant 0 : i32
    %c0_i32_1 = arith.constant 0 : i32
    return %c0_i32, %c0_i32_0 : i32, i32
  }
  func.func @transform_6(%arg0: i32) -> (i32, i32) {
    %c0_i32 = arith.constant 0 : i32
    %c0_i32_0 = arith.constant 0 : i32
    %c0_i32_1 = arith.constant 0 : i32
    return %c0_i32, %c0_i32_0 : i32, i32
  }
  func.func @transform_7(%arg0: i32) -> (i32, i32) {
    %c0_i32 = arith.constant 0 : i32
    %c0_i32_0 = arith.constant 0 : i32
    %c0_i32_1 = arith.constant 0 : i32
    return %c0_i32, %c0_i32_0 : i32, i32
  }
  func.func @transform_8(%arg0: i32) -> (i32, i32) {
    %c0_i32 = arith.constant 0 : i32
    %c0_i32_0 = arith.constant 0 : i32
    %c0_i32_1 = arith.constant 0 : i32
    return %c0_i32, %c0_i32_0 : i32, i32
  }
  func.func @transform_9(%arg0: i32) -> (i32, i32) {
    %c0_i32 = arith.constant 0 : i32
    %c0_i32_0 = arith.constant 0 : i32
    %c0_i32_1 = arith.constant 0 : i32
    return %c0_i32, %c0_i32_0 : i32, i32
  }
  func.func @transform_10(%arg0: i32) -> (i32, i32) {
    %c0_i32 = arith.constant 0 : i32
    %c0_i32_0 = arith.constant 0 : i32
    %c0_i32_1 = arith.constant 0 : i32
    return %c0_i32, %c0_i32_0 : i32, i32
  }
  func.func @transform_11(%arg0: i32) -> (i32, i32) {
    %c0_i32 = arith.constant 0 : i32
    %c0_i32_0 = arith.constant 0 : i32
    %c0_i32_1 = arith.constant 0 : i32
    return %c0_i32, %c0_i32_0 : i32, i32
  }
  func.func @transform_12(%arg0: i32) -> (i32, i32) {
    %c0_i32 = arith.constant 0 : i32
    %c0_i32_0 = arith.constant 0 : i32
    %c0_i32_1 = arith.constant 0 : i32
    return %c0_i32, %c0_i32_0 : i32, i32
  }
  func.func @transform_13(%arg0: i32) -> (i32, i32) {
    %c0_i32 = arith.constant 0 : i32
    %c0_i32_0 = arith.constant 0 : i32
    %c0_i32_1 = arith.constant 0 : i32
    return %c0_i32, %c0_i32_0 : i32, i32
  }
  func.func @transform_14(%arg0: i32) -> (i32, i32) {
    %c0_i32 = arith.constant 0 : i32
    %c0_i32_0 = arith.constant 0 : i32
    %c0_i32_1 = arith.constant 0 : i32
    return %c0_i32, %c0_i32_0 : i32, i32
  }
  func.func @transform_15(%arg0: i32) -> (i32, i32) {
    %c0_i32 = arith.constant 0 : i32
    %c0_i32_0 = arith.constant 0 : i32
    %c0_i32_1 = arith.constant 0 : i32
    return %c0_i32, %c0_i32_0 : i32, i32
  }
  func.func @transform_16(%arg0: i32) -> (i32, i32) {
    %c0_i32 = arith.constant 0 : i32
    %c0_i32_0 = arith.constant 0 : i32
    %c0_i32_1 = arith.constant 0 : i32
    return %c0_i32, %c0_i32_0 : i32, i32
  }
  func.func @transform_17(%arg0: i32) -> (i32, i32) {
    %c0_i32 = arith.constant 0 : i32
    %c0_i32_0 = arith.constant 0 : i32
    %c0_i32_1 = arith.constant 0 : i32
    return %c0_i32, %c0_i32_0 : i32, i32
  }
  func.func @transform_18(%arg0: i32) -> (i32, i32) {
    %c0_i32 = arith.constant 0 : i32
    %c0_i32_0 = arith.constant 0 : i32
    %c0_i32_1 = arith.constant 0 : i32
    return %c0_i32, %c0_i32_0 : i32, i32
  }
  func.func @transform_19(%arg0: i32) -> (i32, i32) {
    %c0_i32 = arith.constant 0 : i32
    %c0_i32_0 = arith.constant 0 : i32
    return %arg0, %c0_i32 : i32, i32
  }
}

module attributes {stable_mosaic.version = 14 : i64} {
  func.func @tc_scores(%arg0: i32, %arg1: memref<1024x128xf32, #tpu.memory_space<vmem>>, %arg2: memref<2048x128xf32, #tpu.memory_space<vmem>>, %arg3: memref<1024x2048xf32, #tpu.memory_space<vmem>>) attributes {dimension_semantics = [#tpu.dimension_semantics<arbitrary>], iteration_bounds = array<i64: 5>, scalar_prefetch = 0 : i64, scratch_operands = 0 : i64, tpu.core_type = #tpu.core_type<tc>, window_params = [{pipeline_mode = #tpu.pipeline_mode<synchronous>, transform_indices = @transform_0, window_bounds = array<i64: 1024, 128>}, {transform_indices = @transform_1, window_bounds = array<i64: 2048, 128>}, {transform_indices = @transform_2, window_bounds = array<i64: 1024, 2048>}]} {
    %get3A = arith.constant 0 : index
    %get3A_0 = arith.constant 0 : index
    %get3A_1 = vector.load %arg1[%get3A, %get3A_0] : memref<1024x128xf32, #tpu.memory_space<vmem>>, vector<1024x128xf32>
    %get3A_2 = arith.constant 0 : index
    %get3A_3 = arith.constant 0 : index
    %get3A_4 = vector.load %arg2[%get3A_2, %get3A_3] : memref<2048x128xf32, #tpu.memory_space<vmem>>, vector<2048x128xf32>
    %dot_general3A = arith.constant dense<0.000000e+00> : vector<1024x2048xf32>
    %dot_general3A_5 = tpu.matmul %get3A_1, %get3A_4, %dot_general3A {dimension_numbers = #tpu.dot_dimension_numbers<[1], [1], [0], [0], [0, 0, 1, 0], [], []>, transpose_lhs_hint = false} : vector<1024x128xf32>, vector<2048x128xf32>, vector<1024x2048xf32> -> vector<1024x2048xf32>
    %swap3A = arith.constant 0 : index
    %swap3A_6 = arith.constant 0 : index
    %swap3A_7 = vector.load %arg3[%swap3A, %swap3A_6] : memref<1024x2048xf32, #tpu.memory_space<vmem>>, vector<1024x2048xf32>
    tpu.vector_store %arg3[%swap3A, %swap3A_6], %dot_general3A_5 {strides = array<i32>} : memref<1024x2048xf32, #tpu.memory_space<vmem>>, vector<1024x2048xf32>,
    return
  }
  func.func @transform_0(%arg0: i32) -> (i32, i32) {
    %c0_i32 = arith.constant 0 : i32
    %c0_i32_0 = arith.constant 0 : i32
    %c0_i32_1 = arith.constant 0 : i32
    return %c0_i32, %c0_i32_0 : i32, i32
  }
  func.func @transform_1(%arg0: i32) -> (i32, i32) {
    %c0_i32 = arith.constant 0 : i32
    %c0_i32_0 = arith.constant 0 : i32
    return %arg0, %c0_i32 : i32, i32
  }
  func.func @transform_2(%arg0: i32) -> (i32, i32) {
    %c0_i32 = arith.constant 0 : i32
    %c0_i32_0 = arith.constant 0 : i32
    return %c0_i32, %arg0 : i32, i32
  }
}

</mosaic_0001>

<sc_bundles>
// kernel: closed_call.27.cloned.1.call-start
scs
__scs_entry_jumppad:
0x0: {  	(pc) =	sbr.rel $0x88, $3  }
0x1: {  	(tag) =	ssettag $0x0;
	lr =	simm.s32 $0x1  }
0x2: {  	[smem:$0x3F87] =	sst lr;
	_ =	strace $0xD0000000  }
0x3: {  	_ = 	snop  }
0x4: {  	_ = 	snop  }
0x5: {  	_ = 	snop  }
0x6: {  	_ = 	snop  }
0x7: {  	_ = 	snop  }
__scs_overlays_trampoline_lowered:
0x8: {  	[smem:$0x3F96] =	sst s0  }
0x9: {  	[smem:$0x3F97] =	sst s1  }
0xa: {  	[smem:$0x3F98] =	sst s2  }
0xb: {  	[smem:$0x3F99] =	sst s3  }
0xc: {  	[smem:$0x3F9A] =	sst s4  }
0xd: {  	[smem:$0x3F9B] =	sst s5  }
0xe: {  	[smem:$0x3F9C] =	sst s6  }
0xf: {  	[smem:$0x3F9D] =	sst s7  }
0x10: {  	[smem:$0x3F9E] =	sst s8  }
0x11: {  	[smem:$0x3F9F] =	sst s9;
	s0 =	simm.s32 @!p0 $0x0  }
0x12: {  	s1 =	sld [smem:$0x3F85];
	s0 =	simm.s32 @p0 $0x1  }
0x13: {  	[smem:$0x3FA0] =	sst s0;
	s0 =	simm.s32 @!p1 $0x0  }
0x14: {  	s2 =	sld [smem:$0x3F84];
	s0 =	simm.s32 @p1 $0x1  }
0x15: {  	[smem:$0x3FA1] =	sst s0;
	s0 =	simm.s32 @!p2 $0x0  }
0x16: {  	s3 =	sld [smem:$0x3FDB];
	s0 =	simm.s32 @p2 $0x1  }
0x17: {  	s4 =	simm.s32 $0x1BF5;
	[smem:$0x3FA3] =	sst s0  }
0x18: {  	s0 =	sld [smem:$0x3F86];
	_ =	swait.ge [sflag:s4], $0x0  }
0x19: {  	s7 =	sld [smem:$0x3F87]  }
0x1a: {  	s8 =	sadd.s32 $0xFFFFE003, lr  }
0x1b: {  	s9 =	sadd.s32 $0xFFFFFEF7, lr;
	s5 =	simm.s32 $0xFFFFFFFF;
	p2 =	slt.u32 s8, $0xFFFFF086  }
0x1c: {  	p1 =	slt.u32 s9, $0xF7A;
	s5 =	simm.s32 @!p2 $0x0  }
0x1d: {  	s5 =	simm.s32 @p1 $0x1;
	p0 =	seq.s32 s7, s2  }
0x1e: {  	s7 =	smul.u32 @!p0 $0xF7A, s2;
	p2 =	seq.s32 @!p0 s5, $0x0  }
0x1f: {  	s9 =	smul.u32 $0xF7A, s1;
	s8 =	simm.s32 @!p0 $0x1BF5;
	p2 =	por !p2, p0  }
0x20: {  	[sflag:s8] =	ssyncset.s32 @!p0 $0xFFFFF086;
	s6 =	sadd.s32 @!p0 s3, s7;
	s7 =	simm.s32 @!p0 $0x108  }
0x21: {  	s3 =	sadd.s32 s3, s9;
	s6 =	sadd.s32 @!p0 $0x88, s6;
	s7 =	simm.s32 @p2 $0x1082  }
0x22: {  	[simem:s7], [sflag:s8] =	dma.local @!p0 [hbm:s6], $0xF7A  }
0x23: {  	s9 =	sor.u32 $0xD0000000, s2;
	s6 =	simm.s32 $0x108;
	_ =	swait.ge @!p0 [sflag:s8], $0x0  }
0x24: {  	s3 =	sadd.s32 $0x88, s3;
	s6 =	simm.s32 @!p1 $0x1082;
	[sflag:s4] =	ssyncset.s32 $0xFFFFF086  }
0x25: {  	[simem:s6], [sflag:s4] =	dma.local [hbm:s3], $0xF7A  }
0x26: {  	[smem:$0x3F87] =	sst s1;
	(tag) =	ssettag s2;
	_ =	strace s9  }
0x27: {  	s1 =	sld [smem:$0x3F97]  }
0x28: {  	s2 =	sld [smem:$0x3F98]  }
0x29: {  	s4 =	sld [smem:$0x3F9A]  }
0x2a: {  	p0 =	seq.s32 s5, $0x0;
	s5 =	sld [smem:$0x3F9B]  }
0x2b: {  	s6 =	sld [smem:$0x3F9C]  }
0x2c: {  	s7 =	sld [smem:$0x3F9D]  }
0x2d: {  	s3 =	simm.s32 $0x108;
	s8 =	sld [smem:$0x3F9E]  }
0x2e: {  	s3 =	simm.s32 @!p0 $0x1082;
	s9 =	sld [smem:$0x3F9F]  }
0x2f: {  	lr =	sadd.s32 s0, s3;
	s0 =	sld [smem:$0x3F96]  }
0x30: {  	s3 =	sld [smem:$0x3F99]  }
0x31: {  	[smem:$0x3FA2] =	sst s10  }
0x32: {  	s10 =	sld [smem:$0x3FA0];
	_ =	sdelay $0x3  }
0x33: {  	p0 =	seq.s32 s10, $0x1;
	s10 =	sld [smem:$0x3FA2];
	_ =	sdelay $0x3  }
0x34: {  	[smem:$0x3FA2] =	sst s10  }
0x35: {  	s10 =	sld [smem:$0x3FA1];
	_ =	sdelay $0x3  }
0x36: {  	p1 =	seq.s32 s10, $0x1;
	s10 =	sld [smem:$0x3FA2];
	_ =	sdelay $0x3  }
0x37: {  	[smem:$0x3FA2] =	sst s10  }
0x38: {  	s10 =	sld [smem:$0x3FA3]  }
0x39: {  	_ = 	snop;
	(pc) =	sbr.ind lr, $3  }
0x3a: {  	_ = 	snop  }
0x3b: {  	_ = 	snop  }
0x3c: {  	p2 =	seq.s32 s10, $0x1;
	s10 =	sld [smem:$0x3FA2]  }
0x3d: {  	_ =	shalt  }
0x3e: {  	_ =	shalt  }
0x3f: {  	_ =	shalt  }
0x40: {  	_ =	shalt  }
0x41: {  	_ =	shalt  }
0x42: {  	_ =	shalt  }
0x43: {  	_ =	shalt  }
0x44: {  	_ =	shalt  }
0x45: {  	_ =	shalt  }
0x46: {  	_ =	shalt  }
0x47: {  	_ =	shalt  }
0x48: {  	_ =	shalt  }
0x49: {  	_ =	shalt  }
0x4a: {  	_ =	shalt  }
0x4b: {  	_ =	shalt  }
0x4c: {  	_ =	shalt  }
0x4d: {  	_ =	shalt  }
0x4e: {  	_ =	shalt  }
0x4f: {  	_ =	shalt  }
0x50: {  	_ =	shalt  }
0x51: {  	_ =	shalt  }
0x52: {  	_ =	shalt  }
0x53: {  	_ =	shalt  }
0x54: {  	_ =	shalt  }
0x55: {  	_ =	shalt  }
0x56: {  	_ =	shalt  }
0x57: {  	_ =	shalt  }
0x58: {  	_ =	shalt  }
0x59: {  	_ =	shalt  }
0x5a: {  	_ =	shalt  }
0x5b: {  	_ =	shalt  }
0x5c: {  	_ =	shalt  }
0x5d: {  	_ =	shalt  }
0x5e: {  	_ =	shalt  }
0x5f: {  	_ =	shalt  }
0x60: {  	_ =	shalt  }
0x61: {  	_ =	shalt  }
0x62: {  	_ =	shalt  }
0x63: {  	_ =	shalt  }
0x64: {  	_ =	shalt  }
0x65: {  	_ =	shalt  }
0x66: {  	_ =	shalt  }
0x67: {  	_ =	shalt  }
0x68: {  	_ =	shalt  }
0x69: {  	_ =	shalt  }
0x6a: {  	_ =	shalt  }
0x6b: {  	_ =	shalt  }
0x6c: {  	_ =	shalt  }
0x6d: {  	_ =	shalt  }
0x6e: {  	_ =	shalt  }
0x6f: {  	_ =	shalt  }
0x70: {  	_ =	shalt  }
0x71: {  	_ =	shalt  }
0x72: {  	_ =	shalt  }
0x73: {  	_ =	shalt  }
0x74: {  	_ =	shalt  }
0x75: {  	_ =	shalt  }
0x76: {  	_ =	shalt  }
0x77: {  	_ =	shalt  }
0x78: {  	_ =	shalt  }
0x79: {  	_ =	shalt  }
0x7a: {  	_ =	shalt  }
0x7b: {  	_ =	shalt  }
0x7c: {  	_ =	shalt  }
0x7d: {  	_ =	shalt  }
0x7e: {  	_ =	shalt  }
0x7f: {  	_ =	shalt  }
0x80: {  	_ =	shalt  }
0x81: {  	_ =	shalt  }
0x82: {  	_ =	shalt  }
0x83: {  	_ =	shalt  }
0x84: {  	_ =	shalt  }
0x85: {  	_ =	shalt  }
0x86: {  	_ =	shalt  }
0x87: {  	_ =	shalt  }
.Lfunc_end0:
.L_simem_size_0:
called_computation_lowered:
.L_overlay_start_0:
0x88: {  	s2 =	sld [smem:$0x3FD9]  }
0x89: {  	s3 =	sld [smem:$0x3FFE];
	_ =	sdelay $0x1  }
0x8a: {  	s1 =	srdreg.scid  }
0x8b: {  	s0 =	sand.u32 $0x1, s1  }
0x8c: {  	s17 =	sshll.u32 s0, $0xA;
	s2 =	sadd.s32 s3, s2  }
0x8d: {  	s2 =	sadd.s32 s2, s17  }
0x8e: {  	[smem:$0x3FAE] =	sst s2  }
0x8f: {  	_ = 	snop  }
0x90: {  	s2 =	sld [smem:$0x3FD0];
	(tm) =	ssettm $0x1  }
0x91: {  	s18 =	sld [smem:$0x3FFB];
	_ =	sdelay $0x3  }
0x92: {  	_ =	strace s18  }
0x93: {  	s3 =	sld [smem:$0x3FFC];
	_ =	sdelay $0x3  }
0x94: {  	_ =	strace s3  }
0x95: {  	s3 =	sld [smem:$0x3FFD];
	_ =	sdelay $0x3  }
0x96: {  	_ =	strace s3  }
0x97: {  	_ =	strace $0x8FFFFFFF  }
0x98: {  	s19 =	sld [smem:$0x3FDB];
	_ =	sdelay $0x1  }
0x99: {  	s4 =	simm.s32 $_scs_section_size  }
0x9a: {  	s5 =	simm.s32 $_size__tile_overlayer_lowered;
	s6 =	simm.s32 $_tile_overlayer_lowered  }
0x9b: {  	s22 =	simm.s32 $0x1BFF;
	s21 =	sshll.u32 s6, $0x1;
	s3 =	sadd.s32 s4, s19  }
0x9c: {  	s7 =	simm.s32 $0x0;
	s20 =	sshll.u32 s5, $0x1;
	s5 =	sadd.s32 s21, s3  }
0x9d: {  	[timem:s7], [sflag:s22] =	dma.local [hbm:s5], s20  }
0x9e: {  	_ =	swait.ge [sflag:s22], s20  }
0x9f: {  	s4 =	ssub.s32 $0x0, s20;
	[sflag:s22] =	ssyncset.done $0x0  }
0xa0: {  	[sflag:s22] =	ssyncadd.s32 s4;
	_ =	sdelay $0x1  }
0xa1: {  	s23 =	simm.s32 $0x1B8B  }
0xa2: {  	_ =	swait.ge [sflag:s23], $0x1  }
0xa3: {  	[sflag:s23] =	ssyncset.done $0x0  }
0xa4: {  	s25 =	simm.s32 $0x1B8E;
	s24 =	sld [smem:$0x3FFE];
	[sflag:s23] =	ssyncadd.s32 $0xFFFFFFFF  }
0xa5: {  	s26 =	simm.s32 $execute0_lowered;
	[smem:$0x3FD2] =	sst s25  }
0xa6: {  	s5 =	sshll.u32 s26, $0x1;
	_ =	strace $0x8000004C;
	[dreg:$0x1] =	wrdreg $0xFFFFFFFF  }
0xa7: {  	s28 =	simm.s32 $_size_execute0_lowered;
	s3 =	sadd.s32 s3, s5;
	[dreg:$0x0] =	wrdreg $0x0  }
0xa8: {  	s5 =	sshll.u32 s28, $0x1;
	[dreg:$0x2] =	wrdreg s3  }
0xa9: {  	[dreg:$0x3] =	wrdreg s5  }
0xaa: {  	[dreg:$0x4] =	wrdreg $0xC0  }
0xab: {  	_ =	task [dreg:s7], $0x5FFFF  }
0xac: {  	[dreg:$0x1] =	wrdreg $0xFFFFFFFF  }
0xad: {  	[dreg:$0x0] =	wrdreg $0x60  }
0xae: {  	[dreg:$0x2] =	wrdreg s24  }
0xaf: {  	[dreg:$0x3] =	wrdreg s2  }
0xb0: {  	[dreg:$0x4] =	wrdreg $0x90000  }
0xb1: {  	[dreg:$0x5] =	wrdreg $0xA  }
0xb2: {  	_ =	task.clear_ibuf [dreg:s7], $0x6FFFF;
	_ =	strace $0x9000004C  }
0xb3: {  	s29 =	simm.s32 $0xA;
	_ =	strace $0x8000004E  }
0xb4: {  	_ =	swait.ge [sflag:s29], $0x1  }
0xb5: {  	[sflag:s29] =	ssyncadd.s32 $0xFFFFFFFF  }
0xb6: {  	_ =	strace $0x9000004E  }
0xb7: {  	_ =	sfence  }
0xb8: {  	s30 =	sld [smem:$0x0];
	_ =	sdelay $0x2  }
0xb9: {  	s31 =	sshll.u32 s1, $0xD;
	s1 =	sshrl.u32 s1, $0x2  }
0xba: {  	s3 =	sand.u32 $0x4000, s31;
	s1 =	sadd.s32 s1, s30  }
0xbb: {  	s0 =	sor.u32 s3, s0;
	s1 =	sshll.u32 s1, $0x11  }
0xbc: {  	s0 =	sor.u32 s1, s0  }
0xbd: {  	s0 =	sadd.s32 $0x8F2B, s0  }
0xbe: {  	[sflag:s0] =	ssyncadd.remote.s32 $0x1  }
0xbf: {  	_ =	sfence.sel $0xFFFF  }
0xc0: {  	[dreg:$0x0] =	wrdreg $0xFFFFFFFF;
	(pc) =	sbr.abs _section_cstart, $3  }
0xc1: {  	[dreg:$0x1] =	wrdreg $0xFFFFFFFF  }
0xc2: {  	_ =	task.clear_ibuf [dreg:s7], $0x2FFFF;
	_ =	strace $0x9FFFFFFF  }
0xc3: {  	(tm) =	ssettm $0x7FFFFFFF  }
tec
execute0_lowered:
.L_overlay_start_1:
0x0: {  	(tag) =	ssettag $0x1  }
0x1: {  	s5 =	rddreg [dreg:$0x0]  }
0x2: {  	s6 =	rddreg [dreg:$0x1]  }
0x3: {  	s1 =	rddreg [dreg:$0x2]  }
0x4: {  	s2 =	srdreg.scid;
	s0 =	rddreg [dreg:$0x3]  }
0x5: {  	s3 =	simm.s32 $0x0;
	s14 =	simm.s32 $0x80;
	s15 =	simm.s32 $0x5000  }
0x6: {  	s16 =	simm.s32 $0x1;
	s17 =	simm.s32 $0x4F00;
	s7 =	sand.u32 $0x1, s2  }
0x7: {  	s18 =	simm.s32 $0x0;
	s2 =	stileid.u32;
	s8 =	smul.u32 $0x13C000, s7  }
0x8: {  	[smem:$0x7FF] =	sst s3;
	s4 =	sshll.u32 s2, $0x1;
	s9 =	smul.u32 $0x13C00, s2  }
0x9: {  	_ =	strace $0x8000004D;
	s28 =	smul.u32 $0x4F000, s2;
	s31 =	sshll.u32 s2, $0x6  }
0xa: {  	s10 =	sor.u32 s7, s4;
	s4 =	sadd.s32 $0xBF600, s5;
	s7 =	ssub.s32 $0x2, s7  }
0xb: {  	s10 =	smul.u32 $0x500, s10;
	s8 =	sadd.s32 s9, s8;
	s29 =	sshrl.u32 s7, $0x1  }
0xc: {  	s30 =	sshrl.u32 s28, $0x2;
	s8 =	sshrl.u32 s8, $0x3;
	s12 =	ssub.s32 s7, s29  }
0xd: {  	s13 =	sadd.s32 s30, s1;
	s10 =	sadd.s32 s10, s5;
	s11 =	sadd.s32 s8, s5  }
0xe: {  	s5 =	sadd.s32 s6, s8;
	s6 =	sor.u32 $0x1C02, s31;
	s7 =	sadd.s32 $0xE6E00, s10  }
0xf: {  	s8 =	sadd.s32 $0xFAE00, s10;
	s9 =	sadd.s32 $0x104E00, s11;
	s10 =	smax.u32 s12, $0x1  }
0x10: {  	s11 =	sshrl.u32 s13, $0x3;
	s12 =	simm.s32 $0x2;
	s13 =	simm.s32 $0x2800  }
.LBB2_1:
0x11: {  	[spmem:s11], [sflag:s6] =	dma.local [hbm:s5], $0x2780  }
0x12: {  	_ =	swait.ge [sflag:s12], $0x2780  }
0x13: {  	[sflag:s12] =	ssyncset.done $0x0  }
0x14: {  	[sflag:s12] =	ssyncadd.s32 $0xFFFFD880  }
0x15: {  	[tilespmem:s3], [sflag:$0x2] =	stream.linear.gather [hbm4b:s7+s3], $0x2780, $0x38;
	[tilespmem:$0x1CC00] =	vst v63  }
0x16: {  	_ =	swait.ge [sflag:s12], $0x2780  }
0x17: {  	[sflag:s12] =	ssyncset.done $0x0  }
0x18: {  	[sflag:s12] =	ssyncadd.s32 $0xFFFFD880  }
0x19: {  	[tilespmem:s13], [sflag:$0x2] =	stream.linear.gather [hbm4b:s8+s3], $0x2780, $0x38;
	[tilespmem:$0x1CC00] =	vst v63  }
0x1a: {  	_ =	swait.ge [sflag:s12], $0x2780  }
0x1b: {  	[sflag:s12] =	ssyncset.done $0x0  }
0x1c: {  	[sflag:s12] =	ssyncadd.s32 $0xFFFFD880  }
0x1d: {  	[bflag:$0x0] =	sbarrier.arrive $0xFFFF  }
0x1e: {  	[tilespmem:s15], [sflag:$0x1] =	stream.indirect.gather [hbm4b:s4+s14], $0x80, s3, s14, $0xb8;
	[tilespmem:$0x1CC00] =	vst v63  }
0x1f: {  	_ =	swait.ge [sflag:s16], $0x4000  }
0x20: {  	[sflag:s16] =	ssyncset.done $0x0  }
0x21: {  	s19 =	simm.s32 $0x2800;
	[sflag:s16] =	ssyncadd.s32 $0xFFFFC000  }
0x22: {  	[spmem:s1] =	stream.indirect.scatter.add.f32 [tilespmem:s15], [sflag:$0x2], $0x80, s19, s14, $0xb8;
	[tilespmem:$0x1CC00] =	vst v63  }
0x23: {  	_ =	swait.ge [sflag:s12], $0x4000  }
0x24: {  	[sflag:s12] =	ssyncset.done $0x0  }
0x25: {  	s20 =	simm.s32 $0x80;
	s19 =	simm.s32 $0x200;
	[sflag:s12] =	ssyncadd.s32 $0xFFFFC000  }
.LBB2_2:
0x26: {  	[tilespmem:s15], [sflag:$0x1] =	stream.indirect.gather [hbm4b:s4+s14], $0x80, s20, s14, $0xb8;
	[tilespmem:$0x1CC00] =	vst v63  }
0x27: {  	s20 =	smov.u32 s19  }
0x28: {  	p0 =	sne.s32 s19, $0x9A00;
	s19 =	sadd.s32 $0x200, s19;
	_ =	swait.ge [sflag:s16], $0x4000  }
0x29: {  	s20 =	sshra.s32 s20, $0x2;
	[sflag:s16] =	ssyncset.done $0x0  }
.Ltmp0:
0x2a: {  	s21 =	sadd.s32 $0x2800, s20;
	[sflag:s16] =	ssyncadd.s32 $0xFFFFC000;
	(pc) =	sbr.rel @p0 .LBB2_2-.Ltmp0, $4  }
0x2b: {  	[spmem:s1] =	stream.indirect.scatter.add.f32 [tilespmem:s15], [sflag:$0x2], $0x80, s21, s14, $0xb8;
	[tilespmem:$0x1CC00] =	vst v63  }
0x2c: {  	_ =	swait.ge [sflag:s12], $0x4000  }
0x2d: {  	[sflag:s12] =	ssyncset.done $0x0  }
0x2e: {  	s20 =	sadd.s32 $0x80, s20;
	[sflag:s12] =	ssyncadd.s32 $0xFFFFC000  }
0x2f: {  	[tilespmem:s15], [sflag:$0x1] =	stream.indirect.gather [hbm4b:s4+s14], $0x80, s20, s14, $0xb8;
	[tilespmem:$0x1CC00] =	vst v63  }
0x30: {  	_ =	swait.ge [sflag:s16], $0x4000  }
0x31: {  	[sflag:s16] =	ssyncset.done $0x0  }
0x32: {  	[sflag:s16] =	ssyncadd.s32 $0xFFFFC000  }
0x33: {  	[spmem:s1] =	stream.indirect.scatter.add.f32 [tilespmem:s15], [sflag:$0x2], $0x80, s17, s14, $0xb8;
	[tilespmem:$0x1CC00] =	vst v63  }
0x34: {  	_ =	swait.ge [sflag:s12], $0x4000  }
0x35: {  	s18 =	sadd.s32 $0x1, s18;
	[sflag:s12] =	ssyncset.done $0x0  }
0x36: {  	p0 =	sne.s32 s18, s10;
	[sflag:s12] =	ssyncadd.s32 $0xFFFFC000  }
.Ltmp1:
0x37: {  	[bflag:$0x0] =	sbarrier.arrive $0xFFFF;
	(pc) =	sbr.rel @p0 .LBB2_1-.Ltmp1, $4  }
0x38: {  	[hbm:s9], [sflag:s6] =	dma.local [spmem:s11], $0x2780  }
0x39: {  	_ =	swait.ge [sflag:s12], $0x2780  }
0x3a: {  	[sflag:s12] =	ssyncset.done $0x0  }
0x3b: {  	[sflag:s12] =	ssyncadd.s32 $0xFFFFD880  }
0x3c: {  	_ =	sfence.sel $0x180000  }
0x3d: {  	[bflag:$0x0] =	sbarrier.arrive $0xFFFF  }
0x3e: {  	p0 =	sne.s32 s2, $0x0;
	_ =	strace $0x9000004D  }
0x3f: {  	s0 =	sadd.s32 @!p0 $0x100000, s0;
	[bflag:$0x2] =	sbarrier.arrive $0xFFFF  }
0x40: {  	[sflag:s0] =	ssyncadd.tile.s32 @!p0 $0x1;
	_ =	shalt  }
.Lfunc_end2:
_tile_overlayer_lowered:
.L_overlay_start_2:
0x41: {  	(tag) =	ssettag $0x2  }
0x42: {  	s0 =	rddreg [dreg:$0x0];
	s2 =	stileid.u32  }
0x43: {  	s1 =	rddreg [dreg:$0x1];
	p0 =	sne.s32 s2, $0x0  }
0x44: {  	s3 =	rddreg [dreg:$0x2];
	[bflag:$0x3] =	sbarrier.arrive $0xFFFF;
	s2 =	simm.s32 @!p0 $0x1C02  }
0x45: {  	[timem:s3], [sflag:s2] =	dma.local @!p0 [hbm:s0], s1  }
0x46: {  	s0 =	simm.s32 @!p0 $0x2  }
0x47: {  	_ =	swait.ge @!p0 [sflag:s0], s1  }
0x48: {  	s1 =	ssub.s32 @!p0 $0x0, s1;
	[sflag:s0] =	ssyncset.done @!p0 $0x0  }
0x49: {  	[sflag:s0] =	ssyncadd.s32 @!p0 s1  }
0x4a: {  	[bflag:$0x3] =	sbarrier.arrive $0xFFFF  }
0x4b: {  	_ =	shalt  }

// kernel: closed_call.30.cloned.1.call-start
scs
__scs_entry_jumppad:
0x0: {  	(pc) =	sbr.rel $0x88, $3  }
0x1: {  	(tag) =	ssettag $0x0;
	lr =	simm.s32 $0x1  }
0x2: {  	[smem:$0x3F87] =	sst lr;
	_ =	strace $0xD0000000  }
0x3: {  	_ = 	snop  }
0x4: {  	_ = 	snop  }
0x5: {  	_ = 	snop  }
0x6: {  	_ = 	snop  }
0x7: {  	_ = 	snop  }
__scs_overlays_trampoline_lowered:
0x8: {  	[smem:$0x3F96] =	sst s0  }
0x9: {  	[smem:$0x3F97] =	sst s1  }
0xa: {  	[smem:$0x3F98] =	sst s2  }
0xb: {  	[smem:$0x3F99] =	sst s3  }
0xc: {  	[smem:$0x3F9A] =	sst s4  }
0xd: {  	[smem:$0x3F9B] =	sst s5  }
0xe: {  	[smem:$0x3F9C] =	sst s6  }
0xf: {  	[smem:$0x3F9D] =	sst s7  }
0x10: {  	[smem:$0x3F9E] =	sst s8  }
0x11: {  	[smem:$0x3F9F] =	sst s9;
	s0 =	simm.s32 @!p0 $0x0  }
0x12: {  	s1 =	sld [smem:$0x3F85];
	s0 =	simm.s32 @p0 $0x1  }
0x13: {  	[smem:$0x3FA0] =	sst s0;
	s0 =	simm.s32 @!p1 $0x0  }
0x14: {  	s2 =	sld [smem:$0x3F84];
	s0 =	simm.s32 @p1 $0x1  }
0x15: {  	[smem:$0x3FA1] =	sst s0;
	s0 =	simm.s32 @!p2 $0x0  }
0x16: {  	s3 =	sld [smem:$0x3FDB];
	s0 =	simm.s32 @p2 $0x1  }
0x17: {  	s4 =	simm.s32 $0x1BF5;
	[smem:$0x3FA3] =	sst s0  }
0x18: {  	s0 =	sld [smem:$0x3F86];
	_ =	swait.ge [sflag:s4], $0x0  }
0x19: {  	s7 =	sld [smem:$0x3F87]  }
0x1a: {  	s8 =	sadd.s32 $0xFFFFE003, lr  }
0x1b: {  	s9 =	sadd.s32 $0xFFFFFEF7, lr;
	s5 =	simm.s32 $0xFFFFFFFF;
	p2 =	slt.u32 s8, $0xFFFFF086  }
0x1c: {  	p1 =	slt.u32 s9, $0xF7A;
	s5 =	simm.s32 @!p2 $0x0  }
0x1d: {  	s5 =	simm.s32 @p1 $0x1;
	p0 =	seq.s32 s7, s2  }
0x1e: {  	s7 =	smul.u32 @!p0 $0xF7A, s2;
	p2 =	seq.s32 @!p0 s5, $0x0  }
0x1f: {  	s9 =	smul.u32 $0xF7A, s1;
	s8 =	simm.s32 @!p0 $0x1BF5;
	p2 =	por !p2, p0  }
0x20: {  	[sflag:s8] =	ssyncset.s32 @!p0 $0xFFFFF086;
	s6 =	sadd.s32 @!p0 s3, s7;
	s7 =	simm.s32 @!p0 $0x108  }
0x21: {  	s3 =	sadd.s32 s3, s9;
	s6 =	sadd.s32 @!p0 $0x88, s6;
	s7 =	simm.s32 @p2 $0x1082  }
0x22: {  	[simem:s7], [sflag:s8] =	dma.local @!p0 [hbm:s6], $0xF7A  }
0x23: {  	s9 =	sor.u32 $0xD0000000, s2;
	s6 =	simm.s32 $0x108;
	_ =	swait.ge @!p0 [sflag:s8], $0x0  }
0x24: {  	s3 =	sadd.s32 $0x88, s3;
	s6 =	simm.s32 @!p1 $0x1082;
	[sflag:s4] =	ssyncset.s32 $0xFFFFF086  }
0x25: {  	[simem:s6], [sflag:s4] =	dma.local [hbm:s3], $0xF7A  }
0x26: {  	[smem:$0x3F87] =	sst s1;
	(tag) =	ssettag s2;
	_ =	strace s9  }
0x27: {  	s1 =	sld [smem:$0x3F97]  }
0x28: {  	s2 =	sld [smem:$0x3F98]  }
0x29: {  	s4 =	sld [smem:$0x3F9A]  }
0x2a: {  	p0 =	seq.s32 s5, $0x0;
	s5 =	sld [smem:$0x3F9B]  }
0x2b: {  	s6 =	sld [smem:$0x3F9C]  }
0x2c: {  	s7 =	sld [smem:$0x3F9D]  }
0x2d: {  	s3 =	simm.s32 $0x108;
	s8 =	sld [smem:$0x3F9E]  }
0x2e: {  	s3 =	simm.s32 @!p0 $0x1082;
	s9 =	sld [smem:$0x3F9F]  }
0x2f: {  	lr =	sadd.s32 s0, s3;
	s0 =	sld [smem:$0x3F96]  }
0x30: {  	s3 =	sld [smem:$0x3F99]  }
0x31: {  	[smem:$0x3FA2] =	sst s10  }
0x32: {  	s10 =	sld [smem:$0x3FA0];
	_ =	sdelay $0x3  }
0x33: {  	p0 =	seq.s32 s10, $0x1;
	s10 =	sld [smem:$0x3FA2];
	_ =	sdelay $0x3  }
0x34: {  	[smem:$0x3FA2] =	sst s10  }
0x35: {  	s10 =	sld [smem:$0x3FA1];
	_ =	sdelay $0x3  }
0x36: {  	p1 =	seq.s32 s10, $0x1;
	s10 =	sld [smem:$0x3FA2];
	_ =	sdelay $0x3  }
0x37: {  	[smem:$0x3FA2] =	sst s10  }
0x38: {  	s10 =	sld [smem:$0x3FA3]  }
0x39: {  	_ = 	snop;
	(pc) =	sbr.ind lr, $3  }
0x3a: {  	_ = 	snop  }
0x3b: {  	_ = 	snop  }
0x3c: {  	p2 =	seq.s32 s10, $0x1;
	s10 =	sld [smem:$0x3FA2]  }
0x3d: {  	_ =	shalt  }
0x3e: {  	_ =	shalt  }
0x3f: {  	_ =	shalt  }
0x40: {  	_ =	shalt  }
0x41: {  	_ =	shalt  }
0x42: {  	_ =	shalt  }
0x43: {  	_ =	shalt  }
0x44: {  	_ =	shalt  }
0x45: {  	_ =	shalt  }
0x46: {  	_ =	shalt  }
0x47: {  	_ =	shalt  }
0x48: {  	_ =	shalt  }
0x49: {  	_ =	shalt  }
0x4a: {  	_ =	shalt  }
0x4b: {  	_ =	shalt  }
0x4c: {  	_ =	shalt  }
0x4d: {  	_ =	shalt  }
0x4e: {  	_ =	shalt  }
0x4f: {  	_ =	shalt  }
0x50: {  	_ =	shalt  }
0x51: {  	_ =	shalt  }
0x52: {  	_ =	shalt  }
0x53: {  	_ =	shalt  }
0x54: {  	_ =	shalt  }
0x55: {  	_ =	shalt  }
0x56: {  	_ =	shalt  }
0x57: {  	_ =	shalt  }
0x58: {  	_ =	shalt  }
0x59: {  	_ =	shalt  }
0x5a: {  	_ =	shalt  }
0x5b: {  	_ =	shalt  }
0x5c: {  	_ =	shalt  }
0x5d: {  	_ =	shalt  }
0x5e: {  	_ =	shalt  }
0x5f: {  	_ =	shalt  }
0x60: {  	_ =	shalt  }
0x61: {  	_ =	shalt  }
0x62: {  	_ =	shalt  }
0x63: {  	_ =	shalt  }
0x64: {  	_ =	shalt  }
0x65: {  	_ =	shalt  }
0x66: {  	_ =	shalt  }
0x67: {  	_ =	shalt  }
0x68: {  	_ =	shalt  }
0x69: {  	_ =	shalt  }
0x6a: {  	_ =	shalt  }
0x6b: {  	_ =	shalt  }
0x6c: {  	_ =	shalt  }
0x6d: {  	_ =	shalt  }
0x6e: {  	_ =	shalt  }
0x6f: {  	_ =	shalt  }
0x70: {  	_ =	shalt  }
0x71: {  	_ =	shalt  }
0x72: {  	_ =	shalt  }
0x73: {  	_ =	shalt  }
0x74: {  	_ =	shalt  }
0x75: {  	_ =	shalt  }
0x76: {  	_ =	shalt  }
0x77: {  	_ =	shalt  }
0x78: {  	_ =	shalt  }
0x79: {  	_ =	shalt  }
0x7a: {  	_ =	shalt  }
0x7b: {  	_ =	shalt  }
0x7c: {  	_ =	shalt  }
0x7d: {  	_ =	shalt  }
0x7e: {  	_ =	shalt  }
0x7f: {  	_ =	shalt  }
0x80: {  	_ =	shalt  }
0x81: {  	_ =	shalt  }
0x82: {  	_ =	shalt  }
0x83: {  	_ =	shalt  }
0x84: {  	_ =	shalt  }
0x85: {  	_ =	shalt  }
0x86: {  	_ =	shalt  }
0x87: {  	_ =	shalt  }
.Lfunc_end0:
.L_simem_size_0:
called_computation.1_lowered:
.L_overlay_start_0:
0x88: {  	s2 =	sld [smem:$0x3FD9]  }
0x89: {  	s3 =	sld [smem:$0x3FFE];
	_ =	sdelay $0x1  }
0x8a: {  	s1 =	srdreg.scid  }
0x8b: {  	s0 =	sand.u32 $0x1, s1  }
0x8c: {  	s17 =	sshll.u32 s0, $0xA;
	s2 =	sadd.s32 s3, s2  }
0x8d: {  	s2 =	sadd.s32 s2, s17  }
0x8e: {  	[smem:$0x3FAE] =	sst s2  }
0x8f: {  	_ = 	snop  }
0x90: {  	s18 =	sld [smem:$0x3FD0];
	(tm) =	ssettm $0x1  }
0x91: {  	s19 =	sld [smem:$0x3FFB];
	_ =	sdelay $0x3  }
0x92: {  	_ =	strace s19  }
0x93: {  	s2 =	sld [smem:$0x3FFC];
	_ =	sdelay $0x3  }
0x94: {  	_ =	strace s2  }
0x95: {  	s2 =	sld [smem:$0x3FFD];
	_ =	sdelay $0x3  }
0x96: {  	_ =	strace s2  }
0x97: {  	_ =	strace $0x8FFFFFFF  }
0x98: {  	s20 =	sld [smem:$0x3FDB];
	_ =	sdelay $0x1  }
0x99: {  	s4 =	simm.s32 $_scs_section_size  }
0x9a: {  	s5 =	simm.s32 $_size__tile_overlayer_lowered;
	s6 =	simm.s32 $_tile_overlayer_lowered  }
0x9b: {  	s7 =	simm.s32 $0x1BFF;
	s21 =	sshll.u32 s6, $0x1;
	s4 =	sadd.s32 s4, s20  }
0x9c: {  	s22 =	simm.s32 $0x0;
	s5 =	sshll.u32 s5, $0x1;
	s6 =	sadd.s32 s21, s4  }
0x9d: {  	[timem:s22], [sflag:s7] =	dma.local [hbm:s6], s5  }
0x9e: {  	_ =	swait.ge [sflag:s7], s5  }
0x9f: {  	s5 =	ssub.s32 $0x0, s5;
	[sflag:s7] =	ssyncset.done $0x0  }
0xa0: {  	[sflag:s7] =	ssyncadd.s32 s5;
	_ =	sdelay $0x1  }
0xa1: {  	s23 =	simm.s32 $0x1B8B  }
0xa2: {  	_ =	swait.ge [sflag:s23], $0x1  }
0xa3: {  	[sflag:s23] =	ssyncset.done $0x0  }
0xa4: {  	[sflag:s23] =	ssyncadd.s32 $0xFFFFFFFF  }
0xa5: {  	s5 =	sld [smem:$0x0]  }
0xa6: {  	s6 =	sand.u32 $0xFFFFFFFE, s1  }
0xa7: {  	p0 =	sne.s32 s1, s6  }
0xa8: {  	s6 =	sshll.u32 @p0 s6, $0xE  }
0xa9: {  	s6 =	sadd.s32 @p0 $0x11B8D, s6;
	s7 =	sshll.u32 @p0 s5, $0x11  }
0xaa: {  	s6 =	sor.u32 @p0 s7, s6  }
0xab: {  	[sflag:s6] =	ssyncadd.remote.s32 @p0 $0x1;
	_ =	sdelay $0x1  }
0xac: {  	s6 =	simm.s32 @p0 $0x1B8D  }
0xad: {  	_ =	swait.eq @p0 [sflag:s6], $0x1  }
0xae: {  	[sflag:s6] =	ssyncadd.s32 @p0 $0xFFFFFFFF  }
0xaf: {  	s7 =	sshll.u32 @!p0 s1, $0xE  }
0xb0: {  	s7 =	sor.u32 @!p0 $0x4000, s7;
	s6 =	simm.s32 @!p0 $0x1B8D  }
0xb1: {  	s5 =	sshll.u32 @!p0 s5, $0x11;
	s7 =	sadd.s32 @!p0 $0x11B8D, s7;
	_ =	swait.eq @!p0 [sflag:s6], $0x1  }
0xb2: {  	s5 =	sor.u32 @!p0 s5, s7;
	[sflag:s6] =	ssyncadd.s32 @!p0 $0xFFFFFFFF  }
0xb3: {  	s25 =	simm.s32 $0x1B8E;
	s24 =	sld [smem:$0x3FFE];
	[sflag:s5] =	ssyncadd.remote.s32 @!p0 $0x1  }
0xb4: {  	s26 =	simm.s32 $execute0_lowered;
	[smem:$0x3FD2] =	sst s25  }
0xb5: {  	s6 =	sshll.u32 s26, $0x1;
	_ =	strace $0x8000004F;
	[dreg:$0x1] =	wrdreg $0xFFFFFFFF  }
0xb6: {  	s28 =	simm.s32 $_size_execute0_lowered;
	s4 =	sadd.s32 s4, s6;
	[dreg:$0x0] =	wrdreg $0x0  }
0xb7: {  	s6 =	sshll.u32 s28, $0x1;
	[dreg:$0x2] =	wrdreg s4  }
0xb8: {  	[dreg:$0x3] =	wrdreg s6  }
0xb9: {  	[dreg:$0x4] =	wrdreg $0xC0  }
0xba: {  	_ =	task [dreg:s22], $0x5FFFF  }
0xbb: {  	[dreg:$0x1] =	wrdreg $0xFFFFFFFF  }
0xbc: {  	[dreg:$0x0] =	wrdreg $0x60  }
0xbd: {  	[dreg:$0x2] =	wrdreg s24  }
0xbe: {  	[dreg:$0x3] =	wrdreg s18  }
0xbf: {  	[dreg:$0x4] =	wrdreg $0x90000  }
0xc0: {  	[dreg:$0x5] =	wrdreg $0xB  }
0xc1: {  	_ =	task.clear_ibuf [dreg:s22], $0x6FFFF;
	_ =	strace $0x9000004F  }
0xc2: {  	s29 =	simm.s32 $0xB;
	_ =	strace $0x80000051  }
0xc3: {  	_ =	swait.ge [sflag:s29], $0x1  }
0xc4: {  	[sflag:s29] =	ssyncadd.s32 $0xFFFFFFFF  }
0xc5: {  	_ =	strace $0x90000051  }
0xc6: {  	_ =	sfence  }
0xc7: {  	s30 =	sld [smem:$0x0];
	_ =	sdelay $0x2  }
0xc8: {  	s31 =	sshll.u32 s1, $0xD;
	s1 =	sshrl.u32 s1, $0x2  }
0xc9: {  	s4 =	sand.u32 $0x4000, s31;
	s1 =	sadd.s32 s1, s30  }
0xca: {  	s0 =	sor.u32 s4, s0;
	s1 =	sshll.u32 s1, $0x11  }
0xcb: {  	s0 =	sor.u32 s1, s0  }
0xcc: {  	s0 =	sadd.s32 $0x8F2B, s0  }
0xcd: {  	[sflag:s0] =	ssyncadd.remote.s32 $0x1  }
0xce: {  	_ =	sfence.sel $0xFFFF  }
0xcf: {  	[dreg:$0x0] =	wrdreg $0xFFFFFFFF;
	(pc) =	sbr.abs _section_cstart, $3  }
0xd0: {  	[dreg:$0x1] =	wrdreg $0xFFFFFFFF  }
0xd1: {  	_ =	task.clear_ibuf [dreg:s22], $0x2FFFF;
	_ =	strace $0x9FFFFFFF  }
0xd2: {  	(tm) =	ssettm $0x7FFFFFFF  }
0xd3: {  	_ =	shalt  }
tec
execute0_lowered:
.L_overlay_start_1:
0x0: {  	(tag) =	ssettag $0x1  }
0x1: {  	s5 =	rddreg [dreg:$0x0]  }
0x2: {  	s6 =	rddreg [dreg:$0x1]  }
0x3: {  	s1 =	rddreg [dreg:$0x2]  }
0x4: {  	s2 =	srdreg.scid;
	s0 =	rddreg [dreg:$0x3]  }
0x5: {  	s3 =	simm.s32 $0x0;
	s14 =	simm.s32 $0x80;
	s15 =	simm.s32 $0x5000  }
0x6: {  	s16 =	simm.s32 $0x1;
	s17 =	simm.s32 $0x4F00;
	s7 =	sand.u32 $0x1, s2  }
0x7: {  	s18 =	simm.s32 $0x0;
	s2 =	stileid.u32;
	s8 =	smul.u32 $0x13C000, s7  }
0x8: {  	[smem:$0x7FF] =	sst s3;
	s4 =	sshll.u32 s2, $0x1;
	s9 =	smul.u32 $0x13C00, s2  }
0x9: {  	_ =	strace $0x80000050;
	s28 =	smul.u32 $0x4F000, s2;
	s31 =	sshll.u32 s2, $0x6  }
0xa: {  	s10 =	sor.u32 s7, s4;
	s4 =	sadd.s32 $0x97E00, s5;
	s7 =	ssub.s32 $0x2, s7  }
0xb: {  	s10 =	smul.u32 $0x500, s10;
	s8 =	sadd.s32 s9, s8;
	s29 =	sshrl.u32 s7, $0x1  }
0xc: {  	s30 =	sshrl.u32 s28, $0x2;
	s8 =	sshrl.u32 s8, $0x3;
	s12 =	ssub.s32 s7, s29  }
0xd: {  	s13 =	sadd.s32 s30, s1;
	s10 =	sadd.s32 s10, s5;
	s11 =	sadd.s32 s8, s5  }
0xe: {  	s5 =	sadd.s32 s6, s8;
	s6 =	sor.u32 $0x1C02, s31;
	s7 =	sadd.s32 $0xF0E00, s10  }
0xf: {  	s8 =	sadd.s32 $0xFAE00, s10;
	s9 =	sadd.s32 $0x153E00, s11;
	s10 =	smax.u32 s12, $0x1  }
0x10: {  	s11 =	sshrl.u32 s13, $0x3;
	s12 =	simm.s32 $0x2;
	s13 =	simm.s32 $0x2800  }
.LBB2_1:
0x11: {  	[spmem:s11], [sflag:s6] =	dma.local [hbm:s5], $0x2780  }
0x12: {  	_ =	swait.ge [sflag:s12], $0x2780  }
0x13: {  	[sflag:s12] =	ssyncset.done $0x0  }
0x14: {  	[sflag:s12] =	ssyncadd.s32 $0xFFFFD880  }
0x15: {  	[tilespmem:s3], [sflag:$0x2] =	stream.linear.gather [hbm4b:s7+s3], $0x2780, $0x38;
	[tilespmem:$0x1CC00] =	vst v63  }
0x16: {  	_ =	swait.ge [sflag:s12], $0x2780  }
0x17: {  	[sflag:s12] =	ssyncset.done $0x0  }
0x18: {  	[sflag:s12] =	ssyncadd.s32 $0xFFFFD880  }
0x19: {  	[tilespmem:s13], [sflag:$0x2] =	stream.linear.gather [hbm4b:s8+s3], $0x2780, $0x38;
	[tilespmem:$0x1CC00] =	vst v63  }
0x1a: {  	_ =	swait.ge [sflag:s12], $0x2780  }
0x1b: {  	[sflag:s12] =	ssyncset.done $0x0  }
0x1c: {  	[sflag:s12] =	ssyncadd.s32 $0xFFFFD880  }
0x1d: {  	[bflag:$0x0] =	sbarrier.arrive $0xFFFF  }
0x1e: {  	[tilespmem:s15], [sflag:$0x1] =	stream.indirect.gather [hbm4b:s4+s14], $0x80, s3, s14, $0xb8;
	[tilespmem:$0x1CC00] =	vst v63  }
0x1f: {  	_ =	swait.ge [sflag:s16], $0x4000  }
0x20: {  	[sflag:s16] =	ssyncset.done $0x0  }
0x21: {  	s19 =	simm.s32 $0x2800;
	[sflag:s16] =	ssyncadd.s32 $0xFFFFC000  }
0x22: {  	[spmem:s1] =	stream.indirect.scatter.add.f32 [tilespmem:s15], [sflag:$0x2], $0x80, s19, s14, $0xb8;
	[tilespmem:$0x1CC00] =	vst v63  }
0x23: {  	_ =	swait.ge [sflag:s12], $0x4000  }
0x24: {  	[sflag:s12] =	ssyncset.done $0x0  }
0x25: {  	s20 =	simm.s32 $0x80;
	s19 =	simm.s32 $0x200;
	[sflag:s12] =	ssyncadd.s32 $0xFFFFC000  }
.LBB2_2:
0x26: {  	[tilespmem:s15], [sflag:$0x1] =	stream.indirect.gather [hbm4b:s4+s14], $0x80, s20, s14, $0xb8;
	[tilespmem:$0x1CC00] =	vst v63  }
0x27: {  	s20 =	smov.u32 s19  }
0x28: {  	p0 =	sne.s32 s19, $0x9A00;
	s19 =	sadd.s32 $0x200, s19;
	_ =	swait.ge [sflag:s16], $0x4000  }
0x29: {  	s20 =	sshra.s32 s20, $0x2;
	[sflag:s16] =	ssyncset.done $0x0  }
.Ltmp0:
0x2a: {  	s21 =	sadd.s32 $0x2800, s20;
	[sflag:s16] =	ssyncadd.s32 $0xFFFFC000;
	(pc) =	sbr.rel @p0 .LBB2_2-.Ltmp0, $4  }
0x2b: {  	[spmem:s1] =	stream.indirect.scatter.add.f32 [tilespmem:s15], [sflag:$0x2], $0x80, s21, s14, $0xb8;
	[tilespmem:$0x1CC00] =	vst v63  }
0x2c: {  	_ =	swait.ge [sflag:s12], $0x4000  }
0x2d: {  	[sflag:s12] =	ssyncset.done $0x0  }
0x2e: {  	s20 =	sadd.s32 $0x80, s20;
	[sflag:s12] =	ssyncadd.s32 $0xFFFFC000  }
0x2f: {  	[tilespmem:s15], [sflag:$0x1] =	stream.indirect.gather [hbm4b:s4+s14], $0x80, s20, s14, $0xb8;
	[tilespmem:$0x1CC00] =	vst v63  }
0x30: {  	_ =	swait.ge [sflag:s16], $0x4000  }
0x31: {  	[sflag:s16] =	ssyncset.done $0x0  }
0x32: {  	[sflag:s16] =	ssyncadd.s32 $0xFFFFC000  }
0x33: {  	[spmem:s1] =	stream.indirect.scatter.add.f32 [tilespmem:s15], [sflag:$0x2], $0x80, s17, s14, $0xb8;
	[tilespmem:$0x1CC00] =	vst v63  }
0x34: {  	_ =	swait.ge [sflag:s12], $0x4000  }
0x35: {  	s18 =	sadd.s32 $0x1, s18;
	[sflag:s12] =	ssyncset.done $0x0  }
0x36: {  	p0 =	sne.s32 s18, s10;
	[sflag:s12] =	ssyncadd.s32 $0xFFFFC000  }
.Ltmp1:
0x37: {  	[bflag:$0x0] =	sbarrier.arrive $0xFFFF;
	(pc) =	sbr.rel @p0 .LBB2_1-.Ltmp1, $4  }
0x38: {  	[hbm:s9], [sflag:s6] =	dma.local [spmem:s11], $0x2780  }
0x39: {  	_ =	swait.ge [sflag:s12], $0x2780  }
0x3a: {  	[sflag:s12] =	ssyncset.done $0x0  }
0x3b: {  	[sflag:s12] =	ssyncadd.s32 $0xFFFFD880  }
0x3c: {  	_ =	sfence.sel $0x180000  }
0x3d: {  	[bflag:$0x0] =	sbarrier.arrive $0xFFFF  }
0x3e: {  	p0 =	sne.s32 s2, $0x0;
	_ =	strace $0x90000050  }
0x3f: {  	s0 =	sadd.s32 @!p0 $0x100000, s0;
	[bflag:$0x2] =	sbarrier.arrive $0xFFFF  }
0x40: {  	[sflag:s0] =	ssyncadd.tile.s32 @!p0 $0x1;
	_ =	shalt  }
.Lfunc_end2:
_tile_overlayer_lowered:
.L_overlay_start_2:
0x41: {  	(tag) =	ssettag $0x2  }
0x42: {  	s0 =	rddreg [dreg:$0x0];
	s2 =	stileid.u32  }
0x43: {  	s1 =	rddreg [dreg:$0x1];
	p0 =	sne.s32 s2, $0x0  }
0x44: {  	s3 =	rddreg [dreg:$0x2];
	[bflag:$0x3] =	sbarrier.arrive $0xFFFF;
	s2 =	simm.s32 @!p0 $0x1C02  }
0x45: {  	[timem:s3], [sflag:s2] =	dma.local @!p0 [hbm:s0], s1  }
0x46: {  	s0 =	simm.s32 @!p0 $0x2  }
0x47: {  	_ =	swait.ge @!p0 [sflag:s0], s1  }
0x48: {  	s1 =	ssub.s32 @!p0 $0x0, s1;
	[sflag:s0] =	ssyncset.done @!p0 $0x0  }
0x49: {  	[sflag:s0] =	ssyncadd.s32 @!p0 s1  }
0x4a: {  	[bflag:$0x3] =	sbarrier.arrive $0xFFFF  }
0x4b: {  	_ =	shalt  }

// kernel: closed_call.33.cloned.1.call-start
scs
__scs_entry_jumppad:
0x0: {  	(pc) =	sbr.rel $0x88, $3  }
0x1: {  	(tag) =	ssettag $0x0;
	lr =	simm.s32 $0x1  }
0x2: {  	[smem:$0x3F87] =	sst lr;
	_ =	strace $0xD0000000  }
0x3: {  	_ = 	snop  }
0x4: {  	_ = 	snop  }
0x5: {  	_ = 	snop  }
0x6: {  	_ = 	snop  }
0x7: {  	_ = 	snop  }
__scs_overlays_trampoline_lowered:
0x8: {  	[smem:$0x3F96] =	sst s0  }
0x9: {  	[smem:$0x3F97] =	sst s1  }
0xa: {  	[smem:$0x3F98] =	sst s2  }
0xb: {  	[smem:$0x3F99] =	sst s3  }
0xc: {  	[smem:$0x3F9A] =	sst s4  }
0xd: {  	[smem:$0x3F9B] =	sst s5  }
0xe: {  	[smem:$0x3F9C] =	sst s6  }
0xf: {  	[smem:$0x3F9D] =	sst s7  }
0x10: {  	[smem:$0x3F9E] =	sst s8  }
0x11: {  	[smem:$0x3F9F] =	sst s9;
	s0 =	simm.s32 @!p0 $0x0  }
0x12: {  	s1 =	sld [smem:$0x3F85];
	s0 =	simm.s32 @p0 $0x1  }
0x13: {  	[smem:$0x3FA0] =	sst s0;
	s0 =	simm.s32 @!p1 $0x0  }
0x14: {  	s2 =	sld [smem:$0x3F84];
	s0 =	simm.s32 @p1 $0x1  }
0x15: {  	[smem:$0x3FA1] =	sst s0;
	s0 =	simm.s32 @!p2 $0x0  }
0x16: {  	s3 =	sld [smem:$0x3FDB];
	s0 =	simm.s32 @p2 $0x1  }
0x17: {  	s4 =	simm.s32 $0x1BF5;
	[smem:$0x3FA3] =	sst s0  }
0x18: {  	s0 =	sld [smem:$0x3F86];
	_ =	swait.ge [sflag:s4], $0x0  }
0x19: {  	s7 =	sld [smem:$0x3F87]  }
0x1a: {  	s8 =	sadd.s32 $0xFFFFE003, lr  }
0x1b: {  	s9 =	sadd.s32 $0xFFFFFEF7, lr;
	s5 =	simm.s32 $0xFFFFFFFF;
	p2 =	slt.u32 s8, $0xFFFFF086  }
0x1c: {  	p1 =	slt.u32 s9, $0xF7A;
	s5 =	simm.s32 @!p2 $0x0  }
0x1d: {  	s5 =	simm.s32 @p1 $0x1;
	p0 =	seq.s32 s7, s2  }
0x1e: {  	s7 =	smul.u32 @!p0 $0xF7A, s2;
	p2 =	seq.s32 @!p0 s5, $0x0  }
0x1f: {  	s9 =	smul.u32 $0xF7A, s1;
	s8 =	simm.s32 @!p0 $0x1BF5;
	p2 =	por !p2, p0  }
0x20: {  	[sflag:s8] =	ssyncset.s32 @!p0 $0xFFFFF086;
	s6 =	sadd.s32 @!p0 s3, s7;
	s7 =	simm.s32 @!p0 $0x108  }
0x21: {  	s3 =	sadd.s32 s3, s9;
	s6 =	sadd.s32 @!p0 $0x88, s6;
	s7 =	simm.s32 @p2 $0x1082  }
0x22: {  	[simem:s7], [sflag:s8] =	dma.local @!p0 [hbm:s6], $0xF7A  }
0x23: {  	s9 =	sor.u32 $0xD0000000, s2;
	s6 =	simm.s32 $0x108;
	_ =	swait.ge @!p0 [sflag:s8], $0x0  }
0x24: {  	s3 =	sadd.s32 $0x88, s3;
	s6 =	simm.s32 @!p1 $0x1082;
	[sflag:s4] =	ssyncset.s32 $0xFFFFF086  }
0x25: {  	[simem:s6], [sflag:s4] =	dma.local [hbm:s3], $0xF7A  }
0x26: {  	[smem:$0x3F87] =	sst s1;
	(tag) =	ssettag s2;
	_ =	strace s9  }
0x27: {  	s1 =	sld [smem:$0x3F97]  }
0x28: {  	s2 =	sld [smem:$0x3F98]  }
0x29: {  	s4 =	sld [smem:$0x3F9A]  }
0x2a: {  	p0 =	seq.s32 s5, $0x0;
	s5 =	sld [smem:$0x3F9B]  }
0x2b: {  	s6 =	sld [smem:$0x3F9C]  }
0x2c: {  	s7 =	sld [smem:$0x3F9D]  }
0x2d: {  	s3 =	simm.s32 $0x108;
	s8 =	sld [smem:$0x3F9E]  }
0x2e: {  	s3 =	simm.s32 @!p0 $0x1082;
	s9 =	sld [smem:$0x3F9F]  }
0x2f: {  	lr =	sadd.s32 s0, s3;
	s0 =	sld [smem:$0x3F96]  }
0x30: {  	s3 =	sld [smem:$0x3F99]  }
0x31: {  	[smem:$0x3FA2] =	sst s10  }
0x32: {  	s10 =	sld [smem:$0x3FA0];
	_ =	sdelay $0x3  }
0x33: {  	p0 =	seq.s32 s10, $0x1;
	s10 =	sld [smem:$0x3FA2];
	_ =	sdelay $0x3  }
0x34: {  	[smem:$0x3FA2] =	sst s10  }
0x35: {  	s10 =	sld [smem:$0x3FA1];
	_ =	sdelay $0x3  }
0x36: {  	p1 =	seq.s32 s10, $0x1;
	s10 =	sld [smem:$0x3FA2];
	_ =	sdelay $0x3  }
0x37: {  	[smem:$0x3FA2] =	sst s10  }
0x38: {  	s10 =	sld [smem:$0x3FA3]  }
0x39: {  	_ = 	snop;
	(pc) =	sbr.ind lr, $3  }
0x3a: {  	_ = 	snop  }
0x3b: {  	_ = 	snop  }
0x3c: {  	p2 =	seq.s32 s10, $0x1;
	s10 =	sld [smem:$0x3FA2]  }
0x3d: {  	_ =	shalt  }
0x3e: {  	_ =	shalt  }
0x3f: {  	_ =	shalt  }
0x40: {  	_ =	shalt  }
0x41: {  	_ =	shalt  }
0x42: {  	_ =	shalt  }
0x43: {  	_ =	shalt  }
0x44: {  	_ =	shalt  }
0x45: {  	_ =	shalt  }
0x46: {  	_ =	shalt  }
0x47: {  	_ =	shalt  }
0x48: {  	_ =	shalt  }
0x49: {  	_ =	shalt  }
0x4a: {  	_ =	shalt  }
0x4b: {  	_ =	shalt  }
0x4c: {  	_ =	shalt  }
0x4d: {  	_ =	shalt  }
0x4e: {  	_ =	shalt  }
0x4f: {  	_ =	shalt  }
0x50: {  	_ =	shalt  }
0x51: {  	_ =	shalt  }
0x52: {  	_ =	shalt  }
0x53: {  	_ =	shalt  }
0x54: {  	_ =	shalt  }
0x55: {  	_ =	shalt  }
0x56: {  	_ =	shalt  }
0x57: {  	_ =	shalt  }
0x58: {  	_ =	shalt  }
0x59: {  	_ =	shalt  }
0x5a: {  	_ =	shalt  }
0x5b: {  	_ =	shalt  }
0x5c: {  	_ =	shalt  }
0x5d: {  	_ =	shalt  }
0x5e: {  	_ =	shalt  }
0x5f: {  	_ =	shalt  }
0x60: {  	_ =	shalt  }
0x61: {  	_ =	shalt  }
0x62: {  	_ =	shalt  }
0x63: {  	_ =	shalt  }
0x64: {  	_ =	shalt  }
0x65: {  	_ =	shalt  }
0x66: {  	_ =	shalt  }
0x67: {  	_ =	shalt  }
0x68: {  	_ =	shalt  }
0x69: {  	_ =	shalt  }
0x6a: {  	_ =	shalt  }
0x6b: {  	_ =	shalt  }
0x6c: {  	_ =	shalt  }
0x6d: {  	_ =	shalt  }
0x6e: {  	_ =	shalt  }
0x6f: {  	_ =	shalt  }
0x70: {  	_ =	shalt  }
0x71: {  	_ =	shalt  }
0x72: {  	_ =	shalt  }
0x73: {  	_ =	shalt  }
0x74: {  	_ =	shalt  }
0x75: {  	_ =	shalt  }
0x76: {  	_ =	shalt  }
0x77: {  	_ =	shalt  }
0x78: {  	_ =	shalt  }
0x79: {  	_ =	shalt  }
0x7a: {  	_ =	shalt  }
0x7b: {  	_ =	shalt  }
0x7c: {  	_ =	shalt  }
0x7d: {  	_ =	shalt  }
0x7e: {  	_ =	shalt  }
0x7f: {  	_ =	shalt  }
0x80: {  	_ =	shalt  }
0x81: {  	_ =	shalt  }
0x82: {  	_ =	shalt  }
0x83: {  	_ =	shalt  }
0x84: {  	_ =	shalt  }
0x85: {  	_ =	shalt  }
0x86: {  	_ =	shalt  }
0x87: {  	_ =	shalt  }
.Lfunc_end0:
.L_simem_size_0:
called_computation.2_lowered:
.L_overlay_start_0:
0x88: {  	s2 =	sld [smem:$0x3FD9]  }
0x89: {  	s3 =	sld [smem:$0x3FFE];
	_ =	sdelay $0x1  }
0x8a: {  	s1 =	srdreg.scid  }
0x8b: {  	s0 =	sand.u32 $0x1, s1  }
0x8c: {  	s17 =	sshll.u32 s0, $0xA;
	s2 =	sadd.s32 s3, s2  }
0x8d: {  	s2 =	sadd.s32 s2, s17  }
0x8e: {  	[smem:$0x3FAE] =	sst s2  }
0x8f: {  	_ = 	snop  }
0x90: {  	(tm) =	ssettm $0x1  }
0x91: {  	s18 =	sld [smem:$0x3FFB];
	_ =	sdelay $0x3  }
0x92: {  	_ =	strace s18  }
0x93: {  	s2 =	sld [smem:$0x3FFC];
	_ =	sdelay $0x3  }
0x94: {  	_ =	strace s2  }
0x95: {  	s2 =	sld [smem:$0x3FFD];
	_ =	sdelay $0x3  }
0x96: {  	_ =	strace s2  }
0x97: {  	_ =	strace $0x8FFFFFFF  }
0x98: {  	s19 =	sld [smem:$0x3FDB];
	_ =	sdelay $0x1  }
0x99: {  	s20 =	simm.s32 $_scs_section_size  }
0x9a: {  	s4 =	simm.s32 $_size__tile_overlayer_lowered;
	s5 =	simm.s32 $_tile_overlayer_lowered  }
0x9b: {  	s6 =	simm.s32 $0x1BFF;
	s21 =	sshll.u32 s5, $0x1;
	s3 =	sadd.s32 s20, s19  }
0x9c: {  	s22 =	simm.s32 $0x0;
	s4 =	sshll.u32 s4, $0x1;
	s5 =	sadd.s32 s21, s3  }
0x9d: {  	[timem:s22], [sflag:s6] =	dma.local [hbm:s5], s4  }
0x9e: {  	_ =	swait.ge [sflag:s6], s4  }
0x9f: {  	s4 =	ssub.s32 $0x0, s4;
	[sflag:s6] =	ssyncset.done $0x0  }
0xa0: {  	[sflag:s6] =	ssyncadd.s32 s4;
	_ =	sdelay $0x1  }
0xa1: {  	s23 =	simm.s32 $0x1B8B  }
0xa2: {  	_ =	swait.ge [sflag:s23], $0x1  }
0xa3: {  	[sflag:s23] =	ssyncset.done $0x0  }
0xa4: {  	[sflag:s23] =	ssyncadd.s32 $0xFFFFFFFF  }
0xa5: {  	s4 =	sld [smem:$0x0]  }
0xa6: {  	s5 =	sand.u32 $0xFFFFFFFE, s1  }
0xa7: {  	p0 =	sne.s32 s1, s5  }
0xa8: {  	s5 =	sshll.u32 @p0 s5, $0xE  }
0xa9: {  	s5 =	sadd.s32 @p0 $0x11B8D, s5;
	s6 =	sshll.u32 @p0 s4, $0x11  }
0xaa: {  	s5 =	sor.u32 @p0 s6, s5  }
0xab: {  	[sflag:s5] =	ssyncadd.remote.s32 @p0 $0x1;
	_ =	sdelay $0x1  }
0xac: {  	s5 =	simm.s32 @p0 $0x1B8D  }
0xad: {  	_ =	swait.eq @p0 [sflag:s5], $0x1  }
0xae: {  	[sflag:s5] =	ssyncadd.s32 @p0 $0xFFFFFFFF  }
0xaf: {  	s6 =	sshll.u32 @!p0 s1, $0xE  }
0xb0: {  	s6 =	sor.u32 @!p0 $0x4000, s6;
	s5 =	simm.s32 @!p0 $0x1B8D  }
0xb1: {  	s4 =	sshll.u32 @!p0 s4, $0x11;
	s6 =	sadd.s32 @!p0 $0x11B8D, s6;
	_ =	swait.eq @!p0 [sflag:s5], $0x1  }
0xb2: {  	s4 =	sor.u32 @!p0 s4, s6;
	[sflag:s5] =	ssyncadd.s32 @!p0 $0xFFFFFFFF  }
0xb3: {  	s25 =	simm.s32 $0x1B8E;
	s24 =	sld [smem:$0x3FFE];
	[sflag:s4] =	ssyncadd.remote.s32 @!p0 $0x1  }
0xb4: {  	s26 =	simm.s32 $execute0_lowered;
	[smem:$0x3FD2] =	sst s25  }
0xb5: {  	s5 =	sshll.u32 s26, $0x1;
	_ =	strace $0x80000055;
	[dreg:$0x1] =	wrdreg $0xFFFFFFFF  }
0xb6: {  	s28 =	simm.s32 $_size_execute0_lowered;
	s3 =	sadd.s32 s3, s5;
	[dreg:$0x0] =	wrdreg $0x0  }
0xb7: {  	s5 =	sshll.u32 s28, $0x1;
	[dreg:$0x2] =	wrdreg s3  }
0xb8: {  	[dreg:$0x3] =	wrdreg s5  }
0xb9: {  	[dreg:$0x4] =	wrdreg $0xC0  }
0xba: {  	_ =	task [dreg:s22], $0x5FFFF  }
0xbb: {  	[dreg:$0x1] =	wrdreg $0xFFFFFFFF  }
0xbc: {  	[dreg:$0x0] =	wrdreg $0x60  }
0xbd: {  	[dreg:$0x2] =	wrdreg s24  }
0xbe: {  	[dreg:$0x3] =	wrdreg $0x90000  }
0xbf: {  	[dreg:$0x4] =	wrdreg $0xA  }
0xc0: {  	_ =	task.clear_ibuf [dreg:s22], $0x5FFFF;
	_ =	strace $0x90000055  }
0xc1: {  	s29 =	simm.s32 $0xA;
	_ =	strace $0x80000057  }
0xc2: {  	_ =	swait.ge [sflag:s29], $0x1  }
0xc3: {  	[sflag:s29] =	ssyncadd.s32 $0xFFFFFFFF  }
0xc4: {  	_ =	strace $0x90000057  }
0xc5: {  	_ =	sfence  }
0xc6: {  	s30 =	sld [smem:$0x0];
	_ =	sdelay $0x2  }
0xc7: {  	s31 =	sshll.u32 s1, $0xD;
	s1 =	sshrl.u32 s1, $0x2  }
0xc8: {  	s4 =	sand.u32 $0x4000, s31;
	s1 =	sadd.s32 s1, s30  }
0xc9: {  	s0 =	sor.u32 s4, s0;
	s1 =	sshll.u32 s1, $0x11  }
0xca: {  	s0 =	sor.u32 s1, s0  }
0xcb: {  	s0 =	sadd.s32 $0x8F2B, s0  }
0xcc: {  	[sflag:s0] =	ssyncadd.remote.s32 $0x1  }
0xcd: {  	_ =	sfence.sel $0xFFFF  }
0xce: {  	[dreg:$0x0] =	wrdreg $0xFFFFFFFF;
	(pc) =	sbr.abs _section_cstart, $3  }
0xcf: {  	[dreg:$0x1] =	wrdreg $0xFFFFFFFF  }
0xd0: {  	_ =	task.clear_ibuf [dreg:s22], $0x2FFFF;
	_ =	strace $0x9FFFFFFF  }
0xd1: {  	(tm) =	ssettm $0x7FFFFFFF  }
tec
execute0_lowered:
.L_overlay_start_1:
0x0: {  	(tag) =	ssettag $0x1  }
0x1: {  	s5 =	rddreg [dreg:$0x0]  }
0x2: {  	s1 =	rddreg [dreg:$0x1]  }
0x3: {  	s2 =	srdreg.scid;
	s0 =	rddreg [dreg:$0x2]  }
0x4: {  	s3 =	simm.s32 $0x0;
	s13 =	simm.s32 $0x2800;
	s14 =	simm.s32 $0x80  }
0x5: {  	s15 =	simm.s32 $0x5000;
	s16 =	simm.s32 $0x1;
	s6 =	sand.u32 $0x1, s2  }
0x6: {  	s17 =	simm.s32 $0x4F00;
	s2 =	stileid.u32;
	s7 =	smul.u32 $0x13C000, s6  }
0x7: {  	s18 =	simm.s32 $0x0;
	[smem:$0x7FF] =	sst s3;
	s8 =	smul.u32 $0x13C00, s2  }
0x8: {  	s4 =	sshll.u32 s2, $0x1;
	_ =	strace $0x80000056;
	s28 =	smul.u32 $0x4F000, s2  }
0x9: {  	s31 =	sshll.u32 s2, $0x6;
	s9 =	sor.u32 s6, s4;
	s4 =	sadd.s32 $0x104E00, s5  }
0xa: {  	s6 =	ssub.s32 $0x2, s6;
	s9 =	smul.u32 $0x500, s9;
	s7 =	sadd.s32 s8, s7  }
0xb: {  	s29 =	sshrl.u32 s6, $0x1;
	s30 =	sshrl.u32 s28, $0x2;
	s7 =	sshrl.u32 s7, $0x3  }
0xc: {  	s11 =	ssub.s32 s6, s29;
	s12 =	sadd.s32 s30, s1;
	s10 =	sadd.s32 s7, s5  }
0xd: {  	s6 =	sor.u32 $0x1C02, s31;
	s9 =	sadd.s32 s9, s5;
	s5 =	sadd.s32 $0x153E00, s10  }
0xe: {  	s7 =	sadd.s32 $0xE6E00, s9;
	s8 =	sadd.s32 $0xFAE00, s9;
	s9 =	sadd.s32 $0x1F1E00, s10  }
0xf: {  	s10 =	smax.u32 s11, $0x1;
	s11 =	sshrl.u32 s12, $0x3;
	s12 =	simm.s32 $0x2  }
.LBB2_1:
0x10: {  	[spmem:s11], [sflag:s6] =	dma.local [hbm:s5], $0x2780  }
0x11: {  	_ =	swait.ge [sflag:s12], $0x2780  }
0x12: {  	[sflag:s12] =	ssyncset.done $0x0  }
0x13: {  	[sflag:s12] =	ssyncadd.s32 $0xFFFFD880  }
0x14: {  	[tilespmem:s3], [sflag:$0x2] =	stream.linear.gather [hbm4b:s7+s3], $0x2780, $0x38;
	[tilespmem:$0x1CC00] =	vst v63  }
0x15: {  	_ =	swait.ge [sflag:s12], $0x2780  }
0x16: {  	[sflag:s12] =	ssyncset.done $0x0  }
0x17: {  	[sflag:s12] =	ssyncadd.s32 $0xFFFFD880  }
0x18: {  	[tilespmem:s13], [sflag:$0x2] =	stream.linear.gather [hbm4b:s8+s3], $0x2780, $0x38;
	[tilespmem:$0x1CC00] =	vst v63  }
0x19: {  	_ =	swait.ge [sflag:s12], $0x2780  }
0x1a: {  	[sflag:s12] =	ssyncset.done $0x0  }
0x1b: {  	[sflag:s12] =	ssyncadd.s32 $0xFFFFD880  }
0x1c: {  	[bflag:$0x0] =	sbarrier.arrive $0xFFFF  }
0x1d: {  	[tilespmem:s15], [sflag:$0x1] =	stream.indirect.gather [hbm4b:s4+s14], $0x80, s3, s14, $0xb8;
	[tilespmem:$0x1CC00] =	vst v63  }
0x1e: {  	_ =	swait.ge [sflag:s16], $0x4000  }
0x1f: {  	[sflag:s16] =	ssyncset.done $0x0  }
0x20: {  	s19 =	simm.s32 $0x2800;
	[sflag:s16] =	ssyncadd.s32 $0xFFFFC000  }
0x21: {  	[spmem:s1] =	stream.indirect.scatter.add.f32 [tilespmem:s15], [sflag:$0x2], $0x80, s19, s14, $0xb8;
	[tilespmem:$0x1CC00] =	vst v63  }
0x22: {  	_ =	swait.ge [sflag:s12], $0x4000  }
0x23: {  	[sflag:s12] =	ssyncset.done $0x0  }
0x24: {  	s20 =	simm.s32 $0x80;
	s19 =	simm.s32 $0x200;
	[sflag:s12] =	ssyncadd.s32 $0xFFFFC000  }
.LBB2_2:
0x25: {  	[tilespmem:s15], [sflag:$0x1] =	stream.indirect.gather [hbm4b:s4+s14], $0x80, s20, s14, $0xb8;
	[tilespmem:$0x1CC00] =	vst v63  }
0x26: {  	s20 =	smov.u32 s19  }
0x27: {  	p0 =	sne.s32 s19, $0x9A00;
	s19 =	sadd.s32 $0x200, s19;
	_ =	swait.ge [sflag:s16], $0x4000  }
0x28: {  	s20 =	sshra.s32 s20, $0x2;
	[sflag:s16] =	ssyncset.done $0x0  }
.Ltmp0:
0x29: {  	s21 =	sadd.s32 $0x2800, s20;
	[sflag:s16] =	ssyncadd.s32 $0xFFFFC000;
	(pc) =	sbr.rel @p0 .LBB2_2-.Ltmp0, $4  }
0x2a: {  	[spmem:s1] =	stream.indirect.scatter.add.f32 [tilespmem:s15], [sflag:$0x2], $0x80, s21, s14, $0xb8;
	[tilespmem:$0x1CC00] =	vst v63  }
0x2b: {  	_ =	swait.ge [sflag:s12], $0x4000  }
0x2c: {  	[sflag:s12] =	ssyncset.done $0x0  }
0x2d: {  	s20 =	sadd.s32 $0x80, s20;
	[sflag:s12] =	ssyncadd.s32 $0xFFFFC000  }
0x2e: {  	[tilespmem:s15], [sflag:$0x1] =	stream.indirect.gather [hbm4b:s4+s14], $0x80, s20, s14, $0xb8;
	[tilespmem:$0x1CC00] =	vst v63  }
0x2f: {  	_ =	swait.ge [sflag:s16], $0x4000  }
0x30: {  	[sflag:s16] =	ssyncset.done $0x0  }
0x31: {  	[sflag:s16] =	ssyncadd.s32 $0xFFFFC000  }
0x32: {  	[spmem:s1] =	stream.indirect.scatter.add.f32 [tilespmem:s15], [sflag:$0x2], $0x80, s17, s14, $0xb8;
	[tilespmem:$0x1CC00] =	vst v63  }
0x33: {  	_ =	swait.ge [sflag:s12], $0x4000  }
0x34: {  	s18 =	sadd.s32 $0x1, s18;
	[sflag:s12] =	ssyncset.done $0x0  }
0x35: {  	p0 =	sne.s32 s18, s10;
	[sflag:s12] =	ssyncadd.s32 $0xFFFFC000  }
.Ltmp1:
0x36: {  	[bflag:$0x0] =	sbarrier.arrive $0xFFFF;
	(pc) =	sbr.rel @p0 .LBB2_1-.Ltmp1, $4  }
0x37: {  	[hbm:s9], [sflag:s6] =	dma.local [spmem:s11], $0x2780  }
0x38: {  	_ =	swait.ge [sflag:s12], $0x2780  }
0x39: {  	[sflag:s12] =	ssyncset.done $0x0  }
0x3a: {  	[sflag:s12] =	ssyncadd.s32 $0xFFFFD880  }
0x3b: {  	_ =	sfence.sel $0x180000  }
0x3c: {  	[bflag:$0x0] =	sbarrier.arrive $0xFFFF  }
0x3d: {  	p0 =	sne.s32 s2, $0x0;
	_ =	strace $0x90000056  }
0x3e: {  	s0 =	sadd.s32 @!p0 $0x100000, s0;
	[bflag:$0x2] =	sbarrier.arrive $0xFFFF  }
0x3f: {  	[sflag:s0] =	ssyncadd.tile.s32 @!p0 $0x1;
	_ =	shalt  }
.Lfunc_end2:
_tile_overlayer_lowered:
.L_overlay_start_2:
0x40: {  	(tag) =	ssettag $0x2  }
0x41: {  	s0 =	rddreg [dreg:$0x0];
	s2 =	stileid.u32  }
0x42: {  	s1 =	rddreg [dreg:$0x1];
	p0 =	sne.s32 s2, $0x0  }
0x43: {  	s3 =	rddreg [dreg:$0x2];
	[bflag:$0x3] =	sbarrier.arrive $0xFFFF;
	s2 =	simm.s32 @!p0 $0x1C02  }
0x44: {  	[timem:s3], [sflag:s2] =	dma.local @!p0 [hbm:s0], s1  }
0x45: {  	s0 =	simm.s32 @!p0 $0x2  }
0x46: {  	_ =	swait.ge @!p0 [sflag:s0], s1  }
0x47: {  	s1 =	ssub.s32 @!p0 $0x0, s1;
	[sflag:s0] =	ssyncset.done @!p0 $0x0  }
0x48: {  	[sflag:s0] =	ssyncadd.s32 @!p0 s1  }
0x49: {  	[bflag:$0x3] =	sbarrier.arrive $0xFFFF  }
0x4a: {  	_ =	shalt  }

// kernel: closed_call.36.cloned.1.call-start
scs
__scs_entry_jumppad:
0x0: {  	(pc) =	sbr.rel $0x88, $3  }
0x1: {  	(tag) =	ssettag $0x0;
	lr =	simm.s32 $0x1  }
0x2: {  	[smem:$0x3F87] =	sst lr;
	_ =	strace $0xD0000000  }
0x3: {  	_ = 	snop  }
0x4: {  	_ = 	snop  }
0x5: {  	_ = 	snop  }
0x6: {  	_ = 	snop  }
0x7: {  	_ = 	snop  }
__scs_overlays_trampoline_lowered:
0x8: {  	[smem:$0x3F96] =	sst s0  }
0x9: {  	[smem:$0x3F97] =	sst s1  }
0xa: {  	[smem:$0x3F98] =	sst s2  }
0xb: {  	[smem:$0x3F99] =	sst s3  }
0xc: {  	[smem:$0x3F9A] =	sst s4  }
0xd: {  	[smem:$0x3F9B] =	sst s5  }
0xe: {  	[smem:$0x3F9C] =	sst s6  }
0xf: {  	[smem:$0x3F9D] =	sst s7  }
0x10: {  	[smem:$0x3F9E] =	sst s8  }
0x11: {  	[smem:$0x3F9F] =	sst s9;
	s0 =	simm.s32 @!p0 $0x0  }
0x12: {  	s1 =	sld [smem:$0x3F85];
	s0 =	simm.s32 @p0 $0x1  }
0x13: {  	[smem:$0x3FA0] =	sst s0;
	s0 =	simm.s32 @!p1 $0x0  }
0x14: {  	s2 =	sld [smem:$0x3F84];
	s0 =	simm.s32 @p1 $0x1  }
0x15: {  	[smem:$0x3FA1] =	sst s0;
	s0 =	simm.s32 @!p2 $0x0  }
0x16: {  	s3 =	sld [smem:$0x3FDB];
	s0 =	simm.s32 @p2 $0x1  }
0x17: {  	s4 =	simm.s32 $0x1BF5;
	[smem:$0x3FA3] =	sst s0  }
0x18: {  	s0 =	sld [smem:$0x3F86];
	_ =	swait.ge [sflag:s4], $0x0  }
0x19: {  	s7 =	sld [smem:$0x3F87]  }
0x1a: {  	s8 =	sadd.s32 $0xFFFFE003, lr  }
0x1b: {  	s9 =	sadd.s32 $0xFFFFFEF7, lr;
	s5 =	simm.s32 $0xFFFFFFFF;
	p2 =	slt.u32 s8, $0xFFFFF086  }
0x1c: {  	p1 =	slt.u32 s9, $0xF7A;
	s5 =	simm.s32 @!p2 $0x0  }
0x1d: {  	s5 =	simm.s32 @p1 $0x1;
	p0 =	seq.s32 s7, s2  }
0x1e: {  	s7 =	smul.u32 @!p0 $0xF7A, s2;
	p2 =	seq.s32 @!p0 s5, $0x0  }
0x1f: {  	s9 =	smul.u32 $0xF7A, s1;
	s8 =	simm.s32 @!p0 $0x1BF5;
	p2 =	por !p2, p0  }
0x20: {  	[sflag:s8] =	ssyncset.s32 @!p0 $0xFFFFF086;
	s6 =	sadd.s32 @!p0 s3, s7;
	s7 =	simm.s32 @!p0 $0x108  }
0x21: {  	s3 =	sadd.s32 s3, s9;
	s6 =	sadd.s32 @!p0 $0x88, s6;
	s7 =	simm.s32 @p2 $0x1082  }
0x22: {  	[simem:s7], [sflag:s8] =	dma.local @!p0 [hbm:s6], $0xF7A  }
0x23: {  	s9 =	sor.u32 $0xD0000000, s2;
	s6 =	simm.s32 $0x108;
	_ =	swait.ge @!p0 [sflag:s8], $0x0  }
0x24: {  	s3 =	sadd.s32 $0x88, s3;
	s6 =	simm.s32 @!p1 $0x1082;
	[sflag:s4] =	ssyncset.s32 $0xFFFFF086  }
0x25: {  	[simem:s6], [sflag:s4] =	dma.local [hbm:s3], $0xF7A  }
0x26: {  	[smem:$0x3F87] =	sst s1;
	(tag) =	ssettag s2;
	_ =	strace s9  }
0x27: {  	s1 =	sld [smem:$0x3F97]  }
0x28: {  	s2 =	sld [smem:$0x3F98]  }
0x29: {  	s4 =	sld [smem:$0x3F9A]  }
0x2a: {  	p0 =	seq.s32 s5, $0x0;
	s5 =	sld [smem:$0x3F9B]  }
0x2b: {  	s6 =	sld [smem:$0x3F9C]  }
0x2c: {  	s7 =	sld [smem:$0x3F9D]  }
0x2d: {  	s3 =	simm.s32 $0x108;
	s8 =	sld [smem:$0x3F9E]  }
0x2e: {  	s3 =	simm.s32 @!p0 $0x1082;
	s9 =	sld [smem:$0x3F9F]  }
0x2f: {  	lr =	sadd.s32 s0, s3;
	s0 =	sld [smem:$0x3F96]  }
0x30: {  	s3 =	sld [smem:$0x3F99]  }
0x31: {  	[smem:$0x3FA2] =	sst s10  }
0x32: {  	s10 =	sld [smem:$0x3FA0];
	_ =	sdelay $0x3  }
0x33: {  	p0 =	seq.s32 s10, $0x1;
	s10 =	sld [smem:$0x3FA2];
	_ =	sdelay $0x3  }
0x34: {  	[smem:$0x3FA2] =	sst s10  }
0x35: {  	s10 =	sld [smem:$0x3FA1];
	_ =	sdelay $0x3  }
0x36: {  	p1 =	seq.s32 s10, $0x1;
	s10 =	sld [smem:$0x3FA2];
	_ =	sdelay $0x3  }
0x37: {  	[smem:$0x3FA2] =	sst s10  }
0x38: {  	s10 =	sld [smem:$0x3FA3]  }
0x39: {  	_ = 	snop;
	(pc) =	sbr.ind lr, $3  }
0x3a: {  	_ = 	snop  }
0x3b: {  	_ = 	snop  }
0x3c: {  	p2 =	seq.s32 s10, $0x1;
	s10 =	sld [smem:$0x3FA2]  }
0x3d: {  	_ =	shalt  }
0x3e: {  	_ =	shalt  }
0x3f: {  	_ =	shalt  }
0x40: {  	_ =	shalt  }
0x41: {  	_ =	shalt  }
0x42: {  	_ =	shalt  }
0x43: {  	_ =	shalt  }
0x44: {  	_ =	shalt  }
0x45: {  	_ =	shalt  }
0x46: {  	_ =	shalt  }
0x47: {  	_ =	shalt  }
0x48: {  	_ =	shalt  }
0x49: {  	_ =	shalt  }
0x4a: {  	_ =	shalt  }
0x4b: {  	_ =	shalt  }
0x4c: {  	_ =	shalt  }
0x4d: {  	_ =	shalt  }
0x4e: {  	_ =	shalt  }
0x4f: {  	_ =	shalt  }
0x50: {  	_ =	shalt  }
0x51: {  	_ =	shalt  }
0x52: {  	_ =	shalt  }
0x53: {  	_ =	shalt  }
0x54: {  	_ =	shalt  }
0x55: {  	_ =	shalt  }
0x56: {  	_ =	shalt  }
0x57: {  	_ =	shalt  }
0x58: {  	_ =	shalt  }
0x59: {  	_ =	shalt  }
0x5a: {  	_ =	shalt  }
0x5b: {  	_ =	shalt  }
0x5c: {  	_ =	shalt  }
0x5d: {  	_ =	shalt  }
0x5e: {  	_ =	shalt  }
0x5f: {  	_ =	shalt  }
0x60: {  	_ =	shalt  }
0x61: {  	_ =	shalt  }
0x62: {  	_ =	shalt  }
0x63: {  	_ =	shalt  }
0x64: {  	_ =	shalt  }
0x65: {  	_ =	shalt  }
0x66: {  	_ =	shalt  }
0x67: {  	_ =	shalt  }
0x68: {  	_ =	shalt  }
0x69: {  	_ =	shalt  }
0x6a: {  	_ =	shalt  }
0x6b: {  	_ =	shalt  }
0x6c: {  	_ =	shalt  }
0x6d: {  	_ =	shalt  }
0x6e: {  	_ =	shalt  }
0x6f: {  	_ =	shalt  }
0x70: {  	_ =	shalt  }
0x71: {  	_ =	shalt  }
0x72: {  	_ =	shalt  }
0x73: {  	_ =	shalt  }
0x74: {  	_ =	shalt  }
0x75: {  	_ =	shalt  }
0x76: {  	_ =	shalt  }
0x77: {  	_ =	shalt  }
0x78: {  	_ =	shalt  }
0x79: {  	_ =	shalt  }
0x7a: {  	_ =	shalt  }
0x7b: {  	_ =	shalt  }
0x7c: {  	_ =	shalt  }
0x7d: {  	_ =	shalt  }
0x7e: {  	_ =	shalt  }
0x7f: {  	_ =	shalt  }
0x80: {  	_ =	shalt  }
0x81: {  	_ =	shalt  }
0x82: {  	_ =	shalt  }
0x83: {  	_ =	shalt  }
0x84: {  	_ =	shalt  }
0x85: {  	_ =	shalt  }
0x86: {  	_ =	shalt  }
0x87: {  	_ =	shalt  }
.Lfunc_end0:
.L_simem_size_0:
called_computation.3_lowered:
.L_overlay_start_0:
0x88: {  	s2 =	sld [smem:$0x3FD9]  }
0x89: {  	s3 =	sld [smem:$0x3FFE];
	_ =	sdelay $0x1  }
0x8a: {  	s1 =	srdreg.scid  }
0x8b: {  	s0 =	sand.u32 $0x1, s1  }
0x8c: {  	s17 =	sshll.u32 s0, $0xA;
	s2 =	sadd.s32 s3, s2  }
0x8d: {  	s2 =	sadd.s32 s2, s17  }
0x8e: {  	[smem:$0x3FAE] =	sst s2  }
0x8f: {  	_ = 	snop  }
0x90: {  	s18 =	sld [smem:$0x3FD0];
	(tm) =	ssettm $0x1  }
0x91: {  	s19 =	sld [smem:$0x3FFB];
	_ =	sdelay $0x3  }
0x92: {  	_ =	strace s19  }
0x93: {  	s2 =	sld [smem:$0x3FFC];
	_ =	sdelay $0x3  }
0x94: {  	_ =	strace s2  }
0x95: {  	s2 =	sld [smem:$0x3FFD];
	_ =	sdelay $0x3  }
0x96: {  	_ =	strace s2  }
0x97: {  	_ =	strace $0x8FFFFFFF  }
0x98: {  	s20 =	sld [smem:$0x3FDB];
	_ =	sdelay $0x1  }
0x99: {  	s4 =	simm.s32 $_scs_section_size  }
0x9a: {  	s5 =	simm.s32 $_size__tile_overlayer_lowered;
	s6 =	simm.s32 $_tile_overlayer_lowered  }
0x9b: {  	s7 =	simm.s32 $0x1BFF;
	s21 =	sshll.u32 s6, $0x1;
	s4 =	sadd.s32 s4, s20  }
0x9c: {  	s22 =	simm.s32 $0x0;
	s5 =	sshll.u32 s5, $0x1;
	s6 =	sadd.s32 s21, s4  }
0x9d: {  	[timem:s22], [sflag:s7] =	dma.local [hbm:s6], s5  }
0x9e: {  	_ =	swait.ge [sflag:s7], s5  }
0x9f: {  	s5 =	ssub.s32 $0x0, s5;
	[sflag:s7] =	ssyncset.done $0x0  }
0xa0: {  	[sflag:s7] =	ssyncadd.s32 s5;
	_ =	sdelay $0x1  }
0xa1: {  	s23 =	simm.s32 $0x1B8B  }
0xa2: {  	_ =	swait.ge [sflag:s23], $0x1  }
0xa3: {  	[sflag:s23] =	ssyncset.done $0x0  }
0xa4: {  	[sflag:s23] =	ssyncadd.s32 $0xFFFFFFFF  }
0xa5: {  	s5 =	sld [smem:$0x0]  }
0xa6: {  	s6 =	sand.u32 $0xFFFFFFFE, s1  }
0xa7: {  	p0 =	sne.s32 s1, s6  }
0xa8: {  	s6 =	sshll.u32 @p0 s6, $0xE  }
0xa9: {  	s6 =	sadd.s32 @p0 $0x11B8D, s6;
	s7 =	sshll.u32 @p0 s5, $0x11  }
0xaa: {  	s6 =	sor.u32 @p0 s7, s6  }
0xab: {  	[sflag:s6] =	ssyncadd.remote.s32 @p0 $0x1;
	_ =	sdelay $0x1  }
0xac: {  	s6 =	simm.s32 @p0 $0x1B8D  }
0xad: {  	_ =	swait.eq @p0 [sflag:s6], $0x1  }
0xae: {  	[sflag:s6] =	ssyncadd.s32 @p0 $0xFFFFFFFF  }
0xaf: {  	s7 =	sshll.u32 @!p0 s1, $0xE  }
0xb0: {  	s7 =	sor.u32 @!p0 $0x4000, s7;
	s6 =	simm.s32 @!p0 $0x1B8D  }
0xb1: {  	s5 =	sshll.u32 @!p0 s5, $0x11;
	s7 =	sadd.s32 @!p0 $0x11B8D, s7;
	_ =	swait.eq @!p0 [sflag:s6], $0x1  }
0xb2: {  	s5 =	sor.u32 @!p0 s5, s7;
	[sflag:s6] =	ssyncadd.s32 @!p0 $0xFFFFFFFF  }
0xb3: {  	s25 =	simm.s32 $0x1B8E;
	s24 =	sld [smem:$0x3FFE];
	[sflag:s5] =	ssyncadd.remote.s32 @!p0 $0x1  }
0xb4: {  	s26 =	simm.s32 $execute0_lowered;
	[smem:$0x3FD2] =	sst s25  }
0xb5: {  	s6 =	sshll.u32 s26, $0x1;
	_ =	strace $0x80000052;
	[dreg:$0x1] =	wrdreg $0xFFFFFFFF  }
0xb6: {  	s28 =	simm.s32 $_size_execute0_lowered;
	s4 =	sadd.s32 s4, s6;
	[dreg:$0x0] =	wrdreg $0x0  }
0xb7: {  	s6 =	sshll.u32 s28, $0x1;
	[dreg:$0x2] =	wrdreg s4  }
0xb8: {  	[dreg:$0x3] =	wrdreg s6  }
0xb9: {  	[dreg:$0x4] =	wrdreg $0xC0  }
0xba: {  	_ =	task [dreg:s22], $0x5FFFF  }
0xbb: {  	[dreg:$0x1] =	wrdreg $0xFFFFFFFF  }
0xbc: {  	[dreg:$0x0] =	wrdreg $0x60  }
0xbd: {  	[dreg:$0x2] =	wrdreg s24  }
0xbe: {  	[dreg:$0x3] =	wrdreg s18  }
0xbf: {  	[dreg:$0x4] =	wrdreg $0x68000  }
0xc0: {  	[dreg:$0x5] =	wrdreg $0x9  }
0xc1: {  	_ =	task.clear_ibuf [dreg:s22], $0x6FFFF;
	_ =	strace $0x90000052  }
0xc2: {  	s29 =	simm.s32 $0x9;
	_ =	strace $0x80000054  }
0xc3: {  	_ =	swait.ge [sflag:s29], $0x1  }
0xc4: {  	[sflag:s29] =	ssyncadd.s32 $0xFFFFFFFF  }
0xc5: {  	_ =	strace $0x90000054  }
0xc6: {  	_ =	sfence  }
0xc7: {  	s30 =	sld [smem:$0x0];
	_ =	sdelay $0x2  }
0xc8: {  	s31 =	sshll.u32 s1, $0xD;
	s1 =	sshrl.u32 s1, $0x2  }
0xc9: {  	s4 =	sand.u32 $0x4000, s31;
	s1 =	sadd.s32 s1, s30  }
0xca: {  	s0 =	sor.u32 s4, s0;
	s1 =	sshll.u32 s1, $0x11  }
0xcb: {  	s0 =	sor.u32 s1, s0  }
0xcc: {  	s0 =	sadd.s32 $0x8F2B, s0  }
0xcd: {  	[sflag:s0] =	ssyncadd.remote.s32 $0x1  }
0xce: {  	_ =	sfence.sel $0xFFFF  }
0xcf: {  	[dreg:$0x0] =	wrdreg $0xFFFFFFFF;
	(pc) =	sbr.abs _section_cstart, $3  }
0xd0: {  	[dreg:$0x1] =	wrdreg $0xFFFFFFFF  }
0xd1: {  	_ =	task.clear_ibuf [dreg:s22], $0x2FFFF;
	_ =	strace $0x9FFFFFFF  }
0xd2: {  	(tm) =	ssettm $0x7FFFFFFF  }
0xd3: {  	_ =	shalt  }
tec
execute0_lowered:
.L_overlay_start_1:
0x0: {  	(tag) =	ssettag $0x1  }
0x1: {  	s4 =	rddreg [dreg:$0x0]  }
0x2: {  	s5 =	rddreg [dreg:$0x1]  }
0x3: {  	s2 =	rddreg [dreg:$0x2];
	s3 =	srdreg.scid  }
0x4: {  	s0 =	rddreg [dreg:$0x3];
	s1 =	stileid.u32  }
0x5: {  	s12 =	simm.s32 $0x2800;
	s13 =	simm.s32 $0x0;
	s9 =	smul.u32 $0x13C00, s1  }
0x6: {  	s6 =	sand.u32 $0x1, s3;
	s3 =	simm.s32 $0x0;
	s29 =	smul.u32 $0x4F000, s1  }
0x7: {  	s7 =	sshll.u32 s1, $0x1;
	s31 =	sshll.u32 s1, $0x6;
	s8 =	smul.u32 $0x13C000, s6  }
0x8: {  	[smem:$0x7FF] =	sst s3;
	s7 =	sor.u32 s6, s7;
	s6 =	ssub.s32 $0x2, s6  }
0x9: {  	_ =	strace $0x80000053;
	s7 =	smul.u32 $0x500, s7;
	s10 =	sshrl.u32 s6, $0x1  }
0xa: {  	s30 =	sshrl.u32 s29, $0x2;
	s8 =	sadd.s32 s9, s8;
	s10 =	ssub.s32 s6, s10  }
0xb: {  	s9 =	sadd.s32 s30, s2;
	s7 =	sadd.s32 s7, s4;
	s8 =	sshrl.u32 s8, $0x3  }
0xc: {  	s9 =	sshrl.u32 s9, $0x3;
	s11 =	sadd.s32 s8, s4;
	s4 =	sadd.s32 s5, s8  }
0xd: {  	s5 =	sor.u32 $0x1C01, s31;
	s6 =	sadd.s32 $0xFAE00, s7;
	s8 =	smax.u32 s10, $0x1  }
0xe: {  	v0 =	vimm.f32 $1.000000000e+00;
	s10 =	simm.s32 $0x1;
	s7 =	sadd.s32 $0x1A2E00, s11;
	s11 =	simm.s32 $0x80  }
.LBB2_1:
0xf: {  	[spmem:s9], [sflag:s5] =	dma.local [hbm:s4], $0x2780  }
0x10: {  	_ =	swait.ge [sflag:s10], $0x2780  }
0x11: {  	[sflag:s10] =	ssyncset.done $0x0  }
0x12: {  	[sflag:s10] =	ssyncadd.s32 $0xFFFFD880  }
0x13: {  	[tilespmem:s3], [sflag:$0x1] =	stream.linear.gather [hbm4b:s6+s3], $0x2780, $0x38;
	[tilespmem:$0x1A400] =	vst v63  }
0x14: {  	_ =	swait.ge [sflag:s10], $0x2780  }
0x15: {  	[sflag:s10] =	ssyncset.done $0x0  }
0x16: {  	s14 =	simm.s32 $0x0;
	s15 =	simm.s32 $0x200;
	[sflag:s10] =	ssyncadd.s32 $0xFFFFD880  }
.LBB2_2:
0x17: {  	p0 =	sne.s32 s15, $0xFE00;
	[tilespmem:s14+$0x2870] =	vst v0  }
0x18: {  	[tilespmem:s14+$0x2800] =	vst v0  }
0x19: {  	[tilespmem:s14+$0x2810] =	vst v0  }
.Ltmp0:
0x1a: {  	[tilespmem:s14+$0x2820] =	vst v0;
	(pc) =	sbr.rel @p0 .LBB2_2-.Ltmp0, $4  }
0x1b: {  	[tilespmem:s14+$0x2830] =	vst v0  }
0x1c: {  	[tilespmem:s14+$0x2840] =	vst v0  }
0x1d: {  	[tilespmem:s14+$0x2850] =	vst v0  }
0x1e: {  	[tilespmem:s14+$0x2860] =	vst v0;
	s14 =	sshra.s32 s15, $0x2;
	s15 =	sadd.s32 $0x200, s15  }
0x1f: {  	[tilespmem:s14+$0x2870] =	vst v0  }
0x20: {  	[tilespmem:s14+$0x2800] =	vst v0  }
0x21: {  	[tilespmem:s14+$0x2810] =	vst v0  }
0x22: {  	[tilespmem:s14+$0x2820] =	vst v0  }
0x23: {  	[tilespmem:s14+$0x2830] =	vst v0  }
0x24: {  	[tilespmem:s14+$0x2840] =	vst v0  }
0x25: {  	[tilespmem:s14+$0x2850] =	vst v0  }
0x26: {  	[tilespmem:s14+$0x2860] =	vst v0  }
0x27: {  	s31 =	simm.s32 $0x0;
	[bflag:$0x0] =	sbarrier.arrive $0xFFFF  }
0x28: {  	[spmem:s2] =	stream.indirect.scatter.add.f32 [tilespmem:s12], [sflag:$0x1], $0x80, s31, s11, $0xb8;
	[tilespmem:$0x1A400] =	vst v63  }
0x29: {  	_ =	swait.ge [sflag:s10], $0x4000  }
0x2a: {  	s14 =	simm.s32 $0x200;
	[sflag:s10] =	ssyncset.done $0x0  }
.LBB2_4:
0x2b: {  	s15 =	sshra.s32 s14, $0x2;
	[sflag:s10] =	ssyncadd.s32 $0xFFFFC000;
	p0 =	sne.s32 s14, $0x9C00  }
0x2c: {  	[spmem:s2] =	stream.indirect.scatter.add.f32 [tilespmem:s12], [sflag:$0x1], $0x80, s15, s11, $0xb8;
	[tilespmem:$0x1A400] =	vst v63  }
.Ltmp1:
0x2d: {  	_ = 	snop;
	(pc) =	sbr.rel @p0 .LBB2_4-.Ltmp1, $4  }
0x2e: {  	_ = 	snop  }
0x2f: {  	s14 =	sadd.s32 $0x200, s14  }
0x30: {  	_ =	swait.ge [sflag:s10], $0x4000  }
0x31: {  	[sflag:s10] =	ssyncset.done $0x0  }
0x32: {  	s13 =	sadd.s32 $0x1, s13  }
0x33: {  	[sflag:s10] =	ssyncadd.s32 $0xFFFFC000;
	p0 =	sne.s32 s13, s8  }
.Ltmp2:
0x34: {  	[bflag:$0x0] =	sbarrier.arrive $0xFFFF;
	(pc) =	sbr.rel @p0 .LBB2_1-.Ltmp2, $4  }
0x35: {  	[hbm:s7], [sflag:s5] =	dma.local [spmem:s9], $0x2780  }
0x36: {  	_ =	swait.ge [sflag:s10], $0x2780  }
0x37: {  	[sflag:s10] =	ssyncset.done $0x0  }
0x38: {  	[sflag:s10] =	ssyncadd.s32 $0xFFFFD880  }
0x39: {  	_ =	sfence.sel $0x180000  }
0x3a: {  	[bflag:$0x0] =	sbarrier.arrive $0xFFFF  }
0x3b: {  	p0 =	sne.s32 s1, $0x0;
	_ =	strace $0x90000053  }
0x3c: {  	s0 =	sadd.s32 @!p0 $0x100000, s0;
	[bflag:$0x2] =	sbarrier.arrive $0xFFFF  }
0x3d: {  	[sflag:s0] =	ssyncadd.tile.s32 @!p0 $0x1;
	_ =	shalt  }
.Lfunc_end2:
_tile_overlayer_lowered:
.L_overlay_start_2:
0x3e: {  	(tag) =	ssettag $0x2  }
0x3f: {  	s0 =	rddreg [dreg:$0x0];
	s2 =	stileid.u32  }
0x40: {  	s1 =	rddreg [dreg:$0x1];
	p0 =	sne.s32 s2, $0x0  }
0x41: {  	s3 =	rddreg [dreg:$0x2];
	[bflag:$0x3] =	sbarrier.arrive $0xFFFF;
	s2 =	simm.s32 @!p0 $0x1C01  }
0x42: {  	[timem:s3], [sflag:s2] =	dma.local @!p0 [hbm:s0], s1  }
0x43: {  	s0 =	simm.s32 @!p0 $0x1  }
0x44: {  	_ =	swait.ge @!p0 [sflag:s0], s1  }
0x45: {  	s1 =	ssub.s32 @!p0 $0x0, s1;
	[sflag:s0] =	ssyncset.done @!p0 $0x0  }
0x46: {  	[sflag:s0] =	ssyncadd.s32 @!p0 s1  }
0x47: {  	[bflag:$0x3] =	sbarrier.arrive $0xFFFF  }
0x48: {  	_ =	shalt  }

// kernel: closed_call.39.cloned.1.call-start
scs
__scs_entry_jumppad:
0x0: {  	(pc) =	sbr.rel $0x88, $3  }
0x1: {  	(tag) =	ssettag $0x0;
	lr =	simm.s32 $0x1  }
0x2: {  	[smem:$0x3F87] =	sst lr;
	_ =	strace $0xD0000000  }
0x3: {  	_ = 	snop  }
0x4: {  	_ = 	snop  }
0x5: {  	_ = 	snop  }
0x6: {  	_ = 	snop  }
0x7: {  	_ = 	snop  }
__scs_overlays_trampoline_lowered:
0x8: {  	[smem:$0x3F96] =	sst s0  }
0x9: {  	[smem:$0x3F97] =	sst s1  }
0xa: {  	[smem:$0x3F98] =	sst s2  }
0xb: {  	[smem:$0x3F99] =	sst s3  }
0xc: {  	[smem:$0x3F9A] =	sst s4  }
0xd: {  	[smem:$0x3F9B] =	sst s5  }
0xe: {  	[smem:$0x3F9C] =	sst s6  }
0xf: {  	[smem:$0x3F9D] =	sst s7  }
0x10: {  	[smem:$0x3F9E] =	sst s8  }
0x11: {  	[smem:$0x3F9F] =	sst s9;
	s0 =	simm.s32 @!p0 $0x0  }
0x12: {  	s1 =	sld [smem:$0x3F85];
	s0 =	simm.s32 @p0 $0x1  }
0x13: {  	[smem:$0x3FA0] =	sst s0;
	s0 =	simm.s32 @!p1 $0x0  }
0x14: {  	s2 =	sld [smem:$0x3F84];
	s0 =	simm.s32 @p1 $0x1  }
0x15: {  	[smem:$0x3FA1] =	sst s0;
	s0 =	simm.s32 @!p2 $0x0  }
0x16: {  	s3 =	sld [smem:$0x3FDB];
	s0 =	simm.s32 @p2 $0x1  }
0x17: {  	s4 =	simm.s32 $0x1BF5;
	[smem:$0x3FA3] =	sst s0  }
0x18: {  	s0 =	sld [smem:$0x3F86];
	_ =	swait.ge [sflag:s4], $0x0  }
0x19: {  	s7 =	sld [smem:$0x3F87]  }
0x1a: {  	s8 =	sadd.s32 $0xFFFFE003, lr  }
0x1b: {  	s9 =	sadd.s32 $0xFFFFFEF7, lr;
	s5 =	simm.s32 $0xFFFFFFFF;
	p2 =	slt.u32 s8, $0xFFFFF086  }
0x1c: {  	p1 =	slt.u32 s9, $0xF7A;
	s5 =	simm.s32 @!p2 $0x0  }
0x1d: {  	s5 =	simm.s32 @p1 $0x1;
	p0 =	seq.s32 s7, s2  }
0x1e: {  	s7 =	smul.u32 @!p0 $0xF7A, s2;
	p2 =	seq.s32 @!p0 s5, $0x0  }
0x1f: {  	s9 =	smul.u32 $0xF7A, s1;
	s8 =	simm.s32 @!p0 $0x1BF5;
	p2 =	por !p2, p0  }
0x20: {  	[sflag:s8] =	ssyncset.s32 @!p0 $0xFFFFF086;
	s6 =	sadd.s32 @!p0 s3, s7;
	s7 =	simm.s32 @!p0 $0x108  }
0x21: {  	s3 =	sadd.s32 s3, s9;
	s6 =	sadd.s32 @!p0 $0x88, s6;
	s7 =	simm.s32 @p2 $0x1082  }
0x22: {  	[simem:s7], [sflag:s8] =	dma.local @!p0 [hbm:s6], $0xF7A  }
0x23: {  	s9 =	sor.u32 $0xD0000000, s2;
	s6 =	simm.s32 $0x108;
	_ =	swait.ge @!p0 [sflag:s8], $0x0  }
0x24: {  	s3 =	sadd.s32 $0x88, s3;
	s6 =	simm.s32 @!p1 $0x1082;
	[sflag:s4] =	ssyncset.s32 $0xFFFFF086  }
0x25: {  	[simem:s6], [sflag:s4] =	dma.local [hbm:s3], $0xF7A  }
0x26: {  	[smem:$0x3F87] =	sst s1;
	(tag) =	ssettag s2;
	_ =	strace s9  }
0x27: {  	s1 =	sld [smem:$0x3F97]  }
0x28: {  	s2 =	sld [smem:$0x3F98]  }
0x29: {  	s4 =	sld [smem:$0x3F9A]  }
0x2a: {  	p0 =	seq.s32 s5, $0x0;
	s5 =	sld [smem:$0x3F9B]  }
0x2b: {  	s6 =	sld [smem:$0x3F9C]  }
0x2c: {  	s7 =	sld [smem:$0x3F9D]  }
0x2d: {  	s3 =	simm.s32 $0x108;
	s8 =	sld [smem:$0x3F9E]  }
0x2e: {  	s3 =	simm.s32 @!p0 $0x1082;
	s9 =	sld [smem:$0x3F9F]  }
0x2f: {  	lr =	sadd.s32 s0, s3;
	s0 =	sld [smem:$0x3F96]  }
0x30: {  	s3 =	sld [smem:$0x3F99]  }
0x31: {  	[smem:$0x3FA2] =	sst s10  }
0x32: {  	s10 =	sld [smem:$0x3FA0];
	_ =	sdelay $0x3  }
0x33: {  	p0 =	seq.s32 s10, $0x1;
	s10 =	sld [smem:$0x3FA2];
	_ =	sdelay $0x3  }
0x34: {  	[smem:$0x3FA2] =	sst s10  }
0x35: {  	s10 =	sld [smem:$0x3FA1];
	_ =	sdelay $0x3  }
0x36: {  	p1 =	seq.s32 s10, $0x1;
	s10 =	sld [smem:$0x3FA2];
	_ =	sdelay $0x3  }
0x37: {  	[smem:$0x3FA2] =	sst s10  }
0x38: {  	s10 =	sld [smem:$0x3FA3]  }
0x39: {  	_ = 	snop;
	(pc) =	sbr.ind lr, $3  }
0x3a: {  	_ = 	snop  }
0x3b: {  	_ = 	snop  }
0x3c: {  	p2 =	seq.s32 s10, $0x1;
	s10 =	sld [smem:$0x3FA2]  }
0x3d: {  	_ =	shalt  }
0x3e: {  	_ =	shalt  }
0x3f: {  	_ =	shalt  }
0x40: {  	_ =	shalt  }
0x41: {  	_ =	shalt  }
0x42: {  	_ =	shalt  }
0x43: {  	_ =	shalt  }
0x44: {  	_ =	shalt  }
0x45: {  	_ =	shalt  }
0x46: {  	_ =	shalt  }
0x47: {  	_ =	shalt  }
0x48: {  	_ =	shalt  }
0x49: {  	_ =	shalt  }
0x4a: {  	_ =	shalt  }
0x4b: {  	_ =	shalt  }
0x4c: {  	_ =	shalt  }
0x4d: {  	_ =	shalt  }
0x4e: {  	_ =	shalt  }
0x4f: {  	_ =	shalt  }
0x50: {  	_ =	shalt  }
0x51: {  	_ =	shalt  }
0x52: {  	_ =	shalt  }
0x53: {  	_ =	shalt  }
0x54: {  	_ =	shalt  }
0x55: {  	_ =	shalt  }
0x56: {  	_ =	shalt  }
0x57: {  	_ =	shalt  }
0x58: {  	_ =	shalt  }
0x59: {  	_ =	shalt  }
0x5a: {  	_ =	shalt  }
0x5b: {  	_ =	shalt  }
0x5c: {  	_ =	shalt  }
0x5d: {  	_ =	shalt  }
0x5e: {  	_ =	shalt  }
0x5f: {  	_ =	shalt  }
0x60: {  	_ =	shalt  }
0x61: {  	_ =	shalt  }
0x62: {  	_ =	shalt  }
0x63: {  	_ =	shalt  }
0x64: {  	_ =	shalt  }
0x65: {  	_ =	shalt  }
0x66: {  	_ =	shalt  }
0x67: {  	_ =	shalt  }
0x68: {  	_ =	shalt  }
0x69: {  	_ =	shalt  }
0x6a: {  	_ =	shalt  }
0x6b: {  	_ =	shalt  }
0x6c: {  	_ =	shalt  }
0x6d: {  	_ =	shalt  }
0x6e: {  	_ =	shalt  }
0x6f: {  	_ =	shalt  }
0x70: {  	_ =	shalt  }
0x71: {  	_ =	shalt  }
0x72: {  	_ =	shalt  }
0x73: {  	_ =	shalt  }
0x74: {  	_ =	shalt  }
0x75: {  	_ =	shalt  }
0x76: {  	_ =	shalt  }
0x77: {  	_ =	shalt  }
0x78: {  	_ =	shalt  }
0x79: {  	_ =	shalt  }
0x7a: {  	_ =	shalt  }
0x7b: {  	_ =	shalt  }
0x7c: {  	_ =	shalt  }
0x7d: {  	_ =	shalt  }
0x7e: {  	_ =	shalt  }
0x7f: {  	_ =	shalt  }
0x80: {  	_ =	shalt  }
0x81: {  	_ =	shalt  }
0x82: {  	_ =	shalt  }
0x83: {  	_ =	shalt  }
0x84: {  	_ =	shalt  }
0x85: {  	_ =	shalt  }
0x86: {  	_ =	shalt  }
0x87: {  	_ =	shalt  }
.Lfunc_end0:
.L_simem_size_0:
called_computation.4_lowered:
.L_overlay_start_0:
0x88: {  	s2 =	sld [smem:$0x3FD9]  }
0x89: {  	s3 =	sld [smem:$0x3FFE];
	_ =	sdelay $0x1  }
0x8a: {  	s1 =	srdreg.scid  }
0x8b: {  	s0 =	sand.u32 $0x1, s1  }
0x8c: {  	s17 =	sshll.u32 s0, $0xA;
	s2 =	sadd.s32 s3, s2  }
0x8d: {  	s2 =	sadd.s32 s2, s17  }
0x8e: {  	[smem:$0x3FAE] =	sst s2  }
0x8f: {  	_ = 	snop  }
0x90: {  	s2 =	sld [smem:$0x3FD0];
	(tm) =	ssettm $0x1  }
0x91: {  	s18 =	sld [smem:$0x3FFB];
	_ =	sdelay $0x3  }
0x92: {  	_ =	strace s18  }
0x93: {  	s3 =	sld [smem:$0x3FFC];
	_ =	sdelay $0x3  }
0x94: {  	_ =	strace s3  }
0x95: {  	s3 =	sld [smem:$0x3FFD];
	_ =	sdelay $0x3  }
0x96: {  	_ =	strace s3  }
0x97: {  	_ =	strace $0x8FFFFFFF  }
0x98: {  	s19 =	sld [smem:$0x3FDB];
	_ =	sdelay $0x1  }
0x99: {  	s4 =	simm.s32 $_scs_section_size  }
0x9a: {  	s5 =	simm.s32 $_size__tile_overlayer_lowered;
	s6 =	simm.s32 $_tile_overlayer_lowered  }
0x9b: {  	s22 =	simm.s32 $0x1BFF;
	s21 =	sshll.u32 s6, $0x1;
	s3 =	sadd.s32 s4, s19  }
0x9c: {  	s7 =	simm.s32 $0x0;
	s20 =	sshll.u32 s5, $0x1;
	s5 =	sadd.s32 s21, s3  }
0x9d: {  	[timem:s7], [sflag:s22] =	dma.local [hbm:s5], s20  }
0x9e: {  	_ =	swait.ge [sflag:s22], s20  }
0x9f: {  	s4 =	ssub.s32 $0x0, s20;
	[sflag:s22] =	ssyncset.done $0x0  }
0xa0: {  	[sflag:s22] =	ssyncadd.s32 s4;
	_ =	sdelay $0x1  }
0xa1: {  	s23 =	simm.s32 $0x1B8B  }
0xa2: {  	_ =	swait.ge [sflag:s23], $0x1  }
0xa3: {  	[sflag:s23] =	ssyncset.done $0x0  }
0xa4: {  	s25 =	simm.s32 $0x1B8E;
	s24 =	sld [smem:$0x3FFE];
	[sflag:s23] =	ssyncadd.s32 $0xFFFFFFFF  }
0xa5: {  	s26 =	simm.s32 $execute0_lowered;
	[smem:$0x3FD2] =	sst s25  }
0xa6: {  	s5 =	sshll.u32 s26, $0x1;
	_ =	strace $0x80000058;
	[dreg:$0x1] =	wrdreg $0xFFFFFFFF  }
0xa7: {  	s28 =	simm.s32 $_size_execute0_lowered;
	s3 =	sadd.s32 s3, s5;
	[dreg:$0x0] =	wrdreg $0x0  }
0xa8: {  	s5 =	sshll.u32 s28, $0x1;
	[dreg:$0x2] =	wrdreg s3  }
0xa9: {  	[dreg:$0x3] =	wrdreg s5  }
0xaa: {  	[dreg:$0x4] =	wrdreg $0xC0  }
0xab: {  	_ =	task [dreg:s7], $0x5FFFF  }
0xac: {  	[dreg:$0x1] =	wrdreg $0xFFFFFFFF  }
0xad: {  	[dreg:$0x0] =	wrdreg $0x60  }
0xae: {  	[dreg:$0x2] =	wrdreg s24  }
0xaf: {  	[dreg:$0x3] =	wrdreg s2  }
0xb0: {  	[dreg:$0x4] =	wrdreg $0x90000  }
0xb1: {  	[dreg:$0x5] =	wrdreg $0x9  }
0xb2: {  	_ =	task.clear_ibuf [dreg:s7], $0x6FFFF;
	_ =	strace $0x90000058  }
0xb3: {  	s29 =	simm.s32 $0x9;
	_ =	strace $0x8000005A  }
0xb4: {  	_ =	swait.ge [sflag:s29], $0x1  }
0xb5: {  	[sflag:s29] =	ssyncadd.s32 $0xFFFFFFFF  }
0xb6: {  	_ =	strace $0x9000005A  }
0xb7: {  	_ =	sfence  }
0xb8: {  	s30 =	sld [smem:$0x0];
	_ =	sdelay $0x2  }
0xb9: {  	s31 =	sshll.u32 s1, $0xD;
	s1 =	sshrl.u32 s1, $0x2  }
0xba: {  	s3 =	sand.u32 $0x4000, s31;
	s1 =	sadd.s32 s1, s30  }
0xbb: {  	s0 =	sor.u32 s3, s0;
	s1 =	sshll.u32 s1, $0x11  }
0xbc: {  	s0 =	sor.u32 s1, s0  }
0xbd: {  	s0 =	sadd.s32 $0x8F2B, s0  }
0xbe: {  	[sflag:s0] =	ssyncadd.remote.s32 $0x1  }
0xbf: {  	_ =	sfence.sel $0xFFFF  }
0xc0: {  	[dreg:$0x0] =	wrdreg $0xFFFFFFFF;
	(pc) =	sbr.abs _section_cstart, $3  }
0xc1: {  	[dreg:$0x1] =	wrdreg $0xFFFFFFFF  }
0xc2: {  	_ =	task.clear_ibuf [dreg:s7], $0x2FFFF;
	_ =	strace $0x9FFFFFFF  }
0xc3: {  	(tm) =	ssettm $0x7FFFFFFF  }
tec
execute0_lowered:
.L_overlay_start_1:
0x0: {  	(tag) =	ssettag $0x1  }
0x1: {  	s5 =	rddreg [dreg:$0x0]  }
0x2: {  	s9 =	rddreg [dreg:$0x1]  }
0x3: {  	s1 =	rddreg [dreg:$0x2]  }
0x4: {  	s2 =	srdreg.scid;
	s0 =	rddreg [dreg:$0x3]  }
0x5: {  	s3 =	simm.s32 $0x0;
	s13 =	simm.s32 $0x2800;
	s14 =	simm.s32 $0x80  }
0x6: {  	s15 =	simm.s32 $0x5000;
	s16 =	simm.s32 $0x1;
	s6 =	sand.u32 $0x1, s2  }
0x7: {  	s17 =	simm.s32 $0x4F00;
	s2 =	stileid.u32;
	s7 =	smul.u32 $0x13C000, s6  }
0x8: {  	s18 =	simm.s32 $0x0;
	[smem:$0x7FF] =	sst s3;
	s8 =	smul.u32 $0x13C00, s2  }
0x9: {  	s4 =	sshll.u32 s2, $0x1;
	_ =	strace $0x80000059;
	s26 =	smul.u32 $0x4F000, s2  }
0xa: {  	s31 =	sshll.u32 s2, $0x6;
	s10 =	sor.u32 s6, s4;
	s4 =	sadd.s32 $0x104E00, s5  }
0xb: {  	s6 =	ssub.s32 $0x2, s6;
	s10 =	smul.u32 $0x500, s10;
	s7 =	sadd.s32 s8, s7  }
0xc: {  	s29 =	sshrl.u32 s6, $0x1;
	s30 =	sshrl.u32 s26, $0x2;
	s11 =	sshrl.u32 s7, $0x3  }
0xd: {  	s12 =	sadd.s32 s30, s1;
	s28 =	sadd.s32 s10, s5;
	s5 =	sadd.s32 s11, s5  }
0xe: {  	s10 =	ssub.s32 s6, s29;
	s6 =	sor.u32 $0x1C02, s31;
	s9 =	sadd.s32 s9, s11  }
0xf: {  	s11 =	sshrl.u32 s12, $0x3;
	s12 =	simm.s32 $0x2;
	s5 =	sadd.s32 $0x153E00, s5  }
0x10: {  	s7 =	sadd.s32 $0xE6E00, s28;
	s8 =	sadd.s32 $0xFAE00, s28;
	s10 =	smax.u32 s10, $0x1  }
.LBB2_1:
0x11: {  	[spmem:s11], [sflag:s6] =	dma.local [hbm:s5], $0x2780  }
0x12: {  	_ =	swait.ge [sflag:s12], $0x2780  }
0x13: {  	[sflag:s12] =	ssyncset.done $0x0  }
0x14: {  	[sflag:s12] =	ssyncadd.s32 $0xFFFFD880  }
0x15: {  	[tilespmem:s3], [sflag:$0x2] =	stream.linear.gather [hbm4b:s7+s3], $0x2780, $0x38;
	[tilespmem:$0x1CC00] =	vst v63  }
0x16: {  	_ =	swait.ge [sflag:s12], $0x2780  }
0x17: {  	[sflag:s12] =	ssyncset.done $0x0  }
0x18: {  	[sflag:s12] =	ssyncadd.s32 $0xFFFFD880  }
0x19: {  	[tilespmem:s13], [sflag:$0x2] =	stream.linear.gather [hbm4b:s8+s3], $0x2780, $0x38;
	[tilespmem:$0x1CC00] =	vst v63  }
0x1a: {  	_ =	swait.ge [sflag:s12], $0x2780  }
0x1b: {  	[sflag:s12] =	ssyncset.done $0x0  }
0x1c: {  	[sflag:s12] =	ssyncadd.s32 $0xFFFFD880  }
0x1d: {  	[bflag:$0x0] =	sbarrier.arrive $0xFFFF  }
0x1e: {  	[tilespmem:s15], [sflag:$0x1] =	stream.indirect.gather [hbm4b:s4+s14], $0x80, s3, s14, $0xb8;
	[tilespmem:$0x1CC00] =	vst v63  }
0x1f: {  	_ =	swait.ge [sflag:s16], $0x4000  }
0x20: {  	[sflag:s16] =	ssyncset.done $0x0  }
0x21: {  	s19 =	simm.s32 $0x2800;
	[sflag:s16] =	ssyncadd.s32 $0xFFFFC000  }
0x22: {  	[spmem:s1] =	stream.indirect.scatter.add.f32 [tilespmem:s15], [sflag:$0x2], $0x80, s19, s14, $0xb8;
	[tilespmem:$0x1CC00] =	vst v63  }
0x23: {  	_ =	swait.ge [sflag:s12], $0x4000  }
0x24: {  	[sflag:s12] =	ssyncset.done $0x0  }
0x25: {  	s20 =	simm.s32 $0x80;
	s19 =	simm.s32 $0x200;
	[sflag:s12] =	ssyncadd.s32 $0xFFFFC000  }
.LBB2_2:
0x26: {  	[tilespmem:s15], [sflag:$0x1] =	stream.indirect.gather [hbm4b:s4+s14], $0x80, s20, s14, $0xb8;
	[tilespmem:$0x1CC00] =	vst v63  }
0x27: {  	s20 =	smov.u32 s19  }
0x28: {  	p0 =	sne.s32 s19, $0x9A00;
	s19 =	sadd.s32 $0x200, s19;
	_ =	swait.ge [sflag:s16], $0x4000  }
0x29: {  	s20 =	sshra.s32 s20, $0x2;
	[sflag:s16] =	ssyncset.done $0x0  }
.Ltmp0:
0x2a: {  	s21 =	sadd.s32 $0x2800, s20;
	[sflag:s16] =	ssyncadd.s32 $0xFFFFC000;
	(pc) =	sbr.rel @p0 .LBB2_2-.Ltmp0, $4  }
0x2b: {  	[spmem:s1] =	stream.indirect.scatter.add.f32 [tilespmem:s15], [sflag:$0x2], $0x80, s21, s14, $0xb8;
	[tilespmem:$0x1CC00] =	vst v63  }
0x2c: {  	_ =	swait.ge [sflag:s12], $0x4000  }
0x2d: {  	[sflag:s12] =	ssyncset.done $0x0  }
0x2e: {  	s20 =	sadd.s32 $0x80, s20;
	[sflag:s12] =	ssyncadd.s32 $0xFFFFC000  }
0x2f: {  	[tilespmem:s15], [sflag:$0x1] =	stream.indirect.gather [hbm4b:s4+s14], $0x80, s20, s14, $0xb8;
	[tilespmem:$0x1CC00] =	vst v63  }
0x30: {  	_ =	swait.ge [sflag:s16], $0x4000  }
0x31: {  	[sflag:s16] =	ssyncset.done $0x0  }
0x32: {  	[sflag:s16] =	ssyncadd.s32 $0xFFFFC000  }
0x33: {  	[spmem:s1] =	stream.indirect.scatter.add.f32 [tilespmem:s15], [sflag:$0x2], $0x80, s17, s14, $0xb8;
	[tilespmem:$0x1CC00] =	vst v63  }
0x34: {  	_ =	swait.ge [sflag:s12], $0x4000  }
0x35: {  	s18 =	sadd.s32 $0x1, s18;
	[sflag:s12] =	ssyncset.done $0x0  }
0x36: {  	p0 =	sne.s32 s18, s10;
	[sflag:s12] =	ssyncadd.s32 $0xFFFFC000  }
.Ltmp1:
0x37: {  	[bflag:$0x0] =	sbarrier.arrive $0xFFFF;
	(pc) =	sbr.rel @p0 .LBB2_1-.Ltmp1, $4  }
0x38: {  	[hbm:s9], [sflag:s6] =	dma.local [spmem:s11], $0x2780  }
0x39: {  	_ =	swait.ge [sflag:s12], $0x2780  }
0x3a: {  	[sflag:s12] =	ssyncset.done $0x0  }
0x3b: {  	[sflag:s12] =	ssyncadd.s32 $0xFFFFD880  }
0x3c: {  	_ =	sfence.sel $0x180000  }
0x3d: {  	[bflag:$0x0] =	sbarrier.arrive $0xFFFF  }
0x3e: {  	p0 =	sne.s32 s2, $0x0;
	_ =	strace $0x90000059  }
0x3f: {  	s0 =	sadd.s32 @!p0 $0x100000, s0;
	[bflag:$0x2] =	sbarrier.arrive $0xFFFF  }
0x40: {  	[sflag:s0] =	ssyncadd.tile.s32 @!p0 $0x1;
	_ =	shalt  }
.Lfunc_end2:
_tile_overlayer_lowered:
.L_overlay_start_2:
0x41: {  	(tag) =	ssettag $0x2  }
0x42: {  	s0 =	rddreg [dreg:$0x0];
	s2 =	stileid.u32  }
0x43: {  	s1 =	rddreg [dreg:$0x1];
	p0 =	sne.s32 s2, $0x0  }
0x44: {  	s3 =	rddreg [dreg:$0x2];
	[bflag:$0x3] =	sbarrier.arrive $0xFFFF;
	s2 =	simm.s32 @!p0 $0x1C02  }
0x45: {  	[timem:s3], [sflag:s2] =	dma.local @!p0 [hbm:s0], s1  }
0x46: {  	s0 =	simm.s32 @!p0 $0x2  }
0x47: {  	_ =	swait.ge @!p0 [sflag:s0], s1  }
0x48: {  	s1 =	ssub.s32 @!p0 $0x0, s1;
	[sflag:s0] =	ssyncset.done @!p0 $0x0  }
0x49: {  	[sflag:s0] =	ssyncadd.s32 @!p0 s1  }
0x4a: {  	[bflag:$0x3] =	sbarrier.arrive $0xFFFF  }
0x4b: {  	_ =	shalt  }

// kernel: kernel.11.cloned.1.call-start
scs
__scs_entry_jumppad:
0x0: {  	(pc) =	sbr.rel $0x88, $3  }
0x1: {  	(tag) =	ssettag $0x0;
	lr =	simm.s32 $0x1  }
0x2: {  	[smem:$0x3F87] =	sst lr;
	_ =	strace $0xD0000000  }
0x3: {  	_ = 	snop  }
0x4: {  	_ = 	snop  }
0x5: {  	_ = 	snop  }
0x6: {  	_ = 	snop  }
0x7: {  	_ = 	snop  }
__scs_overlays_trampoline_lowered:
0x8: {  	[smem:$0x3F96] =	sst s0  }
0x9: {  	[smem:$0x3F97] =	sst s1  }
0xa: {  	[smem:$0x3F98] =	sst s2  }
0xb: {  	[smem:$0x3F99] =	sst s3  }
0xc: {  	[smem:$0x3F9A] =	sst s4  }
0xd: {  	[smem:$0x3F9B] =	sst s5  }
0xe: {  	[smem:$0x3F9C] =	sst s6  }
0xf: {  	[smem:$0x3F9D] =	sst s7  }
0x10: {  	[smem:$0x3F9E] =	sst s8  }
0x11: {  	[smem:$0x3F9F] =	sst s9;
	s0 =	simm.s32 @!p0 $0x0  }
0x12: {  	s1 =	sld [smem:$0x3F85];
	s0 =	simm.s32 @p0 $0x1  }
0x13: {  	[smem:$0x3FA0] =	sst s0;
	s0 =	simm.s32 @!p1 $0x0  }
0x14: {  	s2 =	sld [smem:$0x3F84];
	s0 =	simm.s32 @p1 $0x1  }
0x15: {  	[smem:$0x3FA1] =	sst s0;
	s0 =	simm.s32 @!p2 $0x0  }
0x16: {  	s3 =	sld [smem:$0x3FDB];
	s0 =	simm.s32 @p2 $0x1  }
0x17: {  	s4 =	simm.s32 $0x1BF5;
	[smem:$0x3FA3] =	sst s0  }
0x18: {  	s0 =	sld [smem:$0x3F86];
	_ =	swait.ge [sflag:s4], $0x0  }
0x19: {  	s7 =	sld [smem:$0x3F87]  }
0x1a: {  	s8 =	sadd.s32 $0xFFFFE003, lr  }
0x1b: {  	s9 =	sadd.s32 $0xFFFFFEF7, lr;
	s5 =	simm.s32 $0xFFFFFFFF;
	p2 =	slt.u32 s8, $0xFFFFF086  }
0x1c: {  	p1 =	slt.u32 s9, $0xF7A;
	s5 =	simm.s32 @!p2 $0x0  }
0x1d: {  	s5 =	simm.s32 @p1 $0x1;
	p0 =	seq.s32 s7, s2  }
0x1e: {  	s7 =	smul.u32 @!p0 $0xF7A, s2;
	p2 =	seq.s32 @!p0 s5, $0x0  }
0x1f: {  	s9 =	smul.u32 $0xF7A, s1;
	s8 =	simm.s32 @!p0 $0x1BF5;
	p2 =	por !p2, p0  }
0x20: {  	[sflag:s8] =	ssyncset.s32 @!p0 $0xFFFFF086;
	s6 =	sadd.s32 @!p0 s3, s7;
	s7 =	simm.s32 @!p0 $0x108  }
0x21: {  	s3 =	sadd.s32 s3, s9;
	s6 =	sadd.s32 @!p0 $0x88, s6;
	s7 =	simm.s32 @p2 $0x1082  }
0x22: {  	[simem:s7], [sflag:s8] =	dma.local @!p0 [hbm:s6], $0xF7A  }
0x23: {  	s9 =	sor.u32 $0xD0000000, s2;
	s6 =	simm.s32 $0x108;
	_ =	swait.ge @!p0 [sflag:s8], $0x0  }
0x24: {  	s3 =	sadd.s32 $0x88, s3;
	s6 =	simm.s32 @!p1 $0x1082;
	[sflag:s4] =	ssyncset.s32 $0xFFFFF086  }
0x25: {  	[simem:s6], [sflag:s4] =	dma.local [hbm:s3], $0xF7A  }
0x26: {  	[smem:$0x3F87] =	sst s1;
	(tag) =	ssettag s2;
	_ =	strace s9  }
0x27: {  	s1 =	sld [smem:$0x3F97]  }
0x28: {  	s2 =	sld [smem:$0x3F98]  }
0x29: {  	s4 =	sld [smem:$0x3F9A]  }
0x2a: {  	p0 =	seq.s32 s5, $0x0;
	s5 =	sld [smem:$0x3F9B]  }
0x2b: {  	s6 =	sld [smem:$0x3F9C]  }
0x2c: {  	s7 =	sld [smem:$0x3F9D]  }
0x2d: {  	s3 =	simm.s32 $0x108;
	s8 =	sld [smem:$0x3F9E]  }
0x2e: {  	s3 =	simm.s32 @!p0 $0x1082;
	s9 =	sld [smem:$0x3F9F]  }
0x2f: {  	lr =	sadd.s32 s0, s3;
	s0 =	sld [smem:$0x3F96]  }
0x30: {  	s3 =	sld [smem:$0x3F99]  }
0x31: {  	[smem:$0x3FA2] =	sst s10  }
0x32: {  	s10 =	sld [smem:$0x3FA0];
	_ =	sdelay $0x3  }
0x33: {  	p0 =	seq.s32 s10, $0x1;
	s10 =	sld [smem:$0x3FA2];
	_ =	sdelay $0x3  }
0x34: {  	[smem:$0x3FA2] =	sst s10  }
0x35: {  	s10 =	sld [smem:$0x3FA1];
	_ =	sdelay $0x3  }
0x36: {  	p1 =	seq.s32 s10, $0x1;
	s10 =	sld [smem:$0x3FA2];
	_ =	sdelay $0x3  }
0x37: {  	[smem:$0x3FA2] =	sst s10  }
0x38: {  	s10 =	sld [smem:$0x3FA3]  }
0x39: {  	_ = 	snop;
	(pc) =	sbr.ind lr, $3  }
0x3a: {  	_ = 	snop  }
0x3b: {  	_ = 	snop  }
0x3c: {  	p2 =	seq.s32 s10, $0x1;
	s10 =	sld [smem:$0x3FA2]  }
0x3d: {  	_ =	shalt  }
0x3e: {  	_ =	shalt  }
0x3f: {  	_ =	shalt  }
0x40: {  	_ =	shalt  }
0x41: {  	_ =	shalt  }
0x42: {  	_ =	shalt  }
0x43: {  	_ =	shalt  }
0x44: {  	_ =	shalt  }
0x45: {  	_ =	shalt  }
0x46: {  	_ =	shalt  }
0x47: {  	_ =	shalt  }
0x48: {  	_ =	shalt  }
0x49: {  	_ =	shalt  }
0x4a: {  	_ =	shalt  }
0x4b: {  	_ =	shalt  }
0x4c: {  	_ =	shalt  }
0x4d: {  	_ =	shalt  }
0x4e: {  	_ =	shalt  }
0x4f: {  	_ =	shalt  }
0x50: {  	_ =	shalt  }
0x51: {  	_ =	shalt  }
0x52: {  	_ =	shalt  }
0x53: {  	_ =	shalt  }
0x54: {  	_ =	shalt  }
0x55: {  	_ =	shalt  }
0x56: {  	_ =	shalt  }
0x57: {  	_ =	shalt  }
0x58: {  	_ =	shalt  }
0x59: {  	_ =	shalt  }
0x5a: {  	_ =	shalt  }
0x5b: {  	_ =	shalt  }
0x5c: {  	_ =	shalt  }
0x5d: {  	_ =	shalt  }
0x5e: {  	_ =	shalt  }
0x5f: {  	_ =	shalt  }
0x60: {  	_ =	shalt  }
0x61: {  	_ =	shalt  }
0x62: {  	_ =	shalt  }
0x63: {  	_ =	shalt  }
0x64: {  	_ =	shalt  }
0x65: {  	_ =	shalt  }
0x66: {  	_ =	shalt  }
0x67: {  	_ =	shalt  }
0x68: {  	_ =	shalt  }
0x69: {  	_ =	shalt  }
0x6a: {  	_ =	shalt  }
0x6b: {  	_ =	shalt  }
0x6c: {  	_ =	shalt  }
0x6d: {  	_ =	shalt  }
0x6e: {  	_ =	shalt  }
0x6f: {  	_ =	shalt  }
0x70: {  	_ =	shalt  }
0x71: {  	_ =	shalt  }
0x72: {  	_ =	shalt  }
0x73: {  	_ =	shalt  }
0x74: {  	_ =	shalt  }
0x75: {  	_ =	shalt  }
0x76: {  	_ =	shalt  }
0x77: {  	_ =	shalt  }
0x78: {  	_ =	shalt  }
0x79: {  	_ =	shalt  }
0x7a: {  	_ =	shalt  }
0x7b: {  	_ =	shalt  }
0x7c: {  	_ =	shalt  }
0x7d: {  	_ =	shalt  }
0x7e: {  	_ =	shalt  }
0x7f: {  	_ =	shalt  }
0x80: {  	_ =	shalt  }
0x81: {  	_ =	shalt  }
0x82: {  	_ =	shalt  }
0x83: {  	_ =	shalt  }
0x84: {  	_ =	shalt  }
0x85: {  	_ =	shalt  }
0x86: {  	_ =	shalt  }
0x87: {  	_ =	shalt  }
.Lfunc_end0:
.L_simem_size_0:
called_computation.6_lowered:
.L_overlay_start_0:
0x88: {  	s2 =	sld [smem:$0x3FD9]  }
0x89: {  	s3 =	sld [smem:$0x3FFE];
	_ =	sdelay $0x1  }
0x8a: {  	s1 =	srdreg.scid  }
0x8b: {  	s0 =	sand.u32 $0x1, s1  }
0x8c: {  	s17 =	sshll.u32 s0, $0xA;
	s2 =	sadd.s32 s3, s2  }
0x8d: {  	s2 =	sadd.s32 s2, s17  }
0x8e: {  	[smem:$0x3FAE] =	sst s2  }
0x8f: {  	_ = 	snop  }
0x90: {  	s18 =	sld [smem:$0x3FB6]  }
0x91: {  	s4 =	sld [smem:$0x3FB5];
	(tm) =	ssettm $0x1  }
0x92: {  	s19 =	sld [smem:$0x3FFB];
	_ =	sdelay $0x3  }
0x93: {  	_ =	strace s19  }
0x94: {  	s2 =	sld [smem:$0x3FFC];
	_ =	sdelay $0x3  }
0x95: {  	_ =	strace s2  }
0x96: {  	s2 =	sld [smem:$0x3FFD];
	_ =	sdelay $0x3  }
0x97: {  	_ =	strace s2  }
0x98: {  	_ =	strace $0x8FFFFFFF  }
0x99: {  	s20 =	sld [smem:$0x3FDB];
	_ =	sdelay $0x1  }
0x9a: {  	s5 =	simm.s32 $_scs_section_size  }
0x9b: {  	s6 =	simm.s32 $_size__tile_overlayer_lowered;
	s7 =	simm.s32 $_tile_overlayer_lowered  }
0x9c: {  	s8 =	simm.s32 $0x1BFF;
	s21 =	sshll.u32 s7, $0x1;
	s5 =	sadd.s32 s5, s20  }
0x9d: {  	s22 =	simm.s32 $0x0;
	s6 =	sshll.u32 s6, $0x1;
	s7 =	sadd.s32 s21, s5  }
0x9e: {  	[timem:s22], [sflag:s8] =	dma.local [hbm:s7], s6  }
0x9f: {  	_ =	swait.ge [sflag:s8], s6  }
0xa0: {  	s6 =	ssub.s32 $0x0, s6;
	[sflag:s8] =	ssyncset.done $0x0  }
0xa1: {  	[sflag:s8] =	ssyncadd.s32 s6;
	_ =	sdelay $0x1  }
0xa2: {  	s23 =	simm.s32 $0x1B8B  }
0xa3: {  	_ =	swait.ge [sflag:s23], $0x1  }
0xa4: {  	[sflag:s23] =	ssyncset.done $0x0  }
0xa5: {  	[sflag:s23] =	ssyncadd.s32 $0xFFFFFFFF  }
0xa6: {  	s6 =	sld [smem:$0x0]  }
0xa7: {  	s7 =	sand.u32 $0xFFFFFFFE, s1  }
0xa8: {  	p0 =	sne.s32 s1, s7  }
0xa9: {  	s7 =	sshll.u32 @p0 s7, $0xE  }
0xaa: {  	s7 =	sadd.s32 @p0 $0x11B8D, s7;
	s8 =	sshll.u32 @p0 s6, $0x11  }
0xab: {  	s7 =	sor.u32 @p0 s8, s7  }
0xac: {  	[sflag:s7] =	ssyncadd.remote.s32 @p0 $0x1;
	_ =	sdelay $0x1  }
0xad: {  	s7 =	simm.s32 @p0 $0x1B8D  }
0xae: {  	_ =	swait.eq @p0 [sflag:s7], $0x1  }
0xaf: {  	[sflag:s7] =	ssyncadd.s32 @p0 $0xFFFFFFFF  }
0xb0: {  	s8 =	sshll.u32 @!p0 s1, $0xE  }
0xb1: {  	s8 =	sor.u32 @!p0 $0x4000, s8;
	s7 =	simm.s32 @!p0 $0x1B8D  }
0xb2: {  	s6 =	sshll.u32 @!p0 s6, $0x11;
	s8 =	sadd.s32 @!p0 $0x11B8D, s8;
	_ =	swait.eq @!p0 [sflag:s7], $0x1  }
0xb3: {  	s6 =	sor.u32 @!p0 s6, s8;
	[sflag:s7] =	ssyncadd.s32 @!p0 $0xFFFFFFFF  }
0xb4: {  	s25 =	simm.s32 $0x1B8E;
	s24 =	sld [smem:$0x3FFE];
	[sflag:s6] =	ssyncadd.remote.s32 @!p0 $0x1  }
0xb5: {  	s26 =	simm.s32 $execute0_lowered;
	[smem:$0x3FD2] =	sst s25  }
0xb6: {  	s7 =	sshll.u32 s26, $0x1;
	_ =	strace $0x80000049;
	[dreg:$0x1] =	wrdreg $0xFFFFFFFF  }
0xb7: {  	s28 =	simm.s32 $_size_execute0_lowered;
	s5 =	sadd.s32 s5, s7;
	[dreg:$0x0] =	wrdreg $0x0  }
0xb8: {  	s7 =	sshll.u32 s28, $0x1;
	[dreg:$0x2] =	wrdreg s5  }
0xb9: {  	[dreg:$0x3] =	wrdreg s7  }
0xba: {  	[dreg:$0x4] =	wrdreg $0xC0  }
0xbb: {  	_ =	task [dreg:s22], $0x5FFFF  }
0xbc: {  	[dreg:$0x1] =	wrdreg $0xFFFFFFFF  }
0xbd: {  	[dreg:$0x0] =	wrdreg $0x60  }
0xbe: {  	[dreg:$0x2] =	wrdreg s24  }
0xbf: {  	[dreg:$0x3] =	wrdreg s18  }
0xc0: {  	[dreg:$0x4] =	wrdreg s4  }
0xc1: {  	[dreg:$0x5] =	wrdreg $0xA  }
0xc2: {  	_ =	task.clear_ibuf [dreg:s22], $0x6FFFF;
	_ =	strace $0x90000049  }
0xc3: {  	s29 =	simm.s32 $0xA;
	_ =	strace $0x8000004B  }
0xc4: {  	_ =	swait.ge [sflag:s29], $0x1  }
0xc5: {  	[sflag:s29] =	ssyncadd.s32 $0xFFFFFFFF  }
0xc6: {  	_ =	strace $0x9000004B  }
0xc7: {  	_ =	sfence  }
0xc8: {  	s30 =	sld [smem:$0x0];
	_ =	sdelay $0x2  }
0xc9: {  	s31 =	sshll.u32 s1, $0xD;
	s1 =	sshrl.u32 s1, $0x2  }
0xca: {  	s4 =	sand.u32 $0x4000, s31;
	s1 =	sadd.s32 s1, s30  }
0xcb: {  	s0 =	sor.u32 s4, s0;
	s1 =	sshll.u32 s1, $0x11  }
0xcc: {  	s0 =	sor.u32 s1, s0  }
0xcd: {  	s0 =	sadd.s32 $0x8F2B, s0  }
0xce: {  	[sflag:s0] =	ssyncadd.remote.s32 $0x1  }
0xcf: {  	_ =	sfence.sel $0xFFFF  }
0xd0: {  	[dreg:$0x0] =	wrdreg $0xFFFFFFFF;
	(pc) =	sbr.abs _section_cstart, $3  }
0xd1: {  	[dreg:$0x1] =	wrdreg $0xFFFFFFFF  }
0xd2: {  	_ =	task.clear_ibuf [dreg:s22], $0x2FFFF;
	_ =	strace $0x9FFFFFFF  }
0xd3: {  	(tm) =	ssettm $0x7FFFFFFF  }
tec
execute0_lowered:
.L_overlay_start_1:
0x0: {  	(tag) =	ssettag $0x1  }
0x1: {  	s11 =	rddreg [dreg:$0x0];
	s1 =	srdreg.scid  }
0x2: {  	s3 =	rddreg [dreg:$0x1];
	s0 =	stileid.u32;
	s12 =	sand.u32 $0x1, s1  }
0x3: {  	s10 =	rddreg [dreg:$0x2];
	s4 =	sshll.u32 s0, $0x6;
	s5 =	sshll.u32 s12, $0x5  }
0x4: {  	s2 =	simm.s32 $0x0;
	s1 =	rddreg [dreg:$0x3];
	s9 =	sor.u32 s5, s4  }
0x5: {  	[smem:$0x7FF] =	sst s2;
	s13 =	sshrl.u32 s9, $0x3  }
0x6: {  	_ =	strace $0x8000004A;
	s4 =	sadd.s32 s3, s13;
	s3 =	simm.s32 $0x2  }
0x7: {  	[tilespmem:s2], [sflag:$0x2] =	stream.linear.gather [hbm4b:s4+s2], $0x20, $0x38;
	[tilespmem:$0x1080] =	vst v63  }
0x8: {  	_ =	swait.ge [sflag:s3], $0x20  }
0x9: {  	s6 =	simm.s32 $0x20;
	s7 =	simm.s32 $0x80;
	[sflag:s3] =	ssyncset.done $0x0  }
0xa: {  	s8 =	simm.s32 $0x1;
	s5 =	sadd.s32 $0x16600, s11;
	[sflag:s3] =	ssyncadd.s32 $0xFFFFFFE0  }
0xb: {  	[tilespmem:s7], [sflag:$0x1] =	stream.indirect.gather [hbm4b:s5+s6], $0x80, s2, s6, $0xb8;
	[tilespmem:$0x1080] =	vst v63  }
0xc: {  	s9 =	sshll.u32 s9, $0x4;
	_ =	swait.ge [sflag:s8], $0x1000  }
0xd: {  	s14 =	sadd.s32 s9, s11;
	[sflag:s8] =	ssyncset.done $0x0  }
0xe: {  	s9 =	sadd.s32 $0x8CE00, s14;
	[sflag:s8] =	ssyncadd.s32 $0xFFFFF000  }
0xf: {  	[hbm4b:s9+s2] =	stream.linear.scatter [tilespmem:s7], [sflag:$0x2], $0x1000, $0x38;
	[tilespmem:$0x1080] =	vst v63  }
0x10: {  	_ =	swait.ge [sflag:s3], $0x1000  }
0x11: {  	[sflag:s3] =	ssyncset.done $0x0  }
0x12: {  	s12 =	ssub.s32 $0x2, s12;
	s10 =	sadd.s32 s10, s13;
	[sflag:s3] =	ssyncadd.s32 $0xFFFFF000  }
0x13: {  	[tilespmem:s2], [sflag:$0x2] =	stream.linear.gather [hbm4b:s10+s2], $0x20, $0x38;
	[tilespmem:$0x1080] =	vst v63  }
0x14: {  	s31 =	sshrl.u32 s12, $0x1;
	_ =	swait.ge [sflag:s3], $0x20  }
0x15: {  	s13 =	ssub.s32 s12, s31;
	[sflag:s3] =	ssyncset.done $0x0  }
0x16: {  	s11 =	sadd.s32 $0xA000, s11;
	s13 =	smax.u32 s13, $0x1;
	[sflag:s3] =	ssyncadd.s32 $0xFFFFFFE0  }
0x17: {  	[tilespmem:s7], [sflag:$0x1] =	stream.indirect.gather [hbm4b:s11+s6], $0x80, s2, s6, $0xb8;
	[tilespmem:$0x1080] =	vst v63  }
0x18: {  	p0 =	sne.s32 s13, $0x1;
	_ =	swait.ge [sflag:s8], $0x1000  }
.Ltmp0:
0x19: {  	[sflag:s8] =	ssyncset.done $0x0;
	(pc) =	sbr.rel @!p0 .LBB2_2-.Ltmp0, $4  }
0x1a: {  	s12 =	sadd.s32 $0x90E00, s14;
	[sflag:s8] =	ssyncadd.s32 $0xFFFFF000  }
0x1b: {  	[hbm4b:s12+s2] =	stream.linear.scatter [tilespmem:s7], [sflag:$0x2], $0x1000, $0x38;
	[tilespmem:$0x1080] =	vst v63  }
0x1c: {  	_ =	swait.ge [sflag:s3], $0x1000  }
0x1d: {  	s13 =	sadd.s32 $0xFFFFFFFF, s13;
	[sflag:s3] =	ssyncset.done $0x0  }
.LBB2_1:
0x1e: {  	p0 =	sne.s32 s13, $0x1;
	s13 =	sadd.s32 $0xFFFFFFFF, s13;
	[sflag:s3] =	ssyncadd.s32 $0xFFFFF000  }
0x1f: {  	[tilespmem:s2], [sflag:$0x2] =	stream.linear.gather [hbm4b:s4+s2], $0x20, $0x38;
	[tilespmem:$0x1080] =	vst v63  }
0x20: {  	_ =	swait.ge [sflag:s3], $0x20  }
0x21: {  	[sflag:s3] =	ssyncset.done $0x0  }
0x22: {  	[sflag:s3] =	ssyncadd.s32 $0xFFFFFFE0  }
0x23: {  	[tilespmem:s7], [sflag:$0x1] =	stream.indirect.gather [hbm4b:s5+s6], $0x80, s2, s6, $0xb8;
	[tilespmem:$0x1080] =	vst v63  }
0x24: {  	_ =	swait.ge [sflag:s8], $0x1000  }
0x25: {  	[sflag:s8] =	ssyncset.done $0x0  }
0x26: {  	[sflag:s8] =	ssyncadd.s32 $0xFFFFF000  }
0x27: {  	[hbm4b:s9+s2] =	stream.linear.scatter [tilespmem:s7], [sflag:$0x2], $0x1000, $0x38;
	[tilespmem:$0x1080] =	vst v63  }
0x28: {  	_ =	swait.ge [sflag:s3], $0x1000  }
0x29: {  	[sflag:s3] =	ssyncset.done $0x0  }
0x2a: {  	[sflag:s3] =	ssyncadd.s32 $0xFFFFF000  }
0x2b: {  	[tilespmem:s2], [sflag:$0x2] =	stream.linear.gather [hbm4b:s10+s2], $0x20, $0x38;
	[tilespmem:$0x1080] =	vst v63  }
0x2c: {  	_ =	swait.ge [sflag:s3], $0x20  }
0x2d: {  	[sflag:s3] =	ssyncset.done $0x0  }
0x2e: {  	[sflag:s3] =	ssyncadd.s32 $0xFFFFFFE0  }
0x2f: {  	[tilespmem:s7], [sflag:$0x1] =	stream.indirect.gather [hbm4b:s11+s6], $0x80, s2, s6, $0xb8;
	[tilespmem:$0x1080] =	vst v63  }
0x30: {  	_ =	swait.ge [sflag:s8], $0x1000  }
.Ltmp1:
0x31: {  	[sflag:s8] =	ssyncset.done $0x0;
	(pc) =	sbr.rel @p0 .LBB2_1-.Ltmp1, $4  }
0x32: {  	[sflag:s8] =	ssyncadd.s32 $0xFFFFF000  }
0x33: {  	[hbm4b:s12+s2] =	stream.linear.scatter [tilespmem:s7], [sflag:$0x2], $0x1000, $0x38;
	[tilespmem:$0x1080] =	vst v63  }
0x34: {  	_ =	swait.ge [sflag:s3], $0x1000  }
0x35: {  	[sflag:s3] =	ssyncset.done $0x0  }
.LBB2_2:
0x36: {  	[sflag:s3] =	ssyncadd.s32 $0xFFFFF000  }
0x37: {  	_ =	sfence.sel $0x180000  }
0x38: {  	[bflag:$0x0] =	sbarrier.arrive $0xFFFF  }
0x39: {  	p0 =	sne.s32 s0, $0x0;
	_ =	strace $0x9000004A  }
0x3a: {  	s0 =	sadd.s32 @!p0 $0x100000, s1;
	[bflag:$0x2] =	sbarrier.arrive $0xFFFF  }
0x3b: {  	[sflag:s0] =	ssyncadd.tile.s32 @!p0 $0x1;
	_ =	shalt  }
.Lfunc_end2:
_tile_overlayer_lowered:
.L_overlay_start_2:
0x3c: {  	(tag) =	ssettag $0x2  }
0x3d: {  	s0 =	rddreg [dreg:$0x0];
	s2 =	stileid.u32  }
0x3e: {  	s1 =	rddreg [dreg:$0x1];
	p0 =	sne.s32 s2, $0x0  }
0x3f: {  	s3 =	rddreg [dreg:$0x2];
	[bflag:$0x3] =	sbarrier.arrive $0xFFFF;
	s2 =	simm.s32 @!p0 $0x1C02  }
0x40: {  	[timem:s3], [sflag:s2] =	dma.local @!p0 [hbm:s0], s1  }
0x41: {  	s0 =	simm.s32 @!p0 $0x2  }
0x42: {  	_ =	swait.ge @!p0 [sflag:s0], s1  }
0x43: {  	s1 =	ssub.s32 @!p0 $0x0, s1;
	[sflag:s0] =	ssyncset.done @!p0 $0x0  }
0x44: {  	[sflag:s0] =	ssyncadd.s32 @!p0 s1  }
0x45: {  	[bflag:$0x3] =	sbarrier.arrive $0xFFFF  }
0x46: {  	_ =	shalt  }

// kernel: kernel.8.cloned.1.call-start
scs
__scs_entry_jumppad:
0x0: {  	(pc) =	sbr.rel $0x88, $3  }
0x1: {  	(tag) =	ssettag $0x0;
	lr =	simm.s32 $0x1  }
0x2: {  	[smem:$0x3F87] =	sst lr;
	_ =	strace $0xD0000000  }
0x3: {  	_ = 	snop  }
0x4: {  	_ = 	snop  }
0x5: {  	_ = 	snop  }
0x6: {  	_ = 	snop  }
0x7: {  	_ = 	snop  }
__scs_overlays_trampoline_lowered:
0x8: {  	[smem:$0x3F96] =	sst s0  }
0x9: {  	[smem:$0x3F97] =	sst s1  }
0xa: {  	[smem:$0x3F98] =	sst s2  }
0xb: {  	[smem:$0x3F99] =	sst s3  }
0xc: {  	[smem:$0x3F9A] =	sst s4  }
0xd: {  	[smem:$0x3F9B] =	sst s5  }
0xe: {  	[smem:$0x3F9C] =	sst s6  }
0xf: {  	[smem:$0x3F9D] =	sst s7  }
0x10: {  	[smem:$0x3F9E] =	sst s8  }
0x11: {  	[smem:$0x3F9F] =	sst s9;
	s0 =	simm.s32 @!p0 $0x0  }
0x12: {  	s1 =	sld [smem:$0x3F85];
	s0 =	simm.s32 @p0 $0x1  }
0x13: {  	[smem:$0x3FA0] =	sst s0;
	s0 =	simm.s32 @!p1 $0x0  }
0x14: {  	s2 =	sld [smem:$0x3F84];
	s0 =	simm.s32 @p1 $0x1  }
0x15: {  	[smem:$0x3FA1] =	sst s0;
	s0 =	simm.s32 @!p2 $0x0  }
0x16: {  	s3 =	sld [smem:$0x3FDB];
	s0 =	simm.s32 @p2 $0x1  }
0x17: {  	s4 =	simm.s32 $0x1BF5;
	[smem:$0x3FA3] =	sst s0  }
0x18: {  	s0 =	sld [smem:$0x3F86];
	_ =	swait.ge [sflag:s4], $0x0  }
0x19: {  	s7 =	sld [smem:$0x3F87]  }
0x1a: {  	s8 =	sadd.s32 $0xFFFFE003, lr  }
0x1b: {  	s9 =	sadd.s32 $0xFFFFFEF7, lr;
	s5 =	simm.s32 $0xFFFFFFFF;
	p2 =	slt.u32 s8, $0xFFFFF086  }
0x1c: {  	p1 =	slt.u32 s9, $0xF7A;
	s5 =	simm.s32 @!p2 $0x0  }
0x1d: {  	s5 =	simm.s32 @p1 $0x1;
	p0 =	seq.s32 s7, s2  }
0x1e: {  	s7 =	smul.u32 @!p0 $0xF7A, s2;
	p2 =	seq.s32 @!p0 s5, $0x0  }
0x1f: {  	s9 =	smul.u32 $0xF7A, s1;
	s8 =	simm.s32 @!p0 $0x1BF5;
	p2 =	por !p2, p0  }
0x20: {  	[sflag:s8] =	ssyncset.s32 @!p0 $0xFFFFF086;
	s6 =	sadd.s32 @!p0 s3, s7;
	s7 =	simm.s32 @!p0 $0x108  }
0x21: {  	s3 =	sadd.s32 s3, s9;
	s6 =	sadd.s32 @!p0 $0x88, s6;
	s7 =	simm.s32 @p2 $0x1082  }
0x22: {  	[simem:s7], [sflag:s8] =	dma.local @!p0 [hbm:s6], $0xF7A  }
0x23: {  	s9 =	sor.u32 $0xD0000000, s2;
	s6 =	simm.s32 $0x108;
	_ =	swait.ge @!p0 [sflag:s8], $0x0  }
0x24: {  	s3 =	sadd.s32 $0x88, s3;
	s6 =	simm.s32 @!p1 $0x1082;
	[sflag:s4] =	ssyncset.s32 $0xFFFFF086  }
0x25: {  	[simem:s6], [sflag:s4] =	dma.local [hbm:s3], $0xF7A  }
0x26: {  	[smem:$0x3F87] =	sst s1;
	(tag) =	ssettag s2;
	_ =	strace s9  }
0x27: {  	s1 =	sld [smem:$0x3F97]  }
0x28: {  	s2 =	sld [smem:$0x3F98]  }
0x29: {  	s4 =	sld [smem:$0x3F9A]  }
0x2a: {  	p0 =	seq.s32 s5, $0x0;
	s5 =	sld [smem:$0x3F9B]  }
0x2b: {  	s6 =	sld [smem:$0x3F9C]  }
0x2c: {  	s7 =	sld [smem:$0x3F9D]  }
0x2d: {  	s3 =	simm.s32 $0x108;
	s8 =	sld [smem:$0x3F9E]  }
0x2e: {  	s3 =	simm.s32 @!p0 $0x1082;
	s9 =	sld [smem:$0x3F9F]  }
0x2f: {  	lr =	sadd.s32 s0, s3;
	s0 =	sld [smem:$0x3F96]  }
0x30: {  	s3 =	sld [smem:$0x3F99]  }
0x31: {  	[smem:$0x3FA2] =	sst s10  }
0x32: {  	s10 =	sld [smem:$0x3FA0];
	_ =	sdelay $0x3  }
0x33: {  	p0 =	seq.s32 s10, $0x1;
	s10 =	sld [smem:$0x3FA2];
	_ =	sdelay $0x3  }
0x34: {  	[smem:$0x3FA2] =	sst s10  }
0x35: {  	s10 =	sld [smem:$0x3FA1];
	_ =	sdelay $0x3  }
0x36: {  	p1 =	seq.s32 s10, $0x1;
	s10 =	sld [smem:$0x3FA2];
	_ =	sdelay $0x3  }
0x37: {  	[smem:$0x3FA2] =	sst s10  }
0x38: {  	s10 =	sld [smem:$0x3FA3]  }
0x39: {  	_ = 	snop;
	(pc) =	sbr.ind lr, $3  }
0x3a: {  	_ = 	snop  }
0x3b: {  	_ = 	snop  }
0x3c: {  	p2 =	seq.s32 s10, $0x1;
	s10 =	sld [smem:$0x3FA2]  }
0x3d: {  	_ =	shalt  }
0x3e: {  	_ =	shalt  }
0x3f: {  	_ =	shalt  }
0x40: {  	_ =	shalt  }
0x41: {  	_ =	shalt  }
0x42: {  	_ =	shalt  }
0x43: {  	_ =	shalt  }
0x44: {  	_ =	shalt  }
0x45: {  	_ =	shalt  }
0x46: {  	_ =	shalt  }
0x47: {  	_ =	shalt  }
0x48: {  	_ =	shalt  }
0x49: {  	_ =	shalt  }
0x4a: {  	_ =	shalt  }
0x4b: {  	_ =	shalt  }
0x4c: {  	_ =	shalt  }
0x4d: {  	_ =	shalt  }
0x4e: {  	_ =	shalt  }
0x4f: {  	_ =	shalt  }
0x50: {  	_ =	shalt  }
0x51: {  	_ =	shalt  }
0x52: {  	_ =	shalt  }
0x53: {  	_ =	shalt  }
0x54: {  	_ =	shalt  }
0x55: {  	_ =	shalt  }
0x56: {  	_ =	shalt  }
0x57: {  	_ =	shalt  }
0x58: {  	_ =	shalt  }
0x59: {  	_ =	shalt  }
0x5a: {  	_ =	shalt  }
0x5b: {  	_ =	shalt  }
0x5c: {  	_ =	shalt  }
0x5d: {  	_ =	shalt  }
0x5e: {  	_ =	shalt  }
0x5f: {  	_ =	shalt  }
0x60: {  	_ =	shalt  }
0x61: {  	_ =	shalt  }
0x62: {  	_ =	shalt  }
0x63: {  	_ =	shalt  }
0x64: {  	_ =	shalt  }
0x65: {  	_ =	shalt  }
0x66: {  	_ =	shalt  }
0x67: {  	_ =	shalt  }
0x68: {  	_ =	shalt  }
0x69: {  	_ =	shalt  }
0x6a: {  	_ =	shalt  }
0x6b: {  	_ =	shalt  }
0x6c: {  	_ =	shalt  }
0x6d: {  	_ =	shalt  }
0x6e: {  	_ =	shalt  }
0x6f: {  	_ =	shalt  }
0x70: {  	_ =	shalt  }
0x71: {  	_ =	shalt  }
0x72: {  	_ =	shalt  }
0x73: {  	_ =	shalt  }
0x74: {  	_ =	shalt  }
0x75: {  	_ =	shalt  }
0x76: {  	_ =	shalt  }
0x77: {  	_ =	shalt  }
0x78: {  	_ =	shalt  }
0x79: {  	_ =	shalt  }
0x7a: {  	_ =	shalt  }
0x7b: {  	_ =	shalt  }
0x7c: {  	_ =	shalt  }
0x7d: {  	_ =	shalt  }
0x7e: {  	_ =	shalt  }
0x7f: {  	_ =	shalt  }
0x80: {  	_ =	shalt  }
0x81: {  	_ =	shalt  }
0x82: {  	_ =	shalt  }
0x83: {  	_ =	shalt  }
0x84: {  	_ =	shalt  }
0x85: {  	_ =	shalt  }
0x86: {  	_ =	shalt  }
0x87: {  	_ =	shalt  }
.Lfunc_end0:
.L_simem_size_0:
called_computation.5_lowered:
.L_overlay_start_0:
0x88: {  	s2 =	sld [smem:$0x3FD9]  }
0x89: {  	s3 =	sld [smem:$0x3FFE];
	_ =	sdelay $0x1  }
0x8a: {  	s1 =	srdreg.scid  }
0x8b: {  	s0 =	sand.u32 $0x1, s1  }
0x8c: {  	s17 =	sshll.u32 s0, $0xA;
	s2 =	sadd.s32 s3, s2  }
0x8d: {  	s2 =	sadd.s32 s2, s17  }
0x8e: {  	[smem:$0x3FAE] =	sst s2  }
0x8f: {  	_ = 	snop  }
0x90: {  	s2 =	sld [smem:$0x3FD0];
	(tm) =	ssettm $0x1  }
0x91: {  	s18 =	sld [smem:$0x3FFB];
	_ =	sdelay $0x3  }
0x92: {  	_ =	strace s18  }
0x93: {  	s3 =	sld [smem:$0x3FFC];
	_ =	sdelay $0x3  }
0x94: {  	_ =	strace s3  }
0x95: {  	s3 =	sld [smem:$0x3FFD];
	_ =	sdelay $0x3  }
0x96: {  	_ =	strace s3  }
0x97: {  	_ =	strace $0x8FFFFFFF  }
0x98: {  	s19 =	sld [smem:$0x3FDB];
	_ =	sdelay $0x1  }
0x99: {  	s4 =	simm.s32 $_scs_section_size  }
0x9a: {  	s5 =	simm.s32 $_size__tile_overlayer_lowered;
	s6 =	simm.s32 $_tile_overlayer_lowered  }
0x9b: {  	s22 =	simm.s32 $0x1BFF;
	s21 =	sshll.u32 s6, $0x1;
	s3 =	sadd.s32 s4, s19  }
0x9c: {  	s7 =	simm.s32 $0x0;
	s20 =	sshll.u32 s5, $0x1;
	s5 =	sadd.s32 s21, s3  }
0x9d: {  	[timem:s7], [sflag:s22] =	dma.local [hbm:s5], s20  }
0x9e: {  	_ =	swait.ge [sflag:s22], s20  }
0x9f: {  	s4 =	ssub.s32 $0x0, s20;
	[sflag:s22] =	ssyncset.done $0x0  }
0xa0: {  	[sflag:s22] =	ssyncadd.s32 s4;
	_ =	sdelay $0x1  }
0xa1: {  	s23 =	simm.s32 $0x1B8B  }
0xa2: {  	_ =	swait.ge [sflag:s23], $0x1  }
0xa3: {  	[sflag:s23] =	ssyncset.done $0x0  }
0xa4: {  	s25 =	simm.s32 $0x1B8E;
	s24 =	sld [smem:$0x3FFE];
	[sflag:s23] =	ssyncadd.s32 $0xFFFFFFFF  }
0xa5: {  	s26 =	simm.s32 $execute0_lowered;
	[smem:$0x3FD2] =	sst s25  }
0xa6: {  	s5 =	sshll.u32 s26, $0x1;
	_ =	strace $0x80000046;
	[dreg:$0x1] =	wrdreg $0xFFFFFFFF  }
0xa7: {  	s28 =	simm.s32 $_size_execute0_lowered;
	s3 =	sadd.s32 s3, s5;
	[dreg:$0x0] =	wrdreg $0x0  }
0xa8: {  	s5 =	sshll.u32 s28, $0x1;
	[dreg:$0x2] =	wrdreg s3  }
0xa9: {  	[dreg:$0x3] =	wrdreg s5  }
0xaa: {  	[dreg:$0x4] =	wrdreg $0xC0  }
0xab: {  	_ =	task [dreg:s7], $0x5FFFF  }
0xac: {  	[dreg:$0x1] =	wrdreg $0xFFFFFFFF  }
0xad: {  	[dreg:$0x0] =	wrdreg $0x60  }
0xae: {  	[dreg:$0x2] =	wrdreg s24  }
0xaf: {  	[dreg:$0x3] =	wrdreg s2  }
0xb0: {  	[dreg:$0x4] =	wrdreg $0x68000  }
0xb1: {  	[dreg:$0x5] =	wrdreg $0x9  }
0xb2: {  	_ =	task.clear_ibuf [dreg:s7], $0x6FFFF;
	_ =	strace $0x90000046  }
0xb3: {  	s29 =	simm.s32 $0x9;
	_ =	strace $0x80000048  }
0xb4: {  	_ =	swait.ge [sflag:s29], $0x1  }
0xb5: {  	[sflag:s29] =	ssyncadd.s32 $0xFFFFFFFF  }
0xb6: {  	_ =	strace $0x90000048  }
0xb7: {  	_ =	sfence  }
0xb8: {  	s30 =	sld [smem:$0x0];
	_ =	sdelay $0x2  }
0xb9: {  	s31 =	sshll.u32 s1, $0xD;
	s1 =	sshrl.u32 s1, $0x2  }
0xba: {  	s3 =	sand.u32 $0x4000, s31;
	s1 =	sadd.s32 s1, s30  }
0xbb: {  	s0 =	sor.u32 s3, s0;
	s1 =	sshll.u32 s1, $0x11  }
0xbc: {  	s0 =	sor.u32 s1, s0  }
0xbd: {  	s0 =	sadd.s32 $0x8F2B, s0  }
0xbe: {  	[sflag:s0] =	ssyncadd.remote.s32 $0x1  }
0xbf: {  	_ =	sfence.sel $0xFFFF  }
0xc0: {  	[dreg:$0x0] =	wrdreg $0xFFFFFFFF;
	(pc) =	sbr.abs _section_cstart, $3  }
0xc1: {  	[dreg:$0x1] =	wrdreg $0xFFFFFFFF  }
0xc2: {  	_ =	task.clear_ibuf [dreg:s7], $0x2FFFF;
	_ =	strace $0x9FFFFFFF  }
0xc3: {  	(tm) =	ssettm $0x7FFFFFFF  }
tec
execute0_lowered:
.L_overlay_start_1:
0x0: {  	(tag) =	ssettag $0x1  }
0x1: {  	s5 =	rddreg [dreg:$0x0]  }
0x2: {  	s6 =	rddreg [dreg:$0x1]  }
0x3: {  	s1 =	rddreg [dreg:$0x2]  }
0x4: {  	s2 =	srdreg.scid;
	s0 =	rddreg [dreg:$0x3]  }
0x5: {  	s3 =	simm.s32 $0x0;
	s14 =	simm.s32 $0x80;
	s15 =	simm.s32 $0x2800  }
0x6: {  	s16 =	simm.s32 $0x1;
	s17 =	simm.s32 $0x2680;
	s7 =	sand.u32 $0x1, s2  }
0x7: {  	s18 =	simm.s32 $0x0;
	s2 =	stileid.u32;
	s8 =	smul.u32 $0x13C000, s7  }
0x8: {  	[smem:$0x7FF] =	sst s3;
	s4 =	sshll.u32 s2, $0x1;
	s9 =	smul.u32 $0x13C00, s2  }
0x9: {  	_ =	strace $0x80000047;
	s28 =	smul.u32 $0x4F000, s2;
	s31 =	sshll.u32 s2, $0x6  }
0xa: {  	s10 =	sor.u32 s7, s4;
	s4 =	sadd.s32 $0x16600, s5;
	s7 =	ssub.s32 $0x2, s7  }
0xb: {  	s10 =	smul.u32 $0x280, s10;
	s8 =	sadd.s32 s9, s8;
	s29 =	sshrl.u32 s7, $0x1  }
0xc: {  	s30 =	sshrl.u32 s28, $0x2;
	s8 =	sshrl.u32 s8, $0x3;
	s12 =	ssub.s32 s7, s29  }
0xd: {  	s13 =	sadd.s32 s30, s1;
	s10 =	sadd.s32 s10, s5;
	s11 =	sadd.s32 s8, s5  }
0xe: {  	s5 =	sadd.s32 s6, s8;
	s6 =	sor.u32 $0x1C02, s31;
	s7 =	sadd.s32 $0x11600, s10  }
0xf: {  	s8 =	sadd.s32 $0xC600, s10;
	s9 =	sadd.s32 $0x3DE00, s11;
	s10 =	smax.u32 s12, $0x1  }
0x10: {  	s11 =	sshrl.u32 s13, $0x3;
	s12 =	simm.s32 $0x2;
	s13 =	simm.s32 $0x1400  }
.LBB2_1:
0x11: {  	[spmem:s11], [sflag:s6] =	dma.local [hbm:s5], $0x2780  }
0x12: {  	_ =	swait.ge [sflag:s12], $0x2780  }
0x13: {  	[sflag:s12] =	ssyncset.done $0x0  }
0x14: {  	[sflag:s12] =	ssyncadd.s32 $0xFFFFD880  }
0x15: {  	[tilespmem:s3], [sflag:$0x2] =	stream.linear.gather [hbm4b:s7+s3], $0x1300, $0x38;
	[tilespmem:$0x1A400] =	vst v63  }
0x16: {  	_ =	swait.ge [sflag:s12], $0x1300  }
0x17: {  	[sflag:s12] =	ssyncset.done $0x0  }
0x18: {  	[sflag:s12] =	ssyncadd.s32 $0xFFFFED00  }
0x19: {  	[tilespmem:s13], [sflag:$0x2] =	stream.linear.gather [hbm4b:s8+s3], $0x1300, $0x38;
	[tilespmem:$0x1A400] =	vst v63  }
0x1a: {  	_ =	swait.ge [sflag:s12], $0x1300  }
0x1b: {  	[sflag:s12] =	ssyncset.done $0x0  }
0x1c: {  	[sflag:s12] =	ssyncadd.s32 $0xFFFFED00  }
0x1d: {  	[bflag:$0x0] =	sbarrier.arrive $0xFFFF  }
0x1e: {  	[tilespmem:s15], [sflag:$0x1] =	stream.indirect.gather [hbm4b:s4+s14], $0x80, s3, s14, $0xb8;
	[tilespmem:$0x1A400] =	vst v63  }
0x1f: {  	_ =	swait.ge [sflag:s16], $0x4000  }
0x20: {  	[sflag:s16] =	ssyncset.done $0x0  }
0x21: {  	s19 =	simm.s32 $0x1400;
	[sflag:s16] =	ssyncadd.s32 $0xFFFFC000  }
0x22: {  	[spmem:s1] =	stream.indirect.scatter.add.f32 [tilespmem:s15], [sflag:$0x2], $0x80, s19, s14, $0xb8;
	[tilespmem:$0x1A400] =	vst v63  }
0x23: {  	_ =	swait.ge [sflag:s12], $0x4000  }
0x24: {  	[sflag:s12] =	ssyncset.done $0x0  }
0x25: {  	s20 =	simm.s32 $0x80;
	s19 =	simm.s32 $0x200;
	[sflag:s12] =	ssyncadd.s32 $0xFFFFC000  }
.LBB2_2:
0x26: {  	[tilespmem:s15], [sflag:$0x1] =	stream.indirect.gather [hbm4b:s4+s14], $0x80, s20, s14, $0xb8;
	[tilespmem:$0x1A400] =	vst v63  }
0x27: {  	s20 =	smov.u32 s19  }
0x28: {  	p0 =	sne.s32 s19, $0x4800;
	s19 =	sadd.s32 $0x200, s19;
	_ =	swait.ge [sflag:s16], $0x4000  }
0x29: {  	s20 =	sshra.s32 s20, $0x2;
	[sflag:s16] =	ssyncset.done $0x0  }
.Ltmp0:
0x2a: {  	s21 =	sadd.s32 $0x1400, s20;
	[sflag:s16] =	ssyncadd.s32 $0xFFFFC000;
	(pc) =	sbr.rel @p0 .LBB2_2-.Ltmp0, $4  }
0x2b: {  	[spmem:s1] =	stream.indirect.scatter.add.f32 [tilespmem:s15], [sflag:$0x2], $0x80, s21, s14, $0xb8;
	[tilespmem:$0x1A400] =	vst v63  }
0x2c: {  	_ =	swait.ge [sflag:s12], $0x4000  }
0x2d: {  	[sflag:s12] =	ssyncset.done $0x0  }
0x2e: {  	s20 =	sadd.s32 $0x80, s20;
	[sflag:s12] =	ssyncadd.s32 $0xFFFFC000  }
0x2f: {  	[tilespmem:s15], [sflag:$0x1] =	stream.indirect.gather [hbm4b:s4+s14], $0x80, s20, s14, $0xb8;
	[tilespmem:$0x1A400] =	vst v63  }
0x30: {  	_ =	swait.ge [sflag:s16], $0x4000  }
0x31: {  	[sflag:s16] =	ssyncset.done $0x0  }
0x32: {  	[sflag:s16] =	ssyncadd.s32 $0xFFFFC000  }
0x33: {  	[spmem:s1] =	stream.indirect.scatter.add.f32 [tilespmem:s15], [sflag:$0x2], $0x80, s17, s14, $0xb8;
	[tilespmem:$0x1A400] =	vst v63  }
0x34: {  	_ =	swait.ge [sflag:s12], $0x4000  }
0x35: {  	s18 =	sadd.s32 $0x1, s18;
	[sflag:s12] =	ssyncset.done $0x0  }
0x36: {  	p0 =	sne.s32 s18, s10;
	[sflag:s12] =	ssyncadd.s32 $0xFFFFC000  }
.Ltmp1:
0x37: {  	[bflag:$0x0] =	sbarrier.arrive $0xFFFF;
	(pc) =	sbr.rel @p0 .LBB2_1-.Ltmp1, $4  }
0x38: {  	[hbm:s9], [sflag:s6] =	dma.local [spmem:s11], $0x2780  }
0x39: {  	_ =	swait.ge [sflag:s12], $0x2780  }
0x3a: {  	[sflag:s12] =	ssyncset.done $0x0  }
0x3b: {  	[sflag:s12] =	ssyncadd.s32 $0xFFFFD880  }
0x3c: {  	_ =	sfence.sel $0x180000  }
0x3d: {  	[bflag:$0x0] =	sbarrier.arrive $0xFFFF  }
0x3e: {  	p0 =	sne.s32 s2, $0x0;
	_ =	strace $0x90000047  }
0x3f: {  	s0 =	sadd.s32 @!p0 $0x100000, s0;
	[bflag:$0x2] =	sbarrier.arrive $0xFFFF  }
0x40: {  	[sflag:s0] =	ssyncadd.tile.s32 @!p0 $0x1;
	_ =	shalt  }
.Lfunc_end2:
_tile_overlayer_lowered:
.L_overlay_start_2:
0x41: {  	(tag) =	ssettag $0x2  }
0x42: {  	s0 =	rddreg [dreg:$0x0];
	s2 =	stileid.u32  }
0x43: {  	s1 =	rddreg [dreg:$0x1];
	p0 =	sne.s32 s2, $0x0  }
0x44: {  	s3 =	rddreg [dreg:$0x2];
	[bflag:$0x3] =	sbarrier.arrive $0xFFFF;
	s2 =	simm.s32 @!p0 $0x1C02  }
0x45: {  	[timem:s3], [sflag:s2] =	dma.local @!p0 [hbm:s0], s1  }
0x46: {  	s0 =	simm.s32 @!p0 $0x2  }
0x47: {  	_ =	swait.ge @!p0 [sflag:s0], s1  }
0x48: {  	s1 =	ssub.s32 @!p0 $0x0, s1;
	[sflag:s0] =	ssyncset.done @!p0 $0x0  }
0x49: {  	[sflag:s0] =	ssyncadd.s32 @!p0 s1  }
0x4a: {  	[bflag:$0x3] =	sbarrier.arrive $0xFFFF  }
0x4b: {  	_ =	shalt  }

</sc_bundles>
